<compile_context>
chip_gen: v7x
topology: tpu7x:2x2x1
jax: 0.10.2.dev20260603
libtpu: 0.0.44.dev20260713+nightly
codegen_flags: <defaults>
</compile_context>

<pallas_src>
import jax
import jax.numpy as jnp
from jax import lax
from jax.experimental import pallas as pl
from jax.experimental.pallas import tpu as pltpu
from jax.experimental.pallas import tpu_sc as plsc

E = 64
BS = 128
NUMEL = 32768
NW = 16
CHUNK = NUMEL // NW
SUB = CHUNK // 16
OUT_LEN = NUMEL + (E + 1) * (BS - 1)
NBLK = OUT_LEN // BS
SH_LEN = 41024
FILL_W = 2560
LAST_FILL = OUT_LEN - 15 * FILL_W
FILL_BUF = 2624


def _body(flat_hbm, out_hbm, eid_hbm, ntp_hbm,
          chunk, hist, basel, rankb, posb, valb, tot, alltot, cumoff, incl,
          fill, eidb, ntp, shout, shex, sem, fsem):
    w = lax.axis_index("s")
    lane = lax.iota(jnp.int32, 16)
    ones = jnp.ones((16,), jnp.int32)
    fifteen = jnp.full((16,), 15, jnp.int32)
    gidx0 = lane * SUB

    pltpu.sync_copy(flat_hbm.at[pl.ds(w * CHUNK, CHUNK)], chunk)
    for e in range(E):
        hist[e, :] = jnp.zeros((16,), jnp.int32)

    fv = jnp.full((16,), NUMEL, jnp.int32)

    def pf(i, _):
        fill[pl.ds(i * 16, 16)] = fv
        return 0

    lax.fori_loop(0, FILL_BUF // 16, pf, 0)
    fill_desc = pltpu.async_copy(fill.at[pl.ds(0, FILL_W)],
                                 shout.at[pl.ds(w * FILL_W, FILL_W)], fsem)

    @pl.when(w == 15)
    def _():
        pltpu.sync_copy(fill.at[pl.ds(0, SH_LEN - 16 * FILL_W)],
                        shout.at[pl.ds(16 * FILL_W, SH_LEN - 16 * FILL_W)])

    def p1(s, _):
        t = plsc.load_gather(chunk, [gidx0 + s])
        r = plsc.load_gather(hist, [t, lane])
        rankb[s // 8, pl.ds((s % 8) * 16, 16)] = r
        plsc.addupdate_scatter(hist, [t, lane], ones)
        return 0

    lax.fori_loop(0, SUB, p1, 0)

    for e in range(E):
        row = hist[e, :]
        basel[e, :] = plsc.cumsum(row) - row
    for g in range(4):
        eg = lane + g * 16
        tg = (plsc.load_gather(basel, [eg, fifteen])
              + plsc.load_gather(hist, [eg, fifteen]))
        tot[pl.ds(g * 16, 16)] = tg
    pltpu.sync_copy(tot, shex.at[pl.ds(w * E, E)])

    fill_desc.wait()
    plsc.subcore_barrier()

    pltpu.sync_copy(shex, alltot)
    carry = jnp.int32(0)
    for g in range(4):
        off = jnp.zeros((16,), jnp.int32)
        cnt = jnp.zeros((16,), jnp.int32)
        for wp in range(NW):
            row = alltot[pl.ds(wp * E + g * 16, 16)]
            cnt = cnt + row
            before = jnp.broadcast_to(wp < w, (16,))
            off = off + jnp.where(before, row, jnp.zeros((16,), jnp.int32))
        pad = ((cnt + (BS - 1)) // BS) * BS
        inc_ = plsc.cumsum(pad)
        excl = inc_ - pad + carry
        cumoff[pl.ds(g * 16, 16)] = excl + off
        incl[pl.ds(g * 16, 16)] = excl + pad
        carry = carry + jnp.sum(pad)
    total = carry

    base_val = w * CHUNK

    @plsc.parallel_loop(0, SUB, 1, unroll=4)
    def _(s):
        t = plsc.load_gather(chunk, [gidx0 + s])
        r = rankb[s // 8, pl.ds((s % 8) * 16, 16)]
        b = plsc.load_gather(basel, [t, lane])
        c = plsc.load_gather(cumoff, [t])
        p = jnp.clip(b + c + r, 0, OUT_LEN - 1)
        v = base_val + gidx0 + s
        posb[s // 8, pl.ds((s % 8) * 16, 16)] = p
        valb[s // 8, pl.ds((s % 8) * 16, 16)] = v

    descs = [pltpu.async_copy(valb.at[j], shout.at[posb.at[j]], sem)
             for j in range(16)]

    @pl.when(w < 10)
    def _():
        ivs = [incl[pl.ds(g * 16, 16)] for g in range(4)]
        for h in range(2):
            bs_vec = (w * 32 + h * 16 + lane) * BS
            acc = jnp.zeros((16,), jnp.int32)
            for e in range(E):
                ce = ivs[e // 16][e % 16]
                acc = acc + (bs_vec >= ce).astype(jnp.int32)
            acc = jnp.where(bs_vec < total, acc, jnp.zeros((16,), jnp.int32))
            eidb[pl.ds(h * 16, 16)] = acc
        pltpu.sync_copy(eidb, eid_hbm.at[pl.ds(w * 32, 32)])

    @pl.when(w == 0)
    def _():
        ntp[...] = jnp.broadcast_to(total, (16,))
        pltpu.sync_copy(ntp.at[pl.ds(0, 1)], ntp_hbm)

    for d in descs:
        d.wait()

    plsc.subcore_barrier()

    @pl.when(w < 15)
    def _():
        pltpu.sync_copy(shout.at[pl.ds(w * FILL_W, FILL_W)],
                        out_hbm.at[pl.ds(w * FILL_W, FILL_W)])

    @pl.when(w == 15)
    def _():
        pltpu.sync_copy(shout.at[pl.ds(15 * FILL_W, FILL_BUF)], fill)
        pltpu.sync_copy(fill.at[pl.ds(0, LAST_FILL)],
                        out_hbm.at[pl.ds(15 * FILL_W, LAST_FILL)])


_sc_align = pl.kernel(
    _body,
    out_type=(jax.ShapeDtypeStruct((OUT_LEN,), jnp.int32),
              jax.ShapeDtypeStruct((NBLK,), jnp.int32),
              jax.ShapeDtypeStruct((1,), jnp.int32)),
    mesh=plsc.VectorSubcoreMesh(core_axis_name="c", subcore_axis_name="s",
                                num_cores=1),
    compiler_params=pltpu.CompilerParams(needs_layout_passes=False),
    scratch_types=[
        pltpu.VMEM((CHUNK,), jnp.int32),
        pltpu.VMEM((E, 16), jnp.int32),
        pltpu.VMEM((E, 16), jnp.int32),
        pltpu.VMEM((16, SUB), jnp.int32),
        pltpu.VMEM((16, SUB), jnp.int32),
        pltpu.VMEM((16, SUB), jnp.int32),
        pltpu.VMEM((E,), jnp.int32),
        pltpu.VMEM((NW * E,), jnp.int32),
        pltpu.VMEM((E,), jnp.int32),
        pltpu.VMEM((E,), jnp.int32),
        pltpu.VMEM((FILL_BUF,), jnp.int32),
        pltpu.VMEM((32,), jnp.int32),
        pltpu.VMEM((16,), jnp.int32),
        pltpu.VMEM_SHARED((SH_LEN,), jnp.int32),
        pltpu.VMEM_SHARED((NW * E,), jnp.int32),
        pltpu.SemaphoreType.DMA,
        pltpu.SemaphoreType.DMA,
    ],
)


def kernel(topk_ids, num_experts, block_size):
    flat = topk_ids.reshape(-1).astype(jnp.int32)
    return _sc_align(flat)

# --- scband reference (transcript-rebuilt; emitter-appended) ---
"""Pipeline reference for scband-model-67293547594179 (READ-ONLY COPY).

The authoritative reference and input builder live on the scoring server;
editing this copy changes nothing except your own understanding.
"""

import jax, jax.numpy as jnp
import numpy as np


def setup_inputs(seed: int = 0) -> dict:
    key = jax.random.key(seed)
    topk_ids = jax.random.randint(key, (16384, 2), 0, 64, dtype=jnp.int32)
    return {"topk_ids": topk_ids, "num_experts": 64, "block_size": 128}


def reference(topk_ids, num_experts, block_size):
    # Faithful JAX translation of the vLLM-style moe_align_block_size kernel.
    # Semantics: sort token slots by expert (stable in original flat order),
    # pad each expert's token count up to a multiple of block_size, and emit
    # (sorted_token_ids, per-block expert_ids, num_tokens_post_pad).
    E = 64
    bs = 128
    e_t = jnp.asarray(num_experts, jnp.int32)
    bs_t = jnp.asarray(block_size, jnp.int32)
    numel = int(topk_ids.size)
    flat = topk_ids.reshape(-1).astype(jnp.int32)

    # per-expert token counts (stage1 + stage2 column-wise prefix sums collapse to this)
    counts = jnp.bincount(flat, length=E).astype(jnp.int32)

    # stage3: padded cumulative offsets per expert
    padded = ((counts + bs_t - 1) // bs_t) * bs_t
    cumsum = jnp.concatenate([jnp.zeros((1,), jnp.int32), jnp.cumsum(padded).astype(jnp.int32)])
    total = cumsum[e_t]

    # stage4 token placement: global sequential order within each expert is preserved
    # (chunks are processed in pid order, entries sequentially within a chunk),
    # which equals a stable argsort by expert id.
    order = jnp.argsort(flat)  # jnp.argsort is stable by default
    e_sorted = flat[order]
    unpadded_start = jnp.concatenate([jnp.zeros((1,), jnp.int32), jnp.cumsum(counts).astype(jnp.int32)])[:-1]
    pos = cumsum[e_sorted] + (jnp.arange(numel, dtype=jnp.int32) - unpadded_start[e_sorted])

    max_num_tokens_padded = numel + (E + 1) * (bs - 1)
    sorted_token_ids = jnp.full((max_num_tokens_padded,), numel, dtype=jnp.int32)
    sorted_token_ids = sorted_token_ids.at[pos].set(order.astype(jnp.int32))

    # per-block expert ids; blocks past total remain 0 (expert_ids initialized to zeros)
    max_num_m_blocks = max_num_tokens_padded // bs
    block_starts = jnp.arange(max_num_m_blocks, dtype=jnp.int32) * bs_t
    eid = jnp.searchsorted(cumsum[1:], block_starts, side='right')
    expert_ids = jnp.where(block_starts < total, eid, 0).astype(jnp.int32)

    num_tokens_post_pad = total.reshape(1).astype(jnp.int32)
    return (sorted_token_ids, expert_ids, num_tokens_post_pad)

if __name__ == "__main__":
    import jax
    _d = setup_inputs()
    print(jax.jit(kernel)(*tuple(_d.values())))

</pallas_src>

<mosaic_0001>
#map = affine_map<(d0, d1) -> (0)>
module attributes {stable_mosaic.version = 14 : i64} {
  func.func @_body(%arg0: i32, %arg1: i32, %arg2: memref<32768xi32, #tpu.memory_space<hbm>>, %arg3: memref<41023xi32, #tpu.memory_space<hbm>>, %arg4: memref<320xi32, #tpu.memory_space<hbm>>, %arg5: memref<1xi32, #tpu.memory_space<hbm>>, %arg6: memref<2048xi32, #tpu.memory_space<vmem>>, %arg7: memref<64x16xi32, #tpu.memory_space<vmem>>, %arg8: memref<64x16xi32, #tpu.memory_space<vmem>>, %arg9: memref<16x128xi32, #tpu.memory_space<vmem>>, %arg10: memref<16x128xi32, #tpu.memory_space<vmem>>, %arg11: memref<16x128xi32, #tpu.memory_space<vmem>>, %arg12: memref<64xi32, #tpu.memory_space<vmem>>, %arg13: memref<1024xi32, #tpu.memory_space<vmem>>, %arg14: memref<64xi32, #tpu.memory_space<vmem>>, %arg15: memref<64xi32, #tpu.memory_space<vmem>>, %arg16: memref<2624xi32, #tpu.memory_space<vmem>>, %arg17: memref<32xi32, #tpu.memory_space<vmem>>, %arg18: memref<16xi32, #tpu.memory_space<vmem>>, %arg19: memref<41024xi32, #tpu.memory_space<vmem_shared>>, %arg20: memref<1024xi32, #tpu.memory_space<vmem_shared>>, %arg21: memref<!tpu.dma_semaphore, #tpu.memory_space<semaphore_mem>>, %arg22: memref<!tpu.dma_semaphore, #tpu.memory_space<semaphore_mem>>) attributes {dimension_semantics = [#tpu.dimension_semantics<core_parallel>, #tpu.dimension_semantics<subcore_parallel>], iteration_bounds = array<i64: 1, 16>, scalar_prefetch = 0 : i64, scratch_operands = 17 : i64, tpu.core_type = #tpu.core_type<sc_vector_subcore>, window_params = [{transform_indices = #map}, {transform_indices = #map}, {transform_indices = #map}, {transform_indices = #map}]} {
    %iota3A = tpu.iota {dimensions = array<i32: 0>} : vector<16xi32>
    %broadcast_in_dim3A = arith.constant 1 : i32
    %broadcast_in_dim3A_0 = vector.broadcast %broadcast_in_dim3A : i32 to vector<16xi32>
    %broadcast_in_dim3A_1 = arith.constant 15 : i32
    %broadcast_in_dim3A_2 = vector.broadcast %broadcast_in_dim3A_1 : i32 to vector<16xi32>
    %mul3A = arith.constant 128 : i32
    %mul3A_3 = vector.broadcast %mul3A : i32 to vector<16xi32>
    %mul3A_4 = arith.muli %iota3A, %mul3A_3 : vector<16xi32>
    %mul3A_5 = arith.constant 2048 : i32
    %mul3A_6 = arith.muli %arg1, %mul3A_5 : i32
    "tpu.region"() ({
      %run_scoped3A = tpu.sem_alloc : memref<!tpu.dma_semaphore, #tpu.memory_space<semaphore_mem>>
      %dma_start3A_2425 = tpu.memref_slice %arg2[%mul3A_6] : memref<32768xi32, #tpu.memory_space<hbm>> -> memref<2048xi32, #tpu.memory_space<hbm>>
      %dma_start3A_2426 = tpu.memref_slice %arg2[%mul3A_6] : memref<32768xi32, #tpu.memory_space<hbm>> -> memref<2048xi32, #tpu.memory_space<hbm>>
      tpu.enqueue_dma source(%dma_start3A_2426 : memref<2048xi32, #tpu.memory_space<hbm>>) target(%arg6 : memref<2048xi32, #tpu.memory_space<vmem>>) target_semaphore(%run_scoped3A : memref<!tpu.dma_semaphore, #tpu.memory_space<semaphore_mem>>)
      %dma_wait3A_2427 = tpu.memref_slice %arg2[%mul3A_6] : memref<32768xi32, #tpu.memory_space<hbm>> -> memref<2048xi32, #tpu.memory_space<hbm>>
      %dma_wait3A_2428 = tpu.memref_slice %arg2[%mul3A_6] : memref<32768xi32, #tpu.memory_space<hbm>> -> memref<2048xi32, #tpu.memory_space<hbm>>
      tpu.wait_dma2 semaphore(%run_scoped3A : memref<!tpu.dma_semaphore, #tpu.memory_space<semaphore_mem>>) src(%dma_wait3A_2428 : memref<2048xi32, #tpu.memory_space<hbm>>) dst(%arg6 : memref<2048xi32, #tpu.memory_space<vmem>>)
      tpu.yield
    }) : () -> ()
    %broadcast_in_dim3A_7 = arith.constant 0 : i32
    %broadcast_in_dim3A_8 = vector.broadcast %broadcast_in_dim3A_7 : i32 to vector<16xi32>
    %swap3A = arith.constant 0 : i32
    %swap3A_9 = arith.index_cast %swap3A : i32 to index
    %swap3A_10 = arith.constant 0 : index
    %swap3A_11 = tpu.vector_load %arg7[%swap3A_9, %swap3A_10] {strides = array<i32>} : memref<64x16xi32, #tpu.memory_space<vmem>>, vector<16xi32>,
    tpu.vector_store %arg7[%swap3A_9, %swap3A_10], %broadcast_in_dim3A_8 {strides = array<i32>} : memref<64x16xi32, #tpu.memory_space<vmem>>, vector<16xi32>,
    %broadcast_in_dim3A_12 = arith.constant 0 : i32
    %broadcast_in_dim3A_13 = vector.broadcast %broadcast_in_dim3A_12 : i32 to vector<16xi32>
    %swap3A_14 = arith.constant 1 : i32
    %swap3A_15 = arith.index_cast %swap3A_14 : i32 to index
    %swap3A_16 = arith.constant 0 : index
    %swap3A_17 = tpu.vector_load %arg7[%swap3A_15, %swap3A_16] {strides = array<i32>} : memref<64x16xi32, #tpu.memory_space<vmem>>, vector<16xi32>,
    tpu.vector_store %arg7[%swap3A_15, %swap3A_16], %broadcast_in_dim3A_13 {strides = array<i32>} : memref<64x16xi32, #tpu.memory_space<vmem>>, vector<16xi32>,
    %broadcast_in_dim3A_18 = arith.constant 0 : i32
    %broadcast_in_dim3A_19 = vector.broadcast %broadcast_in_dim3A_18 : i32 to vector<16xi32>
    %swap3A_20 = arith.constant 2 : i32
    %swap3A_21 = arith.index_cast %swap3A_20 : i32 to index
    %swap3A_22 = arith.constant 0 : index
    %swap3A_23 = tpu.vector_load %arg7[%swap3A_21, %swap3A_22] {strides = array<i32>} : memref<64x16xi32, #tpu.memory_space<vmem>>, vector<16xi32>,
    tpu.vector_store %arg7[%swap3A_21, %swap3A_22], %broadcast_in_dim3A_19 {strides = array<i32>} : memref<64x16xi32, #tpu.memory_space<vmem>>, vector<16xi32>,
    %broadcast_in_dim3A_24 = arith.constant 0 : i32
    %broadcast_in_dim3A_25 = vector.broadcast %broadcast_in_dim3A_24 : i32 to vector<16xi32>
    %swap3A_26 = arith.constant 3 : i32
    %swap3A_27 = arith.index_cast %swap3A_26 : i32 to index
    %swap3A_28 = arith.constant 0 : index
    %swap3A_29 = tpu.vector_load %arg7[%swap3A_27, %swap3A_28] {strides = array<i32>} : memref<64x16xi32, #tpu.memory_space<vmem>>, vector<16xi32>,
    tpu.vector_store %arg7[%swap3A_27, %swap3A_28], %broadcast_in_dim3A_25 {strides = array<i32>} : memref<64x16xi32, #tpu.memory_space<vmem>>, vector<16xi32>,
    %broadcast_in_dim3A_30 = arith.constant 0 : i32
    %broadcast_in_dim3A_31 = vector.broadcast %broadcast_in_dim3A_30 : i32 to vector<16xi32>
    %swap3A_32 = arith.constant 4 : i32
    %swap3A_33 = arith.index_cast %swap3A_32 : i32 to index
    %swap3A_34 = arith.constant 0 : index
    %swap3A_35 = tpu.vector_load %arg7[%swap3A_33, %swap3A_34] {strides = array<i32>} : memref<64x16xi32, #tpu.memory_space<vmem>>, vector<16xi32>,
    tpu.vector_store %arg7[%swap3A_33, %swap3A_34], %broadcast_in_dim3A_31 {strides = array<i32>} : memref<64x16xi32, #tpu.memory_space<vmem>>, vector<16xi32>,
    %broadcast_in_dim3A_36 = arith.constant 0 : i32
    %broadcast_in_dim3A_37 = vector.broadcast %broadcast_in_dim3A_36 : i32 to vector<16xi32>
    %swap3A_38 = arith.constant 5 : i32
    %swap3A_39 = arith.index_cast %swap3A_38 : i32 to index
    %swap3A_40 = arith.constant 0 : index
    %swap3A_41 = tpu.vector_load %arg7[%swap3A_39, %swap3A_40] {strides = array<i32>} : memref<64x16xi32, #tpu.memory_space<vmem>>, vector<16xi32>,
    tpu.vector_store %arg7[%swap3A_39, %swap3A_40], %broadcast_in_dim3A_37 {strides = array<i32>} : memref<64x16xi32, #tpu.memory_space<vmem>>, vector<16xi32>,
    %broadcast_in_dim3A_42 = arith.constant 0 : i32
    %broadcast_in_dim3A_43 = vector.broadcast %broadcast_in_dim3A_42 : i32 to vector<16xi32>
    %swap3A_44 = arith.constant 6 : i32
    %swap3A_45 = arith.index_cast %swap3A_44 : i32 to index
    %swap3A_46 = arith.constant 0 : index
    %swap3A_47 = tpu.vector_load %arg7[%swap3A_45, %swap3A_46] {strides = array<i32>} : memref<64x16xi32, #tpu.memory_space<vmem>>, vector<16xi32>,
    tpu.vector_store %arg7[%swap3A_45, %swap3A_46], %broadcast_in_dim3A_43 {strides = array<i32>} : memref<64x16xi32, #tpu.memory_space<vmem>>, vector<16xi32>,
    %broadcast_in_dim3A_48 = arith.constant 0 : i32
    %broadcast_in_dim3A_49 = vector.broadcast %broadcast_in_dim3A_48 : i32 to vector<16xi32>
    %swap3A_50 = arith.constant 7 : i32
    %swap3A_51 = arith.index_cast %swap3A_50 : i32 to index
    %swap3A_52 = arith.constant 0 : index
    %swap3A_53 = tpu.vector_load %arg7[%swap3A_51, %swap3A_52] {strides = array<i32>} : memref<64x16xi32, #tpu.memory_space<vmem>>, vector<16xi32>,
    tpu.vector_store %arg7[%swap3A_51, %swap3A_52], %broadcast_in_dim3A_49 {strides = array<i32>} : memref<64x16xi32, #tpu.memory_space<vmem>>, vector<16xi32>,
    %broadcast_in_dim3A_54 = arith.constant 0 : i32
    %broadcast_in_dim3A_55 = vector.broadcast %broadcast_in_dim3A_54 : i32 to vector<16xi32>
    %swap3A_56 = arith.constant 8 : i32
    %swap3A_57 = arith.index_cast %swap3A_56 : i32 to index
    %swap3A_58 = arith.constant 0 : index
    %swap3A_59 = tpu.vector_load %arg7[%swap3A_57, %swap3A_58] {strides = array<i32>} : memref<64x16xi32, #tpu.memory_space<vmem>>, vector<16xi32>,
    tpu.vector_store %arg7[%swap3A_57, %swap3A_58], %broadcast_in_dim3A_55 {strides = array<i32>} : memref<64x16xi32, #tpu.memory_space<vmem>>, vector<16xi32>,
    %broadcast_in_dim3A_60 = arith.constant 0 : i32
    %broadcast_in_dim3A_61 = vector.broadcast %broadcast_in_dim3A_60 : i32 to vector<16xi32>
    %swap3A_62 = arith.constant 9 : i32
    %swap3A_63 = arith.index_cast %swap3A_62 : i32 to index
    %swap3A_64 = arith.constant 0 : index
    %swap3A_65 = tpu.vector_load %arg7[%swap3A_63, %swap3A_64] {strides = array<i32>} : memref<64x16xi32, #tpu.memory_space<vmem>>, vector<16xi32>,
    tpu.vector_store %arg7[%swap3A_63, %swap3A_64], %broadcast_in_dim3A_61 {strides = array<i32>} : memref<64x16xi32, #tpu.memory_space<vmem>>, vector<16xi32>,
    %broadcast_in_dim3A_66 = arith.constant 0 : i32
    %broadcast_in_dim3A_67 = vector.broadcast %broadcast_in_dim3A_66 : i32 to vector<16xi32>
    %swap3A_68 = arith.constant 10 : i32
    %swap3A_69 = arith.index_cast %swap3A_68 : i32 to index
    %swap3A_70 = arith.constant 0 : index
    %swap3A_71 = tpu.vector_load %arg7[%swap3A_69, %swap3A_70] {strides = array<i32>} : memref<64x16xi32, #tpu.memory_space<vmem>>, vector<16xi32>,
    tpu.vector_store %arg7[%swap3A_69, %swap3A_70], %broadcast_in_dim3A_67 {strides = array<i32>} : memref<64x16xi32, #tpu.memory_space<vmem>>, vector<16xi32>,
    %broadcast_in_dim3A_72 = arith.constant 0 : i32
    %broadcast_in_dim3A_73 = vector.broadcast %broadcast_in_dim3A_72 : i32 to vector<16xi32>
    %swap3A_74 = arith.constant 11 : i32
    %swap3A_75 = arith.index_cast %swap3A_74 : i32 to index
    %swap3A_76 = arith.constant 0 : index
    %swap3A_77 = tpu.vector_load %arg7[%swap3A_75, %swap3A_76] {strides = array<i32>} : memref<64x16xi32, #tpu.memory_space<vmem>>, vector<16xi32>,
    tpu.vector_store %arg7[%swap3A_75, %swap3A_76], %broadcast_in_dim3A_73 {strides = array<i32>} : memref<64x16xi32, #tpu.memory_space<vmem>>, vector<16xi32>,
    %broadcast_in_dim3A_78 = arith.constant 0 : i32
    %broadcast_in_dim3A_79 = vector.broadcast %broadcast_in_dim3A_78 : i32 to vector<16xi32>
    %swap3A_80 = arith.constant 12 : i32
    %swap3A_81 = arith.index_cast %swap3A_80 : i32 to index
    %swap3A_82 = arith.constant 0 : index
    %swap3A_83 = tpu.vector_load %arg7[%swap3A_81, %swap3A_82] {strides = array<i32>} : memref<64x16xi32, #tpu.memory_space<vmem>>, vector<16xi32>,
    tpu.vector_store %arg7[%swap3A_81, %swap3A_82], %broadcast_in_dim3A_79 {strides = array<i32>} : memref<64x16xi32, #tpu.memory_space<vmem>>, vector<16xi32>,
    %broadcast_in_dim3A_84 = arith.constant 0 : i32
    %broadcast_in_dim3A_85 = vector.broadcast %broadcast_in_dim3A_84 : i32 to vector<16xi32>
    %swap3A_86 = arith.constant 13 : i32
    %swap3A_87 = arith.index_cast %swap3A_86 : i32 to index
    %swap3A_88 = arith.constant 0 : index
    %swap3A_89 = tpu.vector_load %arg7[%swap3A_87, %swap3A_88] {strides = array<i32>} : memref<64x16xi32, #tpu.memory_space<vmem>>, vector<16xi32>,
    tpu.vector_store %arg7[%swap3A_87, %swap3A_88], %broadcast_in_dim3A_85 {strides = array<i32>} : memref<64x16xi32, #tpu.memory_space<vmem>>, vector<16xi32>,
    %broadcast_in_dim3A_90 = arith.constant 0 : i32
    %broadcast_in_dim3A_91 = vector.broadcast %broadcast_in_dim3A_90 : i32 to vector<16xi32>
    %swap3A_92 = arith.constant 14 : i32
    %swap3A_93 = arith.index_cast %swap3A_92 : i32 to index
    %swap3A_94 = arith.constant 0 : index
    %swap3A_95 = tpu.vector_load %arg7[%swap3A_93, %swap3A_94] {strides = array<i32>} : memref<64x16xi32, #tpu.memory_space<vmem>>, vector<16xi32>,
    tpu.vector_store %arg7[%swap3A_93, %swap3A_94], %broadcast_in_dim3A_91 {strides = array<i32>} : memref<64x16xi32, #tpu.memory_space<vmem>>, vector<16xi32>,
    %broadcast_in_dim3A_96 = arith.constant 0 : i32
    %broadcast_in_dim3A_97 = vector.broadcast %broadcast_in_dim3A_96 : i32 to vector<16xi32>
    %swap3A_98 = arith.constant 15 : i32
    %swap3A_99 = arith.index_cast %swap3A_98 : i32 to index
    %swap3A_100 = arith.constant 0 : index
    %swap3A_101 = tpu.vector_load %arg7[%swap3A_99, %swap3A_100] {strides = array<i32>} : memref<64x16xi32, #tpu.memory_space<vmem>>, vector<16xi32>,
    tpu.vector_store %arg7[%swap3A_99, %swap3A_100], %broadcast_in_dim3A_97 {strides = array<i32>} : memref<64x16xi32, #tpu.memory_space<vmem>>, vector<16xi32>,
    %broadcast_in_dim3A_102 = arith.constant 0 : i32
    %broadcast_in_dim3A_103 = vector.broadcast %broadcast_in_dim3A_102 : i32 to vector<16xi32>
    %swap3A_104 = arith.constant 16 : i32
    %swap3A_105 = arith.index_cast %swap3A_104 : i32 to index
    %swap3A_106 = arith.constant 0 : index
    %swap3A_107 = tpu.vector_load %arg7[%swap3A_105, %swap3A_106] {strides = array<i32>} : memref<64x16xi32, #tpu.memory_space<vmem>>, vector<16xi32>,
    tpu.vector_store %arg7[%swap3A_105, %swap3A_106], %broadcast_in_dim3A_103 {strides = array<i32>} : memref<64x16xi32, #tpu.memory_space<vmem>>, vector<16xi32>,
    %broadcast_in_dim3A_108 = arith.constant 0 : i32
    %broadcast_in_dim3A_109 = vector.broadcast %broadcast_in_dim3A_108 : i32 to vector<16xi32>
    %swap3A_110 = arith.constant 17 : i32
    %swap3A_111 = arith.index_cast %swap3A_110 : i32 to index
    %swap3A_112 = arith.constant 0 : index
    %swap3A_113 = tpu.vector_load %arg7[%swap3A_111, %swap3A_112] {strides = array<i32>} : memref<64x16xi32, #tpu.memory_space<vmem>>, vector<16xi32>,
    tpu.vector_store %arg7[%swap3A_111, %swap3A_112], %broadcast_in_dim3A_109 {strides = array<i32>} : memref<64x16xi32, #tpu.memory_space<vmem>>, vector<16xi32>,
    %broadcast_in_dim3A_114 = arith.constant 0 : i32
    %broadcast_in_dim3A_115 = vector.broadcast %broadcast_in_dim3A_114 : i32 to vector<16xi32>
    %swap3A_116 = arith.constant 18 : i32
    %swap3A_117 = arith.index_cast %swap3A_116 : i32 to index
    %swap3A_118 = arith.constant 0 : index
    %swap3A_119 = tpu.vector_load %arg7[%swap3A_117, %swap3A_118] {strides = array<i32>} : memref<64x16xi32, #tpu.memory_space<vmem>>, vector<16xi32>,
    tpu.vector_store %arg7[%swap3A_117, %swap3A_118], %broadcast_in_dim3A_115 {strides = array<i32>} : memref<64x16xi32, #tpu.memory_space<vmem>>, vector<16xi32>,
    %broadcast_in_dim3A_120 = arith.constant 0 : i32
    %broadcast_in_dim3A_121 = vector.broadcast %broadcast_in_dim3A_120 : i32 to vector<16xi32>
    %swap3A_122 = arith.constant 19 : i32
    %swap3A_123 = arith.index_cast %swap3A_122 : i32 to index
    %swap3A_124 = arith.constant 0 : index
    %swap3A_125 = tpu.vector_load %arg7[%swap3A_123, %swap3A_124] {strides = array<i32>} : memref<64x16xi32, #tpu.memory_space<vmem>>, vector<16xi32>,
    tpu.vector_store %arg7[%swap3A_123, %swap3A_124], %broadcast_in_dim3A_121 {strides = array<i32>} : memref<64x16xi32, #tpu.memory_space<vmem>>, vector<16xi32>,
    %broadcast_in_dim3A_126 = arith.constant 0 : i32
    %broadcast_in_dim3A_127 = vector.broadcast %broadcast_in_dim3A_126 : i32 to vector<16xi32>
    %swap3A_128 = arith.constant 20 : i32
    %swap3A_129 = arith.index_cast %swap3A_128 : i32 to index
    %swap3A_130 = arith.constant 0 : index
    %swap3A_131 = tpu.vector_load %arg7[%swap3A_129, %swap3A_130] {strides = array<i32>} : memref<64x16xi32, #tpu.memory_space<vmem>>, vector<16xi32>,
    tpu.vector_store %arg7[%swap3A_129, %swap3A_130], %broadcast_in_dim3A_127 {strides = array<i32>} : memref<64x16xi32, #tpu.memory_space<vmem>>, vector<16xi32>,
    %broadcast_in_dim3A_132 = arith.constant 0 : i32
    %broadcast_in_dim3A_133 = vector.broadcast %broadcast_in_dim3A_132 : i32 to vector<16xi32>
    %swap3A_134 = arith.constant 21 : i32
    %swap3A_135 = arith.index_cast %swap3A_134 : i32 to index
    %swap3A_136 = arith.constant 0 : index
    %swap3A_137 = tpu.vector_load %arg7[%swap3A_135, %swap3A_136] {strides = array<i32>} : memref<64x16xi32, #tpu.memory_space<vmem>>, vector<16xi32>,
    tpu.vector_store %arg7[%swap3A_135, %swap3A_136], %broadcast_in_dim3A_133 {strides = array<i32>} : memref<64x16xi32, #tpu.memory_space<vmem>>, vector<16xi32>,
    %broadcast_in_dim3A_138 = arith.constant 0 : i32
    %broadcast_in_dim3A_139 = vector.broadcast %broadcast_in_dim3A_138 : i32 to vector<16xi32>
    %swap3A_140 = arith.constant 22 : i32
    %swap3A_141 = arith.index_cast %swap3A_140 : i32 to index
    %swap3A_142 = arith.constant 0 : index
    %swap3A_143 = tpu.vector_load %arg7[%swap3A_141, %swap3A_142] {strides = array<i32>} : memref<64x16xi32, #tpu.memory_space<vmem>>, vector<16xi32>,
    tpu.vector_store %arg7[%swap3A_141, %swap3A_142], %broadcast_in_dim3A_139 {strides = array<i32>} : memref<64x16xi32, #tpu.memory_space<vmem>>, vector<16xi32>,
    %broadcast_in_dim3A_144 = arith.constant 0 : i32
    %broadcast_in_dim3A_145 = vector.broadcast %broadcast_in_dim3A_144 : i32 to vector<16xi32>
    %swap3A_146 = arith.constant 23 : i32
    %swap3A_147 = arith.index_cast %swap3A_146 : i32 to index
    %swap3A_148 = arith.constant 0 : index
    %swap3A_149 = tpu.vector_load %arg7[%swap3A_147, %swap3A_148] {strides = array<i32>} : memref<64x16xi32, #tpu.memory_space<vmem>>, vector<16xi32>,
    tpu.vector_store %arg7[%swap3A_147, %swap3A_148], %broadcast_in_dim3A_145 {strides = array<i32>} : memref<64x16xi32, #tpu.memory_space<vmem>>, vector<16xi32>,
    %broadcast_in_dim3A_150 = arith.constant 0 : i32
    %broadcast_in_dim3A_151 = vector.broadcast %broadcast_in_dim3A_150 : i32 to vector<16xi32>
    %swap3A_152 = arith.constant 24 : i32
    %swap3A_153 = arith.index_cast %swap3A_152 : i32 to index
    %swap3A_154 = arith.constant 0 : index
    %swap3A_155 = tpu.vector_load %arg7[%swap3A_153, %swap3A_154] {strides = array<i32>} : memref<64x16xi32, #tpu.memory_space<vmem>>, vector<16xi32>,
    tpu.vector_store %arg7[%swap3A_153, %swap3A_154], %broadcast_in_dim3A_151 {strides = array<i32>} : memref<64x16xi32, #tpu.memory_space<vmem>>, vector<16xi32>,
    %broadcast_in_dim3A_156 = arith.constant 0 : i32
    %broadcast_in_dim3A_157 = vector.broadcast %broadcast_in_dim3A_156 : i32 to vector<16xi32>
    %swap3A_158 = arith.constant 25 : i32
    %swap3A_159 = arith.index_cast %swap3A_158 : i32 to index
    %swap3A_160 = arith.constant 0 : index
    %swap3A_161 = tpu.vector_load %arg7[%swap3A_159, %swap3A_160] {strides = array<i32>} : memref<64x16xi32, #tpu.memory_space<vmem>>, vector<16xi32>,
    tpu.vector_store %arg7[%swap3A_159, %swap3A_160], %broadcast_in_dim3A_157 {strides = array<i32>} : memref<64x16xi32, #tpu.memory_space<vmem>>, vector<16xi32>,
    %broadcast_in_dim3A_162 = arith.constant 0 : i32
    %broadcast_in_dim3A_163 = vector.broadcast %broadcast_in_dim3A_162 : i32 to vector<16xi32>
    %swap3A_164 = arith.constant 26 : i32
    %swap3A_165 = arith.index_cast %swap3A_164 : i32 to index
    %swap3A_166 = arith.constant 0 : index
    %swap3A_167 = tpu.vector_load %arg7[%swap3A_165, %swap3A_166] {strides = array<i32>} : memref<64x16xi32, #tpu.memory_space<vmem>>, vector<16xi32>,
    tpu.vector_store %arg7[%swap3A_165, %swap3A_166], %broadcast_in_dim3A_163 {strides = array<i32>} : memref<64x16xi32, #tpu.memory_space<vmem>>, vector<16xi32>,
    %broadcast_in_dim3A_168 = arith.constant 0 : i32
    %broadcast_in_dim3A_169 = vector.broadcast %broadcast_in_dim3A_168 : i32 to vector<16xi32>
    %swap3A_170 = arith.constant 27 : i32
    %swap3A_171 = arith.index_cast %swap3A_170 : i32 to index
    %swap3A_172 = arith.constant 0 : index
    %swap3A_173 = tpu.vector_load %arg7[%swap3A_171, %swap3A_172] {strides = array<i32>} : memref<64x16xi32, #tpu.memory_space<vmem>>, vector<16xi32>,
    tpu.vector_store %arg7[%swap3A_171, %swap3A_172], %broadcast_in_dim3A_169 {strides = array<i32>} : memref<64x16xi32, #tpu.memory_space<vmem>>, vector<16xi32>,
    %broadcast_in_dim3A_174 = arith.constant 0 : i32
    %broadcast_in_dim3A_175 = vector.broadcast %broadcast_in_dim3A_174 : i32 to vector<16xi32>
    %swap3A_176 = arith.constant 28 : i32
    %swap3A_177 = arith.index_cast %swap3A_176 : i32 to index
    %swap3A_178 = arith.constant 0 : index
    %swap3A_179 = tpu.vector_load %arg7[%swap3A_177, %swap3A_178] {strides = array<i32>} : memref<64x16xi32, #tpu.memory_space<vmem>>, vector<16xi32>,
    tpu.vector_store %arg7[%swap3A_177, %swap3A_178], %broadcast_in_dim3A_175 {strides = array<i32>} : memref<64x16xi32, #tpu.memory_space<vmem>>, vector<16xi32>,
    %broadcast_in_dim3A_180 = arith.constant 0 : i32
    %broadcast_in_dim3A_181 = vector.broadcast %broadcast_in_dim3A_180 : i32 to vector<16xi32>
    %swap3A_182 = arith.constant 29 : i32
    %swap3A_183 = arith.index_cast %swap3A_182 : i32 to index
    %swap3A_184 = arith.constant 0 : index
    %swap3A_185 = tpu.vector_load %arg7[%swap3A_183, %swap3A_184] {strides = array<i32>} : memref<64x16xi32, #tpu.memory_space<vmem>>, vector<16xi32>,
    tpu.vector_store %arg7[%swap3A_183, %swap3A_184], %broadcast_in_dim3A_181 {strides = array<i32>} : memref<64x16xi32, #tpu.memory_space<vmem>>, vector<16xi32>,
    %broadcast_in_dim3A_186 = arith.constant 0 : i32
    %broadcast_in_dim3A_187 = vector.broadcast %broadcast_in_dim3A_186 : i32 to vector<16xi32>
    %swap3A_188 = arith.constant 30 : i32
    %swap3A_189 = arith.index_cast %swap3A_188 : i32 to index
    %swap3A_190 = arith.constant 0 : index
    %swap3A_191 = tpu.vector_load %arg7[%swap3A_189, %swap3A_190] {strides = array<i32>} : memref<64x16xi32, #tpu.memory_space<vmem>>, vector<16xi32>,
    tpu.vector_store %arg7[%swap3A_189, %swap3A_190], %broadcast_in_dim3A_187 {strides = array<i32>} : memref<64x16xi32, #tpu.memory_space<vmem>>, vector<16xi32>,
    %broadcast_in_dim3A_192 = arith.constant 0 : i32
    %broadcast_in_dim3A_193 = vector.broadcast %broadcast_in_dim3A_192 : i32 to vector<16xi32>
    %swap3A_194 = arith.constant 31 : i32
    %swap3A_195 = arith.index_cast %swap3A_194 : i32 to index
    %swap3A_196 = arith.constant 0 : index
    %swap3A_197 = tpu.vector_load %arg7[%swap3A_195, %swap3A_196] {strides = array<i32>} : memref<64x16xi32, #tpu.memory_space<vmem>>, vector<16xi32>,
    tpu.vector_store %arg7[%swap3A_195, %swap3A_196], %broadcast_in_dim3A_193 {strides = array<i32>} : memref<64x16xi32, #tpu.memory_space<vmem>>, vector<16xi32>,
    %broadcast_in_dim3A_198 = arith.constant 0 : i32
    %broadcast_in_dim3A_199 = vector.broadcast %broadcast_in_dim3A_198 : i32 to vector<16xi32>
    %swap3A_200 = arith.constant 32 : i32
    %swap3A_201 = arith.index_cast %swap3A_200 : i32 to index
    %swap3A_202 = arith.constant 0 : index
    %swap3A_203 = tpu.vector_load %arg7[%swap3A_201, %swap3A_202] {strides = array<i32>} : memref<64x16xi32, #tpu.memory_space<vmem>>, vector<16xi32>,
    tpu.vector_store %arg7[%swap3A_201, %swap3A_202], %broadcast_in_dim3A_199 {strides = array<i32>} : memref<64x16xi32, #tpu.memory_space<vmem>>, vector<16xi32>,
    %broadcast_in_dim3A_204 = arith.constant 0 : i32
    %broadcast_in_dim3A_205 = vector.broadcast %broadcast_in_dim3A_204 : i32 to vector<16xi32>
    %swap3A_206 = arith.constant 33 : i32
    %swap3A_207 = arith.index_cast %swap3A_206 : i32 to index
    %swap3A_208 = arith.constant 0 : index
    %swap3A_209 = tpu.vector_load %arg7[%swap3A_207, %swap3A_208] {strides = array<i32>} : memref<64x16xi32, #tpu.memory_space<vmem>>, vector<16xi32>,
    tpu.vector_store %arg7[%swap3A_207, %swap3A_208], %broadcast_in_dim3A_205 {strides = array<i32>} : memref<64x16xi32, #tpu.memory_space<vmem>>, vector<16xi32>,
    %broadcast_in_dim3A_210 = arith.constant 0 : i32
    %broadcast_in_dim3A_211 = vector.broadcast %broadcast_in_dim3A_210 : i32 to vector<16xi32>
    %swap3A_212 = arith.constant 34 : i32
    %swap3A_213 = arith.index_cast %swap3A_212 : i32 to index
    %swap3A_214 = arith.constant 0 : index
    %swap3A_215 = tpu.vector_load %arg7[%swap3A_213, %swap3A_214] {strides = array<i32>} : memref<64x16xi32, #tpu.memory_space<vmem>>, vector<16xi32>,
    tpu.vector_store %arg7[%swap3A_213, %swap3A_214], %broadcast_in_dim3A_211 {strides = array<i32>} : memref<64x16xi32, #tpu.memory_space<vmem>>, vector<16xi32>,
    %broadcast_in_dim3A_216 = arith.constant 0 : i32
    %broadcast_in_dim3A_217 = vector.broadcast %broadcast_in_dim3A_216 : i32 to vector<16xi32>
    %swap3A_218 = arith.constant 35 : i32
    %swap3A_219 = arith.index_cast %swap3A_218 : i32 to index
    %swap3A_220 = arith.constant 0 : index
    %swap3A_221 = tpu.vector_load %arg7[%swap3A_219, %swap3A_220] {strides = array<i32>} : memref<64x16xi32, #tpu.memory_space<vmem>>, vector<16xi32>,
    tpu.vector_store %arg7[%swap3A_219, %swap3A_220], %broadcast_in_dim3A_217 {strides = array<i32>} : memref<64x16xi32, #tpu.memory_space<vmem>>, vector<16xi32>,
    %broadcast_in_dim3A_222 = arith.constant 0 : i32
    %broadcast_in_dim3A_223 = vector.broadcast %broadcast_in_dim3A_222 : i32 to vector<16xi32>
    %swap3A_224 = arith.constant 36 : i32
    %swap3A_225 = arith.index_cast %swap3A_224 : i32 to index
    %swap3A_226 = arith.constant 0 : index
    %swap3A_227 = tpu.vector_load %arg7[%swap3A_225, %swap3A_226] {strides = array<i32>} : memref<64x16xi32, #tpu.memory_space<vmem>>, vector<16xi32>,
    tpu.vector_store %arg7[%swap3A_225, %swap3A_226], %broadcast_in_dim3A_223 {strides = array<i32>} : memref<64x16xi32, #tpu.memory_space<vmem>>, vector<16xi32>,
    %broadcast_in_dim3A_228 = arith.constant 0 : i32
    %broadcast_in_dim3A_229 = vector.broadcast %broadcast_in_dim3A_228 : i32 to vector<16xi32>
    %swap3A_230 = arith.constant 37 : i32
    %swap3A_231 = arith.index_cast %swap3A_230 : i32 to index
    %swap3A_232 = arith.constant 0 : index
    %swap3A_233 = tpu.vector_load %arg7[%swap3A_231, %swap3A_232] {strides = array<i32>} : memref<64x16xi32, #tpu.memory_space<vmem>>, vector<16xi32>,
    tpu.vector_store %arg7[%swap3A_231, %swap3A_232], %broadcast_in_dim3A_229 {strides = array<i32>} : memref<64x16xi32, #tpu.memory_space<vmem>>, vector<16xi32>,
    %broadcast_in_dim3A_234 = arith.constant 0 : i32
    %broadcast_in_dim3A_235 = vector.broadcast %broadcast_in_dim3A_234 : i32 to vector<16xi32>
    %swap3A_236 = arith.constant 38 : i32
    %swap3A_237 = arith.index_cast %swap3A_236 : i32 to index
    %swap3A_238 = arith.constant 0 : index
    %swap3A_239 = tpu.vector_load %arg7[%swap3A_237, %swap3A_238] {strides = array<i32>} : memref<64x16xi32, #tpu.memory_space<vmem>>, vector<16xi32>,
    tpu.vector_store %arg7[%swap3A_237, %swap3A_238], %broadcast_in_dim3A_235 {strides = array<i32>} : memref<64x16xi32, #tpu.memory_space<vmem>>, vector<16xi32>,
    %broadcast_in_dim3A_240 = arith.constant 0 : i32
    %broadcast_in_dim3A_241 = vector.broadcast %broadcast_in_dim3A_240 : i32 to vector<16xi32>
    %swap3A_242 = arith.constant 39 : i32
    %swap3A_243 = arith.index_cast %swap3A_242 : i32 to index
    %swap3A_244 = arith.constant 0 : index
    %swap3A_245 = tpu.vector_load %arg7[%swap3A_243, %swap3A_244] {strides = array<i32>} : memref<64x16xi32, #tpu.memory_space<vmem>>, vector<16xi32>,
    tpu.vector_store %arg7[%swap3A_243, %swap3A_244], %broadcast_in_dim3A_241 {strides = array<i32>} : memref<64x16xi32, #tpu.memory_space<vmem>>, vector<16xi32>,
    %broadcast_in_dim3A_246 = arith.constant 0 : i32
    %broadcast_in_dim3A_247 = vector.broadcast %broadcast_in_dim3A_246 : i32 to vector<16xi32>
    %swap3A_248 = arith.constant 40 : i32
    %swap3A_249 = arith.index_cast %swap3A_248 : i32 to index
    %swap3A_250 = arith.constant 0 : index
    %swap3A_251 = tpu.vector_load %arg7[%swap3A_249, %swap3A_250] {strides = array<i32>} : memref<64x16xi32, #tpu.memory_space<vmem>>, vector<16xi32>,
    tpu.vector_store %arg7[%swap3A_249, %swap3A_250], %broadcast_in_dim3A_247 {strides = array<i32>} : memref<64x16xi32, #tpu.memory_space<vmem>>, vector<16xi32>,
    %broadcast_in_dim3A_252 = arith.constant 0 : i32
    %broadcast_in_dim3A_253 = vector.broadcast %broadcast_in_dim3A_252 : i32 to vector<16xi32>
    %swap3A_254 = arith.constant 41 : i32
    %swap3A_255 = arith.index_cast %swap3A_254 : i32 to index
    %swap3A_256 = arith.constant 0 : index
    %swap3A_257 = tpu.vector_load %arg7[%swap3A_255, %swap3A_256] {strides = array<i32>} : memref<64x16xi32, #tpu.memory_space<vmem>>, vector<16xi32>,
    tpu.vector_store %arg7[%swap3A_255, %swap3A_256], %broadcast_in_dim3A_253 {strides = array<i32>} : memref<64x16xi32, #tpu.memory_space<vmem>>, vector<16xi32>,
    %broadcast_in_dim3A_258 = arith.constant 0 : i32
    %broadcast_in_dim3A_259 = vector.broadcast %broadcast_in_dim3A_258 : i32 to vector<16xi32>
    %swap3A_260 = arith.constant 42 : i32
    %swap3A_261 = arith.index_cast %swap3A_260 : i32 to index
    %swap3A_262 = arith.constant 0 : index
    %swap3A_263 = tpu.vector_load %arg7[%swap3A_261, %swap3A_262] {strides = array<i32>} : memref<64x16xi32, #tpu.memory_space<vmem>>, vector<16xi32>,
    tpu.vector_store %arg7[%swap3A_261, %swap3A_262], %broadcast_in_dim3A_259 {strides = array<i32>} : memref<64x16xi32, #tpu.memory_space<vmem>>, vector<16xi32>,
    %broadcast_in_dim3A_264 = arith.constant 0 : i32
    %broadcast_in_dim3A_265 = vector.broadcast %broadcast_in_dim3A_264 : i32 to vector<16xi32>
    %swap3A_266 = arith.constant 43 : i32
    %swap3A_267 = arith.index_cast %swap3A_266 : i32 to index
    %swap3A_268 = arith.constant 0 : index
    %swap3A_269 = tpu.vector_load %arg7[%swap3A_267, %swap3A_268] {strides = array<i32>} : memref<64x16xi32, #tpu.memory_space<vmem>>, vector<16xi32>,
    tpu.vector_store %arg7[%swap3A_267, %swap3A_268], %broadcast_in_dim3A_265 {strides = array<i32>} : memref<64x16xi32, #tpu.memory_space<vmem>>, vector<16xi32>,
    %broadcast_in_dim3A_270 = arith.constant 0 : i32
    %broadcast_in_dim3A_271 = vector.broadcast %broadcast_in_dim3A_270 : i32 to vector<16xi32>
    %swap3A_272 = arith.constant 44 : i32
    %swap3A_273 = arith.index_cast %swap3A_272 : i32 to index
    %swap3A_274 = arith.constant 0 : index
    %swap3A_275 = tpu.vector_load %arg7[%swap3A_273, %swap3A_274] {strides = array<i32>} : memref<64x16xi32, #tpu.memory_space<vmem>>, vector<16xi32>,
    tpu.vector_store %arg7[%swap3A_273, %swap3A_274], %broadcast_in_dim3A_271 {strides = array<i32>} : memref<64x16xi32, #tpu.memory_space<vmem>>, vector<16xi32>,
    %broadcast_in_dim3A_276 = arith.constant 0 : i32
    %broadcast_in_dim3A_277 = vector.broadcast %broadcast_in_dim3A_276 : i32 to vector<16xi32>
    %swap3A_278 = arith.constant 45 : i32
    %swap3A_279 = arith.index_cast %swap3A_278 : i32 to index
    %swap3A_280 = arith.constant 0 : index
    %swap3A_281 = tpu.vector_load %arg7[%swap3A_279, %swap3A_280] {strides = array<i32>} : memref<64x16xi32, #tpu.memory_space<vmem>>, vector<16xi32>,
    tpu.vector_store %arg7[%swap3A_279, %swap3A_280], %broadcast_in_dim3A_277 {strides = array<i32>} : memref<64x16xi32, #tpu.memory_space<vmem>>, vector<16xi32>,
    %broadcast_in_dim3A_282 = arith.constant 0 : i32
    %broadcast_in_dim3A_283 = vector.broadcast %broadcast_in_dim3A_282 : i32 to vector<16xi32>
    %swap3A_284 = arith.constant 46 : i32
    %swap3A_285 = arith.index_cast %swap3A_284 : i32 to index
    %swap3A_286 = arith.constant 0 : index
    %swap3A_287 = tpu.vector_load %arg7[%swap3A_285, %swap3A_286] {strides = array<i32>} : memref<64x16xi32, #tpu.memory_space<vmem>>, vector<16xi32>,
    tpu.vector_store %arg7[%swap3A_285, %swap3A_286], %broadcast_in_dim3A_283 {strides = array<i32>} : memref<64x16xi32, #tpu.memory_space<vmem>>, vector<16xi32>,
    %broadcast_in_dim3A_288 = arith.constant 0 : i32
    %broadcast_in_dim3A_289 = vector.broadcast %broadcast_in_dim3A_288 : i32 to vector<16xi32>
    %swap3A_290 = arith.constant 47 : i32
    %swap3A_291 = arith.index_cast %swap3A_290 : i32 to index
    %swap3A_292 = arith.constant 0 : index
    %swap3A_293 = tpu.vector_load %arg7[%swap3A_291, %swap3A_292] {strides = array<i32>} : memref<64x16xi32, #tpu.memory_space<vmem>>, vector<16xi32>,
    tpu.vector_store %arg7[%swap3A_291, %swap3A_292], %broadcast_in_dim3A_289 {strides = array<i32>} : memref<64x16xi32, #tpu.memory_space<vmem>>, vector<16xi32>,
    %broadcast_in_dim3A_294 = arith.constant 0 : i32
    %broadcast_in_dim3A_295 = vector.broadcast %broadcast_in_dim3A_294 : i32 to vector<16xi32>
    %swap3A_296 = arith.constant 48 : i32
    %swap3A_297 = arith.index_cast %swap3A_296 : i32 to index
    %swap3A_298 = arith.constant 0 : index
    %swap3A_299 = tpu.vector_load %arg7[%swap3A_297, %swap3A_298] {strides = array<i32>} : memref<64x16xi32, #tpu.memory_space<vmem>>, vector<16xi32>,
    tpu.vector_store %arg7[%swap3A_297, %swap3A_298], %broadcast_in_dim3A_295 {strides = array<i32>} : memref<64x16xi32, #tpu.memory_space<vmem>>, vector<16xi32>,
    %broadcast_in_dim3A_300 = arith.constant 0 : i32
    %broadcast_in_dim3A_301 = vector.broadcast %broadcast_in_dim3A_300 : i32 to vector<16xi32>
    %swap3A_302 = arith.constant 49 : i32
    %swap3A_303 = arith.index_cast %swap3A_302 : i32 to index
    %swap3A_304 = arith.constant 0 : index
    %swap3A_305 = tpu.vector_load %arg7[%swap3A_303, %swap3A_304] {strides = array<i32>} : memref<64x16xi32, #tpu.memory_space<vmem>>, vector<16xi32>,
    tpu.vector_store %arg7[%swap3A_303, %swap3A_304], %broadcast_in_dim3A_301 {strides = array<i32>} : memref<64x16xi32, #tpu.memory_space<vmem>>, vector<16xi32>,
    %broadcast_in_dim3A_306 = arith.constant 0 : i32
    %broadcast_in_dim3A_307 = vector.broadcast %broadcast_in_dim3A_306 : i32 to vector<16xi32>
    %swap3A_308 = arith.constant 50 : i32
    %swap3A_309 = arith.index_cast %swap3A_308 : i32 to index
    %swap3A_310 = arith.constant 0 : index
    %swap3A_311 = tpu.vector_load %arg7[%swap3A_309, %swap3A_310] {strides = array<i32>} : memref<64x16xi32, #tpu.memory_space<vmem>>, vector<16xi32>,
    tpu.vector_store %arg7[%swap3A_309, %swap3A_310], %broadcast_in_dim3A_307 {strides = array<i32>} : memref<64x16xi32, #tpu.memory_space<vmem>>, vector<16xi32>,
    %broadcast_in_dim3A_312 = arith.constant 0 : i32
    %broadcast_in_dim3A_313 = vector.broadcast %broadcast_in_dim3A_312 : i32 to vector<16xi32>
    %swap3A_314 = arith.constant 51 : i32
    %swap3A_315 = arith.index_cast %swap3A_314 : i32 to index
    %swap3A_316 = arith.constant 0 : index
    %swap3A_317 = tpu.vector_load %arg7[%swap3A_315, %swap3A_316] {strides = array<i32>} : memref<64x16xi32, #tpu.memory_space<vmem>>, vector<16xi32>,
    tpu.vector_store %arg7[%swap3A_315, %swap3A_316], %broadcast_in_dim3A_313 {strides = array<i32>} : memref<64x16xi32, #tpu.memory_space<vmem>>, vector<16xi32>,
    %broadcast_in_dim3A_318 = arith.constant 0 : i32
    %broadcast_in_dim3A_319 = vector.broadcast %broadcast_in_dim3A_318 : i32 to vector<16xi32>
    %swap3A_320 = arith.constant 52 : i32
    %swap3A_321 = arith.index_cast %swap3A_320 : i32 to index
    %swap3A_322 = arith.constant 0 : index
    %swap3A_323 = tpu.vector_load %arg7[%swap3A_321, %swap3A_322] {strides = array<i32>} : memref<64x16xi32, #tpu.memory_space<vmem>>, vector<16xi32>,
    tpu.vector_store %arg7[%swap3A_321, %swap3A_322], %broadcast_in_dim3A_319 {strides = array<i32>} : memref<64x16xi32, #tpu.memory_space<vmem>>, vector<16xi32>,
    %broadcast_in_dim3A_324 = arith.constant 0 : i32
    %broadcast_in_dim3A_325 = vector.broadcast %broadcast_in_dim3A_324 : i32 to vector<16xi32>
    %swap3A_326 = arith.constant 53 : i32
    %swap3A_327 = arith.index_cast %swap3A_326 : i32 to index
    %swap3A_328 = arith.constant 0 : index
    %swap3A_329 = tpu.vector_load %arg7[%swap3A_327, %swap3A_328] {strides = array<i32>} : memref<64x16xi32, #tpu.memory_space<vmem>>, vector<16xi32>,
    tpu.vector_store %arg7[%swap3A_327, %swap3A_328], %broadcast_in_dim3A_325 {strides = array<i32>} : memref<64x16xi32, #tpu.memory_space<vmem>>, vector<16xi32>,
    %broadcast_in_dim3A_330 = arith.constant 0 : i32
    %broadcast_in_dim3A_331 = vector.broadcast %broadcast_in_dim3A_330 : i32 to vector<16xi32>
    %swap3A_332 = arith.constant 54 : i32
    %swap3A_333 = arith.index_cast %swap3A_332 : i32 to index
    %swap3A_334 = arith.constant 0 : index
    %swap3A_335 = tpu.vector_load %arg7[%swap3A_333, %swap3A_334] {strides = array<i32>} : memref<64x16xi32, #tpu.memory_space<vmem>>, vector<16xi32>,
    tpu.vector_store %arg7[%swap3A_333, %swap3A_334], %broadcast_in_dim3A_331 {strides = array<i32>} : memref<64x16xi32, #tpu.memory_space<vmem>>, vector<16xi32>,
    %broadcast_in_dim3A_336 = arith.constant 0 : i32
    %broadcast_in_dim3A_337 = vector.broadcast %broadcast_in_dim3A_336 : i32 to vector<16xi32>
    %swap3A_338 = arith.constant 55 : i32
    %swap3A_339 = arith.index_cast %swap3A_338 : i32 to index
    %swap3A_340 = arith.constant 0 : index
    %swap3A_341 = tpu.vector_load %arg7[%swap3A_339, %swap3A_340] {strides = array<i32>} : memref<64x16xi32, #tpu.memory_space<vmem>>, vector<16xi32>,
    tpu.vector_store %arg7[%swap3A_339, %swap3A_340], %broadcast_in_dim3A_337 {strides = array<i32>} : memref<64x16xi32, #tpu.memory_space<vmem>>, vector<16xi32>,
    %broadcast_in_dim3A_342 = arith.constant 0 : i32
    %broadcast_in_dim3A_343 = vector.broadcast %broadcast_in_dim3A_342 : i32 to vector<16xi32>
    %swap3A_344 = arith.constant 56 : i32
    %swap3A_345 = arith.index_cast %swap3A_344 : i32 to index
    %swap3A_346 = arith.constant 0 : index
    %swap3A_347 = tpu.vector_load %arg7[%swap3A_345, %swap3A_346] {strides = array<i32>} : memref<64x16xi32, #tpu.memory_space<vmem>>, vector<16xi32>,
    tpu.vector_store %arg7[%swap3A_345, %swap3A_346], %broadcast_in_dim3A_343 {strides = array<i32>} : memref<64x16xi32, #tpu.memory_space<vmem>>, vector<16xi32>,
    %broadcast_in_dim3A_348 = arith.constant 0 : i32
    %broadcast_in_dim3A_349 = vector.broadcast %broadcast_in_dim3A_348 : i32 to vector<16xi32>
    %swap3A_350 = arith.constant 57 : i32
    %swap3A_351 = arith.index_cast %swap3A_350 : i32 to index
    %swap3A_352 = arith.constant 0 : index
    %swap3A_353 = tpu.vector_load %arg7[%swap3A_351, %swap3A_352] {strides = array<i32>} : memref<64x16xi32, #tpu.memory_space<vmem>>, vector<16xi32>,
    tpu.vector_store %arg7[%swap3A_351, %swap3A_352], %broadcast_in_dim3A_349 {strides = array<i32>} : memref<64x16xi32, #tpu.memory_space<vmem>>, vector<16xi32>,
    %broadcast_in_dim3A_354 = arith.constant 0 : i32
    %broadcast_in_dim3A_355 = vector.broadcast %broadcast_in_dim3A_354 : i32 to vector<16xi32>
    %swap3A_356 = arith.constant 58 : i32
    %swap3A_357 = arith.index_cast %swap3A_356 : i32 to index
    %swap3A_358 = arith.constant 0 : index
    %swap3A_359 = tpu.vector_load %arg7[%swap3A_357, %swap3A_358] {strides = array<i32>} : memref<64x16xi32, #tpu.memory_space<vmem>>, vector<16xi32>,
    tpu.vector_store %arg7[%swap3A_357, %swap3A_358], %broadcast_in_dim3A_355 {strides = array<i32>} : memref<64x16xi32, #tpu.memory_space<vmem>>, vector<16xi32>,
    %broadcast_in_dim3A_360 = arith.constant 0 : i32
    %broadcast_in_dim3A_361 = vector.broadcast %broadcast_in_dim3A_360 : i32 to vector<16xi32>
    %swap3A_362 = arith.constant 59 : i32
    %swap3A_363 = arith.index_cast %swap3A_362 : i32 to index
    %swap3A_364 = arith.constant 0 : index
    %swap3A_365 = tpu.vector_load %arg7[%swap3A_363, %swap3A_364] {strides = array<i32>} : memref<64x16xi32, #tpu.memory_space<vmem>>, vector<16xi32>,
    tpu.vector_store %arg7[%swap3A_363, %swap3A_364], %broadcast_in_dim3A_361 {strides = array<i32>} : memref<64x16xi32, #tpu.memory_space<vmem>>, vector<16xi32>,
    %broadcast_in_dim3A_366 = arith.constant 0 : i32
    %broadcast_in_dim3A_367 = vector.broadcast %broadcast_in_dim3A_366 : i32 to vector<16xi32>
    %swap3A_368 = arith.constant 60 : i32
    %swap3A_369 = arith.index_cast %swap3A_368 : i32 to index
    %swap3A_370 = arith.constant 0 : index
    %swap3A_371 = tpu.vector_load %arg7[%swap3A_369, %swap3A_370] {strides = array<i32>} : memref<64x16xi32, #tpu.memory_space<vmem>>, vector<16xi32>,
    tpu.vector_store %arg7[%swap3A_369, %swap3A_370], %broadcast_in_dim3A_367 {strides = array<i32>} : memref<64x16xi32, #tpu.memory_space<vmem>>, vector<16xi32>,
    %broadcast_in_dim3A_372 = arith.constant 0 : i32
    %broadcast_in_dim3A_373 = vector.broadcast %broadcast_in_dim3A_372 : i32 to vector<16xi32>
    %swap3A_374 = arith.constant 61 : i32
    %swap3A_375 = arith.index_cast %swap3A_374 : i32 to index
    %swap3A_376 = arith.constant 0 : index
    %swap3A_377 = tpu.vector_load %arg7[%swap3A_375, %swap3A_376] {strides = array<i32>} : memref<64x16xi32, #tpu.memory_space<vmem>>, vector<16xi32>,
    tpu.vector_store %arg7[%swap3A_375, %swap3A_376], %broadcast_in_dim3A_373 {strides = array<i32>} : memref<64x16xi32, #tpu.memory_space<vmem>>, vector<16xi32>,
    %broadcast_in_dim3A_378 = arith.constant 0 : i32
    %broadcast_in_dim3A_379 = vector.broadcast %broadcast_in_dim3A_378 : i32 to vector<16xi32>
    %swap3A_380 = arith.constant 62 : i32
    %swap3A_381 = arith.index_cast %swap3A_380 : i32 to index
    %swap3A_382 = arith.constant 0 : index
    %swap3A_383 = tpu.vector_load %arg7[%swap3A_381, %swap3A_382] {strides = array<i32>} : memref<64x16xi32, #tpu.memory_space<vmem>>, vector<16xi32>,
    tpu.vector_store %arg7[%swap3A_381, %swap3A_382], %broadcast_in_dim3A_379 {strides = array<i32>} : memref<64x16xi32, #tpu.memory_space<vmem>>, vector<16xi32>,
    %broadcast_in_dim3A_384 = arith.constant 0 : i32
    %broadcast_in_dim3A_385 = vector.broadcast %broadcast_in_dim3A_384 : i32 to vector<16xi32>
    %swap3A_386 = arith.constant 63 : i32
    %swap3A_387 = arith.index_cast %swap3A_386 : i32 to index
    %swap3A_388 = arith.constant 0 : index
    %swap3A_389 = tpu.vector_load %arg7[%swap3A_387, %swap3A_388] {strides = array<i32>} : memref<64x16xi32, #tpu.memory_space<vmem>>, vector<16xi32>,
    tpu.vector_store %arg7[%swap3A_387, %swap3A_388], %broadcast_in_dim3A_385 {strides = array<i32>} : memref<64x16xi32, #tpu.memory_space<vmem>>, vector<16xi32>,
    %broadcast_in_dim3A_390 = arith.constant 32768 : i32
    %broadcast_in_dim3A_391 = vector.broadcast %broadcast_in_dim3A_390 : i32 to vector<16xi32>
    %scan3A = arith.constant 0 : i32
    %scan3A_392 = arith.constant 0 : i32
    %scan3A_393 = arith.constant 164 : i32
    %scan3A_394 = arith.addi %scan3A_392, %scan3A_393 : i32
    %scan3A_395 = arith.constant 1 : i32
    %scan3A_396 = scf.for %scan3A_2425 = %scan3A_392 to %scan3A_394 step %scan3A_395 iter_args(%scan3A_2426 = %scan3A) -> (i32)  : i32 {
      %mul3A_2427 = arith.constant 16 : i32
      %mul3A_2428 = arith.muli %scan3A_2425, %mul3A_2427 : i32
      %swap3A_2429 = arith.index_cast %mul3A_2428 : i32 to index
      %swap3A_2430 = tpu.vector_load %arg16[%swap3A_2429] {strides = array<i32>} : memref<2624xi32, #tpu.memory_space<vmem>>, vector<16xi32>,
      tpu.vector_store %arg16[%swap3A_2429], %broadcast_in_dim3A_391 {strides = array<i32>} : memref<2624xi32, #tpu.memory_space<vmem>>, vector<16xi32>,
      %scan3A_2431 = arith.constant 0 : i32
      scf.yield %scan3A_2431 : i32
    }
    %scan3A_397 = arith.constant 164 : i32
    %mul3A_398 = arith.constant 2560 : i32
    %mul3A_399 = arith.muli %arg1, %mul3A_398 : i32
    %dma_start3A = arith.constant 0 : i32
    %dma_start3A_400 = tpu.memref_slice %arg16[%dma_start3A] : memref<2624xi32, #tpu.memory_space<vmem>> -> memref<2560xi32, #tpu.memory_space<vmem>>
    %dma_start3A_401 = tpu.memref_slice %arg19[%mul3A_399] : memref<41024xi32, #tpu.memory_space<vmem_shared>> -> memref<2560xi32, #tpu.memory_space<vmem_shared>>
    %dma_start3A_402 = tpu.memref_slice %arg19[%mul3A_399] : memref<41024xi32, #tpu.memory_space<vmem_shared>> -> memref<2560xi32, #tpu.memory_space<vmem_shared>>
    %dma_start3A_403 = arith.constant 0 : i32
    %dma_start3A_404 = tpu.memref_slice %arg16[%dma_start3A_403] : memref<2624xi32, #tpu.memory_space<vmem>> -> memref<2560xi32, #tpu.memory_space<vmem>>
    tpu.enqueue_dma source(%dma_start3A_404 : memref<2560xi32, #tpu.memory_space<vmem>>) target(%dma_start3A_402 : memref<2560xi32, #tpu.memory_space<vmem_shared>>) target_semaphore(%arg22 : memref<!tpu.dma_semaphore, #tpu.memory_space<semaphore_mem>>)
    %eq3A = arith.constant 15 : i32
    %eq3A_405 = arith.cmpi eq, %arg1, %eq3A : i32
    %convert_element_type3A = arith.extui %eq3A_405 : i1 to i32
    %cond3A = arith.constant 0 : i32
    %cond3A_406 = arith.cmpi ne, %convert_element_type3A, %cond3A : i32
    scf.if %cond3A_406 {
      "tpu.region"() ({
        %run_scoped3A = tpu.sem_alloc : memref<!tpu.dma_semaphore, #tpu.memory_space<semaphore_mem>>
        %dma_start3A_2425 = arith.constant 0 : i32
        %dma_start3A_2426 = tpu.memref_slice %arg16[%dma_start3A_2425] : memref<2624xi32, #tpu.memory_space<vmem>> -> memref<64xi32, #tpu.memory_space<vmem>>
        %dma_start3A_2427 = arith.constant 40960 : i32
        %dma_start3A_2428 = tpu.memref_slice %arg19[%dma_start3A_2427] : memref<41024xi32, #tpu.memory_space<vmem_shared>> -> memref<64xi32, #tpu.memory_space<vmem_shared>>
        %dma_start3A_2429 = arith.constant 40960 : i32
        %dma_start3A_2430 = tpu.memref_slice %arg19[%dma_start3A_2429] : memref<41024xi32, #tpu.memory_space<vmem_shared>> -> memref<64xi32, #tpu.memory_space<vmem_shared>>
        %dma_start3A_2431 = arith.constant 0 : i32
        %dma_start3A_2432 = tpu.memref_slice %arg16[%dma_start3A_2431] : memref<2624xi32, #tpu.memory_space<vmem>> -> memref<64xi32, #tpu.memory_space<vmem>>
        tpu.enqueue_dma source(%dma_start3A_2432 : memref<64xi32, #tpu.memory_space<vmem>>) target(%dma_start3A_2430 : memref<64xi32, #tpu.memory_space<vmem_shared>>) target_semaphore(%run_scoped3A : memref<!tpu.dma_semaphore, #tpu.memory_space<semaphore_mem>>)
        %dma_wait3A_2433 = arith.constant 0 : i32
        %dma_wait3A_2434 = tpu.memref_slice %arg16[%dma_wait3A_2433] : memref<2624xi32, #tpu.memory_space<vmem>> -> memref<64xi32, #tpu.memory_space<vmem>>
        %dma_wait3A_2435 = arith.constant 40960 : i32
        %dma_wait3A_2436 = tpu.memref_slice %arg19[%dma_wait3A_2435] : memref<41024xi32, #tpu.memory_space<vmem_shared>> -> memref<64xi32, #tpu.memory_space<vmem_shared>>
        %dma_wait3A_2437 = arith.constant 40960 : i32
        %dma_wait3A_2438 = tpu.memref_slice %arg19[%dma_wait3A_2437] : memref<41024xi32, #tpu.memory_space<vmem_shared>> -> memref<64xi32, #tpu.memory_space<vmem_shared>>
        %dma_wait3A_2439 = arith.constant 0 : i32
        %dma_wait3A_2440 = tpu.memref_slice %arg16[%dma_wait3A_2439] : memref<2624xi32, #tpu.memory_space<vmem>> -> memref<64xi32, #tpu.memory_space<vmem>>
        tpu.wait_dma2 semaphore(%run_scoped3A : memref<!tpu.dma_semaphore, #tpu.memory_space<semaphore_mem>>) src(%dma_wait3A_2440 : memref<64xi32, #tpu.memory_space<vmem>>) dst(%dma_wait3A_2438 : memref<64xi32, #tpu.memory_space<vmem_shared>>)
        tpu.yield
      }) : () -> ()
    } else {
    }
    %scan3A_407 = arith.constant 0 : i32
    %scan3A_408 = arith.constant 0 : i32
    %scan3A_409 = arith.constant 128 : i32
    %scan3A_410 = arith.addi %scan3A_408, %scan3A_409 : i32
    %scan3A_411 = arith.constant 1 : i32
    %scan3A_412 = scf.for %scan3A_2425 = %scan3A_408 to %scan3A_410 step %scan3A_411 iter_args(%scan3A_2426 = %scan3A_407) -> (i32)  : i32 {
      %add3A_2427 = vector.broadcast %scan3A_2425 : i32 to vector<16xi32>
      %add3A_2428 = arith.addi %mul3A_4, %add3A_2427 : vector<16xi32>
      %gather3A_2429 = tpu.vector_load_idx %arg6[%add3A_2428] : memref<2048xi32, #tpu.memory_space<vmem>>[vector<16xi32>], vector<16xi32>,
      %gather3A_2430 = tpu.vector_load_idx %arg7[%gather3A_2429, %iota3A] : memref<64x16xi32, #tpu.memory_space<vmem>>[vector<16xi32>, vector<16xi32>], vector<16xi32>,
      %jit3A_2431 = arith.constant 8 : i32
      %div3A_2432 = arith.divsi %scan3A_2425, %jit3A_2431 : i32
      %sign3A_2433 = arith.constant 0 : i32
      %sign3A_2434 = arith.cmpi sgt, %scan3A_2425, %sign3A_2433 : i32
      %sign3A_2435 = arith.extui %sign3A_2434 : i1 to i32
      %sign3A_2436 = arith.constant 0 : i32
      %sign3A_2437 = arith.cmpi slt, %scan3A_2425, %sign3A_2436 : i32
      %sign3A_2438 = arith.extui %sign3A_2437 : i1 to i32
      %sign3A_2439 = arith.subi %sign3A_2435, %sign3A_2438 : i32
      %sign3A_2440 = arith.constant 0 : i32
      %sign3A_2441 = arith.cmpi sgt, %jit3A_2431, %sign3A_2440 : i32
      %sign3A_2442 = arith.extui %sign3A_2441 : i1 to i32
      %sign3A_2443 = arith.constant 0 : i32
      %sign3A_2444 = arith.cmpi slt, %jit3A_2431, %sign3A_2443 : i32
      %sign3A_2445 = arith.extui %sign3A_2444 : i1 to i32
      %sign3A_2446 = arith.subi %sign3A_2442, %sign3A_2445 : i32
      %ne3A_2447 = arith.cmpi ne, %sign3A_2439, %sign3A_2446 : i32
      %rem3A_2448 = arith.remsi %scan3A_2425, %jit3A_2431 : i32
      %ne3A_2449 = arith.constant 0 : i32
      %ne3A_2450 = arith.cmpi ne, %rem3A_2448, %ne3A_2449 : i32
      %and3A_2451 = arith.andi %ne3A_2447, %ne3A_2450 : i1
      %sub3A_2452 = arith.constant 1 : i32
      %sub3A_2453 = arith.subi %div3A_2432, %sub3A_2452 : i32
      %select_n3A_2454 = arith.select %and3A_2451, %sub3A_2453, %div3A_2432 : i32
      %jit3A_2455 = arith.constant 8 : i32
      %eq3A_2456 = arith.constant 0 : i32
      %eq3A_2457 = arith.cmpi eq, %jit3A_2455, %eq3A_2456 : i32
      %jit3A_2458 = arith.constant 1 : i32
      %select_n3A_2459 = arith.select %eq3A_2457, %jit3A_2458, %jit3A_2455 : i32
      %rem3A_2460 = arith.remsi %scan3A_2425, %select_n3A_2459 : i32
      %ne3A_2461 = arith.constant 0 : i32
      %ne3A_2462 = arith.cmpi ne, %rem3A_2460, %ne3A_2461 : i32
      %lt3A_2463 = arith.constant 0 : i32
      %lt3A_2464 = arith.cmpi slt, %rem3A_2460, %lt3A_2463 : i32
      %lt3A_2465 = arith.constant 0 : i32
      %lt3A_2466 = arith.cmpi slt, %select_n3A_2459, %lt3A_2465 : i32
      %ne3A_2467 = arith.xori %lt3A_2464, %lt3A_2466 : i1
      %and3A_2468 = arith.andi %ne3A_2467, %ne3A_2462 : i1
      %add3A_2469 = arith.addi %rem3A_2460, %select_n3A_2459 : i32
      %select_n3A_2470 = arith.select %and3A_2468, %add3A_2469, %rem3A_2460 : i32
      %mul3A_2471 = arith.constant 16 : i32
      %mul3A_2472 = arith.muli %select_n3A_2470, %mul3A_2471 : i32
      %swap3A_2473 = arith.index_cast %select_n3A_2454 : i32 to index
      %swap3A_2474 = arith.index_cast %mul3A_2472 : i32 to index
      %swap3A_2475 = tpu.vector_load %arg9[%swap3A_2473, %swap3A_2474] {strides = array<i32>} : memref<16x128xi32, #tpu.memory_space<vmem>>, vector<16xi32>,
      tpu.vector_store %arg9[%swap3A_2473, %swap3A_2474], %gather3A_2430 {strides = array<i32>} : memref<16x128xi32, #tpu.memory_space<vmem>>, vector<16xi32>,
      tpu.vector_store_idx %arg7[%gather3A_2429, %iota3A], %broadcast_in_dim3A_0 {add = true} : memref<64x16xi32, #tpu.memory_space<vmem>>[vector<16xi32>, vector<16xi32>], vector<16xi32>,
      %scan3A_2476 = arith.constant 0 : i32
      scf.yield %scan3A_2476 : i32
    }
    %scan3A_413 = arith.constant 128 : i32
    %get3A = arith.constant 0 : i32
    %get3A_414 = arith.index_cast %get3A : i32 to index
    %get3A_415 = arith.constant 0 : index
    %get3A_416 = tpu.vector_load %arg7[%get3A_414, %get3A_415] {strides = array<i32>} : memref<64x16xi32, #tpu.memory_space<vmem>>, vector<16xi32>,
    %broadcast_in_dim3A_417 = arith.constant true
    %broadcast_in_dim3A_418 = vector.broadcast %broadcast_in_dim3A_417 : i1 to vector<16xi1>
    %masked_cumsum3A = tpu.scan <sum>, %get3A_416 masked %broadcast_in_dim3A_418 : vector<16xi32>, vector<16xi1> -> vector<16xi32>
    %sub3A = arith.subi %masked_cumsum3A, %get3A_416 : vector<16xi32>
    %swap3A_419 = arith.constant 0 : i32
    %swap3A_420 = arith.index_cast %swap3A_419 : i32 to index
    %swap3A_421 = arith.constant 0 : index
    %swap3A_422 = tpu.vector_load %arg8[%swap3A_420, %swap3A_421] {strides = array<i32>} : memref<64x16xi32, #tpu.memory_space<vmem>>, vector<16xi32>,
    tpu.vector_store %arg8[%swap3A_420, %swap3A_421], %sub3A {strides = array<i32>} : memref<64x16xi32, #tpu.memory_space<vmem>>, vector<16xi32>,
    %get3A_423 = arith.constant 1 : i32
    %get3A_424 = arith.index_cast %get3A_423 : i32 to index
    %get3A_425 = arith.constant 0 : index
    %get3A_426 = tpu.vector_load %arg7[%get3A_424, %get3A_425] {strides = array<i32>} : memref<64x16xi32, #tpu.memory_space<vmem>>, vector<16xi32>,
    %broadcast_in_dim3A_427 = arith.constant true
    %broadcast_in_dim3A_428 = vector.broadcast %broadcast_in_dim3A_427 : i1 to vector<16xi1>
    %masked_cumsum3A_429 = tpu.scan <sum>, %get3A_426 masked %broadcast_in_dim3A_428 : vector<16xi32>, vector<16xi1> -> vector<16xi32>
    %sub3A_430 = arith.subi %masked_cumsum3A_429, %get3A_426 : vector<16xi32>
    %swap3A_431 = arith.constant 1 : i32
    %swap3A_432 = arith.index_cast %swap3A_431 : i32 to index
    %swap3A_433 = arith.constant 0 : index
    %swap3A_434 = tpu.vector_load %arg8[%swap3A_432, %swap3A_433] {strides = array<i32>} : memref<64x16xi32, #tpu.memory_space<vmem>>, vector<16xi32>,
    tpu.vector_store %arg8[%swap3A_432, %swap3A_433], %sub3A_430 {strides = array<i32>} : memref<64x16xi32, #tpu.memory_space<vmem>>, vector<16xi32>,
    %get3A_435 = arith.constant 2 : i32
    %get3A_436 = arith.index_cast %get3A_435 : i32 to index
    %get3A_437 = arith.constant 0 : index
    %get3A_438 = tpu.vector_load %arg7[%get3A_436, %get3A_437] {strides = array<i32>} : memref<64x16xi32, #tpu.memory_space<vmem>>, vector<16xi32>,
    %broadcast_in_dim3A_439 = arith.constant true
    %broadcast_in_dim3A_440 = vector.broadcast %broadcast_in_dim3A_439 : i1 to vector<16xi1>
    %masked_cumsum3A_441 = tpu.scan <sum>, %get3A_438 masked %broadcast_in_dim3A_440 : vector<16xi32>, vector<16xi1> -> vector<16xi32>
    %sub3A_442 = arith.subi %masked_cumsum3A_441, %get3A_438 : vector<16xi32>
    %swap3A_443 = arith.constant 2 : i32
    %swap3A_444 = arith.index_cast %swap3A_443 : i32 to index
    %swap3A_445 = arith.constant 0 : index
    %swap3A_446 = tpu.vector_load %arg8[%swap3A_444, %swap3A_445] {strides = array<i32>} : memref<64x16xi32, #tpu.memory_space<vmem>>, vector<16xi32>,
    tpu.vector_store %arg8[%swap3A_444, %swap3A_445], %sub3A_442 {strides = array<i32>} : memref<64x16xi32, #tpu.memory_space<vmem>>, vector<16xi32>,
    %get3A_447 = arith.constant 3 : i32
    %get3A_448 = arith.index_cast %get3A_447 : i32 to index
    %get3A_449 = arith.constant 0 : index
    %get3A_450 = tpu.vector_load %arg7[%get3A_448, %get3A_449] {strides = array<i32>} : memref<64x16xi32, #tpu.memory_space<vmem>>, vector<16xi32>,
    %broadcast_in_dim3A_451 = arith.constant true
    %broadcast_in_dim3A_452 = vector.broadcast %broadcast_in_dim3A_451 : i1 to vector<16xi1>
    %masked_cumsum3A_453 = tpu.scan <sum>, %get3A_450 masked %broadcast_in_dim3A_452 : vector<16xi32>, vector<16xi1> -> vector<16xi32>
    %sub3A_454 = arith.subi %masked_cumsum3A_453, %get3A_450 : vector<16xi32>
    %swap3A_455 = arith.constant 3 : i32
    %swap3A_456 = arith.index_cast %swap3A_455 : i32 to index
    %swap3A_457 = arith.constant 0 : index
    %swap3A_458 = tpu.vector_load %arg8[%swap3A_456, %swap3A_457] {strides = array<i32>} : memref<64x16xi32, #tpu.memory_space<vmem>>, vector<16xi32>,
    tpu.vector_store %arg8[%swap3A_456, %swap3A_457], %sub3A_454 {strides = array<i32>} : memref<64x16xi32, #tpu.memory_space<vmem>>, vector<16xi32>,
    %get3A_459 = arith.constant 4 : i32
    %get3A_460 = arith.index_cast %get3A_459 : i32 to index
    %get3A_461 = arith.constant 0 : index
    %get3A_462 = tpu.vector_load %arg7[%get3A_460, %get3A_461] {strides = array<i32>} : memref<64x16xi32, #tpu.memory_space<vmem>>, vector<16xi32>,
    %broadcast_in_dim3A_463 = arith.constant true
    %broadcast_in_dim3A_464 = vector.broadcast %broadcast_in_dim3A_463 : i1 to vector<16xi1>
    %masked_cumsum3A_465 = tpu.scan <sum>, %get3A_462 masked %broadcast_in_dim3A_464 : vector<16xi32>, vector<16xi1> -> vector<16xi32>
    %sub3A_466 = arith.subi %masked_cumsum3A_465, %get3A_462 : vector<16xi32>
    %swap3A_467 = arith.constant 4 : i32
    %swap3A_468 = arith.index_cast %swap3A_467 : i32 to index
    %swap3A_469 = arith.constant 0 : index
    %swap3A_470 = tpu.vector_load %arg8[%swap3A_468, %swap3A_469] {strides = array<i32>} : memref<64x16xi32, #tpu.memory_space<vmem>>, vector<16xi32>,
    tpu.vector_store %arg8[%swap3A_468, %swap3A_469], %sub3A_466 {strides = array<i32>} : memref<64x16xi32, #tpu.memory_space<vmem>>, vector<16xi32>,
    %get3A_471 = arith.constant 5 : i32
    %get3A_472 = arith.index_cast %get3A_471 : i32 to index
    %get3A_473 = arith.constant 0 : index
    %get3A_474 = tpu.vector_load %arg7[%get3A_472, %get3A_473] {strides = array<i32>} : memref<64x16xi32, #tpu.memory_space<vmem>>, vector<16xi32>,
    %broadcast_in_dim3A_475 = arith.constant true
    %broadcast_in_dim3A_476 = vector.broadcast %broadcast_in_dim3A_475 : i1 to vector<16xi1>
    %masked_cumsum3A_477 = tpu.scan <sum>, %get3A_474 masked %broadcast_in_dim3A_476 : vector<16xi32>, vector<16xi1> -> vector<16xi32>
    %sub3A_478 = arith.subi %masked_cumsum3A_477, %get3A_474 : vector<16xi32>
    %swap3A_479 = arith.constant 5 : i32
    %swap3A_480 = arith.index_cast %swap3A_479 : i32 to index
    %swap3A_481 = arith.constant 0 : index
    %swap3A_482 = tpu.vector_load %arg8[%swap3A_480, %swap3A_481] {strides = array<i32>} : memref<64x16xi32, #tpu.memory_space<vmem>>, vector<16xi32>,
    tpu.vector_store %arg8[%swap3A_480, %swap3A_481], %sub3A_478 {strides = array<i32>} : memref<64x16xi32, #tpu.memory_space<vmem>>, vector<16xi32>,
    %get3A_483 = arith.constant 6 : i32
    %get3A_484 = arith.index_cast %get3A_483 : i32 to index
    %get3A_485 = arith.constant 0 : index
    %get3A_486 = tpu.vector_load %arg7[%get3A_484, %get3A_485] {strides = array<i32>} : memref<64x16xi32, #tpu.memory_space<vmem>>, vector<16xi32>,
    %broadcast_in_dim3A_487 = arith.constant true
    %broadcast_in_dim3A_488 = vector.broadcast %broadcast_in_dim3A_487 : i1 to vector<16xi1>
    %masked_cumsum3A_489 = tpu.scan <sum>, %get3A_486 masked %broadcast_in_dim3A_488 : vector<16xi32>, vector<16xi1> -> vector<16xi32>
    %sub3A_490 = arith.subi %masked_cumsum3A_489, %get3A_486 : vector<16xi32>
    %swap3A_491 = arith.constant 6 : i32
    %swap3A_492 = arith.index_cast %swap3A_491 : i32 to index
    %swap3A_493 = arith.constant 0 : index
    %swap3A_494 = tpu.vector_load %arg8[%swap3A_492, %swap3A_493] {strides = array<i32>} : memref<64x16xi32, #tpu.memory_space<vmem>>, vector<16xi32>,
    tpu.vector_store %arg8[%swap3A_492, %swap3A_493], %sub3A_490 {strides = array<i32>} : memref<64x16xi32, #tpu.memory_space<vmem>>, vector<16xi32>,
    %get3A_495 = arith.constant 7 : i32
    %get3A_496 = arith.index_cast %get3A_495 : i32 to index
    %get3A_497 = arith.constant 0 : index
    %get3A_498 = tpu.vector_load %arg7[%get3A_496, %get3A_497] {strides = array<i32>} : memref<64x16xi32, #tpu.memory_space<vmem>>, vector<16xi32>,
    %broadcast_in_dim3A_499 = arith.constant true
    %broadcast_in_dim3A_500 = vector.broadcast %broadcast_in_dim3A_499 : i1 to vector<16xi1>
    %masked_cumsum3A_501 = tpu.scan <sum>, %get3A_498 masked %broadcast_in_dim3A_500 : vector<16xi32>, vector<16xi1> -> vector<16xi32>
    %sub3A_502 = arith.subi %masked_cumsum3A_501, %get3A_498 : vector<16xi32>
    %swap3A_503 = arith.constant 7 : i32
    %swap3A_504 = arith.index_cast %swap3A_503 : i32 to index
    %swap3A_505 = arith.constant 0 : index
    %swap3A_506 = tpu.vector_load %arg8[%swap3A_504, %swap3A_505] {strides = array<i32>} : memref<64x16xi32, #tpu.memory_space<vmem>>, vector<16xi32>,
    tpu.vector_store %arg8[%swap3A_504, %swap3A_505], %sub3A_502 {strides = array<i32>} : memref<64x16xi32, #tpu.memory_space<vmem>>, vector<16xi32>,
    %get3A_507 = arith.constant 8 : i32
    %get3A_508 = arith.index_cast %get3A_507 : i32 to index
    %get3A_509 = arith.constant 0 : index
    %get3A_510 = tpu.vector_load %arg7[%get3A_508, %get3A_509] {strides = array<i32>} : memref<64x16xi32, #tpu.memory_space<vmem>>, vector<16xi32>,
    %broadcast_in_dim3A_511 = arith.constant true
    %broadcast_in_dim3A_512 = vector.broadcast %broadcast_in_dim3A_511 : i1 to vector<16xi1>
    %masked_cumsum3A_513 = tpu.scan <sum>, %get3A_510 masked %broadcast_in_dim3A_512 : vector<16xi32>, vector<16xi1> -> vector<16xi32>
    %sub3A_514 = arith.subi %masked_cumsum3A_513, %get3A_510 : vector<16xi32>
    %swap3A_515 = arith.constant 8 : i32
    %swap3A_516 = arith.index_cast %swap3A_515 : i32 to index
    %swap3A_517 = arith.constant 0 : index
    %swap3A_518 = tpu.vector_load %arg8[%swap3A_516, %swap3A_517] {strides = array<i32>} : memref<64x16xi32, #tpu.memory_space<vmem>>, vector<16xi32>,
    tpu.vector_store %arg8[%swap3A_516, %swap3A_517], %sub3A_514 {strides = array<i32>} : memref<64x16xi32, #tpu.memory_space<vmem>>, vector<16xi32>,
    %get3A_519 = arith.constant 9 : i32
    %get3A_520 = arith.index_cast %get3A_519 : i32 to index
    %get3A_521 = arith.constant 0 : index
    %get3A_522 = tpu.vector_load %arg7[%get3A_520, %get3A_521] {strides = array<i32>} : memref<64x16xi32, #tpu.memory_space<vmem>>, vector<16xi32>,
    %broadcast_in_dim3A_523 = arith.constant true
    %broadcast_in_dim3A_524 = vector.broadcast %broadcast_in_dim3A_523 : i1 to vector<16xi1>
    %masked_cumsum3A_525 = tpu.scan <sum>, %get3A_522 masked %broadcast_in_dim3A_524 : vector<16xi32>, vector<16xi1> -> vector<16xi32>
    %sub3A_526 = arith.subi %masked_cumsum3A_525, %get3A_522 : vector<16xi32>
    %swap3A_527 = arith.constant 9 : i32
    %swap3A_528 = arith.index_cast %swap3A_527 : i32 to index
    %swap3A_529 = arith.constant 0 : index
    %swap3A_530 = tpu.vector_load %arg8[%swap3A_528, %swap3A_529] {strides = array<i32>} : memref<64x16xi32, #tpu.memory_space<vmem>>, vector<16xi32>,
    tpu.vector_store %arg8[%swap3A_528, %swap3A_529], %sub3A_526 {strides = array<i32>} : memref<64x16xi32, #tpu.memory_space<vmem>>, vector<16xi32>,
    %get3A_531 = arith.constant 10 : i32
    %get3A_532 = arith.index_cast %get3A_531 : i32 to index
    %get3A_533 = arith.constant 0 : index
    %get3A_534 = tpu.vector_load %arg7[%get3A_532, %get3A_533] {strides = array<i32>} : memref<64x16xi32, #tpu.memory_space<vmem>>, vector<16xi32>,
    %broadcast_in_dim3A_535 = arith.constant true
    %broadcast_in_dim3A_536 = vector.broadcast %broadcast_in_dim3A_535 : i1 to vector<16xi1>
    %masked_cumsum3A_537 = tpu.scan <sum>, %get3A_534 masked %broadcast_in_dim3A_536 : vector<16xi32>, vector<16xi1> -> vector<16xi32>
    %sub3A_538 = arith.subi %masked_cumsum3A_537, %get3A_534 : vector<16xi32>
    %swap3A_539 = arith.constant 10 : i32
    %swap3A_540 = arith.index_cast %swap3A_539 : i32 to index
    %swap3A_541 = arith.constant 0 : index
    %swap3A_542 = tpu.vector_load %arg8[%swap3A_540, %swap3A_541] {strides = array<i32>} : memref<64x16xi32, #tpu.memory_space<vmem>>, vector<16xi32>,
    tpu.vector_store %arg8[%swap3A_540, %swap3A_541], %sub3A_538 {strides = array<i32>} : memref<64x16xi32, #tpu.memory_space<vmem>>, vector<16xi32>,
    %get3A_543 = arith.constant 11 : i32
    %get3A_544 = arith.index_cast %get3A_543 : i32 to index
    %get3A_545 = arith.constant 0 : index
    %get3A_546 = tpu.vector_load %arg7[%get3A_544, %get3A_545] {strides = array<i32>} : memref<64x16xi32, #tpu.memory_space<vmem>>, vector<16xi32>,
    %broadcast_in_dim3A_547 = arith.constant true
    %broadcast_in_dim3A_548 = vector.broadcast %broadcast_in_dim3A_547 : i1 to vector<16xi1>
    %masked_cumsum3A_549 = tpu.scan <sum>, %get3A_546 masked %broadcast_in_dim3A_548 : vector<16xi32>, vector<16xi1> -> vector<16xi32>
    %sub3A_550 = arith.subi %masked_cumsum3A_549, %get3A_546 : vector<16xi32>
    %swap3A_551 = arith.constant 11 : i32
    %swap3A_552 = arith.index_cast %swap3A_551 : i32 to index
    %swap3A_553 = arith.constant 0 : index
    %swap3A_554 = tpu.vector_load %arg8[%swap3A_552, %swap3A_553] {strides = array<i32>} : memref<64x16xi32, #tpu.memory_space<vmem>>, vector<16xi32>,
    tpu.vector_store %arg8[%swap3A_552, %swap3A_553], %sub3A_550 {strides = array<i32>} : memref<64x16xi32, #tpu.memory_space<vmem>>, vector<16xi32>,
    %get3A_555 = arith.constant 12 : i32
    %get3A_556 = arith.index_cast %get3A_555 : i32 to index
    %get3A_557 = arith.constant 0 : index
    %get3A_558 = tpu.vector_load %arg7[%get3A_556, %get3A_557] {strides = array<i32>} : memref<64x16xi32, #tpu.memory_space<vmem>>, vector<16xi32>,
    %broadcast_in_dim3A_559 = arith.constant true
    %broadcast_in_dim3A_560 = vector.broadcast %broadcast_in_dim3A_559 : i1 to vector<16xi1>
    %masked_cumsum3A_561 = tpu.scan <sum>, %get3A_558 masked %broadcast_in_dim3A_560 : vector<16xi32>, vector<16xi1> -> vector<16xi32>
    %sub3A_562 = arith.subi %masked_cumsum3A_561, %get3A_558 : vector<16xi32>
    %swap3A_563 = arith.constant 12 : i32
    %swap3A_564 = arith.index_cast %swap3A_563 : i32 to index
    %swap3A_565 = arith.constant 0 : index
    %swap3A_566 = tpu.vector_load %arg8[%swap3A_564, %swap3A_565] {strides = array<i32>} : memref<64x16xi32, #tpu.memory_space<vmem>>, vector<16xi32>,
    tpu.vector_store %arg8[%swap3A_564, %swap3A_565], %sub3A_562 {strides = array<i32>} : memref<64x16xi32, #tpu.memory_space<vmem>>, vector<16xi32>,
    %get3A_567 = arith.constant 13 : i32
    %get3A_568 = arith.index_cast %get3A_567 : i32 to index
    %get3A_569 = arith.constant 0 : index
    %get3A_570 = tpu.vector_load %arg7[%get3A_568, %get3A_569] {strides = array<i32>} : memref<64x16xi32, #tpu.memory_space<vmem>>, vector<16xi32>,
    %broadcast_in_dim3A_571 = arith.constant true
    %broadcast_in_dim3A_572 = vector.broadcast %broadcast_in_dim3A_571 : i1 to vector<16xi1>
    %masked_cumsum3A_573 = tpu.scan <sum>, %get3A_570 masked %broadcast_in_dim3A_572 : vector<16xi32>, vector<16xi1> -> vector<16xi32>
    %sub3A_574 = arith.subi %masked_cumsum3A_573, %get3A_570 : vector<16xi32>
    %swap3A_575 = arith.constant 13 : i32
    %swap3A_576 = arith.index_cast %swap3A_575 : i32 to index
    %swap3A_577 = arith.constant 0 : index
    %swap3A_578 = tpu.vector_load %arg8[%swap3A_576, %swap3A_577] {strides = array<i32>} : memref<64x16xi32, #tpu.memory_space<vmem>>, vector<16xi32>,
    tpu.vector_store %arg8[%swap3A_576, %swap3A_577], %sub3A_574 {strides = array<i32>} : memref<64x16xi32, #tpu.memory_space<vmem>>, vector<16xi32>,
    %get3A_579 = arith.constant 14 : i32
    %get3A_580 = arith.index_cast %get3A_579 : i32 to index
    %get3A_581 = arith.constant 0 : index
    %get3A_582 = tpu.vector_load %arg7[%get3A_580, %get3A_581] {strides = array<i32>} : memref<64x16xi32, #tpu.memory_space<vmem>>, vector<16xi32>,
    %broadcast_in_dim3A_583 = arith.constant true
    %broadcast_in_dim3A_584 = vector.broadcast %broadcast_in_dim3A_583 : i1 to vector<16xi1>
    %masked_cumsum3A_585 = tpu.scan <sum>, %get3A_582 masked %broadcast_in_dim3A_584 : vector<16xi32>, vector<16xi1> -> vector<16xi32>
    %sub3A_586 = arith.subi %masked_cumsum3A_585, %get3A_582 : vector<16xi32>
    %swap3A_587 = arith.constant 14 : i32
    %swap3A_588 = arith.index_cast %swap3A_587 : i32 to index
    %swap3A_589 = arith.constant 0 : index
    %swap3A_590 = tpu.vector_load %arg8[%swap3A_588, %swap3A_589] {strides = array<i32>} : memref<64x16xi32, #tpu.memory_space<vmem>>, vector<16xi32>,
    tpu.vector_store %arg8[%swap3A_588, %swap3A_589], %sub3A_586 {strides = array<i32>} : memref<64x16xi32, #tpu.memory_space<vmem>>, vector<16xi32>,
    %get3A_591 = arith.constant 15 : i32
    %get3A_592 = arith.index_cast %get3A_591 : i32 to index
    %get3A_593 = arith.constant 0 : index
    %get3A_594 = tpu.vector_load %arg7[%get3A_592, %get3A_593] {strides = array<i32>} : memref<64x16xi32, #tpu.memory_space<vmem>>, vector<16xi32>,
    %broadcast_in_dim3A_595 = arith.constant true
    %broadcast_in_dim3A_596 = vector.broadcast %broadcast_in_dim3A_595 : i1 to vector<16xi1>
    %masked_cumsum3A_597 = tpu.scan <sum>, %get3A_594 masked %broadcast_in_dim3A_596 : vector<16xi32>, vector<16xi1> -> vector<16xi32>
    %sub3A_598 = arith.subi %masked_cumsum3A_597, %get3A_594 : vector<16xi32>
    %swap3A_599 = arith.constant 15 : i32
    %swap3A_600 = arith.index_cast %swap3A_599 : i32 to index
    %swap3A_601 = arith.constant 0 : index
    %swap3A_602 = tpu.vector_load %arg8[%swap3A_600, %swap3A_601] {strides = array<i32>} : memref<64x16xi32, #tpu.memory_space<vmem>>, vector<16xi32>,
    tpu.vector_store %arg8[%swap3A_600, %swap3A_601], %sub3A_598 {strides = array<i32>} : memref<64x16xi32, #tpu.memory_space<vmem>>, vector<16xi32>,
    %get3A_603 = arith.constant 16 : i32
    %get3A_604 = arith.index_cast %get3A_603 : i32 to index
    %get3A_605 = arith.constant 0 : index
    %get3A_606 = tpu.vector_load %arg7[%get3A_604, %get3A_605] {strides = array<i32>} : memref<64x16xi32, #tpu.memory_space<vmem>>, vector<16xi32>,
    %broadcast_in_dim3A_607 = arith.constant true
    %broadcast_in_dim3A_608 = vector.broadcast %broadcast_in_dim3A_607 : i1 to vector<16xi1>
    %masked_cumsum3A_609 = tpu.scan <sum>, %get3A_606 masked %broadcast_in_dim3A_608 : vector<16xi32>, vector<16xi1> -> vector<16xi32>
    %sub3A_610 = arith.subi %masked_cumsum3A_609, %get3A_606 : vector<16xi32>
    %swap3A_611 = arith.constant 16 : i32
    %swap3A_612 = arith.index_cast %swap3A_611 : i32 to index
    %swap3A_613 = arith.constant 0 : index
    %swap3A_614 = tpu.vector_load %arg8[%swap3A_612, %swap3A_613] {strides = array<i32>} : memref<64x16xi32, #tpu.memory_space<vmem>>, vector<16xi32>,
    tpu.vector_store %arg8[%swap3A_612, %swap3A_613], %sub3A_610 {strides = array<i32>} : memref<64x16xi32, #tpu.memory_space<vmem>>, vector<16xi32>,
    %get3A_615 = arith.constant 17 : i32
    %get3A_616 = arith.index_cast %get3A_615 : i32 to index
    %get3A_617 = arith.constant 0 : index
    %get3A_618 = tpu.vector_load %arg7[%get3A_616, %get3A_617] {strides = array<i32>} : memref<64x16xi32, #tpu.memory_space<vmem>>, vector<16xi32>,
    %broadcast_in_dim3A_619 = arith.constant true
    %broadcast_in_dim3A_620 = vector.broadcast %broadcast_in_dim3A_619 : i1 to vector<16xi1>
    %masked_cumsum3A_621 = tpu.scan <sum>, %get3A_618 masked %broadcast_in_dim3A_620 : vector<16xi32>, vector<16xi1> -> vector<16xi32>
    %sub3A_622 = arith.subi %masked_cumsum3A_621, %get3A_618 : vector<16xi32>
    %swap3A_623 = arith.constant 17 : i32
    %swap3A_624 = arith.index_cast %swap3A_623 : i32 to index
    %swap3A_625 = arith.constant 0 : index
    %swap3A_626 = tpu.vector_load %arg8[%swap3A_624, %swap3A_625] {strides = array<i32>} : memref<64x16xi32, #tpu.memory_space<vmem>>, vector<16xi32>,
    tpu.vector_store %arg8[%swap3A_624, %swap3A_625], %sub3A_622 {strides = array<i32>} : memref<64x16xi32, #tpu.memory_space<vmem>>, vector<16xi32>,
    %get3A_627 = arith.constant 18 : i32
    %get3A_628 = arith.index_cast %get3A_627 : i32 to index
    %get3A_629 = arith.constant 0 : index
    %get3A_630 = tpu.vector_load %arg7[%get3A_628, %get3A_629] {strides = array<i32>} : memref<64x16xi32, #tpu.memory_space<vmem>>, vector<16xi32>,
    %broadcast_in_dim3A_631 = arith.constant true
    %broadcast_in_dim3A_632 = vector.broadcast %broadcast_in_dim3A_631 : i1 to vector<16xi1>
    %masked_cumsum3A_633 = tpu.scan <sum>, %get3A_630 masked %broadcast_in_dim3A_632 : vector<16xi32>, vector<16xi1> -> vector<16xi32>
    %sub3A_634 = arith.subi %masked_cumsum3A_633, %get3A_630 : vector<16xi32>
    %swap3A_635 = arith.constant 18 : i32
    %swap3A_636 = arith.index_cast %swap3A_635 : i32 to index
    %swap3A_637 = arith.constant 0 : index
    %swap3A_638 = tpu.vector_load %arg8[%swap3A_636, %swap3A_637] {strides = array<i32>} : memref<64x16xi32, #tpu.memory_space<vmem>>, vector<16xi32>,
    tpu.vector_store %arg8[%swap3A_636, %swap3A_637], %sub3A_634 {strides = array<i32>} : memref<64x16xi32, #tpu.memory_space<vmem>>, vector<16xi32>,
    %get3A_639 = arith.constant 19 : i32
    %get3A_640 = arith.index_cast %get3A_639 : i32 to index
    %get3A_641 = arith.constant 0 : index
    %get3A_642 = tpu.vector_load %arg7[%get3A_640, %get3A_641] {strides = array<i32>} : memref<64x16xi32, #tpu.memory_space<vmem>>, vector<16xi32>,
    %broadcast_in_dim3A_643 = arith.constant true
    %broadcast_in_dim3A_644 = vector.broadcast %broadcast_in_dim3A_643 : i1 to vector<16xi1>
    %masked_cumsum3A_645 = tpu.scan <sum>, %get3A_642 masked %broadcast_in_dim3A_644 : vector<16xi32>, vector<16xi1> -> vector<16xi32>
    %sub3A_646 = arith.subi %masked_cumsum3A_645, %get3A_642 : vector<16xi32>
    %swap3A_647 = arith.constant 19 : i32
    %swap3A_648 = arith.index_cast %swap3A_647 : i32 to index
    %swap3A_649 = arith.constant 0 : index
    %swap3A_650 = tpu.vector_load %arg8[%swap3A_648, %swap3A_649] {strides = array<i32>} : memref<64x16xi32, #tpu.memory_space<vmem>>, vector<16xi32>,
    tpu.vector_store %arg8[%swap3A_648, %swap3A_649], %sub3A_646 {strides = array<i32>} : memref<64x16xi32, #tpu.memory_space<vmem>>, vector<16xi32>,
    %get3A_651 = arith.constant 20 : i32
    %get3A_652 = arith.index_cast %get3A_651 : i32 to index
    %get3A_653 = arith.constant 0 : index
    %get3A_654 = tpu.vector_load %arg7[%get3A_652, %get3A_653] {strides = array<i32>} : memref<64x16xi32, #tpu.memory_space<vmem>>, vector<16xi32>,
    %broadcast_in_dim3A_655 = arith.constant true
    %broadcast_in_dim3A_656 = vector.broadcast %broadcast_in_dim3A_655 : i1 to vector<16xi1>
    %masked_cumsum3A_657 = tpu.scan <sum>, %get3A_654 masked %broadcast_in_dim3A_656 : vector<16xi32>, vector<16xi1> -> vector<16xi32>
    %sub3A_658 = arith.subi %masked_cumsum3A_657, %get3A_654 : vector<16xi32>
    %swap3A_659 = arith.constant 20 : i32
    %swap3A_660 = arith.index_cast %swap3A_659 : i32 to index
    %swap3A_661 = arith.constant 0 : index
    %swap3A_662 = tpu.vector_load %arg8[%swap3A_660, %swap3A_661] {strides = array<i32>} : memref<64x16xi32, #tpu.memory_space<vmem>>, vector<16xi32>,
    tpu.vector_store %arg8[%swap3A_660, %swap3A_661], %sub3A_658 {strides = array<i32>} : memref<64x16xi32, #tpu.memory_space<vmem>>, vector<16xi32>,
    %get3A_663 = arith.constant 21 : i32
    %get3A_664 = arith.index_cast %get3A_663 : i32 to index
    %get3A_665 = arith.constant 0 : index
    %get3A_666 = tpu.vector_load %arg7[%get3A_664, %get3A_665] {strides = array<i32>} : memref<64x16xi32, #tpu.memory_space<vmem>>, vector<16xi32>,
    %broadcast_in_dim3A_667 = arith.constant true
    %broadcast_in_dim3A_668 = vector.broadcast %broadcast_in_dim3A_667 : i1 to vector<16xi1>
    %masked_cumsum3A_669 = tpu.scan <sum>, %get3A_666 masked %broadcast_in_dim3A_668 : vector<16xi32>, vector<16xi1> -> vector<16xi32>
    %sub3A_670 = arith.subi %masked_cumsum3A_669, %get3A_666 : vector<16xi32>
    %swap3A_671 = arith.constant 21 : i32
    %swap3A_672 = arith.index_cast %swap3A_671 : i32 to index
    %swap3A_673 = arith.constant 0 : index
    %swap3A_674 = tpu.vector_load %arg8[%swap3A_672, %swap3A_673] {strides = array<i32>} : memref<64x16xi32, #tpu.memory_space<vmem>>, vector<16xi32>,
    tpu.vector_store %arg8[%swap3A_672, %swap3A_673], %sub3A_670 {strides = array<i32>} : memref<64x16xi32, #tpu.memory_space<vmem>>, vector<16xi32>,
    %get3A_675 = arith.constant 22 : i32
    %get3A_676 = arith.index_cast %get3A_675 : i32 to index
    %get3A_677 = arith.constant 0 : index
    %get3A_678 = tpu.vector_load %arg7[%get3A_676, %get3A_677] {strides = array<i32>} : memref<64x16xi32, #tpu.memory_space<vmem>>, vector<16xi32>,
    %broadcast_in_dim3A_679 = arith.constant true
    %broadcast_in_dim3A_680 = vector.broadcast %broadcast_in_dim3A_679 : i1 to vector<16xi1>
    %masked_cumsum3A_681 = tpu.scan <sum>, %get3A_678 masked %broadcast_in_dim3A_680 : vector<16xi32>, vector<16xi1> -> vector<16xi32>
    %sub3A_682 = arith.subi %masked_cumsum3A_681, %get3A_678 : vector<16xi32>
    %swap3A_683 = arith.constant 22 : i32
    %swap3A_684 = arith.index_cast %swap3A_683 : i32 to index
    %swap3A_685 = arith.constant 0 : index
    %swap3A_686 = tpu.vector_load %arg8[%swap3A_684, %swap3A_685] {strides = array<i32>} : memref<64x16xi32, #tpu.memory_space<vmem>>, vector<16xi32>,
    tpu.vector_store %arg8[%swap3A_684, %swap3A_685], %sub3A_682 {strides = array<i32>} : memref<64x16xi32, #tpu.memory_space<vmem>>, vector<16xi32>,
    %get3A_687 = arith.constant 23 : i32
    %get3A_688 = arith.index_cast %get3A_687 : i32 to index
    %get3A_689 = arith.constant 0 : index
    %get3A_690 = tpu.vector_load %arg7[%get3A_688, %get3A_689] {strides = array<i32>} : memref<64x16xi32, #tpu.memory_space<vmem>>, vector<16xi32>,
    %broadcast_in_dim3A_691 = arith.constant true
    %broadcast_in_dim3A_692 = vector.broadcast %broadcast_in_dim3A_691 : i1 to vector<16xi1>
    %masked_cumsum3A_693 = tpu.scan <sum>, %get3A_690 masked %broadcast_in_dim3A_692 : vector<16xi32>, vector<16xi1> -> vector<16xi32>
    %sub3A_694 = arith.subi %masked_cumsum3A_693, %get3A_690 : vector<16xi32>
    %swap3A_695 = arith.constant 23 : i32
    %swap3A_696 = arith.index_cast %swap3A_695 : i32 to index
    %swap3A_697 = arith.constant 0 : index
    %swap3A_698 = tpu.vector_load %arg8[%swap3A_696, %swap3A_697] {strides = array<i32>} : memref<64x16xi32, #tpu.memory_space<vmem>>, vector<16xi32>,
    tpu.vector_store %arg8[%swap3A_696, %swap3A_697], %sub3A_694 {strides = array<i32>} : memref<64x16xi32, #tpu.memory_space<vmem>>, vector<16xi32>,
    %get3A_699 = arith.constant 24 : i32
    %get3A_700 = arith.index_cast %get3A_699 : i32 to index
    %get3A_701 = arith.constant 0 : index
    %get3A_702 = tpu.vector_load %arg7[%get3A_700, %get3A_701] {strides = array<i32>} : memref<64x16xi32, #tpu.memory_space<vmem>>, vector<16xi32>,
    %broadcast_in_dim3A_703 = arith.constant true
    %broadcast_in_dim3A_704 = vector.broadcast %broadcast_in_dim3A_703 : i1 to vector<16xi1>
    %masked_cumsum3A_705 = tpu.scan <sum>, %get3A_702 masked %broadcast_in_dim3A_704 : vector<16xi32>, vector<16xi1> -> vector<16xi32>
    %sub3A_706 = arith.subi %masked_cumsum3A_705, %get3A_702 : vector<16xi32>
    %swap3A_707 = arith.constant 24 : i32
    %swap3A_708 = arith.index_cast %swap3A_707 : i32 to index
    %swap3A_709 = arith.constant 0 : index
    %swap3A_710 = tpu.vector_load %arg8[%swap3A_708, %swap3A_709] {strides = array<i32>} : memref<64x16xi32, #tpu.memory_space<vmem>>, vector<16xi32>,
    tpu.vector_store %arg8[%swap3A_708, %swap3A_709], %sub3A_706 {strides = array<i32>} : memref<64x16xi32, #tpu.memory_space<vmem>>, vector<16xi32>,
    %get3A_711 = arith.constant 25 : i32
    %get3A_712 = arith.index_cast %get3A_711 : i32 to index
    %get3A_713 = arith.constant 0 : index
    %get3A_714 = tpu.vector_load %arg7[%get3A_712, %get3A_713] {strides = array<i32>} : memref<64x16xi32, #tpu.memory_space<vmem>>, vector<16xi32>,
    %broadcast_in_dim3A_715 = arith.constant true
    %broadcast_in_dim3A_716 = vector.broadcast %broadcast_in_dim3A_715 : i1 to vector<16xi1>
    %masked_cumsum3A_717 = tpu.scan <sum>, %get3A_714 masked %broadcast_in_dim3A_716 : vector<16xi32>, vector<16xi1> -> vector<16xi32>
    %sub3A_718 = arith.subi %masked_cumsum3A_717, %get3A_714 : vector<16xi32>
    %swap3A_719 = arith.constant 25 : i32
    %swap3A_720 = arith.index_cast %swap3A_719 : i32 to index
    %swap3A_721 = arith.constant 0 : index
    %swap3A_722 = tpu.vector_load %arg8[%swap3A_720, %swap3A_721] {strides = array<i32>} : memref<64x16xi32, #tpu.memory_space<vmem>>, vector<16xi32>,
    tpu.vector_store %arg8[%swap3A_720, %swap3A_721], %sub3A_718 {strides = array<i32>} : memref<64x16xi32, #tpu.memory_space<vmem>>, vector<16xi32>,
    %get3A_723 = arith.constant 26 : i32
    %get3A_724 = arith.index_cast %get3A_723 : i32 to index
    %get3A_725 = arith.constant 0 : index
    %get3A_726 = tpu.vector_load %arg7[%get3A_724, %get3A_725] {strides = array<i32>} : memref<64x16xi32, #tpu.memory_space<vmem>>, vector<16xi32>,
    %broadcast_in_dim3A_727 = arith.constant true
    %broadcast_in_dim3A_728 = vector.broadcast %broadcast_in_dim3A_727 : i1 to vector<16xi1>
    %masked_cumsum3A_729 = tpu.scan <sum>, %get3A_726 masked %broadcast_in_dim3A_728 : vector<16xi32>, vector<16xi1> -> vector<16xi32>
    %sub3A_730 = arith.subi %masked_cumsum3A_729, %get3A_726 : vector<16xi32>
    %swap3A_731 = arith.constant 26 : i32
    %swap3A_732 = arith.index_cast %swap3A_731 : i32 to index
    %swap3A_733 = arith.constant 0 : index
    %swap3A_734 = tpu.vector_load %arg8[%swap3A_732, %swap3A_733] {strides = array<i32>} : memref<64x16xi32, #tpu.memory_space<vmem>>, vector<16xi32>,
    tpu.vector_store %arg8[%swap3A_732, %swap3A_733], %sub3A_730 {strides = array<i32>} : memref<64x16xi32, #tpu.memory_space<vmem>>, vector<16xi32>,
    %get3A_735 = arith.constant 27 : i32
    %get3A_736 = arith.index_cast %get3A_735 : i32 to index
    %get3A_737 = arith.constant 0 : index
    %get3A_738 = tpu.vector_load %arg7[%get3A_736, %get3A_737] {strides = array<i32>} : memref<64x16xi32, #tpu.memory_space<vmem>>, vector<16xi32>,
    %broadcast_in_dim3A_739 = arith.constant true
    %broadcast_in_dim3A_740 = vector.broadcast %broadcast_in_dim3A_739 : i1 to vector<16xi1>
    %masked_cumsum3A_741 = tpu.scan <sum>, %get3A_738 masked %broadcast_in_dim3A_740 : vector<16xi32>, vector<16xi1> -> vector<16xi32>
    %sub3A_742 = arith.subi %masked_cumsum3A_741, %get3A_738 : vector<16xi32>
    %swap3A_743 = arith.constant 27 : i32
    %swap3A_744 = arith.index_cast %swap3A_743 : i32 to index
    %swap3A_745 = arith.constant 0 : index
    %swap3A_746 = tpu.vector_load %arg8[%swap3A_744, %swap3A_745] {strides = array<i32>} : memref<64x16xi32, #tpu.memory_space<vmem>>, vector<16xi32>,
    tpu.vector_store %arg8[%swap3A_744, %swap3A_745], %sub3A_742 {strides = array<i32>} : memref<64x16xi32, #tpu.memory_space<vmem>>, vector<16xi32>,
    %get3A_747 = arith.constant 28 : i32
    %get3A_748 = arith.index_cast %get3A_747 : i32 to index
    %get3A_749 = arith.constant 0 : index
    %get3A_750 = tpu.vector_load %arg7[%get3A_748, %get3A_749] {strides = array<i32>} : memref<64x16xi32, #tpu.memory_space<vmem>>, vector<16xi32>,
    %broadcast_in_dim3A_751 = arith.constant true
    %broadcast_in_dim3A_752 = vector.broadcast %broadcast_in_dim3A_751 : i1 to vector<16xi1>
    %masked_cumsum3A_753 = tpu.scan <sum>, %get3A_750 masked %broadcast_in_dim3A_752 : vector<16xi32>, vector<16xi1> -> vector<16xi32>
    %sub3A_754 = arith.subi %masked_cumsum3A_753, %get3A_750 : vector<16xi32>
    %swap3A_755 = arith.constant 28 : i32
    %swap3A_756 = arith.index_cast %swap3A_755 : i32 to index
    %swap3A_757 = arith.constant 0 : index
    %swap3A_758 = tpu.vector_load %arg8[%swap3A_756, %swap3A_757] {strides = array<i32>} : memref<64x16xi32, #tpu.memory_space<vmem>>, vector<16xi32>,
    tpu.vector_store %arg8[%swap3A_756, %swap3A_757], %sub3A_754 {strides = array<i32>} : memref<64x16xi32, #tpu.memory_space<vmem>>, vector<16xi32>,
    %get3A_759 = arith.constant 29 : i32
    %get3A_760 = arith.index_cast %get3A_759 : i32 to index
    %get3A_761 = arith.constant 0 : index
    %get3A_762 = tpu.vector_load %arg7[%get3A_760, %get3A_761] {strides = array<i32>} : memref<64x16xi32, #tpu.memory_space<vmem>>, vector<16xi32>,
    %broadcast_in_dim3A_763 = arith.constant true
    %broadcast_in_dim3A_764 = vector.broadcast %broadcast_in_dim3A_763 : i1 to vector<16xi1>
    %masked_cumsum3A_765 = tpu.scan <sum>, %get3A_762 masked %broadcast_in_dim3A_764 : vector<16xi32>, vector<16xi1> -> vector<16xi32>
    %sub3A_766 = arith.subi %masked_cumsum3A_765, %get3A_762 : vector<16xi32>
    %swap3A_767 = arith.constant 29 : i32
    %swap3A_768 = arith.index_cast %swap3A_767 : i32 to index
    %swap3A_769 = arith.constant 0 : index
    %swap3A_770 = tpu.vector_load %arg8[%swap3A_768, %swap3A_769] {strides = array<i32>} : memref<64x16xi32, #tpu.memory_space<vmem>>, vector<16xi32>,
    tpu.vector_store %arg8[%swap3A_768, %swap3A_769], %sub3A_766 {strides = array<i32>} : memref<64x16xi32, #tpu.memory_space<vmem>>, vector<16xi32>,
    %get3A_771 = arith.constant 30 : i32
    %get3A_772 = arith.index_cast %get3A_771 : i32 to index
    %get3A_773 = arith.constant 0 : index
    %get3A_774 = tpu.vector_load %arg7[%get3A_772, %get3A_773] {strides = array<i32>} : memref<64x16xi32, #tpu.memory_space<vmem>>, vector<16xi32>,
    %broadcast_in_dim3A_775 = arith.constant true
    %broadcast_in_dim3A_776 = vector.broadcast %broadcast_in_dim3A_775 : i1 to vector<16xi1>
    %masked_cumsum3A_777 = tpu.scan <sum>, %get3A_774 masked %broadcast_in_dim3A_776 : vector<16xi32>, vector<16xi1> -> vector<16xi32>
    %sub3A_778 = arith.subi %masked_cumsum3A_777, %get3A_774 : vector<16xi32>
    %swap3A_779 = arith.constant 30 : i32
    %swap3A_780 = arith.index_cast %swap3A_779 : i32 to index
    %swap3A_781 = arith.constant 0 : index
    %swap3A_782 = tpu.vector_load %arg8[%swap3A_780, %swap3A_781] {strides = array<i32>} : memref<64x16xi32, #tpu.memory_space<vmem>>, vector<16xi32>,
    tpu.vector_store %arg8[%swap3A_780, %swap3A_781], %sub3A_778 {strides = array<i32>} : memref<64x16xi32, #tpu.memory_space<vmem>>, vector<16xi32>,
    %get3A_783 = arith.constant 31 : i32
    %get3A_784 = arith.index_cast %get3A_783 : i32 to index
    %get3A_785 = arith.constant 0 : index
    %get3A_786 = tpu.vector_load %arg7[%get3A_784, %get3A_785] {strides = array<i32>} : memref<64x16xi32, #tpu.memory_space<vmem>>, vector<16xi32>,
    %broadcast_in_dim3A_787 = arith.constant true
    %broadcast_in_dim3A_788 = vector.broadcast %broadcast_in_dim3A_787 : i1 to vector<16xi1>
    %masked_cumsum3A_789 = tpu.scan <sum>, %get3A_786 masked %broadcast_in_dim3A_788 : vector<16xi32>, vector<16xi1> -> vector<16xi32>
    %sub3A_790 = arith.subi %masked_cumsum3A_789, %get3A_786 : vector<16xi32>
    %swap3A_791 = arith.constant 31 : i32
    %swap3A_792 = arith.index_cast %swap3A_791 : i32 to index
    %swap3A_793 = arith.constant 0 : index
    %swap3A_794 = tpu.vector_load %arg8[%swap3A_792, %swap3A_793] {strides = array<i32>} : memref<64x16xi32, #tpu.memory_space<vmem>>, vector<16xi32>,
    tpu.vector_store %arg8[%swap3A_792, %swap3A_793], %sub3A_790 {strides = array<i32>} : memref<64x16xi32, #tpu.memory_space<vmem>>, vector<16xi32>,
    %get3A_795 = arith.constant 32 : i32
    %get3A_796 = arith.index_cast %get3A_795 : i32 to index
    %get3A_797 = arith.constant 0 : index
    %get3A_798 = tpu.vector_load %arg7[%get3A_796, %get3A_797] {strides = array<i32>} : memref<64x16xi32, #tpu.memory_space<vmem>>, vector<16xi32>,
    %broadcast_in_dim3A_799 = arith.constant true
    %broadcast_in_dim3A_800 = vector.broadcast %broadcast_in_dim3A_799 : i1 to vector<16xi1>
    %masked_cumsum3A_801 = tpu.scan <sum>, %get3A_798 masked %broadcast_in_dim3A_800 : vector<16xi32>, vector<16xi1> -> vector<16xi32>
    %sub3A_802 = arith.subi %masked_cumsum3A_801, %get3A_798 : vector<16xi32>
    %swap3A_803 = arith.constant 32 : i32
    %swap3A_804 = arith.index_cast %swap3A_803 : i32 to index
    %swap3A_805 = arith.constant 0 : index
    %swap3A_806 = tpu.vector_load %arg8[%swap3A_804, %swap3A_805] {strides = array<i32>} : memref<64x16xi32, #tpu.memory_space<vmem>>, vector<16xi32>,
    tpu.vector_store %arg8[%swap3A_804, %swap3A_805], %sub3A_802 {strides = array<i32>} : memref<64x16xi32, #tpu.memory_space<vmem>>, vector<16xi32>,
    %get3A_807 = arith.constant 33 : i32
    %get3A_808 = arith.index_cast %get3A_807 : i32 to index
    %get3A_809 = arith.constant 0 : index
    %get3A_810 = tpu.vector_load %arg7[%get3A_808, %get3A_809] {strides = array<i32>} : memref<64x16xi32, #tpu.memory_space<vmem>>, vector<16xi32>,
    %broadcast_in_dim3A_811 = arith.constant true
    %broadcast_in_dim3A_812 = vector.broadcast %broadcast_in_dim3A_811 : i1 to vector<16xi1>
    %masked_cumsum3A_813 = tpu.scan <sum>, %get3A_810 masked %broadcast_in_dim3A_812 : vector<16xi32>, vector<16xi1> -> vector<16xi32>
    %sub3A_814 = arith.subi %masked_cumsum3A_813, %get3A_810 : vector<16xi32>
    %swap3A_815 = arith.constant 33 : i32
    %swap3A_816 = arith.index_cast %swap3A_815 : i32 to index
    %swap3A_817 = arith.constant 0 : index
    %swap3A_818 = tpu.vector_load %arg8[%swap3A_816, %swap3A_817] {strides = array<i32>} : memref<64x16xi32, #tpu.memory_space<vmem>>, vector<16xi32>,
    tpu.vector_store %arg8[%swap3A_816, %swap3A_817], %sub3A_814 {strides = array<i32>} : memref<64x16xi32, #tpu.memory_space<vmem>>, vector<16xi32>,
    %get3A_819 = arith.constant 34 : i32
    %get3A_820 = arith.index_cast %get3A_819 : i32 to index
    %get3A_821 = arith.constant 0 : index
    %get3A_822 = tpu.vector_load %arg7[%get3A_820, %get3A_821] {strides = array<i32>} : memref<64x16xi32, #tpu.memory_space<vmem>>, vector<16xi32>,
    %broadcast_in_dim3A_823 = arith.constant true
    %broadcast_in_dim3A_824 = vector.broadcast %broadcast_in_dim3A_823 : i1 to vector<16xi1>
    %masked_cumsum3A_825 = tpu.scan <sum>, %get3A_822 masked %broadcast_in_dim3A_824 : vector<16xi32>, vector<16xi1> -> vector<16xi32>
    %sub3A_826 = arith.subi %masked_cumsum3A_825, %get3A_822 : vector<16xi32>
    %swap3A_827 = arith.constant 34 : i32
    %swap3A_828 = arith.index_cast %swap3A_827 : i32 to index
    %swap3A_829 = arith.constant 0 : index
    %swap3A_830 = tpu.vector_load %arg8[%swap3A_828, %swap3A_829] {strides = array<i32>} : memref<64x16xi32, #tpu.memory_space<vmem>>, vector<16xi32>,
    tpu.vector_store %arg8[%swap3A_828, %swap3A_829], %sub3A_826 {strides = array<i32>} : memref<64x16xi32, #tpu.memory_space<vmem>>, vector<16xi32>,
    %get3A_831 = arith.constant 35 : i32
    %get3A_832 = arith.index_cast %get3A_831 : i32 to index
    %get3A_833 = arith.constant 0 : index
    %get3A_834 = tpu.vector_load %arg7[%get3A_832, %get3A_833] {strides = array<i32>} : memref<64x16xi32, #tpu.memory_space<vmem>>, vector<16xi32>,
    %broadcast_in_dim3A_835 = arith.constant true
    %broadcast_in_dim3A_836 = vector.broadcast %broadcast_in_dim3A_835 : i1 to vector<16xi1>
    %masked_cumsum3A_837 = tpu.scan <sum>, %get3A_834 masked %broadcast_in_dim3A_836 : vector<16xi32>, vector<16xi1> -> vector<16xi32>
    %sub3A_838 = arith.subi %masked_cumsum3A_837, %get3A_834 : vector<16xi32>
    %swap3A_839 = arith.constant 35 : i32
    %swap3A_840 = arith.index_cast %swap3A_839 : i32 to index
    %swap3A_841 = arith.constant 0 : index
    %swap3A_842 = tpu.vector_load %arg8[%swap3A_840, %swap3A_841] {strides = array<i32>} : memref<64x16xi32, #tpu.memory_space<vmem>>, vector<16xi32>,
    tpu.vector_store %arg8[%swap3A_840, %swap3A_841], %sub3A_838 {strides = array<i32>} : memref<64x16xi32, #tpu.memory_space<vmem>>, vector<16xi32>,
    %get3A_843 = arith.constant 36 : i32
    %get3A_844 = arith.index_cast %get3A_843 : i32 to index
    %get3A_845 = arith.constant 0 : index
    %get3A_846 = tpu.vector_load %arg7[%get3A_844, %get3A_845] {strides = array<i32>} : memref<64x16xi32, #tpu.memory_space<vmem>>, vector<16xi32>,
    %broadcast_in_dim3A_847 = arith.constant true
    %broadcast_in_dim3A_848 = vector.broadcast %broadcast_in_dim3A_847 : i1 to vector<16xi1>
    %masked_cumsum3A_849 = tpu.scan <sum>, %get3A_846 masked %broadcast_in_dim3A_848 : vector<16xi32>, vector<16xi1> -> vector<16xi32>
    %sub3A_850 = arith.subi %masked_cumsum3A_849, %get3A_846 : vector<16xi32>
    %swap3A_851 = arith.constant 36 : i32
    %swap3A_852 = arith.index_cast %swap3A_851 : i32 to index
    %swap3A_853 = arith.constant 0 : index
    %swap3A_854 = tpu.vector_load %arg8[%swap3A_852, %swap3A_853] {strides = array<i32>} : memref<64x16xi32, #tpu.memory_space<vmem>>, vector<16xi32>,
    tpu.vector_store %arg8[%swap3A_852, %swap3A_853], %sub3A_850 {strides = array<i32>} : memref<64x16xi32, #tpu.memory_space<vmem>>, vector<16xi32>,
    %get3A_855 = arith.constant 37 : i32
    %get3A_856 = arith.index_cast %get3A_855 : i32 to index
    %get3A_857 = arith.constant 0 : index
    %get3A_858 = tpu.vector_load %arg7[%get3A_856, %get3A_857] {strides = array<i32>} : memref<64x16xi32, #tpu.memory_space<vmem>>, vector<16xi32>,
    %broadcast_in_dim3A_859 = arith.constant true
    %broadcast_in_dim3A_860 = vector.broadcast %broadcast_in_dim3A_859 : i1 to vector<16xi1>
    %masked_cumsum3A_861 = tpu.scan <sum>, %get3A_858 masked %broadcast_in_dim3A_860 : vector<16xi32>, vector<16xi1> -> vector<16xi32>
    %sub3A_862 = arith.subi %masked_cumsum3A_861, %get3A_858 : vector<16xi32>
    %swap3A_863 = arith.constant 37 : i32
    %swap3A_864 = arith.index_cast %swap3A_863 : i32 to index
    %swap3A_865 = arith.constant 0 : index
    %swap3A_866 = tpu.vector_load %arg8[%swap3A_864, %swap3A_865] {strides = array<i32>} : memref<64x16xi32, #tpu.memory_space<vmem>>, vector<16xi32>,
    tpu.vector_store %arg8[%swap3A_864, %swap3A_865], %sub3A_862 {strides = array<i32>} : memref<64x16xi32, #tpu.memory_space<vmem>>, vector<16xi32>,
    %get3A_867 = arith.constant 38 : i32
    %get3A_868 = arith.index_cast %get3A_867 : i32 to index
    %get3A_869 = arith.constant 0 : index
    %get3A_870 = tpu.vector_load %arg7[%get3A_868, %get3A_869] {strides = array<i32>} : memref<64x16xi32, #tpu.memory_space<vmem>>, vector<16xi32>,
    %broadcast_in_dim3A_871 = arith.constant true
    %broadcast_in_dim3A_872 = vector.broadcast %broadcast_in_dim3A_871 : i1 to vector<16xi1>
    %masked_cumsum3A_873 = tpu.scan <sum>, %get3A_870 masked %broadcast_in_dim3A_872 : vector<16xi32>, vector<16xi1> -> vector<16xi32>
    %sub3A_874 = arith.subi %masked_cumsum3A_873, %get3A_870 : vector<16xi32>
    %swap3A_875 = arith.constant 38 : i32
    %swap3A_876 = arith.index_cast %swap3A_875 : i32 to index
    %swap3A_877 = arith.constant 0 : index
    %swap3A_878 = tpu.vector_load %arg8[%swap3A_876, %swap3A_877] {strides = array<i32>} : memref<64x16xi32, #tpu.memory_space<vmem>>, vector<16xi32>,
    tpu.vector_store %arg8[%swap3A_876, %swap3A_877], %sub3A_874 {strides = array<i32>} : memref<64x16xi32, #tpu.memory_space<vmem>>, vector<16xi32>,
    %get3A_879 = arith.constant 39 : i32
    %get3A_880 = arith.index_cast %get3A_879 : i32 to index
    %get3A_881 = arith.constant 0 : index
    %get3A_882 = tpu.vector_load %arg7[%get3A_880, %get3A_881] {strides = array<i32>} : memref<64x16xi32, #tpu.memory_space<vmem>>, vector<16xi32>,
    %broadcast_in_dim3A_883 = arith.constant true
    %broadcast_in_dim3A_884 = vector.broadcast %broadcast_in_dim3A_883 : i1 to vector<16xi1>
    %masked_cumsum3A_885 = tpu.scan <sum>, %get3A_882 masked %broadcast_in_dim3A_884 : vector<16xi32>, vector<16xi1> -> vector<16xi32>
    %sub3A_886 = arith.subi %masked_cumsum3A_885, %get3A_882 : vector<16xi32>
    %swap3A_887 = arith.constant 39 : i32
    %swap3A_888 = arith.index_cast %swap3A_887 : i32 to index
    %swap3A_889 = arith.constant 0 : index
    %swap3A_890 = tpu.vector_load %arg8[%swap3A_888, %swap3A_889] {strides = array<i32>} : memref<64x16xi32, #tpu.memory_space<vmem>>, vector<16xi32>,
    tpu.vector_store %arg8[%swap3A_888, %swap3A_889], %sub3A_886 {strides = array<i32>} : memref<64x16xi32, #tpu.memory_space<vmem>>, vector<16xi32>,
    %get3A_891 = arith.constant 40 : i32
    %get3A_892 = arith.index_cast %get3A_891 : i32 to index
    %get3A_893 = arith.constant 0 : index
    %get3A_894 = tpu.vector_load %arg7[%get3A_892, %get3A_893] {strides = array<i32>} : memref<64x16xi32, #tpu.memory_space<vmem>>, vector<16xi32>,
    %broadcast_in_dim3A_895 = arith.constant true
    %broadcast_in_dim3A_896 = vector.broadcast %broadcast_in_dim3A_895 : i1 to vector<16xi1>
    %masked_cumsum3A_897 = tpu.scan <sum>, %get3A_894 masked %broadcast_in_dim3A_896 : vector<16xi32>, vector<16xi1> -> vector<16xi32>
    %sub3A_898 = arith.subi %masked_cumsum3A_897, %get3A_894 : vector<16xi32>
    %swap3A_899 = arith.constant 40 : i32
    %swap3A_900 = arith.index_cast %swap3A_899 : i32 to index
    %swap3A_901 = arith.constant 0 : index
    %swap3A_902 = tpu.vector_load %arg8[%swap3A_900, %swap3A_901] {strides = array<i32>} : memref<64x16xi32, #tpu.memory_space<vmem>>, vector<16xi32>,
    tpu.vector_store %arg8[%swap3A_900, %swap3A_901], %sub3A_898 {strides = array<i32>} : memref<64x16xi32, #tpu.memory_space<vmem>>, vector<16xi32>,
    %get3A_903 = arith.constant 41 : i32
    %get3A_904 = arith.index_cast %get3A_903 : i32 to index
    %get3A_905 = arith.constant 0 : index
    %get3A_906 = tpu.vector_load %arg7[%get3A_904, %get3A_905] {strides = array<i32>} : memref<64x16xi32, #tpu.memory_space<vmem>>, vector<16xi32>,
    %broadcast_in_dim3A_907 = arith.constant true
    %broadcast_in_dim3A_908 = vector.broadcast %broadcast_in_dim3A_907 : i1 to vector<16xi1>
    %masked_cumsum3A_909 = tpu.scan <sum>, %get3A_906 masked %broadcast_in_dim3A_908 : vector<16xi32>, vector<16xi1> -> vector<16xi32>
    %sub3A_910 = arith.subi %masked_cumsum3A_909, %get3A_906 : vector<16xi32>
    %swap3A_911 = arith.constant 41 : i32
    %swap3A_912 = arith.index_cast %swap3A_911 : i32 to index
    %swap3A_913 = arith.constant 0 : index
    %swap3A_914 = tpu.vector_load %arg8[%swap3A_912, %swap3A_913] {strides = array<i32>} : memref<64x16xi32, #tpu.memory_space<vmem>>, vector<16xi32>,
    tpu.vector_store %arg8[%swap3A_912, %swap3A_913], %sub3A_910 {strides = array<i32>} : memref<64x16xi32, #tpu.memory_space<vmem>>, vector<16xi32>,
    %get3A_915 = arith.constant 42 : i32
    %get3A_916 = arith.index_cast %get3A_915 : i32 to index
    %get3A_917 = arith.constant 0 : index
    %get3A_918 = tpu.vector_load %arg7[%get3A_916, %get3A_917] {strides = array<i32>} : memref<64x16xi32, #tpu.memory_space<vmem>>, vector<16xi32>,
    %broadcast_in_dim3A_919 = arith.constant true
    %broadcast_in_dim3A_920 = vector.broadcast %broadcast_in_dim3A_919 : i1 to vector<16xi1>
    %masked_cumsum3A_921 = tpu.scan <sum>, %get3A_918 masked %broadcast_in_dim3A_920 : vector<16xi32>, vector<16xi1> -> vector<16xi32>
    %sub3A_922 = arith.subi %masked_cumsum3A_921, %get3A_918 : vector<16xi32>
    %swap3A_923 = arith.constant 42 : i32
    %swap3A_924 = arith.index_cast %swap3A_923 : i32 to index
    %swap3A_925 = arith.constant 0 : index
    %swap3A_926 = tpu.vector_load %arg8[%swap3A_924, %swap3A_925] {strides = array<i32>} : memref<64x16xi32, #tpu.memory_space<vmem>>, vector<16xi32>,
    tpu.vector_store %arg8[%swap3A_924, %swap3A_925], %sub3A_922 {strides = array<i32>} : memref<64x16xi32, #tpu.memory_space<vmem>>, vector<16xi32>,
    %get3A_927 = arith.constant 43 : i32
    %get3A_928 = arith.index_cast %get3A_927 : i32 to index
    %get3A_929 = arith.constant 0 : index
    %get3A_930 = tpu.vector_load %arg7[%get3A_928, %get3A_929] {strides = array<i32>} : memref<64x16xi32, #tpu.memory_space<vmem>>, vector<16xi32>,
    %broadcast_in_dim3A_931 = arith.constant true
    %broadcast_in_dim3A_932 = vector.broadcast %broadcast_in_dim3A_931 : i1 to vector<16xi1>
    %masked_cumsum3A_933 = tpu.scan <sum>, %get3A_930 masked %broadcast_in_dim3A_932 : vector<16xi32>, vector<16xi1> -> vector<16xi32>
    %sub3A_934 = arith.subi %masked_cumsum3A_933, %get3A_930 : vector<16xi32>
    %swap3A_935 = arith.constant 43 : i32
    %swap3A_936 = arith.index_cast %swap3A_935 : i32 to index
    %swap3A_937 = arith.constant 0 : index
    %swap3A_938 = tpu.vector_load %arg8[%swap3A_936, %swap3A_937] {strides = array<i32>} : memref<64x16xi32, #tpu.memory_space<vmem>>, vector<16xi32>,
    tpu.vector_store %arg8[%swap3A_936, %swap3A_937], %sub3A_934 {strides = array<i32>} : memref<64x16xi32, #tpu.memory_space<vmem>>, vector<16xi32>,
    %get3A_939 = arith.constant 44 : i32
    %get3A_940 = arith.index_cast %get3A_939 : i32 to index
    %get3A_941 = arith.constant 0 : index
    %get3A_942 = tpu.vector_load %arg7[%get3A_940, %get3A_941] {strides = array<i32>} : memref<64x16xi32, #tpu.memory_space<vmem>>, vector<16xi32>,
    %broadcast_in_dim3A_943 = arith.constant true
    %broadcast_in_dim3A_944 = vector.broadcast %broadcast_in_dim3A_943 : i1 to vector<16xi1>
    %masked_cumsum3A_945 = tpu.scan <sum>, %get3A_942 masked %broadcast_in_dim3A_944 : vector<16xi32>, vector<16xi1> -> vector<16xi32>
    %sub3A_946 = arith.subi %masked_cumsum3A_945, %get3A_942 : vector<16xi32>
    %swap3A_947 = arith.constant 44 : i32
    %swap3A_948 = arith.index_cast %swap3A_947 : i32 to index
    %swap3A_949 = arith.constant 0 : index
    %swap3A_950 = tpu.vector_load %arg8[%swap3A_948, %swap3A_949] {strides = array<i32>} : memref<64x16xi32, #tpu.memory_space<vmem>>, vector<16xi32>,
    tpu.vector_store %arg8[%swap3A_948, %swap3A_949], %sub3A_946 {strides = array<i32>} : memref<64x16xi32, #tpu.memory_space<vmem>>, vector<16xi32>,
    %get3A_951 = arith.constant 45 : i32
    %get3A_952 = arith.index_cast %get3A_951 : i32 to index
    %get3A_953 = arith.constant 0 : index
    %get3A_954 = tpu.vector_load %arg7[%get3A_952, %get3A_953] {strides = array<i32>} : memref<64x16xi32, #tpu.memory_space<vmem>>, vector<16xi32>,
    %broadcast_in_dim3A_955 = arith.constant true
    %broadcast_in_dim3A_956 = vector.broadcast %broadcast_in_dim3A_955 : i1 to vector<16xi1>
    %masked_cumsum3A_957 = tpu.scan <sum>, %get3A_954 masked %broadcast_in_dim3A_956 : vector<16xi32>, vector<16xi1> -> vector<16xi32>
    %sub3A_958 = arith.subi %masked_cumsum3A_957, %get3A_954 : vector<16xi32>
    %swap3A_959 = arith.constant 45 : i32
    %swap3A_960 = arith.index_cast %swap3A_959 : i32 to index
    %swap3A_961 = arith.constant 0 : index
    %swap3A_962 = tpu.vector_load %arg8[%swap3A_960, %swap3A_961] {strides = array<i32>} : memref<64x16xi32, #tpu.memory_space<vmem>>, vector<16xi32>,
    tpu.vector_store %arg8[%swap3A_960, %swap3A_961], %sub3A_958 {strides = array<i32>} : memref<64x16xi32, #tpu.memory_space<vmem>>, vector<16xi32>,
    %get3A_963 = arith.constant 46 : i32
    %get3A_964 = arith.index_cast %get3A_963 : i32 to index
    %get3A_965 = arith.constant 0 : index
    %get3A_966 = tpu.vector_load %arg7[%get3A_964, %get3A_965] {strides = array<i32>} : memref<64x16xi32, #tpu.memory_space<vmem>>, vector<16xi32>,
    %broadcast_in_dim3A_967 = arith.constant true
    %broadcast_in_dim3A_968 = vector.broadcast %broadcast_in_dim3A_967 : i1 to vector<16xi1>
    %masked_cumsum3A_969 = tpu.scan <sum>, %get3A_966 masked %broadcast_in_dim3A_968 : vector<16xi32>, vector<16xi1> -> vector<16xi32>
    %sub3A_970 = arith.subi %masked_cumsum3A_969, %get3A_966 : vector<16xi32>
    %swap3A_971 = arith.constant 46 : i32
    %swap3A_972 = arith.index_cast %swap3A_971 : i32 to index
    %swap3A_973 = arith.constant 0 : index
    %swap3A_974 = tpu.vector_load %arg8[%swap3A_972, %swap3A_973] {strides = array<i32>} : memref<64x16xi32, #tpu.memory_space<vmem>>, vector<16xi32>,
    tpu.vector_store %arg8[%swap3A_972, %swap3A_973], %sub3A_970 {strides = array<i32>} : memref<64x16xi32, #tpu.memory_space<vmem>>, vector<16xi32>,
    %get3A_975 = arith.constant 47 : i32
    %get3A_976 = arith.index_cast %get3A_975 : i32 to index
    %get3A_977 = arith.constant 0 : index
    %get3A_978 = tpu.vector_load %arg7[%get3A_976, %get3A_977] {strides = array<i32>} : memref<64x16xi32, #tpu.memory_space<vmem>>, vector<16xi32>,
    %broadcast_in_dim3A_979 = arith.constant true
    %broadcast_in_dim3A_980 = vector.broadcast %broadcast_in_dim3A_979 : i1 to vector<16xi1>
    %masked_cumsum3A_981 = tpu.scan <sum>, %get3A_978 masked %broadcast_in_dim3A_980 : vector<16xi32>, vector<16xi1> -> vector<16xi32>
    %sub3A_982 = arith.subi %masked_cumsum3A_981, %get3A_978 : vector<16xi32>
    %swap3A_983 = arith.constant 47 : i32
    %swap3A_984 = arith.index_cast %swap3A_983 : i32 to index
    %swap3A_985 = arith.constant 0 : index
    %swap3A_986 = tpu.vector_load %arg8[%swap3A_984, %swap3A_985] {strides = array<i32>} : memref<64x16xi32, #tpu.memory_space<vmem>>, vector<16xi32>,
    tpu.vector_store %arg8[%swap3A_984, %swap3A_985], %sub3A_982 {strides = array<i32>} : memref<64x16xi32, #tpu.memory_space<vmem>>, vector<16xi32>,
    %get3A_987 = arith.constant 48 : i32
    %get3A_988 = arith.index_cast %get3A_987 : i32 to index
    %get3A_989 = arith.constant 0 : index
    %get3A_990 = tpu.vector_load %arg7[%get3A_988, %get3A_989] {strides = array<i32>} : memref<64x16xi32, #tpu.memory_space<vmem>>, vector<16xi32>,
    %broadcast_in_dim3A_991 = arith.constant true
    %broadcast_in_dim3A_992 = vector.broadcast %broadcast_in_dim3A_991 : i1 to vector<16xi1>
    %masked_cumsum3A_993 = tpu.scan <sum>, %get3A_990 masked %broadcast_in_dim3A_992 : vector<16xi32>, vector<16xi1> -> vector<16xi32>
    %sub3A_994 = arith.subi %masked_cumsum3A_993, %get3A_990 : vector<16xi32>
    %swap3A_995 = arith.constant 48 : i32
    %swap3A_996 = arith.index_cast %swap3A_995 : i32 to index
    %swap3A_997 = arith.constant 0 : index
    %swap3A_998 = tpu.vector_load %arg8[%swap3A_996, %swap3A_997] {strides = array<i32>} : memref<64x16xi32, #tpu.memory_space<vmem>>, vector<16xi32>,
    tpu.vector_store %arg8[%swap3A_996, %swap3A_997], %sub3A_994 {strides = array<i32>} : memref<64x16xi32, #tpu.memory_space<vmem>>, vector<16xi32>,
    %get3A_999 = arith.constant 49 : i32
    %get3A_1000 = arith.index_cast %get3A_999 : i32 to index
    %get3A_1001 = arith.constant 0 : index
    %get3A_1002 = tpu.vector_load %arg7[%get3A_1000, %get3A_1001] {strides = array<i32>} : memref<64x16xi32, #tpu.memory_space<vmem>>, vector<16xi32>,
    %broadcast_in_dim3A_1003 = arith.constant true
    %broadcast_in_dim3A_1004 = vector.broadcast %broadcast_in_dim3A_1003 : i1 to vector<16xi1>
    %masked_cumsum3A_1005 = tpu.scan <sum>, %get3A_1002 masked %broadcast_in_dim3A_1004 : vector<16xi32>, vector<16xi1> -> vector<16xi32>
    %sub3A_1006 = arith.subi %masked_cumsum3A_1005, %get3A_1002 : vector<16xi32>
    %swap3A_1007 = arith.constant 49 : i32
    %swap3A_1008 = arith.index_cast %swap3A_1007 : i32 to index
    %swap3A_1009 = arith.constant 0 : index
    %swap3A_1010 = tpu.vector_load %arg8[%swap3A_1008, %swap3A_1009] {strides = array<i32>} : memref<64x16xi32, #tpu.memory_space<vmem>>, vector<16xi32>,
    tpu.vector_store %arg8[%swap3A_1008, %swap3A_1009], %sub3A_1006 {strides = array<i32>} : memref<64x16xi32, #tpu.memory_space<vmem>>, vector<16xi32>,
    %get3A_1011 = arith.constant 50 : i32
    %get3A_1012 = arith.index_cast %get3A_1011 : i32 to index
    %get3A_1013 = arith.constant 0 : index
    %get3A_1014 = tpu.vector_load %arg7[%get3A_1012, %get3A_1013] {strides = array<i32>} : memref<64x16xi32, #tpu.memory_space<vmem>>, vector<16xi32>,
    %broadcast_in_dim3A_1015 = arith.constant true
    %broadcast_in_dim3A_1016 = vector.broadcast %broadcast_in_dim3A_1015 : i1 to vector<16xi1>
    %masked_cumsum3A_1017 = tpu.scan <sum>, %get3A_1014 masked %broadcast_in_dim3A_1016 : vector<16xi32>, vector<16xi1> -> vector<16xi32>
    %sub3A_1018 = arith.subi %masked_cumsum3A_1017, %get3A_1014 : vector<16xi32>
    %swap3A_1019 = arith.constant 50 : i32
    %swap3A_1020 = arith.index_cast %swap3A_1019 : i32 to index
    %swap3A_1021 = arith.constant 0 : index
    %swap3A_1022 = tpu.vector_load %arg8[%swap3A_1020, %swap3A_1021] {strides = array<i32>} : memref<64x16xi32, #tpu.memory_space<vmem>>, vector<16xi32>,
    tpu.vector_store %arg8[%swap3A_1020, %swap3A_1021], %sub3A_1018 {strides = array<i32>} : memref<64x16xi32, #tpu.memory_space<vmem>>, vector<16xi32>,
    %get3A_1023 = arith.constant 51 : i32
    %get3A_1024 = arith.index_cast %get3A_1023 : i32 to index
    %get3A_1025 = arith.constant 0 : index
    %get3A_1026 = tpu.vector_load %arg7[%get3A_1024, %get3A_1025] {strides = array<i32>} : memref<64x16xi32, #tpu.memory_space<vmem>>, vector<16xi32>,
    %broadcast_in_dim3A_1027 = arith.constant true
    %broadcast_in_dim3A_1028 = vector.broadcast %broadcast_in_dim3A_1027 : i1 to vector<16xi1>
    %masked_cumsum3A_1029 = tpu.scan <sum>, %get3A_1026 masked %broadcast_in_dim3A_1028 : vector<16xi32>, vector<16xi1> -> vector<16xi32>
    %sub3A_1030 = arith.subi %masked_cumsum3A_1029, %get3A_1026 : vector<16xi32>
    %swap3A_1031 = arith.constant 51 : i32
    %swap3A_1032 = arith.index_cast %swap3A_1031 : i32 to index
    %swap3A_1033 = arith.constant 0 : index
    %swap3A_1034 = tpu.vector_load %arg8[%swap3A_1032, %swap3A_1033] {strides = array<i32>} : memref<64x16xi32, #tpu.memory_space<vmem>>, vector<16xi32>,
    tpu.vector_store %arg8[%swap3A_1032, %swap3A_1033], %sub3A_1030 {strides = array<i32>} : memref<64x16xi32, #tpu.memory_space<vmem>>, vector<16xi32>,
    %get3A_1035 = arith.constant 52 : i32
    %get3A_1036 = arith.index_cast %get3A_1035 : i32 to index
    %get3A_1037 = arith.constant 0 : index
    %get3A_1038 = tpu.vector_load %arg7[%get3A_1036, %get3A_1037] {strides = array<i32>} : memref<64x16xi32, #tpu.memory_space<vmem>>, vector<16xi32>,
    %broadcast_in_dim3A_1039 = arith.constant true
    %broadcast_in_dim3A_1040 = vector.broadcast %broadcast_in_dim3A_1039 : i1 to vector<16xi1>
    %masked_cumsum3A_1041 = tpu.scan <sum>, %get3A_1038 masked %broadcast_in_dim3A_1040 : vector<16xi32>, vector<16xi1> -> vector<16xi32>
    %sub3A_1042 = arith.subi %masked_cumsum3A_1041, %get3A_1038 : vector<16xi32>
    %swap3A_1043 = arith.constant 52 : i32
    %swap3A_1044 = arith.index_cast %swap3A_1043 : i32 to index
    %swap3A_1045 = arith.constant 0 : index
    %swap3A_1046 = tpu.vector_load %arg8[%swap3A_1044, %swap3A_1045] {strides = array<i32>} : memref<64x16xi32, #tpu.memory_space<vmem>>, vector<16xi32>,
    tpu.vector_store %arg8[%swap3A_1044, %swap3A_1045], %sub3A_1042 {strides = array<i32>} : memref<64x16xi32, #tpu.memory_space<vmem>>, vector<16xi32>,
    %get3A_1047 = arith.constant 53 : i32
    %get3A_1048 = arith.index_cast %get3A_1047 : i32 to index
    %get3A_1049 = arith.constant 0 : index
    %get3A_1050 = tpu.vector_load %arg7[%get3A_1048, %get3A_1049] {strides = array<i32>} : memref<64x16xi32, #tpu.memory_space<vmem>>, vector<16xi32>,
    %broadcast_in_dim3A_1051 = arith.constant true
    %broadcast_in_dim3A_1052 = vector.broadcast %broadcast_in_dim3A_1051 : i1 to vector<16xi1>
    %masked_cumsum3A_1053 = tpu.scan <sum>, %get3A_1050 masked %broadcast_in_dim3A_1052 : vector<16xi32>, vector<16xi1> -> vector<16xi32>
    %sub3A_1054 = arith.subi %masked_cumsum3A_1053, %get3A_1050 : vector<16xi32>
    %swap3A_1055 = arith.constant 53 : i32
    %swap3A_1056 = arith.index_cast %swap3A_1055 : i32 to index
    %swap3A_1057 = arith.constant 0 : index
    %swap3A_1058 = tpu.vector_load %arg8[%swap3A_1056, %swap3A_1057] {strides = array<i32>} : memref<64x16xi32, #tpu.memory_space<vmem>>, vector<16xi32>,
    tpu.vector_store %arg8[%swap3A_1056, %swap3A_1057], %sub3A_1054 {strides = array<i32>} : memref<64x16xi32, #tpu.memory_space<vmem>>, vector<16xi32>,
    %get3A_1059 = arith.constant 54 : i32
    %get3A_1060 = arith.index_cast %get3A_1059 : i32 to index
    %get3A_1061 = arith.constant 0 : index
    %get3A_1062 = tpu.vector_load %arg7[%get3A_1060, %get3A_1061] {strides = array<i32>} : memref<64x16xi32, #tpu.memory_space<vmem>>, vector<16xi32>,
    %broadcast_in_dim3A_1063 = arith.constant true
    %broadcast_in_dim3A_1064 = vector.broadcast %broadcast_in_dim3A_1063 : i1 to vector<16xi1>
    %masked_cumsum3A_1065 = tpu.scan <sum>, %get3A_1062 masked %broadcast_in_dim3A_1064 : vector<16xi32>, vector<16xi1> -> vector<16xi32>
    %sub3A_1066 = arith.subi %masked_cumsum3A_1065, %get3A_1062 : vector<16xi32>
    %swap3A_1067 = arith.constant 54 : i32
    %swap3A_1068 = arith.index_cast %swap3A_1067 : i32 to index
    %swap3A_1069 = arith.constant 0 : index
    %swap3A_1070 = tpu.vector_load %arg8[%swap3A_1068, %swap3A_1069] {strides = array<i32>} : memref<64x16xi32, #tpu.memory_space<vmem>>, vector<16xi32>,
    tpu.vector_store %arg8[%swap3A_1068, %swap3A_1069], %sub3A_1066 {strides = array<i32>} : memref<64x16xi32, #tpu.memory_space<vmem>>, vector<16xi32>,
    %get3A_1071 = arith.constant 55 : i32
    %get3A_1072 = arith.index_cast %get3A_1071 : i32 to index
    %get3A_1073 = arith.constant 0 : index
    %get3A_1074 = tpu.vector_load %arg7[%get3A_1072, %get3A_1073] {strides = array<i32>} : memref<64x16xi32, #tpu.memory_space<vmem>>, vector<16xi32>,
    %broadcast_in_dim3A_1075 = arith.constant true
    %broadcast_in_dim3A_1076 = vector.broadcast %broadcast_in_dim3A_1075 : i1 to vector<16xi1>
    %masked_cumsum3A_1077 = tpu.scan <sum>, %get3A_1074 masked %broadcast_in_dim3A_1076 : vector<16xi32>, vector<16xi1> -> vector<16xi32>
    %sub3A_1078 = arith.subi %masked_cumsum3A_1077, %get3A_1074 : vector<16xi32>
    %swap3A_1079 = arith.constant 55 : i32
    %swap3A_1080 = arith.index_cast %swap3A_1079 : i32 to index
    %swap3A_1081 = arith.constant 0 : index
    %swap3A_1082 = tpu.vector_load %arg8[%swap3A_1080, %swap3A_1081] {strides = array<i32>} : memref<64x16xi32, #tpu.memory_space<vmem>>, vector<16xi32>,
    tpu.vector_store %arg8[%swap3A_1080, %swap3A_1081], %sub3A_1078 {strides = array<i32>} : memref<64x16xi32, #tpu.memory_space<vmem>>, vector<16xi32>,
    %get3A_1083 = arith.constant 56 : i32
    %get3A_1084 = arith.index_cast %get3A_1083 : i32 to index
    %get3A_1085 = arith.constant 0 : index
    %get3A_1086 = tpu.vector_load %arg7[%get3A_1084, %get3A_1085] {strides = array<i32>} : memref<64x16xi32, #tpu.memory_space<vmem>>, vector<16xi32>,
    %broadcast_in_dim3A_1087 = arith.constant true
    %broadcast_in_dim3A_1088 = vector.broadcast %broadcast_in_dim3A_1087 : i1 to vector<16xi1>
    %masked_cumsum3A_1089 = tpu.scan <sum>, %get3A_1086 masked %broadcast_in_dim3A_1088 : vector<16xi32>, vector<16xi1> -> vector<16xi32>
    %sub3A_1090 = arith.subi %masked_cumsum3A_1089, %get3A_1086 : vector<16xi32>
    %swap3A_1091 = arith.constant 56 : i32
    %swap3A_1092 = arith.index_cast %swap3A_1091 : i32 to index
    %swap3A_1093 = arith.constant 0 : index
    %swap3A_1094 = tpu.vector_load %arg8[%swap3A_1092, %swap3A_1093] {strides = array<i32>} : memref<64x16xi32, #tpu.memory_space<vmem>>, vector<16xi32>,
    tpu.vector_store %arg8[%swap3A_1092, %swap3A_1093], %sub3A_1090 {strides = array<i32>} : memref<64x16xi32, #tpu.memory_space<vmem>>, vector<16xi32>,
    %get3A_1095 = arith.constant 57 : i32
    %get3A_1096 = arith.index_cast %get3A_1095 : i32 to index
    %get3A_1097 = arith.constant 0 : index
    %get3A_1098 = tpu.vector_load %arg7[%get3A_1096, %get3A_1097] {strides = array<i32>} : memref<64x16xi32, #tpu.memory_space<vmem>>, vector<16xi32>,
    %broadcast_in_dim3A_1099 = arith.constant true
    %broadcast_in_dim3A_1100 = vector.broadcast %broadcast_in_dim3A_1099 : i1 to vector<16xi1>
    %masked_cumsum3A_1101 = tpu.scan <sum>, %get3A_1098 masked %broadcast_in_dim3A_1100 : vector<16xi32>, vector<16xi1> -> vector<16xi32>
    %sub3A_1102 = arith.subi %masked_cumsum3A_1101, %get3A_1098 : vector<16xi32>
    %swap3A_1103 = arith.constant 57 : i32
    %swap3A_1104 = arith.index_cast %swap3A_1103 : i32 to index
    %swap3A_1105 = arith.constant 0 : index
    %swap3A_1106 = tpu.vector_load %arg8[%swap3A_1104, %swap3A_1105] {strides = array<i32>} : memref<64x16xi32, #tpu.memory_space<vmem>>, vector<16xi32>,
    tpu.vector_store %arg8[%swap3A_1104, %swap3A_1105], %sub3A_1102 {strides = array<i32>} : memref<64x16xi32, #tpu.memory_space<vmem>>, vector<16xi32>,
    %get3A_1107 = arith.constant 58 : i32
    %get3A_1108 = arith.index_cast %get3A_1107 : i32 to index
    %get3A_1109 = arith.constant 0 : index
    %get3A_1110 = tpu.vector_load %arg7[%get3A_1108, %get3A_1109] {strides = array<i32>} : memref<64x16xi32, #tpu.memory_space<vmem>>, vector<16xi32>,
    %broadcast_in_dim3A_1111 = arith.constant true
    %broadcast_in_dim3A_1112 = vector.broadcast %broadcast_in_dim3A_1111 : i1 to vector<16xi1>
    %masked_cumsum3A_1113 = tpu.scan <sum>, %get3A_1110 masked %broadcast_in_dim3A_1112 : vector<16xi32>, vector<16xi1> -> vector<16xi32>
    %sub3A_1114 = arith.subi %masked_cumsum3A_1113, %get3A_1110 : vector<16xi32>
    %swap3A_1115 = arith.constant 58 : i32
    %swap3A_1116 = arith.index_cast %swap3A_1115 : i32 to index
    %swap3A_1117 = arith.constant 0 : index
    %swap3A_1118 = tpu.vector_load %arg8[%swap3A_1116, %swap3A_1117] {strides = array<i32>} : memref<64x16xi32, #tpu.memory_space<vmem>>, vector<16xi32>,
    tpu.vector_store %arg8[%swap3A_1116, %swap3A_1117], %sub3A_1114 {strides = array<i32>} : memref<64x16xi32, #tpu.memory_space<vmem>>, vector<16xi32>,
    %get3A_1119 = arith.constant 59 : i32
    %get3A_1120 = arith.index_cast %get3A_1119 : i32 to index
    %get3A_1121 = arith.constant 0 : index
    %get3A_1122 = tpu.vector_load %arg7[%get3A_1120, %get3A_1121] {strides = array<i32>} : memref<64x16xi32, #tpu.memory_space<vmem>>, vector<16xi32>,
    %broadcast_in_dim3A_1123 = arith.constant true
    %broadcast_in_dim3A_1124 = vector.broadcast %broadcast_in_dim3A_1123 : i1 to vector<16xi1>
    %masked_cumsum3A_1125 = tpu.scan <sum>, %get3A_1122 masked %broadcast_in_dim3A_1124 : vector<16xi32>, vector<16xi1> -> vector<16xi32>
    %sub3A_1126 = arith.subi %masked_cumsum3A_1125, %get3A_1122 : vector<16xi32>
    %swap3A_1127 = arith.constant 59 : i32
    %swap3A_1128 = arith.index_cast %swap3A_1127 : i32 to index
    %swap3A_1129 = arith.constant 0 : index
    %swap3A_1130 = tpu.vector_load %arg8[%swap3A_1128, %swap3A_1129] {strides = array<i32>} : memref<64x16xi32, #tpu.memory_space<vmem>>, vector<16xi32>,
    tpu.vector_store %arg8[%swap3A_1128, %swap3A_1129], %sub3A_1126 {strides = array<i32>} : memref<64x16xi32, #tpu.memory_space<vmem>>, vector<16xi32>,
    %get3A_1131 = arith.constant 60 : i32
    %get3A_1132 = arith.index_cast %get3A_1131 : i32 to index
    %get3A_1133 = arith.constant 0 : index
    %get3A_1134 = tpu.vector_load %arg7[%get3A_1132, %get3A_1133] {strides = array<i32>} : memref<64x16xi32, #tpu.memory_space<vmem>>, vector<16xi32>,
    %broadcast_in_dim3A_1135 = arith.constant true
    %broadcast_in_dim3A_1136 = vector.broadcast %broadcast_in_dim3A_1135 : i1 to vector<16xi1>
    %masked_cumsum3A_1137 = tpu.scan <sum>, %get3A_1134 masked %broadcast_in_dim3A_1136 : vector<16xi32>, vector<16xi1> -> vector<16xi32>
    %sub3A_1138 = arith.subi %masked_cumsum3A_1137, %get3A_1134 : vector<16xi32>
    %swap3A_1139 = arith.constant 60 : i32
    %swap3A_1140 = arith.index_cast %swap3A_1139 : i32 to index
    %swap3A_1141 = arith.constant 0 : index
    %swap3A_1142 = tpu.vector_load %arg8[%swap3A_1140, %swap3A_1141] {strides = array<i32>} : memref<64x16xi32, #tpu.memory_space<vmem>>, vector<16xi32>,
    tpu.vector_store %arg8[%swap3A_1140, %swap3A_1141], %sub3A_1138 {strides = array<i32>} : memref<64x16xi32, #tpu.memory_space<vmem>>, vector<16xi32>,
    %get3A_1143 = arith.constant 61 : i32
    %get3A_1144 = arith.index_cast %get3A_1143 : i32 to index
    %get3A_1145 = arith.constant 0 : index
    %get3A_1146 = tpu.vector_load %arg7[%get3A_1144, %get3A_1145] {strides = array<i32>} : memref<64x16xi32, #tpu.memory_space<vmem>>, vector<16xi32>,
    %broadcast_in_dim3A_1147 = arith.constant true
    %broadcast_in_dim3A_1148 = vector.broadcast %broadcast_in_dim3A_1147 : i1 to vector<16xi1>
    %masked_cumsum3A_1149 = tpu.scan <sum>, %get3A_1146 masked %broadcast_in_dim3A_1148 : vector<16xi32>, vector<16xi1> -> vector<16xi32>
    %sub3A_1150 = arith.subi %masked_cumsum3A_1149, %get3A_1146 : vector<16xi32>
    %swap3A_1151 = arith.constant 61 : i32
    %swap3A_1152 = arith.index_cast %swap3A_1151 : i32 to index
    %swap3A_1153 = arith.constant 0 : index
    %swap3A_1154 = tpu.vector_load %arg8[%swap3A_1152, %swap3A_1153] {strides = array<i32>} : memref<64x16xi32, #tpu.memory_space<vmem>>, vector<16xi32>,
    tpu.vector_store %arg8[%swap3A_1152, %swap3A_1153], %sub3A_1150 {strides = array<i32>} : memref<64x16xi32, #tpu.memory_space<vmem>>, vector<16xi32>,
    %get3A_1155 = arith.constant 62 : i32
    %get3A_1156 = arith.index_cast %get3A_1155 : i32 to index
    %get3A_1157 = arith.constant 0 : index
    %get3A_1158 = tpu.vector_load %arg7[%get3A_1156, %get3A_1157] {strides = array<i32>} : memref<64x16xi32, #tpu.memory_space<vmem>>, vector<16xi32>,
    %broadcast_in_dim3A_1159 = arith.constant true
    %broadcast_in_dim3A_1160 = vector.broadcast %broadcast_in_dim3A_1159 : i1 to vector<16xi1>
    %masked_cumsum3A_1161 = tpu.scan <sum>, %get3A_1158 masked %broadcast_in_dim3A_1160 : vector<16xi32>, vector<16xi1> -> vector<16xi32>
    %sub3A_1162 = arith.subi %masked_cumsum3A_1161, %get3A_1158 : vector<16xi32>
    %swap3A_1163 = arith.constant 62 : i32
    %swap3A_1164 = arith.index_cast %swap3A_1163 : i32 to index
    %swap3A_1165 = arith.constant 0 : index
    %swap3A_1166 = tpu.vector_load %arg8[%swap3A_1164, %swap3A_1165] {strides = array<i32>} : memref<64x16xi32, #tpu.memory_space<vmem>>, vector<16xi32>,
    tpu.vector_store %arg8[%swap3A_1164, %swap3A_1165], %sub3A_1162 {strides = array<i32>} : memref<64x16xi32, #tpu.memory_space<vmem>>, vector<16xi32>,
    %get3A_1167 = arith.constant 63 : i32
    %get3A_1168 = arith.index_cast %get3A_1167 : i32 to index
    %get3A_1169 = arith.constant 0 : index
    %get3A_1170 = tpu.vector_load %arg7[%get3A_1168, %get3A_1169] {strides = array<i32>} : memref<64x16xi32, #tpu.memory_space<vmem>>, vector<16xi32>,
    %broadcast_in_dim3A_1171 = arith.constant true
    %broadcast_in_dim3A_1172 = vector.broadcast %broadcast_in_dim3A_1171 : i1 to vector<16xi1>
    %masked_cumsum3A_1173 = tpu.scan <sum>, %get3A_1170 masked %broadcast_in_dim3A_1172 : vector<16xi32>, vector<16xi1> -> vector<16xi32>
    %sub3A_1174 = arith.subi %masked_cumsum3A_1173, %get3A_1170 : vector<16xi32>
    %swap3A_1175 = arith.constant 63 : i32
    %swap3A_1176 = arith.index_cast %swap3A_1175 : i32 to index
    %swap3A_1177 = arith.constant 0 : index
    %swap3A_1178 = tpu.vector_load %arg8[%swap3A_1176, %swap3A_1177] {strides = array<i32>} : memref<64x16xi32, #tpu.memory_space<vmem>>, vector<16xi32>,
    tpu.vector_store %arg8[%swap3A_1176, %swap3A_1177], %sub3A_1174 {strides = array<i32>} : memref<64x16xi32, #tpu.memory_space<vmem>>, vector<16xi32>,
    %add3A = arith.constant 0 : i32
    %add3A_1179 = vector.broadcast %add3A : i32 to vector<16xi32>
    %add3A_1180 = arith.addi %iota3A, %add3A_1179 : vector<16xi32>
    %gather3A = tpu.vector_load_idx %arg8[%add3A_1180, %broadcast_in_dim3A_2] : memref<64x16xi32, #tpu.memory_space<vmem>>[vector<16xi32>, vector<16xi32>], vector<16xi32>,
    %gather3A_1181 = tpu.vector_load_idx %arg7[%add3A_1180, %broadcast_in_dim3A_2] : memref<64x16xi32, #tpu.memory_space<vmem>>[vector<16xi32>, vector<16xi32>], vector<16xi32>,
    %add3A_1182 = arith.addi %gather3A, %gather3A_1181 : vector<16xi32>
    %swap3A_1183 = arith.constant 0 : index
    %swap3A_1184 = tpu.vector_load %arg12[%swap3A_1183] {strides = array<i32>} : memref<64xi32, #tpu.memory_space<vmem>>, vector<16xi32>,
    tpu.vector_store %arg12[%swap3A_1183], %add3A_1182 {strides = array<i32>} : memref<64xi32, #tpu.memory_space<vmem>>, vector<16xi32>,
    %add3A_1185 = arith.constant 16 : i32
    %add3A_1186 = vector.broadcast %add3A_1185 : i32 to vector<16xi32>
    %add3A_1187 = arith.addi %iota3A, %add3A_1186 : vector<16xi32>
    %gather3A_1188 = tpu.vector_load_idx %arg8[%add3A_1187, %broadcast_in_dim3A_2] : memref<64x16xi32, #tpu.memory_space<vmem>>[vector<16xi32>, vector<16xi32>], vector<16xi32>,
    %gather3A_1189 = tpu.vector_load_idx %arg7[%add3A_1187, %broadcast_in_dim3A_2] : memref<64x16xi32, #tpu.memory_space<vmem>>[vector<16xi32>, vector<16xi32>], vector<16xi32>,
    %add3A_1190 = arith.addi %gather3A_1188, %gather3A_1189 : vector<16xi32>
    %swap3A_1191 = arith.constant 16 : index
    %swap3A_1192 = tpu.vector_load %arg12[%swap3A_1191] {strides = array<i32>} : memref<64xi32, #tpu.memory_space<vmem>>, vector<16xi32>,
    tpu.vector_store %arg12[%swap3A_1191], %add3A_1190 {strides = array<i32>} : memref<64xi32, #tpu.memory_space<vmem>>, vector<16xi32>,
    %add3A_1193 = arith.constant 32 : i32
    %add3A_1194 = vector.broadcast %add3A_1193 : i32 to vector<16xi32>
    %add3A_1195 = arith.addi %iota3A, %add3A_1194 : vector<16xi32>
    %gather3A_1196 = tpu.vector_load_idx %arg8[%add3A_1195, %broadcast_in_dim3A_2] : memref<64x16xi32, #tpu.memory_space<vmem>>[vector<16xi32>, vector<16xi32>], vector<16xi32>,
    %gather3A_1197 = tpu.vector_load_idx %arg7[%add3A_1195, %broadcast_in_dim3A_2] : memref<64x16xi32, #tpu.memory_space<vmem>>[vector<16xi32>, vector<16xi32>], vector<16xi32>,
    %add3A_1198 = arith.addi %gather3A_1196, %gather3A_1197 : vector<16xi32>
    %swap3A_1199 = arith.constant 32 : index
    %swap3A_1200 = tpu.vector_load %arg12[%swap3A_1199] {strides = array<i32>} : memref<64xi32, #tpu.memory_space<vmem>>, vector<16xi32>,
    tpu.vector_store %arg12[%swap3A_1199], %add3A_1198 {strides = array<i32>} : memref<64xi32, #tpu.memory_space<vmem>>, vector<16xi32>,
    %add3A_1201 = arith.constant 48 : i32
    %add3A_1202 = vector.broadcast %add3A_1201 : i32 to vector<16xi32>
    %add3A_1203 = arith.addi %iota3A, %add3A_1202 : vector<16xi32>
    %gather3A_1204 = tpu.vector_load_idx %arg8[%add3A_1203, %broadcast_in_dim3A_2] : memref<64x16xi32, #tpu.memory_space<vmem>>[vector<16xi32>, vector<16xi32>], vector<16xi32>,
    %gather3A_1205 = tpu.vector_load_idx %arg7[%add3A_1203, %broadcast_in_dim3A_2] : memref<64x16xi32, #tpu.memory_space<vmem>>[vector<16xi32>, vector<16xi32>], vector<16xi32>,
    %add3A_1206 = arith.addi %gather3A_1204, %gather3A_1205 : vector<16xi32>
    %swap3A_1207 = arith.constant 48 : index
    %swap3A_1208 = tpu.vector_load %arg12[%swap3A_1207] {strides = array<i32>} : memref<64xi32, #tpu.memory_space<vmem>>, vector<16xi32>,
    tpu.vector_store %arg12[%swap3A_1207], %add3A_1206 {strides = array<i32>} : memref<64xi32, #tpu.memory_space<vmem>>, vector<16xi32>,
    %mul3A_1209 = arith.constant 64 : i32
    %mul3A_1210 = arith.muli %arg1, %mul3A_1209 : i32
    "tpu.region"() ({
      %run_scoped3A = tpu.sem_alloc : memref<!tpu.dma_semaphore, #tpu.memory_space<semaphore_mem>>
      %dma_start3A_2425 = tpu.memref_slice %arg20[%mul3A_1210] : memref<1024xi32, #tpu.memory_space<vmem_shared>> -> memref<64xi32, #tpu.memory_space<vmem_shared>>
      %dma_start3A_2426 = tpu.memref_slice %arg20[%mul3A_1210] : memref<1024xi32, #tpu.memory_space<vmem_shared>> -> memref<64xi32, #tpu.memory_space<vmem_shared>>
      tpu.enqueue_dma source(%arg12 : memref<64xi32, #tpu.memory_space<vmem>>) target(%dma_start3A_2426 : memref<64xi32, #tpu.memory_space<vmem_shared>>) target_semaphore(%run_scoped3A : memref<!tpu.dma_semaphore, #tpu.memory_space<semaphore_mem>>)
      %dma_wait3A_2427 = tpu.memref_slice %arg20[%mul3A_1210] : memref<1024xi32, #tpu.memory_space<vmem_shared>> -> memref<64xi32, #tpu.memory_space<vmem_shared>>
      %dma_wait3A_2428 = tpu.memref_slice %arg20[%mul3A_1210] : memref<1024xi32, #tpu.memory_space<vmem_shared>> -> memref<64xi32, #tpu.memory_space<vmem_shared>>
      tpu.wait_dma2 semaphore(%run_scoped3A : memref<!tpu.dma_semaphore, #tpu.memory_space<semaphore_mem>>) src(%arg12 : memref<64xi32, #tpu.memory_space<vmem>>) dst(%dma_wait3A_2428 : memref<64xi32, #tpu.memory_space<vmem_shared>>)
      tpu.yield
    }) : () -> ()
    %dma_wait3A = arith.constant 0 : i32
    %dma_wait3A_1211 = tpu.memref_slice %arg16[%dma_wait3A] : memref<2624xi32, #tpu.memory_space<vmem>> -> memref<2560xi32, #tpu.memory_space<vmem>>
    %dma_wait3A_1212 = tpu.memref_slice %arg19[%mul3A_399] : memref<41024xi32, #tpu.memory_space<vmem_shared>> -> memref<2560xi32, #tpu.memory_space<vmem_shared>>
    %dma_wait3A_1213 = tpu.memref_slice %arg19[%mul3A_399] : memref<41024xi32, #tpu.memory_space<vmem_shared>> -> memref<2560xi32, #tpu.memory_space<vmem_shared>>
    %dma_wait3A_1214 = arith.constant 0 : i32
    %dma_wait3A_1215 = tpu.memref_slice %arg16[%dma_wait3A_1214] : memref<2624xi32, #tpu.memory_space<vmem>> -> memref<2560xi32, #tpu.memory_space<vmem>>
    tpu.wait_dma2 semaphore(%arg22 : memref<!tpu.dma_semaphore, #tpu.memory_space<semaphore_mem>>) src(%dma_wait3A_1215 : memref<2560xi32, #tpu.memory_space<vmem>>) dst(%dma_wait3A_1213 : memref<2560xi32, #tpu.memory_space<vmem_shared>>)
    %barrier3A = arith.constant 0 : index
    tpu.barrier barrier_id(%barrier3A)
    "tpu.region"() ({
      %run_scoped3A = tpu.sem_alloc : memref<!tpu.dma_semaphore, #tpu.memory_space<semaphore_mem>>
      tpu.enqueue_dma source(%arg20 : memref<1024xi32, #tpu.memory_space<vmem_shared>>) target(%arg13 : memref<1024xi32, #tpu.memory_space<vmem>>) target_semaphore(%run_scoped3A : memref<!tpu.dma_semaphore, #tpu.memory_space<semaphore_mem>>)
      tpu.wait_dma2 semaphore(%run_scoped3A : memref<!tpu.dma_semaphore, #tpu.memory_space<semaphore_mem>>) src(%arg20 : memref<1024xi32, #tpu.memory_space<vmem_shared>>) dst(%arg13 : memref<1024xi32, #tpu.memory_space<vmem>>)
      tpu.yield
    }) : () -> ()
    %broadcast_in_dim3A_1216 = arith.constant 0 : i32
    %broadcast_in_dim3A_1217 = vector.broadcast %broadcast_in_dim3A_1216 : i32 to vector<16xi32>
    %broadcast_in_dim3A_1218 = arith.constant 0 : i32
    %broadcast_in_dim3A_1219 = vector.broadcast %broadcast_in_dim3A_1218 : i32 to vector<16xi32>
    %get3A_1220 = arith.constant 0 : index
    %get3A_1221 = tpu.vector_load %arg13[%get3A_1220] {strides = array<i32>} : memref<1024xi32, #tpu.memory_space<vmem>>, vector<16xi32>,
    %add3A_1222 = arith.addi %broadcast_in_dim3A_1219, %get3A_1221 : vector<16xi32>
    %gt3A = arith.constant 0 : i32
    %gt3A_1223 = arith.cmpi sgt, %arg1, %gt3A : i32
    %broadcast_in_dim3A_1224 = vector.broadcast %gt3A_1223 : i1 to vector<16xi1>
    %broadcast_in_dim3A_1225 = arith.constant 0 : i32
    %broadcast_in_dim3A_1226 = vector.broadcast %broadcast_in_dim3A_1225 : i32 to vector<16xi32>
    %select_n3A = arith.select %broadcast_in_dim3A_1224, %get3A_1221, %broadcast_in_dim3A_1226 : vector<16xi1>, vector<16xi32>
    %add3A_1227 = arith.addi %broadcast_in_dim3A_1217, %select_n3A : vector<16xi32>
    %get3A_1228 = arith.constant 64 : index
    %get3A_1229 = tpu.vector_load %arg13[%get3A_1228] {strides = array<i32>} : memref<1024xi32, #tpu.memory_space<vmem>>, vector<16xi32>,
    %add3A_1230 = arith.addi %add3A_1222, %get3A_1229 : vector<16xi32>
    %gt3A_1231 = arith.constant 1 : i32
    %gt3A_1232 = arith.cmpi sgt, %arg1, %gt3A_1231 : i32
    %broadcast_in_dim3A_1233 = vector.broadcast %gt3A_1232 : i1 to vector<16xi1>
    %broadcast_in_dim3A_1234 = arith.constant 0 : i32
    %broadcast_in_dim3A_1235 = vector.broadcast %broadcast_in_dim3A_1234 : i32 to vector<16xi32>
    %select_n3A_1236 = arith.select %broadcast_in_dim3A_1233, %get3A_1229, %broadcast_in_dim3A_1235 : vector<16xi1>, vector<16xi32>
    %add3A_1237 = arith.addi %add3A_1227, %select_n3A_1236 : vector<16xi32>
    %get3A_1238 = arith.constant 128 : index
    %get3A_1239 = tpu.vector_load %arg13[%get3A_1238] {strides = array<i32>} : memref<1024xi32, #tpu.memory_space<vmem>>, vector<16xi32>,
    %add3A_1240 = arith.addi %add3A_1230, %get3A_1239 : vector<16xi32>
    %gt3A_1241 = arith.constant 2 : i32
    %gt3A_1242 = arith.cmpi sgt, %arg1, %gt3A_1241 : i32
    %broadcast_in_dim3A_1243 = vector.broadcast %gt3A_1242 : i1 to vector<16xi1>
    %broadcast_in_dim3A_1244 = arith.constant 0 : i32
    %broadcast_in_dim3A_1245 = vector.broadcast %broadcast_in_dim3A_1244 : i32 to vector<16xi32>
    %select_n3A_1246 = arith.select %broadcast_in_dim3A_1243, %get3A_1239, %broadcast_in_dim3A_1245 : vector<16xi1>, vector<16xi32>
    %add3A_1247 = arith.addi %add3A_1237, %select_n3A_1246 : vector<16xi32>
    %get3A_1248 = arith.constant 192 : index
    %get3A_1249 = tpu.vector_load %arg13[%get3A_1248] {strides = array<i32>} : memref<1024xi32, #tpu.memory_space<vmem>>, vector<16xi32>,
    %add3A_1250 = arith.addi %add3A_1240, %get3A_1249 : vector<16xi32>
    %gt3A_1251 = arith.constant 3 : i32
    %gt3A_1252 = arith.cmpi sgt, %arg1, %gt3A_1251 : i32
    %broadcast_in_dim3A_1253 = vector.broadcast %gt3A_1252 : i1 to vector<16xi1>
    %broadcast_in_dim3A_1254 = arith.constant 0 : i32
    %broadcast_in_dim3A_1255 = vector.broadcast %broadcast_in_dim3A_1254 : i32 to vector<16xi32>
    %select_n3A_1256 = arith.select %broadcast_in_dim3A_1253, %get3A_1249, %broadcast_in_dim3A_1255 : vector<16xi1>, vector<16xi32>
    %add3A_1257 = arith.addi %add3A_1247, %select_n3A_1256 : vector<16xi32>
    %get3A_1258 = arith.constant 256 : index
    %get3A_1259 = tpu.vector_load %arg13[%get3A_1258] {strides = array<i32>} : memref<1024xi32, #tpu.memory_space<vmem>>, vector<16xi32>,
    %add3A_1260 = arith.addi %add3A_1250, %get3A_1259 : vector<16xi32>
    %gt3A_1261 = arith.constant 4 : i32
    %gt3A_1262 = arith.cmpi sgt, %arg1, %gt3A_1261 : i32
    %broadcast_in_dim3A_1263 = vector.broadcast %gt3A_1262 : i1 to vector<16xi1>
    %broadcast_in_dim3A_1264 = arith.constant 0 : i32
    %broadcast_in_dim3A_1265 = vector.broadcast %broadcast_in_dim3A_1264 : i32 to vector<16xi32>
    %select_n3A_1266 = arith.select %broadcast_in_dim3A_1263, %get3A_1259, %broadcast_in_dim3A_1265 : vector<16xi1>, vector<16xi32>
    %add3A_1267 = arith.addi %add3A_1257, %select_n3A_1266 : vector<16xi32>
    %get3A_1268 = arith.constant 320 : index
    %get3A_1269 = tpu.vector_load %arg13[%get3A_1268] {strides = array<i32>} : memref<1024xi32, #tpu.memory_space<vmem>>, vector<16xi32>,
    %add3A_1270 = arith.addi %add3A_1260, %get3A_1269 : vector<16xi32>
    %gt3A_1271 = arith.constant 5 : i32
    %gt3A_1272 = arith.cmpi sgt, %arg1, %gt3A_1271 : i32
    %broadcast_in_dim3A_1273 = vector.broadcast %gt3A_1272 : i1 to vector<16xi1>
    %broadcast_in_dim3A_1274 = arith.constant 0 : i32
    %broadcast_in_dim3A_1275 = vector.broadcast %broadcast_in_dim3A_1274 : i32 to vector<16xi32>
    %select_n3A_1276 = arith.select %broadcast_in_dim3A_1273, %get3A_1269, %broadcast_in_dim3A_1275 : vector<16xi1>, vector<16xi32>
    %add3A_1277 = arith.addi %add3A_1267, %select_n3A_1276 : vector<16xi32>
    %get3A_1278 = arith.constant 384 : index
    %get3A_1279 = tpu.vector_load %arg13[%get3A_1278] {strides = array<i32>} : memref<1024xi32, #tpu.memory_space<vmem>>, vector<16xi32>,
    %add3A_1280 = arith.addi %add3A_1270, %get3A_1279 : vector<16xi32>
    %gt3A_1281 = arith.constant 6 : i32
    %gt3A_1282 = arith.cmpi sgt, %arg1, %gt3A_1281 : i32
    %broadcast_in_dim3A_1283 = vector.broadcast %gt3A_1282 : i1 to vector<16xi1>
    %broadcast_in_dim3A_1284 = arith.constant 0 : i32
    %broadcast_in_dim3A_1285 = vector.broadcast %broadcast_in_dim3A_1284 : i32 to vector<16xi32>
    %select_n3A_1286 = arith.select %broadcast_in_dim3A_1283, %get3A_1279, %broadcast_in_dim3A_1285 : vector<16xi1>, vector<16xi32>
    %add3A_1287 = arith.addi %add3A_1277, %select_n3A_1286 : vector<16xi32>
    %get3A_1288 = arith.constant 448 : index
    %get3A_1289 = tpu.vector_load %arg13[%get3A_1288] {strides = array<i32>} : memref<1024xi32, #tpu.memory_space<vmem>>, vector<16xi32>,
    %add3A_1290 = arith.addi %add3A_1280, %get3A_1289 : vector<16xi32>
    %gt3A_1291 = arith.constant 7 : i32
    %gt3A_1292 = arith.cmpi sgt, %arg1, %gt3A_1291 : i32
    %broadcast_in_dim3A_1293 = vector.broadcast %gt3A_1292 : i1 to vector<16xi1>
    %broadcast_in_dim3A_1294 = arith.constant 0 : i32
    %broadcast_in_dim3A_1295 = vector.broadcast %broadcast_in_dim3A_1294 : i32 to vector<16xi32>
    %select_n3A_1296 = arith.select %broadcast_in_dim3A_1293, %get3A_1289, %broadcast_in_dim3A_1295 : vector<16xi1>, vector<16xi32>
    %add3A_1297 = arith.addi %add3A_1287, %select_n3A_1296 : vector<16xi32>
    %get3A_1298 = arith.constant 512 : index
    %get3A_1299 = tpu.vector_load %arg13[%get3A_1298] {strides = array<i32>} : memref<1024xi32, #tpu.memory_space<vmem>>, vector<16xi32>,
    %add3A_1300 = arith.addi %add3A_1290, %get3A_1299 : vector<16xi32>
    %gt3A_1301 = arith.constant 8 : i32
    %gt3A_1302 = arith.cmpi sgt, %arg1, %gt3A_1301 : i32
    %broadcast_in_dim3A_1303 = vector.broadcast %gt3A_1302 : i1 to vector<16xi1>
    %broadcast_in_dim3A_1304 = arith.constant 0 : i32
    %broadcast_in_dim3A_1305 = vector.broadcast %broadcast_in_dim3A_1304 : i32 to vector<16xi32>
    %select_n3A_1306 = arith.select %broadcast_in_dim3A_1303, %get3A_1299, %broadcast_in_dim3A_1305 : vector<16xi1>, vector<16xi32>
    %add3A_1307 = arith.addi %add3A_1297, %select_n3A_1306 : vector<16xi32>
    %get3A_1308 = arith.constant 576 : index
    %get3A_1309 = tpu.vector_load %arg13[%get3A_1308] {strides = array<i32>} : memref<1024xi32, #tpu.memory_space<vmem>>, vector<16xi32>,
    %add3A_1310 = arith.addi %add3A_1300, %get3A_1309 : vector<16xi32>
    %gt3A_1311 = arith.constant 9 : i32
    %gt3A_1312 = arith.cmpi sgt, %arg1, %gt3A_1311 : i32
    %broadcast_in_dim3A_1313 = vector.broadcast %gt3A_1312 : i1 to vector<16xi1>
    %broadcast_in_dim3A_1314 = arith.constant 0 : i32
    %broadcast_in_dim3A_1315 = vector.broadcast %broadcast_in_dim3A_1314 : i32 to vector<16xi32>
    %select_n3A_1316 = arith.select %broadcast_in_dim3A_1313, %get3A_1309, %broadcast_in_dim3A_1315 : vector<16xi1>, vector<16xi32>
    %add3A_1317 = arith.addi %add3A_1307, %select_n3A_1316 : vector<16xi32>
    %get3A_1318 = arith.constant 640 : index
    %get3A_1319 = tpu.vector_load %arg13[%get3A_1318] {strides = array<i32>} : memref<1024xi32, #tpu.memory_space<vmem>>, vector<16xi32>,
    %add3A_1320 = arith.addi %add3A_1310, %get3A_1319 : vector<16xi32>
    %gt3A_1321 = arith.constant 10 : i32
    %gt3A_1322 = arith.cmpi sgt, %arg1, %gt3A_1321 : i32
    %broadcast_in_dim3A_1323 = vector.broadcast %gt3A_1322 : i1 to vector<16xi1>
    %broadcast_in_dim3A_1324 = arith.constant 0 : i32
    %broadcast_in_dim3A_1325 = vector.broadcast %broadcast_in_dim3A_1324 : i32 to vector<16xi32>
    %select_n3A_1326 = arith.select %broadcast_in_dim3A_1323, %get3A_1319, %broadcast_in_dim3A_1325 : vector<16xi1>, vector<16xi32>
    %add3A_1327 = arith.addi %add3A_1317, %select_n3A_1326 : vector<16xi32>
    %get3A_1328 = arith.constant 704 : index
    %get3A_1329 = tpu.vector_load %arg13[%get3A_1328] {strides = array<i32>} : memref<1024xi32, #tpu.memory_space<vmem>>, vector<16xi32>,
    %add3A_1330 = arith.addi %add3A_1320, %get3A_1329 : vector<16xi32>
    %gt3A_1331 = arith.constant 11 : i32
    %gt3A_1332 = arith.cmpi sgt, %arg1, %gt3A_1331 : i32
    %broadcast_in_dim3A_1333 = vector.broadcast %gt3A_1332 : i1 to vector<16xi1>
    %broadcast_in_dim3A_1334 = arith.constant 0 : i32
    %broadcast_in_dim3A_1335 = vector.broadcast %broadcast_in_dim3A_1334 : i32 to vector<16xi32>
    %select_n3A_1336 = arith.select %broadcast_in_dim3A_1333, %get3A_1329, %broadcast_in_dim3A_1335 : vector<16xi1>, vector<16xi32>
    %add3A_1337 = arith.addi %add3A_1327, %select_n3A_1336 : vector<16xi32>
    %get3A_1338 = arith.constant 768 : index
    %get3A_1339 = tpu.vector_load %arg13[%get3A_1338] {strides = array<i32>} : memref<1024xi32, #tpu.memory_space<vmem>>, vector<16xi32>,
    %add3A_1340 = arith.addi %add3A_1330, %get3A_1339 : vector<16xi32>
    %gt3A_1341 = arith.constant 12 : i32
    %gt3A_1342 = arith.cmpi sgt, %arg1, %gt3A_1341 : i32
    %broadcast_in_dim3A_1343 = vector.broadcast %gt3A_1342 : i1 to vector<16xi1>
    %broadcast_in_dim3A_1344 = arith.constant 0 : i32
    %broadcast_in_dim3A_1345 = vector.broadcast %broadcast_in_dim3A_1344 : i32 to vector<16xi32>
    %select_n3A_1346 = arith.select %broadcast_in_dim3A_1343, %get3A_1339, %broadcast_in_dim3A_1345 : vector<16xi1>, vector<16xi32>
    %add3A_1347 = arith.addi %add3A_1337, %select_n3A_1346 : vector<16xi32>
    %get3A_1348 = arith.constant 832 : index
    %get3A_1349 = tpu.vector_load %arg13[%get3A_1348] {strides = array<i32>} : memref<1024xi32, #tpu.memory_space<vmem>>, vector<16xi32>,
    %add3A_1350 = arith.addi %add3A_1340, %get3A_1349 : vector<16xi32>
    %gt3A_1351 = arith.constant 13 : i32
    %gt3A_1352 = arith.cmpi sgt, %arg1, %gt3A_1351 : i32
    %broadcast_in_dim3A_1353 = vector.broadcast %gt3A_1352 : i1 to vector<16xi1>
    %broadcast_in_dim3A_1354 = arith.constant 0 : i32
    %broadcast_in_dim3A_1355 = vector.broadcast %broadcast_in_dim3A_1354 : i32 to vector<16xi32>
    %select_n3A_1356 = arith.select %broadcast_in_dim3A_1353, %get3A_1349, %broadcast_in_dim3A_1355 : vector<16xi1>, vector<16xi32>
    %add3A_1357 = arith.addi %add3A_1347, %select_n3A_1356 : vector<16xi32>
    %get3A_1358 = arith.constant 896 : index
    %get3A_1359 = tpu.vector_load %arg13[%get3A_1358] {strides = array<i32>} : memref<1024xi32, #tpu.memory_space<vmem>>, vector<16xi32>,
    %add3A_1360 = arith.addi %add3A_1350, %get3A_1359 : vector<16xi32>
    %gt3A_1361 = arith.constant 14 : i32
    %gt3A_1362 = arith.cmpi sgt, %arg1, %gt3A_1361 : i32
    %broadcast_in_dim3A_1363 = vector.broadcast %gt3A_1362 : i1 to vector<16xi1>
    %broadcast_in_dim3A_1364 = arith.constant 0 : i32
    %broadcast_in_dim3A_1365 = vector.broadcast %broadcast_in_dim3A_1364 : i32 to vector<16xi32>
    %select_n3A_1366 = arith.select %broadcast_in_dim3A_1363, %get3A_1359, %broadcast_in_dim3A_1365 : vector<16xi1>, vector<16xi32>
    %add3A_1367 = arith.addi %add3A_1357, %select_n3A_1366 : vector<16xi32>
    %get3A_1368 = arith.constant 960 : index
    %get3A_1369 = tpu.vector_load %arg13[%get3A_1368] {strides = array<i32>} : memref<1024xi32, #tpu.memory_space<vmem>>, vector<16xi32>,
    %add3A_1370 = arith.addi %add3A_1360, %get3A_1369 : vector<16xi32>
    %gt3A_1371 = arith.constant 15 : i32
    %gt3A_1372 = arith.cmpi sgt, %arg1, %gt3A_1371 : i32
    %broadcast_in_dim3A_1373 = vector.broadcast %gt3A_1372 : i1 to vector<16xi1>
    %broadcast_in_dim3A_1374 = arith.constant 0 : i32
    %broadcast_in_dim3A_1375 = vector.broadcast %broadcast_in_dim3A_1374 : i32 to vector<16xi32>
    %select_n3A_1376 = arith.select %broadcast_in_dim3A_1373, %get3A_1369, %broadcast_in_dim3A_1375 : vector<16xi1>, vector<16xi32>
    %add3A_1377 = arith.addi %add3A_1367, %select_n3A_1376 : vector<16xi32>
    %add3A_1378 = arith.constant 127 : i32
    %add3A_1379 = vector.broadcast %add3A_1378 : i32 to vector<16xi32>
    %add3A_1380 = arith.addi %add3A_1370, %add3A_1379 : vector<16xi32>
    %jit3A = arith.constant 128 : i32
    %div3A = vector.broadcast %jit3A : i32 to vector<16xi32>
    %div3A_1381 = arith.divsi %add3A_1380, %div3A : vector<16xi32>
    %sign3A = arith.constant 0 : i32
    %sign3A_1382 = vector.broadcast %sign3A : i32 to vector<16xi32>
    %sign3A_1383 = arith.cmpi sgt, %add3A_1380, %sign3A_1382 : vector<16xi32>
    %sign3A_1384 = arith.extui %sign3A_1383 : vector<16xi1> to vector<16xi32>
    %sign3A_1385 = arith.constant 0 : i32
    %sign3A_1386 = vector.broadcast %sign3A_1385 : i32 to vector<16xi32>
    %sign3A_1387 = arith.cmpi slt, %add3A_1380, %sign3A_1386 : vector<16xi32>
    %sign3A_1388 = arith.extui %sign3A_1387 : vector<16xi1> to vector<16xi32>
    %sign3A_1389 = arith.subi %sign3A_1384, %sign3A_1388 : vector<16xi32>
    %sign3A_1390 = arith.constant 0 : i32
    %sign3A_1391 = arith.cmpi sgt, %jit3A, %sign3A_1390 : i32
    %sign3A_1392 = arith.extui %sign3A_1391 : i1 to i32
    %sign3A_1393 = arith.constant 0 : i32
    %sign3A_1394 = arith.cmpi slt, %jit3A, %sign3A_1393 : i32
    %sign3A_1395 = arith.extui %sign3A_1394 : i1 to i32
    %sign3A_1396 = arith.subi %sign3A_1392, %sign3A_1395 : i32
    %ne3A = vector.broadcast %sign3A_1396 : i32 to vector<16xi32>
    %ne3A_1397 = arith.cmpi ne, %sign3A_1389, %ne3A : vector<16xi32>
    %rem3A = vector.broadcast %jit3A : i32 to vector<16xi32>
    %rem3A_1398 = arith.remsi %add3A_1380, %rem3A : vector<16xi32>
    %ne3A_1399 = arith.constant 0 : i32
    %ne3A_1400 = vector.broadcast %ne3A_1399 : i32 to vector<16xi32>
    %ne3A_1401 = arith.cmpi ne, %rem3A_1398, %ne3A_1400 : vector<16xi32>
    %and3A = arith.andi %ne3A_1397, %ne3A_1401 : vector<16xi1>
    %sub3A_1402 = arith.constant 1 : i32
    %sub3A_1403 = vector.broadcast %sub3A_1402 : i32 to vector<16xi32>
    %sub3A_1404 = arith.subi %div3A_1381, %sub3A_1403 : vector<16xi32>
    %select_n3A_1405 = arith.select %and3A, %sub3A_1404, %div3A_1381 : vector<16xi1>, vector<16xi32>
    %mul3A_1406 = arith.constant 128 : i32
    %mul3A_1407 = vector.broadcast %mul3A_1406 : i32 to vector<16xi32>
    %mul3A_1408 = arith.muli %select_n3A_1405, %mul3A_1407 : vector<16xi32>
    %broadcast_in_dim3A_1409 = arith.constant true
    %broadcast_in_dim3A_1410 = vector.broadcast %broadcast_in_dim3A_1409 : i1 to vector<16xi1>
    %masked_cumsum3A_1411 = tpu.scan <sum>, %mul3A_1408 masked %broadcast_in_dim3A_1410 : vector<16xi32>, vector<16xi1> -> vector<16xi32>
    %sub3A_1412 = arith.subi %masked_cumsum3A_1411, %mul3A_1408 : vector<16xi32>
    %add3A_1413 = arith.constant 0 : i32
    %add3A_1414 = vector.broadcast %add3A_1413 : i32 to vector<16xi32>
    %add3A_1415 = arith.addi %sub3A_1412, %add3A_1414 : vector<16xi32>
    %add3A_1416 = arith.addi %add3A_1415, %add3A_1377 : vector<16xi32>
    %swap3A_1417 = arith.constant 0 : index
    %swap3A_1418 = tpu.vector_load %arg14[%swap3A_1417] {strides = array<i32>} : memref<64xi32, #tpu.memory_space<vmem>>, vector<16xi32>,
    tpu.vector_store %arg14[%swap3A_1417], %add3A_1416 {strides = array<i32>} : memref<64xi32, #tpu.memory_space<vmem>>, vector<16xi32>,
    %add3A_1419 = arith.addi %add3A_1415, %mul3A_1408 : vector<16xi32>
    %swap3A_1420 = arith.constant 0 : index
    %swap3A_1421 = tpu.vector_load %arg15[%swap3A_1420] {strides = array<i32>} : memref<64xi32, #tpu.memory_space<vmem>>, vector<16xi32>,
    tpu.vector_store %arg15[%swap3A_1420], %add3A_1419 {strides = array<i32>} : memref<64xi32, #tpu.memory_space<vmem>>, vector<16xi32>,
    %reduce_sum3A = arith.constant true
    %reduce_sum3A_1422 = vector.broadcast %reduce_sum3A : i1 to vector<16xi1>
    %reduce_sum3A_1423 = tpu.scan <sum>, %mul3A_1408 masked %reduce_sum3A_1422 : vector<16xi32>, vector<16xi1> -> vector<16xi32>
    %reduce_sum3A_1424 = vector.extract %reduce_sum3A_1423[15] : i32 from vector<16xi32>
    %add3A_1425 = arith.constant 0 : i32
    %add3A_1426 = arith.addi %add3A_1425, %reduce_sum3A_1424 : i32
    %broadcast_in_dim3A_1427 = arith.constant 0 : i32
    %broadcast_in_dim3A_1428 = vector.broadcast %broadcast_in_dim3A_1427 : i32 to vector<16xi32>
    %broadcast_in_dim3A_1429 = arith.constant 0 : i32
    %broadcast_in_dim3A_1430 = vector.broadcast %broadcast_in_dim3A_1429 : i32 to vector<16xi32>
    %get3A_1431 = arith.constant 16 : index
    %get3A_1432 = tpu.vector_load %arg13[%get3A_1431] {strides = array<i32>} : memref<1024xi32, #tpu.memory_space<vmem>>, vector<16xi32>,
    %add3A_1433 = arith.addi %broadcast_in_dim3A_1430, %get3A_1432 : vector<16xi32>
    %gt3A_1434 = arith.constant 0 : i32
    %gt3A_1435 = arith.cmpi sgt, %arg1, %gt3A_1434 : i32
    %broadcast_in_dim3A_1436 = vector.broadcast %gt3A_1435 : i1 to vector<16xi1>
    %broadcast_in_dim3A_1437 = arith.constant 0 : i32
    %broadcast_in_dim3A_1438 = vector.broadcast %broadcast_in_dim3A_1437 : i32 to vector<16xi32>
    %select_n3A_1439 = arith.select %broadcast_in_dim3A_1436, %get3A_1432, %broadcast_in_dim3A_1438 : vector<16xi1>, vector<16xi32>
    %add3A_1440 = arith.addi %broadcast_in_dim3A_1428, %select_n3A_1439 : vector<16xi32>
    %get3A_1441 = arith.constant 80 : index
    %get3A_1442 = tpu.vector_load %arg13[%get3A_1441] {strides = array<i32>} : memref<1024xi32, #tpu.memory_space<vmem>>, vector<16xi32>,
    %add3A_1443 = arith.addi %add3A_1433, %get3A_1442 : vector<16xi32>
    %gt3A_1444 = arith.constant 1 : i32
    %gt3A_1445 = arith.cmpi sgt, %arg1, %gt3A_1444 : i32
    %broadcast_in_dim3A_1446 = vector.broadcast %gt3A_1445 : i1 to vector<16xi1>
    %broadcast_in_dim3A_1447 = arith.constant 0 : i32
    %broadcast_in_dim3A_1448 = vector.broadcast %broadcast_in_dim3A_1447 : i32 to vector<16xi32>
    %select_n3A_1449 = arith.select %broadcast_in_dim3A_1446, %get3A_1442, %broadcast_in_dim3A_1448 : vector<16xi1>, vector<16xi32>
    %add3A_1450 = arith.addi %add3A_1440, %select_n3A_1449 : vector<16xi32>
    %get3A_1451 = arith.constant 144 : index
    %get3A_1452 = tpu.vector_load %arg13[%get3A_1451] {strides = array<i32>} : memref<1024xi32, #tpu.memory_space<vmem>>, vector<16xi32>,
    %add3A_1453 = arith.addi %add3A_1443, %get3A_1452 : vector<16xi32>
    %gt3A_1454 = arith.constant 2 : i32
    %gt3A_1455 = arith.cmpi sgt, %arg1, %gt3A_1454 : i32
    %broadcast_in_dim3A_1456 = vector.broadcast %gt3A_1455 : i1 to vector<16xi1>
    %broadcast_in_dim3A_1457 = arith.constant 0 : i32
    %broadcast_in_dim3A_1458 = vector.broadcast %broadcast_in_dim3A_1457 : i32 to vector<16xi32>
    %select_n3A_1459 = arith.select %broadcast_in_dim3A_1456, %get3A_1452, %broadcast_in_dim3A_1458 : vector<16xi1>, vector<16xi32>
    %add3A_1460 = arith.addi %add3A_1450, %select_n3A_1459 : vector<16xi32>
    %get3A_1461 = arith.constant 208 : index
    %get3A_1462 = tpu.vector_load %arg13[%get3A_1461] {strides = array<i32>} : memref<1024xi32, #tpu.memory_space<vmem>>, vector<16xi32>,
    %add3A_1463 = arith.addi %add3A_1453, %get3A_1462 : vector<16xi32>
    %gt3A_1464 = arith.constant 3 : i32
    %gt3A_1465 = arith.cmpi sgt, %arg1, %gt3A_1464 : i32
    %broadcast_in_dim3A_1466 = vector.broadcast %gt3A_1465 : i1 to vector<16xi1>
    %broadcast_in_dim3A_1467 = arith.constant 0 : i32
    %broadcast_in_dim3A_1468 = vector.broadcast %broadcast_in_dim3A_1467 : i32 to vector<16xi32>
    %select_n3A_1469 = arith.select %broadcast_in_dim3A_1466, %get3A_1462, %broadcast_in_dim3A_1468 : vector<16xi1>, vector<16xi32>
    %add3A_1470 = arith.addi %add3A_1460, %select_n3A_1469 : vector<16xi32>
    %get3A_1471 = arith.constant 272 : index
    %get3A_1472 = tpu.vector_load %arg13[%get3A_1471] {strides = array<i32>} : memref<1024xi32, #tpu.memory_space<vmem>>, vector<16xi32>,
    %add3A_1473 = arith.addi %add3A_1463, %get3A_1472 : vector<16xi32>
    %gt3A_1474 = arith.constant 4 : i32
    %gt3A_1475 = arith.cmpi sgt, %arg1, %gt3A_1474 : i32
    %broadcast_in_dim3A_1476 = vector.broadcast %gt3A_1475 : i1 to vector<16xi1>
    %broadcast_in_dim3A_1477 = arith.constant 0 : i32
    %broadcast_in_dim3A_1478 = vector.broadcast %broadcast_in_dim3A_1477 : i32 to vector<16xi32>
    %select_n3A_1479 = arith.select %broadcast_in_dim3A_1476, %get3A_1472, %broadcast_in_dim3A_1478 : vector<16xi1>, vector<16xi32>
    %add3A_1480 = arith.addi %add3A_1470, %select_n3A_1479 : vector<16xi32>
    %get3A_1481 = arith.constant 336 : index
    %get3A_1482 = tpu.vector_load %arg13[%get3A_1481] {strides = array<i32>} : memref<1024xi32, #tpu.memory_space<vmem>>, vector<16xi32>,
    %add3A_1483 = arith.addi %add3A_1473, %get3A_1482 : vector<16xi32>
    %gt3A_1484 = arith.constant 5 : i32
    %gt3A_1485 = arith.cmpi sgt, %arg1, %gt3A_1484 : i32
    %broadcast_in_dim3A_1486 = vector.broadcast %gt3A_1485 : i1 to vector<16xi1>
    %broadcast_in_dim3A_1487 = arith.constant 0 : i32
    %broadcast_in_dim3A_1488 = vector.broadcast %broadcast_in_dim3A_1487 : i32 to vector<16xi32>
    %select_n3A_1489 = arith.select %broadcast_in_dim3A_1486, %get3A_1482, %broadcast_in_dim3A_1488 : vector<16xi1>, vector<16xi32>
    %add3A_1490 = arith.addi %add3A_1480, %select_n3A_1489 : vector<16xi32>
    %get3A_1491 = arith.constant 400 : index
    %get3A_1492 = tpu.vector_load %arg13[%get3A_1491] {strides = array<i32>} : memref<1024xi32, #tpu.memory_space<vmem>>, vector<16xi32>,
    %add3A_1493 = arith.addi %add3A_1483, %get3A_1492 : vector<16xi32>
    %gt3A_1494 = arith.constant 6 : i32
    %gt3A_1495 = arith.cmpi sgt, %arg1, %gt3A_1494 : i32
    %broadcast_in_dim3A_1496 = vector.broadcast %gt3A_1495 : i1 to vector<16xi1>
    %broadcast_in_dim3A_1497 = arith.constant 0 : i32
    %broadcast_in_dim3A_1498 = vector.broadcast %broadcast_in_dim3A_1497 : i32 to vector<16xi32>
    %select_n3A_1499 = arith.select %broadcast_in_dim3A_1496, %get3A_1492, %broadcast_in_dim3A_1498 : vector<16xi1>, vector<16xi32>
    %add3A_1500 = arith.addi %add3A_1490, %select_n3A_1499 : vector<16xi32>
    %get3A_1501 = arith.constant 464 : index
    %get3A_1502 = tpu.vector_load %arg13[%get3A_1501] {strides = array<i32>} : memref<1024xi32, #tpu.memory_space<vmem>>, vector<16xi32>,
    %add3A_1503 = arith.addi %add3A_1493, %get3A_1502 : vector<16xi32>
    %gt3A_1504 = arith.constant 7 : i32
    %gt3A_1505 = arith.cmpi sgt, %arg1, %gt3A_1504 : i32
    %broadcast_in_dim3A_1506 = vector.broadcast %gt3A_1505 : i1 to vector<16xi1>
    %broadcast_in_dim3A_1507 = arith.constant 0 : i32
    %broadcast_in_dim3A_1508 = vector.broadcast %broadcast_in_dim3A_1507 : i32 to vector<16xi32>
    %select_n3A_1509 = arith.select %broadcast_in_dim3A_1506, %get3A_1502, %broadcast_in_dim3A_1508 : vector<16xi1>, vector<16xi32>
    %add3A_1510 = arith.addi %add3A_1500, %select_n3A_1509 : vector<16xi32>
    %get3A_1511 = arith.constant 528 : index
    %get3A_1512 = tpu.vector_load %arg13[%get3A_1511] {strides = array<i32>} : memref<1024xi32, #tpu.memory_space<vmem>>, vector<16xi32>,
    %add3A_1513 = arith.addi %add3A_1503, %get3A_1512 : vector<16xi32>
    %gt3A_1514 = arith.constant 8 : i32
    %gt3A_1515 = arith.cmpi sgt, %arg1, %gt3A_1514 : i32
    %broadcast_in_dim3A_1516 = vector.broadcast %gt3A_1515 : i1 to vector<16xi1>
    %broadcast_in_dim3A_1517 = arith.constant 0 : i32
    %broadcast_in_dim3A_1518 = vector.broadcast %broadcast_in_dim3A_1517 : i32 to vector<16xi32>
    %select_n3A_1519 = arith.select %broadcast_in_dim3A_1516, %get3A_1512, %broadcast_in_dim3A_1518 : vector<16xi1>, vector<16xi32>
    %add3A_1520 = arith.addi %add3A_1510, %select_n3A_1519 : vector<16xi32>
    %get3A_1521 = arith.constant 592 : index
    %get3A_1522 = tpu.vector_load %arg13[%get3A_1521] {strides = array<i32>} : memref<1024xi32, #tpu.memory_space<vmem>>, vector<16xi32>,
    %add3A_1523 = arith.addi %add3A_1513, %get3A_1522 : vector<16xi32>
    %gt3A_1524 = arith.constant 9 : i32
    %gt3A_1525 = arith.cmpi sgt, %arg1, %gt3A_1524 : i32
    %broadcast_in_dim3A_1526 = vector.broadcast %gt3A_1525 : i1 to vector<16xi1>
    %broadcast_in_dim3A_1527 = arith.constant 0 : i32
    %broadcast_in_dim3A_1528 = vector.broadcast %broadcast_in_dim3A_1527 : i32 to vector<16xi32>
    %select_n3A_1529 = arith.select %broadcast_in_dim3A_1526, %get3A_1522, %broadcast_in_dim3A_1528 : vector<16xi1>, vector<16xi32>
    %add3A_1530 = arith.addi %add3A_1520, %select_n3A_1529 : vector<16xi32>
    %get3A_1531 = arith.constant 656 : index
    %get3A_1532 = tpu.vector_load %arg13[%get3A_1531] {strides = array<i32>} : memref<1024xi32, #tpu.memory_space<vmem>>, vector<16xi32>,
    %add3A_1533 = arith.addi %add3A_1523, %get3A_1532 : vector<16xi32>
    %gt3A_1534 = arith.constant 10 : i32
    %gt3A_1535 = arith.cmpi sgt, %arg1, %gt3A_1534 : i32
    %broadcast_in_dim3A_1536 = vector.broadcast %gt3A_1535 : i1 to vector<16xi1>
    %broadcast_in_dim3A_1537 = arith.constant 0 : i32
    %broadcast_in_dim3A_1538 = vector.broadcast %broadcast_in_dim3A_1537 : i32 to vector<16xi32>
    %select_n3A_1539 = arith.select %broadcast_in_dim3A_1536, %get3A_1532, %broadcast_in_dim3A_1538 : vector<16xi1>, vector<16xi32>
    %add3A_1540 = arith.addi %add3A_1530, %select_n3A_1539 : vector<16xi32>
    %get3A_1541 = arith.constant 720 : index
    %get3A_1542 = tpu.vector_load %arg13[%get3A_1541] {strides = array<i32>} : memref<1024xi32, #tpu.memory_space<vmem>>, vector<16xi32>,
    %add3A_1543 = arith.addi %add3A_1533, %get3A_1542 : vector<16xi32>
    %gt3A_1544 = arith.constant 11 : i32
    %gt3A_1545 = arith.cmpi sgt, %arg1, %gt3A_1544 : i32
    %broadcast_in_dim3A_1546 = vector.broadcast %gt3A_1545 : i1 to vector<16xi1>
    %broadcast_in_dim3A_1547 = arith.constant 0 : i32
    %broadcast_in_dim3A_1548 = vector.broadcast %broadcast_in_dim3A_1547 : i32 to vector<16xi32>
    %select_n3A_1549 = arith.select %broadcast_in_dim3A_1546, %get3A_1542, %broadcast_in_dim3A_1548 : vector<16xi1>, vector<16xi32>
    %add3A_1550 = arith.addi %add3A_1540, %select_n3A_1549 : vector<16xi32>
    %get3A_1551 = arith.constant 784 : index
    %get3A_1552 = tpu.vector_load %arg13[%get3A_1551] {strides = array<i32>} : memref<1024xi32, #tpu.memory_space<vmem>>, vector<16xi32>,
    %add3A_1553 = arith.addi %add3A_1543, %get3A_1552 : vector<16xi32>
    %gt3A_1554 = arith.constant 12 : i32
    %gt3A_1555 = arith.cmpi sgt, %arg1, %gt3A_1554 : i32
    %broadcast_in_dim3A_1556 = vector.broadcast %gt3A_1555 : i1 to vector<16xi1>
    %broadcast_in_dim3A_1557 = arith.constant 0 : i32
    %broadcast_in_dim3A_1558 = vector.broadcast %broadcast_in_dim3A_1557 : i32 to vector<16xi32>
    %select_n3A_1559 = arith.select %broadcast_in_dim3A_1556, %get3A_1552, %broadcast_in_dim3A_1558 : vector<16xi1>, vector<16xi32>
    %add3A_1560 = arith.addi %add3A_1550, %select_n3A_1559 : vector<16xi32>
    %get3A_1561 = arith.constant 848 : index
    %get3A_1562 = tpu.vector_load %arg13[%get3A_1561] {strides = array<i32>} : memref<1024xi32, #tpu.memory_space<vmem>>, vector<16xi32>,
    %add3A_1563 = arith.addi %add3A_1553, %get3A_1562 : vector<16xi32>
    %gt3A_1564 = arith.constant 13 : i32
    %gt3A_1565 = arith.cmpi sgt, %arg1, %gt3A_1564 : i32
    %broadcast_in_dim3A_1566 = vector.broadcast %gt3A_1565 : i1 to vector<16xi1>
    %broadcast_in_dim3A_1567 = arith.constant 0 : i32
    %broadcast_in_dim3A_1568 = vector.broadcast %broadcast_in_dim3A_1567 : i32 to vector<16xi32>
    %select_n3A_1569 = arith.select %broadcast_in_dim3A_1566, %get3A_1562, %broadcast_in_dim3A_1568 : vector<16xi1>, vector<16xi32>
    %add3A_1570 = arith.addi %add3A_1560, %select_n3A_1569 : vector<16xi32>
    %get3A_1571 = arith.constant 912 : index
    %get3A_1572 = tpu.vector_load %arg13[%get3A_1571] {strides = array<i32>} : memref<1024xi32, #tpu.memory_space<vmem>>, vector<16xi32>,
    %add3A_1573 = arith.addi %add3A_1563, %get3A_1572 : vector<16xi32>
    %gt3A_1574 = arith.constant 14 : i32
    %gt3A_1575 = arith.cmpi sgt, %arg1, %gt3A_1574 : i32
    %broadcast_in_dim3A_1576 = vector.broadcast %gt3A_1575 : i1 to vector<16xi1>
    %broadcast_in_dim3A_1577 = arith.constant 0 : i32
    %broadcast_in_dim3A_1578 = vector.broadcast %broadcast_in_dim3A_1577 : i32 to vector<16xi32>
    %select_n3A_1579 = arith.select %broadcast_in_dim3A_1576, %get3A_1572, %broadcast_in_dim3A_1578 : vector<16xi1>, vector<16xi32>
    %add3A_1580 = arith.addi %add3A_1570, %select_n3A_1579 : vector<16xi32>
    %get3A_1581 = arith.constant 976 : index
    %get3A_1582 = tpu.vector_load %arg13[%get3A_1581] {strides = array<i32>} : memref<1024xi32, #tpu.memory_space<vmem>>, vector<16xi32>,
    %add3A_1583 = arith.addi %add3A_1573, %get3A_1582 : vector<16xi32>
    %gt3A_1584 = arith.constant 15 : i32
    %gt3A_1585 = arith.cmpi sgt, %arg1, %gt3A_1584 : i32
    %broadcast_in_dim3A_1586 = vector.broadcast %gt3A_1585 : i1 to vector<16xi1>
    %broadcast_in_dim3A_1587 = arith.constant 0 : i32
    %broadcast_in_dim3A_1588 = vector.broadcast %broadcast_in_dim3A_1587 : i32 to vector<16xi32>
    %select_n3A_1589 = arith.select %broadcast_in_dim3A_1586, %get3A_1582, %broadcast_in_dim3A_1588 : vector<16xi1>, vector<16xi32>
    %add3A_1590 = arith.addi %add3A_1580, %select_n3A_1589 : vector<16xi32>
    %add3A_1591 = arith.constant 127 : i32
    %add3A_1592 = vector.broadcast %add3A_1591 : i32 to vector<16xi32>
    %add3A_1593 = arith.addi %add3A_1583, %add3A_1592 : vector<16xi32>
    %jit3A_1594 = arith.constant 128 : i32
    %div3A_1595 = vector.broadcast %jit3A_1594 : i32 to vector<16xi32>
    %div3A_1596 = arith.divsi %add3A_1593, %div3A_1595 : vector<16xi32>
    %sign3A_1597 = arith.constant 0 : i32
    %sign3A_1598 = vector.broadcast %sign3A_1597 : i32 to vector<16xi32>
    %sign3A_1599 = arith.cmpi sgt, %add3A_1593, %sign3A_1598 : vector<16xi32>
    %sign3A_1600 = arith.extui %sign3A_1599 : vector<16xi1> to vector<16xi32>
    %sign3A_1601 = arith.constant 0 : i32
    %sign3A_1602 = vector.broadcast %sign3A_1601 : i32 to vector<16xi32>
    %sign3A_1603 = arith.cmpi slt, %add3A_1593, %sign3A_1602 : vector<16xi32>
    %sign3A_1604 = arith.extui %sign3A_1603 : vector<16xi1> to vector<16xi32>
    %sign3A_1605 = arith.subi %sign3A_1600, %sign3A_1604 : vector<16xi32>
    %sign3A_1606 = arith.constant 0 : i32
    %sign3A_1607 = arith.cmpi sgt, %jit3A_1594, %sign3A_1606 : i32
    %sign3A_1608 = arith.extui %sign3A_1607 : i1 to i32
    %sign3A_1609 = arith.constant 0 : i32
    %sign3A_1610 = arith.cmpi slt, %jit3A_1594, %sign3A_1609 : i32
    %sign3A_1611 = arith.extui %sign3A_1610 : i1 to i32
    %sign3A_1612 = arith.subi %sign3A_1608, %sign3A_1611 : i32
    %ne3A_1613 = vector.broadcast %sign3A_1612 : i32 to vector<16xi32>
    %ne3A_1614 = arith.cmpi ne, %sign3A_1605, %ne3A_1613 : vector<16xi32>
    %rem3A_1615 = vector.broadcast %jit3A_1594 : i32 to vector<16xi32>
    %rem3A_1616 = arith.remsi %add3A_1593, %rem3A_1615 : vector<16xi32>
    %ne3A_1617 = arith.constant 0 : i32
    %ne3A_1618 = vector.broadcast %ne3A_1617 : i32 to vector<16xi32>
    %ne3A_1619 = arith.cmpi ne, %rem3A_1616, %ne3A_1618 : vector<16xi32>
    %and3A_1620 = arith.andi %ne3A_1614, %ne3A_1619 : vector<16xi1>
    %sub3A_1621 = arith.constant 1 : i32
    %sub3A_1622 = vector.broadcast %sub3A_1621 : i32 to vector<16xi32>
    %sub3A_1623 = arith.subi %div3A_1596, %sub3A_1622 : vector<16xi32>
    %select_n3A_1624 = arith.select %and3A_1620, %sub3A_1623, %div3A_1596 : vector<16xi1>, vector<16xi32>
    %mul3A_1625 = arith.constant 128 : i32
    %mul3A_1626 = vector.broadcast %mul3A_1625 : i32 to vector<16xi32>
    %mul3A_1627 = arith.muli %select_n3A_1624, %mul3A_1626 : vector<16xi32>
    %broadcast_in_dim3A_1628 = arith.constant true
    %broadcast_in_dim3A_1629 = vector.broadcast %broadcast_in_dim3A_1628 : i1 to vector<16xi1>
    %masked_cumsum3A_1630 = tpu.scan <sum>, %mul3A_1627 masked %broadcast_in_dim3A_1629 : vector<16xi32>, vector<16xi1> -> vector<16xi32>
    %sub3A_1631 = arith.subi %masked_cumsum3A_1630, %mul3A_1627 : vector<16xi32>
    %add3A_1632 = vector.broadcast %add3A_1426 : i32 to vector<16xi32>
    %add3A_1633 = arith.addi %sub3A_1631, %add3A_1632 : vector<16xi32>
    %add3A_1634 = arith.addi %add3A_1633, %add3A_1590 : vector<16xi32>
    %swap3A_1635 = arith.constant 16 : index
    %swap3A_1636 = tpu.vector_load %arg14[%swap3A_1635] {strides = array<i32>} : memref<64xi32, #tpu.memory_space<vmem>>, vector<16xi32>,
    tpu.vector_store %arg14[%swap3A_1635], %add3A_1634 {strides = array<i32>} : memref<64xi32, #tpu.memory_space<vmem>>, vector<16xi32>,
    %add3A_1637 = arith.addi %add3A_1633, %mul3A_1627 : vector<16xi32>
    %swap3A_1638 = arith.constant 16 : index
    %swap3A_1639 = tpu.vector_load %arg15[%swap3A_1638] {strides = array<i32>} : memref<64xi32, #tpu.memory_space<vmem>>, vector<16xi32>,
    tpu.vector_store %arg15[%swap3A_1638], %add3A_1637 {strides = array<i32>} : memref<64xi32, #tpu.memory_space<vmem>>, vector<16xi32>,
    %reduce_sum3A_1640 = arith.constant true
    %reduce_sum3A_1641 = vector.broadcast %reduce_sum3A_1640 : i1 to vector<16xi1>
    %reduce_sum3A_1642 = tpu.scan <sum>, %mul3A_1627 masked %reduce_sum3A_1641 : vector<16xi32>, vector<16xi1> -> vector<16xi32>
    %reduce_sum3A_1643 = vector.extract %reduce_sum3A_1642[15] : i32 from vector<16xi32>
    %add3A_1644 = arith.addi %add3A_1426, %reduce_sum3A_1643 : i32
    %broadcast_in_dim3A_1645 = arith.constant 0 : i32
    %broadcast_in_dim3A_1646 = vector.broadcast %broadcast_in_dim3A_1645 : i32 to vector<16xi32>
    %broadcast_in_dim3A_1647 = arith.constant 0 : i32
    %broadcast_in_dim3A_1648 = vector.broadcast %broadcast_in_dim3A_1647 : i32 to vector<16xi32>
    %get3A_1649 = arith.constant 32 : index
    %get3A_1650 = tpu.vector_load %arg13[%get3A_1649] {strides = array<i32>} : memref<1024xi32, #tpu.memory_space<vmem>>, vector<16xi32>,
    %add3A_1651 = arith.addi %broadcast_in_dim3A_1648, %get3A_1650 : vector<16xi32>
    %gt3A_1652 = arith.constant 0 : i32
    %gt3A_1653 = arith.cmpi sgt, %arg1, %gt3A_1652 : i32
    %broadcast_in_dim3A_1654 = vector.broadcast %gt3A_1653 : i1 to vector<16xi1>
    %broadcast_in_dim3A_1655 = arith.constant 0 : i32
    %broadcast_in_dim3A_1656 = vector.broadcast %broadcast_in_dim3A_1655 : i32 to vector<16xi32>
    %select_n3A_1657 = arith.select %broadcast_in_dim3A_1654, %get3A_1650, %broadcast_in_dim3A_1656 : vector<16xi1>, vector<16xi32>
    %add3A_1658 = arith.addi %broadcast_in_dim3A_1646, %select_n3A_1657 : vector<16xi32>
    %get3A_1659 = arith.constant 96 : index
    %get3A_1660 = tpu.vector_load %arg13[%get3A_1659] {strides = array<i32>} : memref<1024xi32, #tpu.memory_space<vmem>>, vector<16xi32>,
    %add3A_1661 = arith.addi %add3A_1651, %get3A_1660 : vector<16xi32>
    %gt3A_1662 = arith.constant 1 : i32
    %gt3A_1663 = arith.cmpi sgt, %arg1, %gt3A_1662 : i32
    %broadcast_in_dim3A_1664 = vector.broadcast %gt3A_1663 : i1 to vector<16xi1>
    %broadcast_in_dim3A_1665 = arith.constant 0 : i32
    %broadcast_in_dim3A_1666 = vector.broadcast %broadcast_in_dim3A_1665 : i32 to vector<16xi32>
    %select_n3A_1667 = arith.select %broadcast_in_dim3A_1664, %get3A_1660, %broadcast_in_dim3A_1666 : vector<16xi1>, vector<16xi32>
    %add3A_1668 = arith.addi %add3A_1658, %select_n3A_1667 : vector<16xi32>
    %get3A_1669 = arith.constant 160 : index
    %get3A_1670 = tpu.vector_load %arg13[%get3A_1669] {strides = array<i32>} : memref<1024xi32, #tpu.memory_space<vmem>>, vector<16xi32>,
    %add3A_1671 = arith.addi %add3A_1661, %get3A_1670 : vector<16xi32>
    %gt3A_1672 = arith.constant 2 : i32
    %gt3A_1673 = arith.cmpi sgt, %arg1, %gt3A_1672 : i32
    %broadcast_in_dim3A_1674 = vector.broadcast %gt3A_1673 : i1 to vector<16xi1>
    %broadcast_in_dim3A_1675 = arith.constant 0 : i32
    %broadcast_in_dim3A_1676 = vector.broadcast %broadcast_in_dim3A_1675 : i32 to vector<16xi32>
    %select_n3A_1677 = arith.select %broadcast_in_dim3A_1674, %get3A_1670, %broadcast_in_dim3A_1676 : vector<16xi1>, vector<16xi32>
    %add3A_1678 = arith.addi %add3A_1668, %select_n3A_1677 : vector<16xi32>
    %get3A_1679 = arith.constant 224 : index
    %get3A_1680 = tpu.vector_load %arg13[%get3A_1679] {strides = array<i32>} : memref<1024xi32, #tpu.memory_space<vmem>>, vector<16xi32>,
    %add3A_1681 = arith.addi %add3A_1671, %get3A_1680 : vector<16xi32>
    %gt3A_1682 = arith.constant 3 : i32
    %gt3A_1683 = arith.cmpi sgt, %arg1, %gt3A_1682 : i32
    %broadcast_in_dim3A_1684 = vector.broadcast %gt3A_1683 : i1 to vector<16xi1>
    %broadcast_in_dim3A_1685 = arith.constant 0 : i32
    %broadcast_in_dim3A_1686 = vector.broadcast %broadcast_in_dim3A_1685 : i32 to vector<16xi32>
    %select_n3A_1687 = arith.select %broadcast_in_dim3A_1684, %get3A_1680, %broadcast_in_dim3A_1686 : vector<16xi1>, vector<16xi32>
    %add3A_1688 = arith.addi %add3A_1678, %select_n3A_1687 : vector<16xi32>
    %get3A_1689 = arith.constant 288 : index
    %get3A_1690 = tpu.vector_load %arg13[%get3A_1689] {strides = array<i32>} : memref<1024xi32, #tpu.memory_space<vmem>>, vector<16xi32>,
    %add3A_1691 = arith.addi %add3A_1681, %get3A_1690 : vector<16xi32>
    %gt3A_1692 = arith.constant 4 : i32
    %gt3A_1693 = arith.cmpi sgt, %arg1, %gt3A_1692 : i32
    %broadcast_in_dim3A_1694 = vector.broadcast %gt3A_1693 : i1 to vector<16xi1>
    %broadcast_in_dim3A_1695 = arith.constant 0 : i32
    %broadcast_in_dim3A_1696 = vector.broadcast %broadcast_in_dim3A_1695 : i32 to vector<16xi32>
    %select_n3A_1697 = arith.select %broadcast_in_dim3A_1694, %get3A_1690, %broadcast_in_dim3A_1696 : vector<16xi1>, vector<16xi32>
    %add3A_1698 = arith.addi %add3A_1688, %select_n3A_1697 : vector<16xi32>
    %get3A_1699 = arith.constant 352 : index
    %get3A_1700 = tpu.vector_load %arg13[%get3A_1699] {strides = array<i32>} : memref<1024xi32, #tpu.memory_space<vmem>>, vector<16xi32>,
    %add3A_1701 = arith.addi %add3A_1691, %get3A_1700 : vector<16xi32>
    %gt3A_1702 = arith.constant 5 : i32
    %gt3A_1703 = arith.cmpi sgt, %arg1, %gt3A_1702 : i32
    %broadcast_in_dim3A_1704 = vector.broadcast %gt3A_1703 : i1 to vector<16xi1>
    %broadcast_in_dim3A_1705 = arith.constant 0 : i32
    %broadcast_in_dim3A_1706 = vector.broadcast %broadcast_in_dim3A_1705 : i32 to vector<16xi32>
    %select_n3A_1707 = arith.select %broadcast_in_dim3A_1704, %get3A_1700, %broadcast_in_dim3A_1706 : vector<16xi1>, vector<16xi32>
    %add3A_1708 = arith.addi %add3A_1698, %select_n3A_1707 : vector<16xi32>
    %get3A_1709 = arith.constant 416 : index
    %get3A_1710 = tpu.vector_load %arg13[%get3A_1709] {strides = array<i32>} : memref<1024xi32, #tpu.memory_space<vmem>>, vector<16xi32>,
    %add3A_1711 = arith.addi %add3A_1701, %get3A_1710 : vector<16xi32>
    %gt3A_1712 = arith.constant 6 : i32
    %gt3A_1713 = arith.cmpi sgt, %arg1, %gt3A_1712 : i32
    %broadcast_in_dim3A_1714 = vector.broadcast %gt3A_1713 : i1 to vector<16xi1>
    %broadcast_in_dim3A_1715 = arith.constant 0 : i32
    %broadcast_in_dim3A_1716 = vector.broadcast %broadcast_in_dim3A_1715 : i32 to vector<16xi32>
    %select_n3A_1717 = arith.select %broadcast_in_dim3A_1714, %get3A_1710, %broadcast_in_dim3A_1716 : vector<16xi1>, vector<16xi32>
    %add3A_1718 = arith.addi %add3A_1708, %select_n3A_1717 : vector<16xi32>
    %get3A_1719 = arith.constant 480 : index
    %get3A_1720 = tpu.vector_load %arg13[%get3A_1719] {strides = array<i32>} : memref<1024xi32, #tpu.memory_space<vmem>>, vector<16xi32>,
    %add3A_1721 = arith.addi %add3A_1711, %get3A_1720 : vector<16xi32>
    %gt3A_1722 = arith.constant 7 : i32
    %gt3A_1723 = arith.cmpi sgt, %arg1, %gt3A_1722 : i32
    %broadcast_in_dim3A_1724 = vector.broadcast %gt3A_1723 : i1 to vector<16xi1>
    %broadcast_in_dim3A_1725 = arith.constant 0 : i32
    %broadcast_in_dim3A_1726 = vector.broadcast %broadcast_in_dim3A_1725 : i32 to vector<16xi32>
    %select_n3A_1727 = arith.select %broadcast_in_dim3A_1724, %get3A_1720, %broadcast_in_dim3A_1726 : vector<16xi1>, vector<16xi32>
    %add3A_1728 = arith.addi %add3A_1718, %select_n3A_1727 : vector<16xi32>
    %get3A_1729 = arith.constant 544 : index
    %get3A_1730 = tpu.vector_load %arg13[%get3A_1729] {strides = array<i32>} : memref<1024xi32, #tpu.memory_space<vmem>>, vector<16xi32>,
    %add3A_1731 = arith.addi %add3A_1721, %get3A_1730 : vector<16xi32>
    %gt3A_1732 = arith.constant 8 : i32
    %gt3A_1733 = arith.cmpi sgt, %arg1, %gt3A_1732 : i32
    %broadcast_in_dim3A_1734 = vector.broadcast %gt3A_1733 : i1 to vector<16xi1>
    %broadcast_in_dim3A_1735 = arith.constant 0 : i32
    %broadcast_in_dim3A_1736 = vector.broadcast %broadcast_in_dim3A_1735 : i32 to vector<16xi32>
    %select_n3A_1737 = arith.select %broadcast_in_dim3A_1734, %get3A_1730, %broadcast_in_dim3A_1736 : vector<16xi1>, vector<16xi32>
    %add3A_1738 = arith.addi %add3A_1728, %select_n3A_1737 : vector<16xi32>
    %get3A_1739 = arith.constant 608 : index
    %get3A_1740 = tpu.vector_load %arg13[%get3A_1739] {strides = array<i32>} : memref<1024xi32, #tpu.memory_space<vmem>>, vector<16xi32>,
    %add3A_1741 = arith.addi %add3A_1731, %get3A_1740 : vector<16xi32>
    %gt3A_1742 = arith.constant 9 : i32
    %gt3A_1743 = arith.cmpi sgt, %arg1, %gt3A_1742 : i32
    %broadcast_in_dim3A_1744 = vector.broadcast %gt3A_1743 : i1 to vector<16xi1>
    %broadcast_in_dim3A_1745 = arith.constant 0 : i32
    %broadcast_in_dim3A_1746 = vector.broadcast %broadcast_in_dim3A_1745 : i32 to vector<16xi32>
    %select_n3A_1747 = arith.select %broadcast_in_dim3A_1744, %get3A_1740, %broadcast_in_dim3A_1746 : vector<16xi1>, vector<16xi32>
    %add3A_1748 = arith.addi %add3A_1738, %select_n3A_1747 : vector<16xi32>
    %get3A_1749 = arith.constant 672 : index
    %get3A_1750 = tpu.vector_load %arg13[%get3A_1749] {strides = array<i32>} : memref<1024xi32, #tpu.memory_space<vmem>>, vector<16xi32>,
    %add3A_1751 = arith.addi %add3A_1741, %get3A_1750 : vector<16xi32>
    %gt3A_1752 = arith.constant 10 : i32
    %gt3A_1753 = arith.cmpi sgt, %arg1, %gt3A_1752 : i32
    %broadcast_in_dim3A_1754 = vector.broadcast %gt3A_1753 : i1 to vector<16xi1>
    %broadcast_in_dim3A_1755 = arith.constant 0 : i32
    %broadcast_in_dim3A_1756 = vector.broadcast %broadcast_in_dim3A_1755 : i32 to vector<16xi32>
    %select_n3A_1757 = arith.select %broadcast_in_dim3A_1754, %get3A_1750, %broadcast_in_dim3A_1756 : vector<16xi1>, vector<16xi32>
    %add3A_1758 = arith.addi %add3A_1748, %select_n3A_1757 : vector<16xi32>
    %get3A_1759 = arith.constant 736 : index
    %get3A_1760 = tpu.vector_load %arg13[%get3A_1759] {strides = array<i32>} : memref<1024xi32, #tpu.memory_space<vmem>>, vector<16xi32>,
    %add3A_1761 = arith.addi %add3A_1751, %get3A_1760 : vector<16xi32>
    %gt3A_1762 = arith.constant 11 : i32
    %gt3A_1763 = arith.cmpi sgt, %arg1, %gt3A_1762 : i32
    %broadcast_in_dim3A_1764 = vector.broadcast %gt3A_1763 : i1 to vector<16xi1>
    %broadcast_in_dim3A_1765 = arith.constant 0 : i32
    %broadcast_in_dim3A_1766 = vector.broadcast %broadcast_in_dim3A_1765 : i32 to vector<16xi32>
    %select_n3A_1767 = arith.select %broadcast_in_dim3A_1764, %get3A_1760, %broadcast_in_dim3A_1766 : vector<16xi1>, vector<16xi32>
    %add3A_1768 = arith.addi %add3A_1758, %select_n3A_1767 : vector<16xi32>
    %get3A_1769 = arith.constant 800 : index
    %get3A_1770 = tpu.vector_load %arg13[%get3A_1769] {strides = array<i32>} : memref<1024xi32, #tpu.memory_space<vmem>>, vector<16xi32>,
    %add3A_1771 = arith.addi %add3A_1761, %get3A_1770 : vector<16xi32>
    %gt3A_1772 = arith.constant 12 : i32
    %gt3A_1773 = arith.cmpi sgt, %arg1, %gt3A_1772 : i32
    %broadcast_in_dim3A_1774 = vector.broadcast %gt3A_1773 : i1 to vector<16xi1>
    %broadcast_in_dim3A_1775 = arith.constant 0 : i32
    %broadcast_in_dim3A_1776 = vector.broadcast %broadcast_in_dim3A_1775 : i32 to vector<16xi32>
    %select_n3A_1777 = arith.select %broadcast_in_dim3A_1774, %get3A_1770, %broadcast_in_dim3A_1776 : vector<16xi1>, vector<16xi32>
    %add3A_1778 = arith.addi %add3A_1768, %select_n3A_1777 : vector<16xi32>
    %get3A_1779 = arith.constant 864 : index
    %get3A_1780 = tpu.vector_load %arg13[%get3A_1779] {strides = array<i32>} : memref<1024xi32, #tpu.memory_space<vmem>>, vector<16xi32>,
    %add3A_1781 = arith.addi %add3A_1771, %get3A_1780 : vector<16xi32>
    %gt3A_1782 = arith.constant 13 : i32
    %gt3A_1783 = arith.cmpi sgt, %arg1, %gt3A_1782 : i32
    %broadcast_in_dim3A_1784 = vector.broadcast %gt3A_1783 : i1 to vector<16xi1>
    %broadcast_in_dim3A_1785 = arith.constant 0 : i32
    %broadcast_in_dim3A_1786 = vector.broadcast %broadcast_in_dim3A_1785 : i32 to vector<16xi32>
    %select_n3A_1787 = arith.select %broadcast_in_dim3A_1784, %get3A_1780, %broadcast_in_dim3A_1786 : vector<16xi1>, vector<16xi32>
    %add3A_1788 = arith.addi %add3A_1778, %select_n3A_1787 : vector<16xi32>
    %get3A_1789 = arith.constant 928 : index
    %get3A_1790 = tpu.vector_load %arg13[%get3A_1789] {strides = array<i32>} : memref<1024xi32, #tpu.memory_space<vmem>>, vector<16xi32>,
    %add3A_1791 = arith.addi %add3A_1781, %get3A_1790 : vector<16xi32>
    %gt3A_1792 = arith.constant 14 : i32
    %gt3A_1793 = arith.cmpi sgt, %arg1, %gt3A_1792 : i32
    %broadcast_in_dim3A_1794 = vector.broadcast %gt3A_1793 : i1 to vector<16xi1>
    %broadcast_in_dim3A_1795 = arith.constant 0 : i32
    %broadcast_in_dim3A_1796 = vector.broadcast %broadcast_in_dim3A_1795 : i32 to vector<16xi32>
    %select_n3A_1797 = arith.select %broadcast_in_dim3A_1794, %get3A_1790, %broadcast_in_dim3A_1796 : vector<16xi1>, vector<16xi32>
    %add3A_1798 = arith.addi %add3A_1788, %select_n3A_1797 : vector<16xi32>
    %get3A_1799 = arith.constant 992 : index
    %get3A_1800 = tpu.vector_load %arg13[%get3A_1799] {strides = array<i32>} : memref<1024xi32, #tpu.memory_space<vmem>>, vector<16xi32>,
    %add3A_1801 = arith.addi %add3A_1791, %get3A_1800 : vector<16xi32>
    %gt3A_1802 = arith.constant 15 : i32
    %gt3A_1803 = arith.cmpi sgt, %arg1, %gt3A_1802 : i32
    %broadcast_in_dim3A_1804 = vector.broadcast %gt3A_1803 : i1 to vector<16xi1>
    %broadcast_in_dim3A_1805 = arith.constant 0 : i32
    %broadcast_in_dim3A_1806 = vector.broadcast %broadcast_in_dim3A_1805 : i32 to vector<16xi32>
    %select_n3A_1807 = arith.select %broadcast_in_dim3A_1804, %get3A_1800, %broadcast_in_dim3A_1806 : vector<16xi1>, vector<16xi32>
    %add3A_1808 = arith.addi %add3A_1798, %select_n3A_1807 : vector<16xi32>
    %add3A_1809 = arith.constant 127 : i32
    %add3A_1810 = vector.broadcast %add3A_1809 : i32 to vector<16xi32>
    %add3A_1811 = arith.addi %add3A_1801, %add3A_1810 : vector<16xi32>
    %jit3A_1812 = arith.constant 128 : i32
    %div3A_1813 = vector.broadcast %jit3A_1812 : i32 to vector<16xi32>
    %div3A_1814 = arith.divsi %add3A_1811, %div3A_1813 : vector<16xi32>
    %sign3A_1815 = arith.constant 0 : i32
    %sign3A_1816 = vector.broadcast %sign3A_1815 : i32 to vector<16xi32>
    %sign3A_1817 = arith.cmpi sgt, %add3A_1811, %sign3A_1816 : vector<16xi32>
    %sign3A_1818 = arith.extui %sign3A_1817 : vector<16xi1> to vector<16xi32>
    %sign3A_1819 = arith.constant 0 : i32
    %sign3A_1820 = vector.broadcast %sign3A_1819 : i32 to vector<16xi32>
    %sign3A_1821 = arith.cmpi slt, %add3A_1811, %sign3A_1820 : vector<16xi32>
    %sign3A_1822 = arith.extui %sign3A_1821 : vector<16xi1> to vector<16xi32>
    %sign3A_1823 = arith.subi %sign3A_1818, %sign3A_1822 : vector<16xi32>
    %sign3A_1824 = arith.constant 0 : i32
    %sign3A_1825 = arith.cmpi sgt, %jit3A_1812, %sign3A_1824 : i32
    %sign3A_1826 = arith.extui %sign3A_1825 : i1 to i32
    %sign3A_1827 = arith.constant 0 : i32
    %sign3A_1828 = arith.cmpi slt, %jit3A_1812, %sign3A_1827 : i32
    %sign3A_1829 = arith.extui %sign3A_1828 : i1 to i32
    %sign3A_1830 = arith.subi %sign3A_1826, %sign3A_1829 : i32
    %ne3A_1831 = vector.broadcast %sign3A_1830 : i32 to vector<16xi32>
    %ne3A_1832 = arith.cmpi ne, %sign3A_1823, %ne3A_1831 : vector<16xi32>
    %rem3A_1833 = vector.broadcast %jit3A_1812 : i32 to vector<16xi32>
    %rem3A_1834 = arith.remsi %add3A_1811, %rem3A_1833 : vector<16xi32>
    %ne3A_1835 = arith.constant 0 : i32
    %ne3A_1836 = vector.broadcast %ne3A_1835 : i32 to vector<16xi32>
    %ne3A_1837 = arith.cmpi ne, %rem3A_1834, %ne3A_1836 : vector<16xi32>
    %and3A_1838 = arith.andi %ne3A_1832, %ne3A_1837 : vector<16xi1>
    %sub3A_1839 = arith.constant 1 : i32
    %sub3A_1840 = vector.broadcast %sub3A_1839 : i32 to vector<16xi32>
    %sub3A_1841 = arith.subi %div3A_1814, %sub3A_1840 : vector<16xi32>
    %select_n3A_1842 = arith.select %and3A_1838, %sub3A_1841, %div3A_1814 : vector<16xi1>, vector<16xi32>
    %mul3A_1843 = arith.constant 128 : i32
    %mul3A_1844 = vector.broadcast %mul3A_1843 : i32 to vector<16xi32>
    %mul3A_1845 = arith.muli %select_n3A_1842, %mul3A_1844 : vector<16xi32>
    %broadcast_in_dim3A_1846 = arith.constant true
    %broadcast_in_dim3A_1847 = vector.broadcast %broadcast_in_dim3A_1846 : i1 to vector<16xi1>
    %masked_cumsum3A_1848 = tpu.scan <sum>, %mul3A_1845 masked %broadcast_in_dim3A_1847 : vector<16xi32>, vector<16xi1> -> vector<16xi32>
    %sub3A_1849 = arith.subi %masked_cumsum3A_1848, %mul3A_1845 : vector<16xi32>
    %add3A_1850 = vector.broadcast %add3A_1644 : i32 to vector<16xi32>
    %add3A_1851 = arith.addi %sub3A_1849, %add3A_1850 : vector<16xi32>
    %add3A_1852 = arith.addi %add3A_1851, %add3A_1808 : vector<16xi32>
    %swap3A_1853 = arith.constant 32 : index
    %swap3A_1854 = tpu.vector_load %arg14[%swap3A_1853] {strides = array<i32>} : memref<64xi32, #tpu.memory_space<vmem>>, vector<16xi32>,
    tpu.vector_store %arg14[%swap3A_1853], %add3A_1852 {strides = array<i32>} : memref<64xi32, #tpu.memory_space<vmem>>, vector<16xi32>,
    %add3A_1855 = arith.addi %add3A_1851, %mul3A_1845 : vector<16xi32>
    %swap3A_1856 = arith.constant 32 : index
    %swap3A_1857 = tpu.vector_load %arg15[%swap3A_1856] {strides = array<i32>} : memref<64xi32, #tpu.memory_space<vmem>>, vector<16xi32>,
    tpu.vector_store %arg15[%swap3A_1856], %add3A_1855 {strides = array<i32>} : memref<64xi32, #tpu.memory_space<vmem>>, vector<16xi32>,
    %reduce_sum3A_1858 = arith.constant true
    %reduce_sum3A_1859 = vector.broadcast %reduce_sum3A_1858 : i1 to vector<16xi1>
    %reduce_sum3A_1860 = tpu.scan <sum>, %mul3A_1845 masked %reduce_sum3A_1859 : vector<16xi32>, vector<16xi1> -> vector<16xi32>
    %reduce_sum3A_1861 = vector.extract %reduce_sum3A_1860[15] : i32 from vector<16xi32>
    %add3A_1862 = arith.addi %add3A_1644, %reduce_sum3A_1861 : i32
    %broadcast_in_dim3A_1863 = arith.constant 0 : i32
    %broadcast_in_dim3A_1864 = vector.broadcast %broadcast_in_dim3A_1863 : i32 to vector<16xi32>
    %broadcast_in_dim3A_1865 = arith.constant 0 : i32
    %broadcast_in_dim3A_1866 = vector.broadcast %broadcast_in_dim3A_1865 : i32 to vector<16xi32>
    %get3A_1867 = arith.constant 48 : index
    %get3A_1868 = tpu.vector_load %arg13[%get3A_1867] {strides = array<i32>} : memref<1024xi32, #tpu.memory_space<vmem>>, vector<16xi32>,
    %add3A_1869 = arith.addi %broadcast_in_dim3A_1866, %get3A_1868 : vector<16xi32>
    %gt3A_1870 = arith.constant 0 : i32
    %gt3A_1871 = arith.cmpi sgt, %arg1, %gt3A_1870 : i32
    %broadcast_in_dim3A_1872 = vector.broadcast %gt3A_1871 : i1 to vector<16xi1>
    %broadcast_in_dim3A_1873 = arith.constant 0 : i32
    %broadcast_in_dim3A_1874 = vector.broadcast %broadcast_in_dim3A_1873 : i32 to vector<16xi32>
    %select_n3A_1875 = arith.select %broadcast_in_dim3A_1872, %get3A_1868, %broadcast_in_dim3A_1874 : vector<16xi1>, vector<16xi32>
    %add3A_1876 = arith.addi %broadcast_in_dim3A_1864, %select_n3A_1875 : vector<16xi32>
    %get3A_1877 = arith.constant 112 : index
    %get3A_1878 = tpu.vector_load %arg13[%get3A_1877] {strides = array<i32>} : memref<1024xi32, #tpu.memory_space<vmem>>, vector<16xi32>,
    %add3A_1879 = arith.addi %add3A_1869, %get3A_1878 : vector<16xi32>
    %gt3A_1880 = arith.constant 1 : i32
    %gt3A_1881 = arith.cmpi sgt, %arg1, %gt3A_1880 : i32
    %broadcast_in_dim3A_1882 = vector.broadcast %gt3A_1881 : i1 to vector<16xi1>
    %broadcast_in_dim3A_1883 = arith.constant 0 : i32
    %broadcast_in_dim3A_1884 = vector.broadcast %broadcast_in_dim3A_1883 : i32 to vector<16xi32>
    %select_n3A_1885 = arith.select %broadcast_in_dim3A_1882, %get3A_1878, %broadcast_in_dim3A_1884 : vector<16xi1>, vector<16xi32>
    %add3A_1886 = arith.addi %add3A_1876, %select_n3A_1885 : vector<16xi32>
    %get3A_1887 = arith.constant 176 : index
    %get3A_1888 = tpu.vector_load %arg13[%get3A_1887] {strides = array<i32>} : memref<1024xi32, #tpu.memory_space<vmem>>, vector<16xi32>,
    %add3A_1889 = arith.addi %add3A_1879, %get3A_1888 : vector<16xi32>
    %gt3A_1890 = arith.constant 2 : i32
    %gt3A_1891 = arith.cmpi sgt, %arg1, %gt3A_1890 : i32
    %broadcast_in_dim3A_1892 = vector.broadcast %gt3A_1891 : i1 to vector<16xi1>
    %broadcast_in_dim3A_1893 = arith.constant 0 : i32
    %broadcast_in_dim3A_1894 = vector.broadcast %broadcast_in_dim3A_1893 : i32 to vector<16xi32>
    %select_n3A_1895 = arith.select %broadcast_in_dim3A_1892, %get3A_1888, %broadcast_in_dim3A_1894 : vector<16xi1>, vector<16xi32>
    %add3A_1896 = arith.addi %add3A_1886, %select_n3A_1895 : vector<16xi32>
    %get3A_1897 = arith.constant 240 : index
    %get3A_1898 = tpu.vector_load %arg13[%get3A_1897] {strides = array<i32>} : memref<1024xi32, #tpu.memory_space<vmem>>, vector<16xi32>,
    %add3A_1899 = arith.addi %add3A_1889, %get3A_1898 : vector<16xi32>
    %gt3A_1900 = arith.constant 3 : i32
    %gt3A_1901 = arith.cmpi sgt, %arg1, %gt3A_1900 : i32
    %broadcast_in_dim3A_1902 = vector.broadcast %gt3A_1901 : i1 to vector<16xi1>
    %broadcast_in_dim3A_1903 = arith.constant 0 : i32
    %broadcast_in_dim3A_1904 = vector.broadcast %broadcast_in_dim3A_1903 : i32 to vector<16xi32>
    %select_n3A_1905 = arith.select %broadcast_in_dim3A_1902, %get3A_1898, %broadcast_in_dim3A_1904 : vector<16xi1>, vector<16xi32>
    %add3A_1906 = arith.addi %add3A_1896, %select_n3A_1905 : vector<16xi32>
    %get3A_1907 = arith.constant 304 : index
    %get3A_1908 = tpu.vector_load %arg13[%get3A_1907] {strides = array<i32>} : memref<1024xi32, #tpu.memory_space<vmem>>, vector<16xi32>,
    %add3A_1909 = arith.addi %add3A_1899, %get3A_1908 : vector<16xi32>
    %gt3A_1910 = arith.constant 4 : i32
    %gt3A_1911 = arith.cmpi sgt, %arg1, %gt3A_1910 : i32
    %broadcast_in_dim3A_1912 = vector.broadcast %gt3A_1911 : i1 to vector<16xi1>
    %broadcast_in_dim3A_1913 = arith.constant 0 : i32
    %broadcast_in_dim3A_1914 = vector.broadcast %broadcast_in_dim3A_1913 : i32 to vector<16xi32>
    %select_n3A_1915 = arith.select %broadcast_in_dim3A_1912, %get3A_1908, %broadcast_in_dim3A_1914 : vector<16xi1>, vector<16xi32>
    %add3A_1916 = arith.addi %add3A_1906, %select_n3A_1915 : vector<16xi32>
    %get3A_1917 = arith.constant 368 : index
    %get3A_1918 = tpu.vector_load %arg13[%get3A_1917] {strides = array<i32>} : memref<1024xi32, #tpu.memory_space<vmem>>, vector<16xi32>,
    %add3A_1919 = arith.addi %add3A_1909, %get3A_1918 : vector<16xi32>
    %gt3A_1920 = arith.constant 5 : i32
    %gt3A_1921 = arith.cmpi sgt, %arg1, %gt3A_1920 : i32
    %broadcast_in_dim3A_1922 = vector.broadcast %gt3A_1921 : i1 to vector<16xi1>
    %broadcast_in_dim3A_1923 = arith.constant 0 : i32
    %broadcast_in_dim3A_1924 = vector.broadcast %broadcast_in_dim3A_1923 : i32 to vector<16xi32>
    %select_n3A_1925 = arith.select %broadcast_in_dim3A_1922, %get3A_1918, %broadcast_in_dim3A_1924 : vector<16xi1>, vector<16xi32>
    %add3A_1926 = arith.addi %add3A_1916, %select_n3A_1925 : vector<16xi32>
    %get3A_1927 = arith.constant 432 : index
    %get3A_1928 = tpu.vector_load %arg13[%get3A_1927] {strides = array<i32>} : memref<1024xi32, #tpu.memory_space<vmem>>, vector<16xi32>,
    %add3A_1929 = arith.addi %add3A_1919, %get3A_1928 : vector<16xi32>
    %gt3A_1930 = arith.constant 6 : i32
    %gt3A_1931 = arith.cmpi sgt, %arg1, %gt3A_1930 : i32
    %broadcast_in_dim3A_1932 = vector.broadcast %gt3A_1931 : i1 to vector<16xi1>
    %broadcast_in_dim3A_1933 = arith.constant 0 : i32
    %broadcast_in_dim3A_1934 = vector.broadcast %broadcast_in_dim3A_1933 : i32 to vector<16xi32>
    %select_n3A_1935 = arith.select %broadcast_in_dim3A_1932, %get3A_1928, %broadcast_in_dim3A_1934 : vector<16xi1>, vector<16xi32>
    %add3A_1936 = arith.addi %add3A_1926, %select_n3A_1935 : vector<16xi32>
    %get3A_1937 = arith.constant 496 : index
    %get3A_1938 = tpu.vector_load %arg13[%get3A_1937] {strides = array<i32>} : memref<1024xi32, #tpu.memory_space<vmem>>, vector<16xi32>,
    %add3A_1939 = arith.addi %add3A_1929, %get3A_1938 : vector<16xi32>
    %gt3A_1940 = arith.constant 7 : i32
    %gt3A_1941 = arith.cmpi sgt, %arg1, %gt3A_1940 : i32
    %broadcast_in_dim3A_1942 = vector.broadcast %gt3A_1941 : i1 to vector<16xi1>
    %broadcast_in_dim3A_1943 = arith.constant 0 : i32
    %broadcast_in_dim3A_1944 = vector.broadcast %broadcast_in_dim3A_1943 : i32 to vector<16xi32>
    %select_n3A_1945 = arith.select %broadcast_in_dim3A_1942, %get3A_1938, %broadcast_in_dim3A_1944 : vector<16xi1>, vector<16xi32>
    %add3A_1946 = arith.addi %add3A_1936, %select_n3A_1945 : vector<16xi32>
    %get3A_1947 = arith.constant 560 : index
    %get3A_1948 = tpu.vector_load %arg13[%get3A_1947] {strides = array<i32>} : memref<1024xi32, #tpu.memory_space<vmem>>, vector<16xi32>,
    %add3A_1949 = arith.addi %add3A_1939, %get3A_1948 : vector<16xi32>
    %gt3A_1950 = arith.constant 8 : i32
    %gt3A_1951 = arith.cmpi sgt, %arg1, %gt3A_1950 : i32
    %broadcast_in_dim3A_1952 = vector.broadcast %gt3A_1951 : i1 to vector<16xi1>
    %broadcast_in_dim3A_1953 = arith.constant 0 : i32
    %broadcast_in_dim3A_1954 = vector.broadcast %broadcast_in_dim3A_1953 : i32 to vector<16xi32>
    %select_n3A_1955 = arith.select %broadcast_in_dim3A_1952, %get3A_1948, %broadcast_in_dim3A_1954 : vector<16xi1>, vector<16xi32>
    %add3A_1956 = arith.addi %add3A_1946, %select_n3A_1955 : vector<16xi32>
    %get3A_1957 = arith.constant 624 : index
    %get3A_1958 = tpu.vector_load %arg13[%get3A_1957] {strides = array<i32>} : memref<1024xi32, #tpu.memory_space<vmem>>, vector<16xi32>,
    %add3A_1959 = arith.addi %add3A_1949, %get3A_1958 : vector<16xi32>
    %gt3A_1960 = arith.constant 9 : i32
    %gt3A_1961 = arith.cmpi sgt, %arg1, %gt3A_1960 : i32
    %broadcast_in_dim3A_1962 = vector.broadcast %gt3A_1961 : i1 to vector<16xi1>
    %broadcast_in_dim3A_1963 = arith.constant 0 : i32
    %broadcast_in_dim3A_1964 = vector.broadcast %broadcast_in_dim3A_1963 : i32 to vector<16xi32>
    %select_n3A_1965 = arith.select %broadcast_in_dim3A_1962, %get3A_1958, %broadcast_in_dim3A_1964 : vector<16xi1>, vector<16xi32>
    %add3A_1966 = arith.addi %add3A_1956, %select_n3A_1965 : vector<16xi32>
    %get3A_1967 = arith.constant 688 : index
    %get3A_1968 = tpu.vector_load %arg13[%get3A_1967] {strides = array<i32>} : memref<1024xi32, #tpu.memory_space<vmem>>, vector<16xi32>,
    %add3A_1969 = arith.addi %add3A_1959, %get3A_1968 : vector<16xi32>
    %gt3A_1970 = arith.constant 10 : i32
    %gt3A_1971 = arith.cmpi sgt, %arg1, %gt3A_1970 : i32
    %broadcast_in_dim3A_1972 = vector.broadcast %gt3A_1971 : i1 to vector<16xi1>
    %broadcast_in_dim3A_1973 = arith.constant 0 : i32
    %broadcast_in_dim3A_1974 = vector.broadcast %broadcast_in_dim3A_1973 : i32 to vector<16xi32>
    %select_n3A_1975 = arith.select %broadcast_in_dim3A_1972, %get3A_1968, %broadcast_in_dim3A_1974 : vector<16xi1>, vector<16xi32>
    %add3A_1976 = arith.addi %add3A_1966, %select_n3A_1975 : vector<16xi32>
    %get3A_1977 = arith.constant 752 : index
    %get3A_1978 = tpu.vector_load %arg13[%get3A_1977] {strides = array<i32>} : memref<1024xi32, #tpu.memory_space<vmem>>, vector<16xi32>,
    %add3A_1979 = arith.addi %add3A_1969, %get3A_1978 : vector<16xi32>
    %gt3A_1980 = arith.constant 11 : i32
    %gt3A_1981 = arith.cmpi sgt, %arg1, %gt3A_1980 : i32
    %broadcast_in_dim3A_1982 = vector.broadcast %gt3A_1981 : i1 to vector<16xi1>
    %broadcast_in_dim3A_1983 = arith.constant 0 : i32
    %broadcast_in_dim3A_1984 = vector.broadcast %broadcast_in_dim3A_1983 : i32 to vector<16xi32>
    %select_n3A_1985 = arith.select %broadcast_in_dim3A_1982, %get3A_1978, %broadcast_in_dim3A_1984 : vector<16xi1>, vector<16xi32>
    %add3A_1986 = arith.addi %add3A_1976, %select_n3A_1985 : vector<16xi32>
    %get3A_1987 = arith.constant 816 : index
    %get3A_1988 = tpu.vector_load %arg13[%get3A_1987] {strides = array<i32>} : memref<1024xi32, #tpu.memory_space<vmem>>, vector<16xi32>,
    %add3A_1989 = arith.addi %add3A_1979, %get3A_1988 : vector<16xi32>
    %gt3A_1990 = arith.constant 12 : i32
    %gt3A_1991 = arith.cmpi sgt, %arg1, %gt3A_1990 : i32
    %broadcast_in_dim3A_1992 = vector.broadcast %gt3A_1991 : i1 to vector<16xi1>
    %broadcast_in_dim3A_1993 = arith.constant 0 : i32
    %broadcast_in_dim3A_1994 = vector.broadcast %broadcast_in_dim3A_1993 : i32 to vector<16xi32>
    %select_n3A_1995 = arith.select %broadcast_in_dim3A_1992, %get3A_1988, %broadcast_in_dim3A_1994 : vector<16xi1>, vector<16xi32>
    %add3A_1996 = arith.addi %add3A_1986, %select_n3A_1995 : vector<16xi32>
    %get3A_1997 = arith.constant 880 : index
    %get3A_1998 = tpu.vector_load %arg13[%get3A_1997] {strides = array<i32>} : memref<1024xi32, #tpu.memory_space<vmem>>, vector<16xi32>,
    %add3A_1999 = arith.addi %add3A_1989, %get3A_1998 : vector<16xi32>
    %gt3A_2000 = arith.constant 13 : i32
    %gt3A_2001 = arith.cmpi sgt, %arg1, %gt3A_2000 : i32
    %broadcast_in_dim3A_2002 = vector.broadcast %gt3A_2001 : i1 to vector<16xi1>
    %broadcast_in_dim3A_2003 = arith.constant 0 : i32
    %broadcast_in_dim3A_2004 = vector.broadcast %broadcast_in_dim3A_2003 : i32 to vector<16xi32>
    %select_n3A_2005 = arith.select %broadcast_in_dim3A_2002, %get3A_1998, %broadcast_in_dim3A_2004 : vector<16xi1>, vector<16xi32>
    %add3A_2006 = arith.addi %add3A_1996, %select_n3A_2005 : vector<16xi32>
    %get3A_2007 = arith.constant 944 : index
    %get3A_2008 = tpu.vector_load %arg13[%get3A_2007] {strides = array<i32>} : memref<1024xi32, #tpu.memory_space<vmem>>, vector<16xi32>,
    %add3A_2009 = arith.addi %add3A_1999, %get3A_2008 : vector<16xi32>
    %gt3A_2010 = arith.constant 14 : i32
    %gt3A_2011 = arith.cmpi sgt, %arg1, %gt3A_2010 : i32
    %broadcast_in_dim3A_2012 = vector.broadcast %gt3A_2011 : i1 to vector<16xi1>
    %broadcast_in_dim3A_2013 = arith.constant 0 : i32
    %broadcast_in_dim3A_2014 = vector.broadcast %broadcast_in_dim3A_2013 : i32 to vector<16xi32>
    %select_n3A_2015 = arith.select %broadcast_in_dim3A_2012, %get3A_2008, %broadcast_in_dim3A_2014 : vector<16xi1>, vector<16xi32>
    %add3A_2016 = arith.addi %add3A_2006, %select_n3A_2015 : vector<16xi32>
    %get3A_2017 = arith.constant 1008 : index
    %get3A_2018 = tpu.vector_load %arg13[%get3A_2017] {strides = array<i32>} : memref<1024xi32, #tpu.memory_space<vmem>>, vector<16xi32>,
    %add3A_2019 = arith.addi %add3A_2009, %get3A_2018 : vector<16xi32>
    %gt3A_2020 = arith.constant 15 : i32
    %gt3A_2021 = arith.cmpi sgt, %arg1, %gt3A_2020 : i32
    %broadcast_in_dim3A_2022 = vector.broadcast %gt3A_2021 : i1 to vector<16xi1>
    %broadcast_in_dim3A_2023 = arith.constant 0 : i32
    %broadcast_in_dim3A_2024 = vector.broadcast %broadcast_in_dim3A_2023 : i32 to vector<16xi32>
    %select_n3A_2025 = arith.select %broadcast_in_dim3A_2022, %get3A_2018, %broadcast_in_dim3A_2024 : vector<16xi1>, vector<16xi32>
    %add3A_2026 = arith.addi %add3A_2016, %select_n3A_2025 : vector<16xi32>
    %add3A_2027 = arith.constant 127 : i32
    %add3A_2028 = vector.broadcast %add3A_2027 : i32 to vector<16xi32>
    %add3A_2029 = arith.addi %add3A_2019, %add3A_2028 : vector<16xi32>
    %jit3A_2030 = arith.constant 128 : i32
    %div3A_2031 = vector.broadcast %jit3A_2030 : i32 to vector<16xi32>
    %div3A_2032 = arith.divsi %add3A_2029, %div3A_2031 : vector<16xi32>
    %sign3A_2033 = arith.constant 0 : i32
    %sign3A_2034 = vector.broadcast %sign3A_2033 : i32 to vector<16xi32>
    %sign3A_2035 = arith.cmpi sgt, %add3A_2029, %sign3A_2034 : vector<16xi32>
    %sign3A_2036 = arith.extui %sign3A_2035 : vector<16xi1> to vector<16xi32>
    %sign3A_2037 = arith.constant 0 : i32
    %sign3A_2038 = vector.broadcast %sign3A_2037 : i32 to vector<16xi32>
    %sign3A_2039 = arith.cmpi slt, %add3A_2029, %sign3A_2038 : vector<16xi32>
    %sign3A_2040 = arith.extui %sign3A_2039 : vector<16xi1> to vector<16xi32>
    %sign3A_2041 = arith.subi %sign3A_2036, %sign3A_2040 : vector<16xi32>
    %sign3A_2042 = arith.constant 0 : i32
    %sign3A_2043 = arith.cmpi sgt, %jit3A_2030, %sign3A_2042 : i32
    %sign3A_2044 = arith.extui %sign3A_2043 : i1 to i32
    %sign3A_2045 = arith.constant 0 : i32
    %sign3A_2046 = arith.cmpi slt, %jit3A_2030, %sign3A_2045 : i32
    %sign3A_2047 = arith.extui %sign3A_2046 : i1 to i32
    %sign3A_2048 = arith.subi %sign3A_2044, %sign3A_2047 : i32
    %ne3A_2049 = vector.broadcast %sign3A_2048 : i32 to vector<16xi32>
    %ne3A_2050 = arith.cmpi ne, %sign3A_2041, %ne3A_2049 : vector<16xi32>
    %rem3A_2051 = vector.broadcast %jit3A_2030 : i32 to vector<16xi32>
    %rem3A_2052 = arith.remsi %add3A_2029, %rem3A_2051 : vector<16xi32>
    %ne3A_2053 = arith.constant 0 : i32
    %ne3A_2054 = vector.broadcast %ne3A_2053 : i32 to vector<16xi32>
    %ne3A_2055 = arith.cmpi ne, %rem3A_2052, %ne3A_2054 : vector<16xi32>
    %and3A_2056 = arith.andi %ne3A_2050, %ne3A_2055 : vector<16xi1>
    %sub3A_2057 = arith.constant 1 : i32
    %sub3A_2058 = vector.broadcast %sub3A_2057 : i32 to vector<16xi32>
    %sub3A_2059 = arith.subi %div3A_2032, %sub3A_2058 : vector<16xi32>
    %select_n3A_2060 = arith.select %and3A_2056, %sub3A_2059, %div3A_2032 : vector<16xi1>, vector<16xi32>
    %mul3A_2061 = arith.constant 128 : i32
    %mul3A_2062 = vector.broadcast %mul3A_2061 : i32 to vector<16xi32>
    %mul3A_2063 = arith.muli %select_n3A_2060, %mul3A_2062 : vector<16xi32>
    %broadcast_in_dim3A_2064 = arith.constant true
    %broadcast_in_dim3A_2065 = vector.broadcast %broadcast_in_dim3A_2064 : i1 to vector<16xi1>
    %masked_cumsum3A_2066 = tpu.scan <sum>, %mul3A_2063 masked %broadcast_in_dim3A_2065 : vector<16xi32>, vector<16xi1> -> vector<16xi32>
    %sub3A_2067 = arith.subi %masked_cumsum3A_2066, %mul3A_2063 : vector<16xi32>
    %add3A_2068 = vector.broadcast %add3A_1862 : i32 to vector<16xi32>
    %add3A_2069 = arith.addi %sub3A_2067, %add3A_2068 : vector<16xi32>
    %add3A_2070 = arith.addi %add3A_2069, %add3A_2026 : vector<16xi32>
    %swap3A_2071 = arith.constant 48 : index
    %swap3A_2072 = tpu.vector_load %arg14[%swap3A_2071] {strides = array<i32>} : memref<64xi32, #tpu.memory_space<vmem>>, vector<16xi32>,
    tpu.vector_store %arg14[%swap3A_2071], %add3A_2070 {strides = array<i32>} : memref<64xi32, #tpu.memory_space<vmem>>, vector<16xi32>,
    %add3A_2073 = arith.addi %add3A_2069, %mul3A_2063 : vector<16xi32>
    %swap3A_2074 = arith.constant 48 : index
    %swap3A_2075 = tpu.vector_load %arg15[%swap3A_2074] {strides = array<i32>} : memref<64xi32, #tpu.memory_space<vmem>>, vector<16xi32>,
    tpu.vector_store %arg15[%swap3A_2074], %add3A_2073 {strides = array<i32>} : memref<64xi32, #tpu.memory_space<vmem>>, vector<16xi32>,
    %reduce_sum3A_2076 = arith.constant true
    %reduce_sum3A_2077 = vector.broadcast %reduce_sum3A_2076 : i1 to vector<16xi1>
    %reduce_sum3A_2078 = tpu.scan <sum>, %mul3A_2063 masked %reduce_sum3A_2077 : vector<16xi32>, vector<16xi1> -> vector<16xi32>
    %reduce_sum3A_2079 = vector.extract %reduce_sum3A_2078[15] : i32 from vector<16xi32>
    %add3A_2080 = arith.addi %add3A_1862, %reduce_sum3A_2079 : i32
    %mul3A_2081 = arith.constant 2048 : i32
    %mul3A_2082 = arith.muli %arg1, %mul3A_2081 : i32
    %parallel_loop3A = arith.constant 0 : i32
    %parallel_loop3A_2083 = arith.constant 128 : i32
    %parallel_loop3A_2084 = arith.constant 1 : i32
    scf.for %parallel_loop3A_2425 = %parallel_loop3A to %parallel_loop3A_2083 step %parallel_loop3A_2084  : i32 {
      %parallel_loop3A_2426 = vector.broadcast %parallel_loop3A_2425 : i32 to vector<16xi32>
      %parallel_loop3A_2427 = arith.addi %mul3A_4, %parallel_loop3A_2426 : vector<16xi32>
      %parallel_loop3A_2428 = tpu.vector_load_idx %arg6[%parallel_loop3A_2427] : memref<2048xi32, #tpu.memory_space<vmem>>[vector<16xi32>], vector<16xi32>,
      %parallel_loop3A_2429 = arith.constant 8 : i32
      %parallel_loop3A_2430 = arith.divsi %parallel_loop3A_2425, %parallel_loop3A_2429 : i32
      %parallel_loop3A_2431 = arith.constant 0 : i32
      %parallel_loop3A_2432 = arith.cmpi sgt, %parallel_loop3A_2425, %parallel_loop3A_2431 : i32
      %parallel_loop3A_2433 = arith.extui %parallel_loop3A_2432 : i1 to i32
      %parallel_loop3A_2434 = arith.constant 0 : i32
      %parallel_loop3A_2435 = arith.cmpi slt, %parallel_loop3A_2425, %parallel_loop3A_2434 : i32
      %parallel_loop3A_2436 = arith.extui %parallel_loop3A_2435 : i1 to i32
      %parallel_loop3A_2437 = arith.subi %parallel_loop3A_2433, %parallel_loop3A_2436 : i32
      %parallel_loop3A_2438 = arith.constant 0 : i32
      %parallel_loop3A_2439 = arith.cmpi sgt, %parallel_loop3A_2429, %parallel_loop3A_2438 : i32
      %parallel_loop3A_2440 = arith.extui %parallel_loop3A_2439 : i1 to i32
      %parallel_loop3A_2441 = arith.constant 0 : i32
      %parallel_loop3A_2442 = arith.cmpi slt, %parallel_loop3A_2429, %parallel_loop3A_2441 : i32
      %parallel_loop3A_2443 = arith.extui %parallel_loop3A_2442 : i1 to i32
      %parallel_loop3A_2444 = arith.subi %parallel_loop3A_2440, %parallel_loop3A_2443 : i32
      %parallel_loop3A_2445 = arith.cmpi ne, %parallel_loop3A_2437, %parallel_loop3A_2444 : i32
      %parallel_loop3A_2446 = arith.remsi %parallel_loop3A_2425, %parallel_loop3A_2429 : i32
      %parallel_loop3A_2447 = arith.constant 0 : i32
      %parallel_loop3A_2448 = arith.cmpi ne, %parallel_loop3A_2446, %parallel_loop3A_2447 : i32
      %parallel_loop3A_2449 = arith.andi %parallel_loop3A_2445, %parallel_loop3A_2448 : i1
      %parallel_loop3A_2450 = arith.constant 1 : i32
      %parallel_loop3A_2451 = arith.subi %parallel_loop3A_2430, %parallel_loop3A_2450 : i32
      %parallel_loop3A_2452 = arith.select %parallel_loop3A_2449, %parallel_loop3A_2451, %parallel_loop3A_2430 : i32
      %parallel_loop3A_2453 = arith.constant 8 : i32
      %parallel_loop3A_2454 = arith.constant 0 : i32
      %parallel_loop3A_2455 = arith.cmpi eq, %parallel_loop3A_2453, %parallel_loop3A_2454 : i32
      %parallel_loop3A_2456 = arith.constant 1 : i32
      %parallel_loop3A_2457 = arith.select %parallel_loop3A_2455, %parallel_loop3A_2456, %parallel_loop3A_2453 : i32
      %parallel_loop3A_2458 = arith.remsi %parallel_loop3A_2425, %parallel_loop3A_2457 : i32
      %parallel_loop3A_2459 = arith.constant 0 : i32
      %parallel_loop3A_2460 = arith.cmpi ne, %parallel_loop3A_2458, %parallel_loop3A_2459 : i32
      %parallel_loop3A_2461 = arith.constant 0 : i32
      %parallel_loop3A_2462 = arith.cmpi slt, %parallel_loop3A_2458, %parallel_loop3A_2461 : i32
      %parallel_loop3A_2463 = arith.constant 0 : i32
      %parallel_loop3A_2464 = arith.cmpi slt, %parallel_loop3A_2457, %parallel_loop3A_2463 : i32
      %parallel_loop3A_2465 = arith.xori %parallel_loop3A_2462, %parallel_loop3A_2464 : i1
      %parallel_loop3A_2466 = arith.andi %parallel_loop3A_2465, %parallel_loop3A_2460 : i1
      %parallel_loop3A_2467 = arith.addi %parallel_loop3A_2458, %parallel_loop3A_2457 : i32
      %parallel_loop3A_2468 = arith.select %parallel_loop3A_2466, %parallel_loop3A_2467, %parallel_loop3A_2458 : i32
      %parallel_loop3A_2469 = arith.constant 16 : i32
      %parallel_loop3A_2470 = arith.muli %parallel_loop3A_2468, %parallel_loop3A_2469 : i32
      %parallel_loop3A_2471 = arith.index_cast %parallel_loop3A_2452 : i32 to index
      %parallel_loop3A_2472 = arith.index_cast %parallel_loop3A_2470 : i32 to index
      %parallel_loop3A_2473 = tpu.vector_load %arg9[%parallel_loop3A_2471, %parallel_loop3A_2472] {strides = array<i32>} : memref<16x128xi32, #tpu.memory_space<vmem>>, vector<16xi32>,
      %parallel_loop3A_2474 = tpu.vector_load_idx %arg8[%parallel_loop3A_2428, %iota3A] : memref<64x16xi32, #tpu.memory_space<vmem>>[vector<16xi32>, vector<16xi32>], vector<16xi32>,
      %parallel_loop3A_2475 = tpu.vector_load_idx %arg14[%parallel_loop3A_2428] : memref<64xi32, #tpu.memory_space<vmem>>[vector<16xi32>], vector<16xi32>,
      %parallel_loop3A_2476 = arith.addi %parallel_loop3A_2474, %parallel_loop3A_2475 : vector<16xi32>
      %parallel_loop3A_2477 = arith.addi %parallel_loop3A_2476, %parallel_loop3A_2473 : vector<16xi32>
      %parallel_loop3A_2478 = arith.constant 0 : i32
      %parallel_loop3A_2479 = arith.constant 41022 : i32
      %parallel_loop3A_2480 = vector.broadcast %parallel_loop3A_2478 : i32 to vector<16xi32>
      %parallel_loop3A_2481 = arith.maxsi %parallel_loop3A_2480, %parallel_loop3A_2477 : vector<16xi32>
      %parallel_loop3A_2482 = vector.broadcast %parallel_loop3A_2479 : i32 to vector<16xi32>
      %parallel_loop3A_2483 = arith.minsi %parallel_loop3A_2482, %parallel_loop3A_2481 : vector<16xi32>
      %parallel_loop3A_2484 = vector.broadcast %mul3A_2082 : i32 to vector<16xi32>
      %parallel_loop3A_2485 = arith.addi %parallel_loop3A_2484, %mul3A_4 : vector<16xi32>
      %parallel_loop3A_2486 = vector.broadcast %parallel_loop3A_2425 : i32 to vector<16xi32>
      %parallel_loop3A_2487 = arith.addi %parallel_loop3A_2485, %parallel_loop3A_2486 : vector<16xi32>
      %parallel_loop3A_2488 = arith.constant 8 : i32
      %parallel_loop3A_2489 = arith.divsi %parallel_loop3A_2425, %parallel_loop3A_2488 : i32
      %parallel_loop3A_2490 = arith.constant 0 : i32
      %parallel_loop3A_2491 = arith.cmpi sgt, %parallel_loop3A_2425, %parallel_loop3A_2490 : i32
      %parallel_loop3A_2492 = arith.extui %parallel_loop3A_2491 : i1 to i32
      %parallel_loop3A_2493 = arith.constant 0 : i32
      %parallel_loop3A_2494 = arith.cmpi slt, %parallel_loop3A_2425, %parallel_loop3A_2493 : i32
      %parallel_loop3A_2495 = arith.extui %parallel_loop3A_2494 : i1 to i32
      %parallel_loop3A_2496 = arith.subi %parallel_loop3A_2492, %parallel_loop3A_2495 : i32
      %parallel_loop3A_2497 = arith.constant 0 : i32
      %parallel_loop3A_2498 = arith.cmpi sgt, %parallel_loop3A_2488, %parallel_loop3A_2497 : i32
      %parallel_loop3A_2499 = arith.extui %parallel_loop3A_2498 : i1 to i32
      %parallel_loop3A_2500 = arith.constant 0 : i32
      %parallel_loop3A_2501 = arith.cmpi slt, %parallel_loop3A_2488, %parallel_loop3A_2500 : i32
      %parallel_loop3A_2502 = arith.extui %parallel_loop3A_2501 : i1 to i32
      %parallel_loop3A_2503 = arith.subi %parallel_loop3A_2499, %parallel_loop3A_2502 : i32
      %parallel_loop3A_2504 = arith.cmpi ne, %parallel_loop3A_2496, %parallel_loop3A_2503 : i32
      %parallel_loop3A_2505 = arith.remsi %parallel_loop3A_2425, %parallel_loop3A_2488 : i32
      %parallel_loop3A_2506 = arith.constant 0 : i32
      %parallel_loop3A_2507 = arith.cmpi ne, %parallel_loop3A_2505, %parallel_loop3A_2506 : i32
      %parallel_loop3A_2508 = arith.andi %parallel_loop3A_2504, %parallel_loop3A_2507 : i1
      %parallel_loop3A_2509 = arith.constant 1 : i32
      %parallel_loop3A_2510 = arith.subi %parallel_loop3A_2489, %parallel_loop3A_2509 : i32
      %parallel_loop3A_2511 = arith.select %parallel_loop3A_2508, %parallel_loop3A_2510, %parallel_loop3A_2489 : i32
      %parallel_loop3A_2512 = arith.constant 8 : i32
      %parallel_loop3A_2513 = arith.constant 0 : i32
      %parallel_loop3A_2514 = arith.cmpi eq, %parallel_loop3A_2512, %parallel_loop3A_2513 : i32
      %parallel_loop3A_2515 = arith.constant 1 : i32
      %parallel_loop3A_2516 = arith.select %parallel_loop3A_2514, %parallel_loop3A_2515, %parallel_loop3A_2512 : i32
      %parallel_loop3A_2517 = arith.remsi %parallel_loop3A_2425, %parallel_loop3A_2516 : i32
      %parallel_loop3A_2518 = arith.constant 0 : i32
      %parallel_loop3A_2519 = arith.cmpi ne, %parallel_loop3A_2517, %parallel_loop3A_2518 : i32
      %parallel_loop3A_2520 = arith.constant 0 : i32
      %parallel_loop3A_2521 = arith.cmpi slt, %parallel_loop3A_2517, %parallel_loop3A_2520 : i32
      %parallel_loop3A_2522 = arith.constant 0 : i32
      %parallel_loop3A_2523 = arith.cmpi slt, %parallel_loop3A_2516, %parallel_loop3A_2522 : i32
      %parallel_loop3A_2524 = arith.xori %parallel_loop3A_2521, %parallel_loop3A_2523 : i1
      %parallel_loop3A_2525 = arith.andi %parallel_loop3A_2524, %parallel_loop3A_2519 : i1
      %parallel_loop3A_2526 = arith.addi %parallel_loop3A_2517, %parallel_loop3A_2516 : i32
      %parallel_loop3A_2527 = arith.select %parallel_loop3A_2525, %parallel_loop3A_2526, %parallel_loop3A_2517 : i32
      %parallel_loop3A_2528 = arith.constant 16 : i32
      %parallel_loop3A_2529 = arith.muli %parallel_loop3A_2527, %parallel_loop3A_2528 : i32
      %parallel_loop3A_2530 = arith.index_cast %parallel_loop3A_2511 : i32 to index
      %parallel_loop3A_2531 = arith.index_cast %parallel_loop3A_2529 : i32 to index
      %parallel_loop3A_2532 = tpu.vector_load %arg10[%parallel_loop3A_2530, %parallel_loop3A_2531] {strides = array<i32>} : memref<16x128xi32, #tpu.memory_space<vmem>>, vector<16xi32>,
      tpu.vector_store %arg10[%parallel_loop3A_2530, %parallel_loop3A_2531], %parallel_loop3A_2483 {strides = array<i32>} : memref<16x128xi32, #tpu.memory_space<vmem>>, vector<16xi32>,
      %parallel_loop3A_2533 = arith.constant 8 : i32
      %parallel_loop3A_2534 = arith.divsi %parallel_loop3A_2425, %parallel_loop3A_2533 : i32
      %parallel_loop3A_2535 = arith.constant 0 : i32
      %parallel_loop3A_2536 = arith.cmpi sgt, %parallel_loop3A_2425, %parallel_loop3A_2535 : i32
      %parallel_loop3A_2537 = arith.extui %parallel_loop3A_2536 : i1 to i32
      %parallel_loop3A_2538 = arith.constant 0 : i32
      %parallel_loop3A_2539 = arith.cmpi slt, %parallel_loop3A_2425, %parallel_loop3A_2538 : i32
      %parallel_loop3A_2540 = arith.extui %parallel_loop3A_2539 : i1 to i32
      %parallel_loop3A_2541 = arith.subi %parallel_loop3A_2537, %parallel_loop3A_2540 : i32
      %parallel_loop3A_2542 = arith.constant 0 : i32
      %parallel_loop3A_2543 = arith.cmpi sgt, %parallel_loop3A_2533, %parallel_loop3A_2542 : i32
      %parallel_loop3A_2544 = arith.extui %parallel_loop3A_2543 : i1 to i32
      %parallel_loop3A_2545 = arith.constant 0 : i32
      %parallel_loop3A_2546 = arith.cmpi slt, %parallel_loop3A_2533, %parallel_loop3A_2545 : i32
      %parallel_loop3A_2547 = arith.extui %parallel_loop3A_2546 : i1 to i32
      %parallel_loop3A_2548 = arith.subi %parallel_loop3A_2544, %parallel_loop3A_2547 : i32
      %parallel_loop3A_2549 = arith.cmpi ne, %parallel_loop3A_2541, %parallel_loop3A_2548 : i32
      %parallel_loop3A_2550 = arith.remsi %parallel_loop3A_2425, %parallel_loop3A_2533 : i32
      %parallel_loop3A_2551 = arith.constant 0 : i32
      %parallel_loop3A_2552 = arith.cmpi ne, %parallel_loop3A_2550, %parallel_loop3A_2551 : i32
      %parallel_loop3A_2553 = arith.andi %parallel_loop3A_2549, %parallel_loop3A_2552 : i1
      %parallel_loop3A_2554 = arith.constant 1 : i32
      %parallel_loop3A_2555 = arith.subi %parallel_loop3A_2534, %parallel_loop3A_2554 : i32
      %parallel_loop3A_2556 = arith.select %parallel_loop3A_2553, %parallel_loop3A_2555, %parallel_loop3A_2534 : i32
      %parallel_loop3A_2557 = arith.constant 8 : i32
      %parallel_loop3A_2558 = arith.constant 0 : i32
      %parallel_loop3A_2559 = arith.cmpi eq, %parallel_loop3A_2557, %parallel_loop3A_2558 : i32
      %parallel_loop3A_2560 = arith.constant 1 : i32
      %parallel_loop3A_2561 = arith.select %parallel_loop3A_2559, %parallel_loop3A_2560, %parallel_loop3A_2557 : i32
      %parallel_loop3A_2562 = arith.remsi %parallel_loop3A_2425, %parallel_loop3A_2561 : i32
      %parallel_loop3A_2563 = arith.constant 0 : i32
      %parallel_loop3A_2564 = arith.cmpi ne, %parallel_loop3A_2562, %parallel_loop3A_2563 : i32
      %parallel_loop3A_2565 = arith.constant 0 : i32
      %parallel_loop3A_2566 = arith.cmpi slt, %parallel_loop3A_2562, %parallel_loop3A_2565 : i32
      %parallel_loop3A_2567 = arith.constant 0 : i32
      %parallel_loop3A_2568 = arith.cmpi slt, %parallel_loop3A_2561, %parallel_loop3A_2567 : i32
      %parallel_loop3A_2569 = arith.xori %parallel_loop3A_2566, %parallel_loop3A_2568 : i1
      %parallel_loop3A_2570 = arith.andi %parallel_loop3A_2569, %parallel_loop3A_2564 : i1
      %parallel_loop3A_2571 = arith.addi %parallel_loop3A_2562, %parallel_loop3A_2561 : i32
      %parallel_loop3A_2572 = arith.select %parallel_loop3A_2570, %parallel_loop3A_2571, %parallel_loop3A_2562 : i32
      %parallel_loop3A_2573 = arith.constant 16 : i32
      %parallel_loop3A_2574 = arith.muli %parallel_loop3A_2572, %parallel_loop3A_2573 : i32
      %parallel_loop3A_2575 = arith.index_cast %parallel_loop3A_2556 : i32 to index
      %parallel_loop3A_2576 = arith.index_cast %parallel_loop3A_2574 : i32 to index
      %parallel_loop3A_2577 = tpu.vector_load %arg11[%parallel_loop3A_2575, %parallel_loop3A_2576] {strides = array<i32>} : memref<16x128xi32, #tpu.memory_space<vmem>>, vector<16xi32>,
      tpu.vector_store %arg11[%parallel_loop3A_2575, %parallel_loop3A_2576], %parallel_loop3A_2487 {strides = array<i32>} : memref<16x128xi32, #tpu.memory_space<vmem>>, vector<16xi32>,
    } {sc.loop_unroll_factor = 4 : i64, sc.parallel_access}
    %dma_start3A_2085 = arith.constant 0 : i32
    %dma_start3A_2086 = arith.constant 0 : i32
    %dma_start3A_2087 = arith.constant 0 : i32
    %dma_start3A_2088 = tpu.memref_slice %arg11[%dma_start3A_2085, %dma_start3A_2087] : memref<16x128xi32, #tpu.memory_space<vmem>> -> memref<1x128xi32, #tpu.memory_space<vmem>>
    %dma_start3A_2089 = tpu.memref_squeeze %dma_start3A_2088 : memref<1x128xi32, #tpu.memory_space<vmem>> -> memref<128xi32, #tpu.memory_space<vmem>>
    %dma_start3A_2090 = arith.constant 0 : i32
    %dma_start3A_2091 = tpu.memref_slice %arg10[%dma_start3A_2086, %dma_start3A_2090] : memref<16x128xi32, #tpu.memory_space<vmem>> -> memref<1x128xi32, #tpu.memory_space<vmem>>
    %dma_start3A_2092 = tpu.memref_squeeze %dma_start3A_2091 : memref<1x128xi32, #tpu.memory_space<vmem>> -> memref<128xi32, #tpu.memory_space<vmem>>
    %dma_start3A_2093 = arith.constant 0 : i32
    %dma_start3A_2094 = tpu.memref_slice %arg19[%dma_start3A_2093] : memref<41024xi32, #tpu.memory_space<vmem_shared>> -> memref<41024xi32, #tpu.memory_space<vmem_shared>>
    tpu.enqueue_indirect_dma source(%dma_start3A_2089 : memref<128xi32, #tpu.memory_space<vmem>>) target(%dma_start3A_2094 : memref<41024xi32, #tpu.memory_space<vmem_shared>>) offsets(%dma_start3A_2092 : memref<128xi32, #tpu.memory_space<vmem>>) semaphore(%arg21 : memref<!tpu.dma_semaphore, #tpu.memory_space<semaphore_mem>>)
    %dma_start3A_2095 = arith.constant 1 : i32
    %dma_start3A_2096 = arith.constant 1 : i32
    %dma_start3A_2097 = arith.constant 0 : i32
    %dma_start3A_2098 = tpu.memref_slice %arg11[%dma_start3A_2095, %dma_start3A_2097] : memref<16x128xi32, #tpu.memory_space<vmem>> -> memref<1x128xi32, #tpu.memory_space<vmem>>
    %dma_start3A_2099 = tpu.memref_squeeze %dma_start3A_2098 : memref<1x128xi32, #tpu.memory_space<vmem>> -> memref<128xi32, #tpu.memory_space<vmem>>
    %dma_start3A_2100 = arith.constant 0 : i32
    %dma_start3A_2101 = tpu.memref_slice %arg10[%dma_start3A_2096, %dma_start3A_2100] : memref<16x128xi32, #tpu.memory_space<vmem>> -> memref<1x128xi32, #tpu.memory_space<vmem>>
    %dma_start3A_2102 = tpu.memref_squeeze %dma_start3A_2101 : memref<1x128xi32, #tpu.memory_space<vmem>> -> memref<128xi32, #tpu.memory_space<vmem>>
    %dma_start3A_2103 = arith.constant 0 : i32
    %dma_start3A_2104 = tpu.memref_slice %arg19[%dma_start3A_2103] : memref<41024xi32, #tpu.memory_space<vmem_shared>> -> memref<41024xi32, #tpu.memory_space<vmem_shared>>
    tpu.enqueue_indirect_dma source(%dma_start3A_2099 : memref<128xi32, #tpu.memory_space<vmem>>) target(%dma_start3A_2104 : memref<41024xi32, #tpu.memory_space<vmem_shared>>) offsets(%dma_start3A_2102 : memref<128xi32, #tpu.memory_space<vmem>>) semaphore(%arg21 : memref<!tpu.dma_semaphore, #tpu.memory_space<semaphore_mem>>)
    %dma_start3A_2105 = arith.constant 2 : i32
    %dma_start3A_2106 = arith.constant 2 : i32
    %dma_start3A_2107 = arith.constant 0 : i32
    %dma_start3A_2108 = tpu.memref_slice %arg11[%dma_start3A_2105, %dma_start3A_2107] : memref<16x128xi32, #tpu.memory_space<vmem>> -> memref<1x128xi32, #tpu.memory_space<vmem>>
    %dma_start3A_2109 = tpu.memref_squeeze %dma_start3A_2108 : memref<1x128xi32, #tpu.memory_space<vmem>> -> memref<128xi32, #tpu.memory_space<vmem>>
    %dma_start3A_2110 = arith.constant 0 : i32
    %dma_start3A_2111 = tpu.memref_slice %arg10[%dma_start3A_2106, %dma_start3A_2110] : memref<16x128xi32, #tpu.memory_space<vmem>> -> memref<1x128xi32, #tpu.memory_space<vmem>>
    %dma_start3A_2112 = tpu.memref_squeeze %dma_start3A_2111 : memref<1x128xi32, #tpu.memory_space<vmem>> -> memref<128xi32, #tpu.memory_space<vmem>>
    %dma_start3A_2113 = arith.constant 0 : i32
    %dma_start3A_2114 = tpu.memref_slice %arg19[%dma_start3A_2113] : memref<41024xi32, #tpu.memory_space<vmem_shared>> -> memref<41024xi32, #tpu.memory_space<vmem_shared>>
    tpu.enqueue_indirect_dma source(%dma_start3A_2109 : memref<128xi32, #tpu.memory_space<vmem>>) target(%dma_start3A_2114 : memref<41024xi32, #tpu.memory_space<vmem_shared>>) offsets(%dma_start3A_2112 : memref<128xi32, #tpu.memory_space<vmem>>) semaphore(%arg21 : memref<!tpu.dma_semaphore, #tpu.memory_space<semaphore_mem>>)
    %dma_start3A_2115 = arith.constant 3 : i32
    %dma_start3A_2116 = arith.constant 3 : i32
    %dma_start3A_2117 = arith.constant 0 : i32
    %dma_start3A_2118 = tpu.memref_slice %arg11[%dma_start3A_2115, %dma_start3A_2117] : memref<16x128xi32, #tpu.memory_space<vmem>> -> memref<1x128xi32, #tpu.memory_space<vmem>>
    %dma_start3A_2119 = tpu.memref_squeeze %dma_start3A_2118 : memref<1x128xi32, #tpu.memory_space<vmem>> -> memref<128xi32, #tpu.memory_space<vmem>>
    %dma_start3A_2120 = arith.constant 0 : i32
    %dma_start3A_2121 = tpu.memref_slice %arg10[%dma_start3A_2116, %dma_start3A_2120] : memref<16x128xi32, #tpu.memory_space<vmem>> -> memref<1x128xi32, #tpu.memory_space<vmem>>
    %dma_start3A_2122 = tpu.memref_squeeze %dma_start3A_2121 : memref<1x128xi32, #tpu.memory_space<vmem>> -> memref<128xi32, #tpu.memory_space<vmem>>
    %dma_start3A_2123 = arith.constant 0 : i32
    %dma_start3A_2124 = tpu.memref_slice %arg19[%dma_start3A_2123] : memref<41024xi32, #tpu.memory_space<vmem_shared>> -> memref<41024xi32, #tpu.memory_space<vmem_shared>>
    tpu.enqueue_indirect_dma source(%dma_start3A_2119 : memref<128xi32, #tpu.memory_space<vmem>>) target(%dma_start3A_2124 : memref<41024xi32, #tpu.memory_space<vmem_shared>>) offsets(%dma_start3A_2122 : memref<128xi32, #tpu.memory_space<vmem>>) semaphore(%arg21 : memref<!tpu.dma_semaphore, #tpu.memory_space<semaphore_mem>>)
    %dma_start3A_2125 = arith.constant 4 : i32
    %dma_start3A_2126 = arith.constant 4 : i32
    %dma_start3A_2127 = arith.constant 0 : i32
    %dma_start3A_2128 = tpu.memref_slice %arg11[%dma_start3A_2125, %dma_start3A_2127] : memref<16x128xi32, #tpu.memory_space<vmem>> -> memref<1x128xi32, #tpu.memory_space<vmem>>
    %dma_start3A_2129 = tpu.memref_squeeze %dma_start3A_2128 : memref<1x128xi32, #tpu.memory_space<vmem>> -> memref<128xi32, #tpu.memory_space<vmem>>
    %dma_start3A_2130 = arith.constant 0 : i32
    %dma_start3A_2131 = tpu.memref_slice %arg10[%dma_start3A_2126, %dma_start3A_2130] : memref<16x128xi32, #tpu.memory_space<vmem>> -> memref<1x128xi32, #tpu.memory_space<vmem>>
    %dma_start3A_2132 = tpu.memref_squeeze %dma_start3A_2131 : memref<1x128xi32, #tpu.memory_space<vmem>> -> memref<128xi32, #tpu.memory_space<vmem>>
    %dma_start3A_2133 = arith.constant 0 : i32
    %dma_start3A_2134 = tpu.memref_slice %arg19[%dma_start3A_2133] : memref<41024xi32, #tpu.memory_space<vmem_shared>> -> memref<41024xi32, #tpu.memory_space<vmem_shared>>
    tpu.enqueue_indirect_dma source(%dma_start3A_2129 : memref<128xi32, #tpu.memory_space<vmem>>) target(%dma_start3A_2134 : memref<41024xi32, #tpu.memory_space<vmem_shared>>) offsets(%dma_start3A_2132 : memref<128xi32, #tpu.memory_space<vmem>>) semaphore(%arg21 : memref<!tpu.dma_semaphore, #tpu.memory_space<semaphore_mem>>)
    %dma_start3A_2135 = arith.constant 5 : i32
    %dma_start3A_2136 = arith.constant 5 : i32
    %dma_start3A_2137 = arith.constant 0 : i32
    %dma_start3A_2138 = tpu.memref_slice %arg11[%dma_start3A_2135, %dma_start3A_2137] : memref<16x128xi32, #tpu.memory_space<vmem>> -> memref<1x128xi32, #tpu.memory_space<vmem>>
    %dma_start3A_2139 = tpu.memref_squeeze %dma_start3A_2138 : memref<1x128xi32, #tpu.memory_space<vmem>> -> memref<128xi32, #tpu.memory_space<vmem>>
    %dma_start3A_2140 = arith.constant 0 : i32
    %dma_start3A_2141 = tpu.memref_slice %arg10[%dma_start3A_2136, %dma_start3A_2140] : memref<16x128xi32, #tpu.memory_space<vmem>> -> memref<1x128xi32, #tpu.memory_space<vmem>>
    %dma_start3A_2142 = tpu.memref_squeeze %dma_start3A_2141 : memref<1x128xi32, #tpu.memory_space<vmem>> -> memref<128xi32, #tpu.memory_space<vmem>>
    %dma_start3A_2143 = arith.constant 0 : i32
    %dma_start3A_2144 = tpu.memref_slice %arg19[%dma_start3A_2143] : memref<41024xi32, #tpu.memory_space<vmem_shared>> -> memref<41024xi32, #tpu.memory_space<vmem_shared>>
    tpu.enqueue_indirect_dma source(%dma_start3A_2139 : memref<128xi32, #tpu.memory_space<vmem>>) target(%dma_start3A_2144 : memref<41024xi32, #tpu.memory_space<vmem_shared>>) offsets(%dma_start3A_2142 : memref<128xi32, #tpu.memory_space<vmem>>) semaphore(%arg21 : memref<!tpu.dma_semaphore, #tpu.memory_space<semaphore_mem>>)
    %dma_start3A_2145 = arith.constant 6 : i32
    %dma_start3A_2146 = arith.constant 6 : i32
    %dma_start3A_2147 = arith.constant 0 : i32
    %dma_start3A_2148 = tpu.memref_slice %arg11[%dma_start3A_2145, %dma_start3A_2147] : memref<16x128xi32, #tpu.memory_space<vmem>> -> memref<1x128xi32, #tpu.memory_space<vmem>>
    %dma_start3A_2149 = tpu.memref_squeeze %dma_start3A_2148 : memref<1x128xi32, #tpu.memory_space<vmem>> -> memref<128xi32, #tpu.memory_space<vmem>>
    %dma_start3A_2150 = arith.constant 0 : i32
    %dma_start3A_2151 = tpu.memref_slice %arg10[%dma_start3A_2146, %dma_start3A_2150] : memref<16x128xi32, #tpu.memory_space<vmem>> -> memref<1x128xi32, #tpu.memory_space<vmem>>
    %dma_start3A_2152 = tpu.memref_squeeze %dma_start3A_2151 : memref<1x128xi32, #tpu.memory_space<vmem>> -> memref<128xi32, #tpu.memory_space<vmem>>
    %dma_start3A_2153 = arith.constant 0 : i32
    %dma_start3A_2154 = tpu.memref_slice %arg19[%dma_start3A_2153] : memref<41024xi32, #tpu.memory_space<vmem_shared>> -> memref<41024xi32, #tpu.memory_space<vmem_shared>>
    tpu.enqueue_indirect_dma source(%dma_start3A_2149 : memref<128xi32, #tpu.memory_space<vmem>>) target(%dma_start3A_2154 : memref<41024xi32, #tpu.memory_space<vmem_shared>>) offsets(%dma_start3A_2152 : memref<128xi32, #tpu.memory_space<vmem>>) semaphore(%arg21 : memref<!tpu.dma_semaphore, #tpu.memory_space<semaphore_mem>>)
    %dma_start3A_2155 = arith.constant 7 : i32
    %dma_start3A_2156 = arith.constant 7 : i32
    %dma_start3A_2157 = arith.constant 0 : i32
    %dma_start3A_2158 = tpu.memref_slice %arg11[%dma_start3A_2155, %dma_start3A_2157] : memref<16x128xi32, #tpu.memory_space<vmem>> -> memref<1x128xi32, #tpu.memory_space<vmem>>
    %dma_start3A_2159 = tpu.memref_squeeze %dma_start3A_2158 : memref<1x128xi32, #tpu.memory_space<vmem>> -> memref<128xi32, #tpu.memory_space<vmem>>
    %dma_start3A_2160 = arith.constant 0 : i32
    %dma_start3A_2161 = tpu.memref_slice %arg10[%dma_start3A_2156, %dma_start3A_2160] : memref<16x128xi32, #tpu.memory_space<vmem>> -> memref<1x128xi32, #tpu.memory_space<vmem>>
    %dma_start3A_2162 = tpu.memref_squeeze %dma_start3A_2161 : memref<1x128xi32, #tpu.memory_space<vmem>> -> memref<128xi32, #tpu.memory_space<vmem>>
    %dma_start3A_2163 = arith.constant 0 : i32
    %dma_start3A_2164 = tpu.memref_slice %arg19[%dma_start3A_2163] : memref<41024xi32, #tpu.memory_space<vmem_shared>> -> memref<41024xi32, #tpu.memory_space<vmem_shared>>
    tpu.enqueue_indirect_dma source(%dma_start3A_2159 : memref<128xi32, #tpu.memory_space<vmem>>) target(%dma_start3A_2164 : memref<41024xi32, #tpu.memory_space<vmem_shared>>) offsets(%dma_start3A_2162 : memref<128xi32, #tpu.memory_space<vmem>>) semaphore(%arg21 : memref<!tpu.dma_semaphore, #tpu.memory_space<semaphore_mem>>)
    %dma_start3A_2165 = arith.constant 8 : i32
    %dma_start3A_2166 = arith.constant 8 : i32
    %dma_start3A_2167 = arith.constant 0 : i32
    %dma_start3A_2168 = tpu.memref_slice %arg11[%dma_start3A_2165, %dma_start3A_2167] : memref<16x128xi32, #tpu.memory_space<vmem>> -> memref<1x128xi32, #tpu.memory_space<vmem>>
    %dma_start3A_2169 = tpu.memref_squeeze %dma_start3A_2168 : memref<1x128xi32, #tpu.memory_space<vmem>> -> memref<128xi32, #tpu.memory_space<vmem>>
    %dma_start3A_2170 = arith.constant 0 : i32
    %dma_start3A_2171 = tpu.memref_slice %arg10[%dma_start3A_2166, %dma_start3A_2170] : memref<16x128xi32, #tpu.memory_space<vmem>> -> memref<1x128xi32, #tpu.memory_space<vmem>>
    %dma_start3A_2172 = tpu.memref_squeeze %dma_start3A_2171 : memref<1x128xi32, #tpu.memory_space<vmem>> -> memref<128xi32, #tpu.memory_space<vmem>>
    %dma_start3A_2173 = arith.constant 0 : i32
    %dma_start3A_2174 = tpu.memref_slice %arg19[%dma_start3A_2173] : memref<41024xi32, #tpu.memory_space<vmem_shared>> -> memref<41024xi32, #tpu.memory_space<vmem_shared>>
    tpu.enqueue_indirect_dma source(%dma_start3A_2169 : memref<128xi32, #tpu.memory_space<vmem>>) target(%dma_start3A_2174 : memref<41024xi32, #tpu.memory_space<vmem_shared>>) offsets(%dma_start3A_2172 : memref<128xi32, #tpu.memory_space<vmem>>) semaphore(%arg21 : memref<!tpu.dma_semaphore, #tpu.memory_space<semaphore_mem>>)
    %dma_start3A_2175 = arith.constant 9 : i32
    %dma_start3A_2176 = arith.constant 9 : i32
    %dma_start3A_2177 = arith.constant 0 : i32
    %dma_start3A_2178 = tpu.memref_slice %arg11[%dma_start3A_2175, %dma_start3A_2177] : memref<16x128xi32, #tpu.memory_space<vmem>> -> memref<1x128xi32, #tpu.memory_space<vmem>>
    %dma_start3A_2179 = tpu.memref_squeeze %dma_start3A_2178 : memref<1x128xi32, #tpu.memory_space<vmem>> -> memref<128xi32, #tpu.memory_space<vmem>>
    %dma_start3A_2180 = arith.constant 0 : i32
    %dma_start3A_2181 = tpu.memref_slice %arg10[%dma_start3A_2176, %dma_start3A_2180] : memref<16x128xi32, #tpu.memory_space<vmem>> -> memref<1x128xi32, #tpu.memory_space<vmem>>
    %dma_start3A_2182 = tpu.memref_squeeze %dma_start3A_2181 : memref<1x128xi32, #tpu.memory_space<vmem>> -> memref<128xi32, #tpu.memory_space<vmem>>
    %dma_start3A_2183 = arith.constant 0 : i32
    %dma_start3A_2184 = tpu.memref_slice %arg19[%dma_start3A_2183] : memref<41024xi32, #tpu.memory_space<vmem_shared>> -> memref<41024xi32, #tpu.memory_space<vmem_shared>>
    tpu.enqueue_indirect_dma source(%dma_start3A_2179 : memref<128xi32, #tpu.memory_space<vmem>>) target(%dma_start3A_2184 : memref<41024xi32, #tpu.memory_space<vmem_shared>>) offsets(%dma_start3A_2182 : memref<128xi32, #tpu.memory_space<vmem>>) semaphore(%arg21 : memref<!tpu.dma_semaphore, #tpu.memory_space<semaphore_mem>>)
    %dma_start3A_2185 = arith.constant 10 : i32
    %dma_start3A_2186 = arith.constant 10 : i32
    %dma_start3A_2187 = arith.constant 0 : i32
    %dma_start3A_2188 = tpu.memref_slice %arg11[%dma_start3A_2185, %dma_start3A_2187] : memref<16x128xi32, #tpu.memory_space<vmem>> -> memref<1x128xi32, #tpu.memory_space<vmem>>
    %dma_start3A_2189 = tpu.memref_squeeze %dma_start3A_2188 : memref<1x128xi32, #tpu.memory_space<vmem>> -> memref<128xi32, #tpu.memory_space<vmem>>
    %dma_start3A_2190 = arith.constant 0 : i32
    %dma_start3A_2191 = tpu.memref_slice %arg10[%dma_start3A_2186, %dma_start3A_2190] : memref<16x128xi32, #tpu.memory_space<vmem>> -> memref<1x128xi32, #tpu.memory_space<vmem>>
    %dma_start3A_2192 = tpu.memref_squeeze %dma_start3A_2191 : memref<1x128xi32, #tpu.memory_space<vmem>> -> memref<128xi32, #tpu.memory_space<vmem>>
    %dma_start3A_2193 = arith.constant 0 : i32
    %dma_start3A_2194 = tpu.memref_slice %arg19[%dma_start3A_2193] : memref<41024xi32, #tpu.memory_space<vmem_shared>> -> memref<41024xi32, #tpu.memory_space<vmem_shared>>
    tpu.enqueue_indirect_dma source(%dma_start3A_2189 : memref<128xi32, #tpu.memory_space<vmem>>) target(%dma_start3A_2194 : memref<41024xi32, #tpu.memory_space<vmem_shared>>) offsets(%dma_start3A_2192 : memref<128xi32, #tpu.memory_space<vmem>>) semaphore(%arg21 : memref<!tpu.dma_semaphore, #tpu.memory_space<semaphore_mem>>)
    %dma_start3A_2195 = arith.constant 11 : i32
    %dma_start3A_2196 = arith.constant 11 : i32
    %dma_start3A_2197 = arith.constant 0 : i32
    %dma_start3A_2198 = tpu.memref_slice %arg11[%dma_start3A_2195, %dma_start3A_2197] : memref<16x128xi32, #tpu.memory_space<vmem>> -> memref<1x128xi32, #tpu.memory_space<vmem>>
    %dma_start3A_2199 = tpu.memref_squeeze %dma_start3A_2198 : memref<1x128xi32, #tpu.memory_space<vmem>> -> memref<128xi32, #tpu.memory_space<vmem>>
    %dma_start3A_2200 = arith.constant 0 : i32
    %dma_start3A_2201 = tpu.memref_slice %arg10[%dma_start3A_2196, %dma_start3A_2200] : memref<16x128xi32, #tpu.memory_space<vmem>> -> memref<1x128xi32, #tpu.memory_space<vmem>>
    %dma_start3A_2202 = tpu.memref_squeeze %dma_start3A_2201 : memref<1x128xi32, #tpu.memory_space<vmem>> -> memref<128xi32, #tpu.memory_space<vmem>>
    %dma_start3A_2203 = arith.constant 0 : i32
    %dma_start3A_2204 = tpu.memref_slice %arg19[%dma_start3A_2203] : memref<41024xi32, #tpu.memory_space<vmem_shared>> -> memref<41024xi32, #tpu.memory_space<vmem_shared>>
    tpu.enqueue_indirect_dma source(%dma_start3A_2199 : memref<128xi32, #tpu.memory_space<vmem>>) target(%dma_start3A_2204 : memref<41024xi32, #tpu.memory_space<vmem_shared>>) offsets(%dma_start3A_2202 : memref<128xi32, #tpu.memory_space<vmem>>) semaphore(%arg21 : memref<!tpu.dma_semaphore, #tpu.memory_space<semaphore_mem>>)
    %dma_start3A_2205 = arith.constant 12 : i32
    %dma_start3A_2206 = arith.constant 12 : i32
    %dma_start3A_2207 = arith.constant 0 : i32
    %dma_start3A_2208 = tpu.memref_slice %arg11[%dma_start3A_2205, %dma_start3A_2207] : memref<16x128xi32, #tpu.memory_space<vmem>> -> memref<1x128xi32, #tpu.memory_space<vmem>>
    %dma_start3A_2209 = tpu.memref_squeeze %dma_start3A_2208 : memref<1x128xi32, #tpu.memory_space<vmem>> -> memref<128xi32, #tpu.memory_space<vmem>>
    %dma_start3A_2210 = arith.constant 0 : i32
    %dma_start3A_2211 = tpu.memref_slice %arg10[%dma_start3A_2206, %dma_start3A_2210] : memref<16x128xi32, #tpu.memory_space<vmem>> -> memref<1x128xi32, #tpu.memory_space<vmem>>
    %dma_start3A_2212 = tpu.memref_squeeze %dma_start3A_2211 : memref<1x128xi32, #tpu.memory_space<vmem>> -> memref<128xi32, #tpu.memory_space<vmem>>
    %dma_start3A_2213 = arith.constant 0 : i32
    %dma_start3A_2214 = tpu.memref_slice %arg19[%dma_start3A_2213] : memref<41024xi32, #tpu.memory_space<vmem_shared>> -> memref<41024xi32, #tpu.memory_space<vmem_shared>>
    tpu.enqueue_indirect_dma source(%dma_start3A_2209 : memref<128xi32, #tpu.memory_space<vmem>>) target(%dma_start3A_2214 : memref<41024xi32, #tpu.memory_space<vmem_shared>>) offsets(%dma_start3A_2212 : memref<128xi32, #tpu.memory_space<vmem>>) semaphore(%arg21 : memref<!tpu.dma_semaphore, #tpu.memory_space<semaphore_mem>>)
    %dma_start3A_2215 = arith.constant 13 : i32
    %dma_start3A_2216 = arith.constant 13 : i32
    %dma_start3A_2217 = arith.constant 0 : i32
    %dma_start3A_2218 = tpu.memref_slice %arg11[%dma_start3A_2215, %dma_start3A_2217] : memref<16x128xi32, #tpu.memory_space<vmem>> -> memref<1x128xi32, #tpu.memory_space<vmem>>
    %dma_start3A_2219 = tpu.memref_squeeze %dma_start3A_2218 : memref<1x128xi32, #tpu.memory_space<vmem>> -> memref<128xi32, #tpu.memory_space<vmem>>
    %dma_start3A_2220 = arith.constant 0 : i32
    %dma_start3A_2221 = tpu.memref_slice %arg10[%dma_start3A_2216, %dma_start3A_2220] : memref<16x128xi32, #tpu.memory_space<vmem>> -> memref<1x128xi32, #tpu.memory_space<vmem>>
    %dma_start3A_2222 = tpu.memref_squeeze %dma_start3A_2221 : memref<1x128xi32, #tpu.memory_space<vmem>> -> memref<128xi32, #tpu.memory_space<vmem>>
    %dma_start3A_2223 = arith.constant 0 : i32
    %dma_start3A_2224 = tpu.memref_slice %arg19[%dma_start3A_2223] : memref<41024xi32, #tpu.memory_space<vmem_shared>> -> memref<41024xi32, #tpu.memory_space<vmem_shared>>
    tpu.enqueue_indirect_dma source(%dma_start3A_2219 : memref<128xi32, #tpu.memory_space<vmem>>) target(%dma_start3A_2224 : memref<41024xi32, #tpu.memory_space<vmem_shared>>) offsets(%dma_start3A_2222 : memref<128xi32, #tpu.memory_space<vmem>>) semaphore(%arg21 : memref<!tpu.dma_semaphore, #tpu.memory_space<semaphore_mem>>)
    %dma_start3A_2225 = arith.constant 14 : i32
    %dma_start3A_2226 = arith.constant 14 : i32
    %dma_start3A_2227 = arith.constant 0 : i32
    %dma_start3A_2228 = tpu.memref_slice %arg11[%dma_start3A_2225, %dma_start3A_2227] : memref<16x128xi32, #tpu.memory_space<vmem>> -> memref<1x128xi32, #tpu.memory_space<vmem>>
    %dma_start3A_2229 = tpu.memref_squeeze %dma_start3A_2228 : memref<1x128xi32, #tpu.memory_space<vmem>> -> memref<128xi32, #tpu.memory_space<vmem>>
    %dma_start3A_2230 = arith.constant 0 : i32
    %dma_start3A_2231 = tpu.memref_slice %arg10[%dma_start3A_2226, %dma_start3A_2230] : memref<16x128xi32, #tpu.memory_space<vmem>> -> memref<1x128xi32, #tpu.memory_space<vmem>>
    %dma_start3A_2232 = tpu.memref_squeeze %dma_start3A_2231 : memref<1x128xi32, #tpu.memory_space<vmem>> -> memref<128xi32, #tpu.memory_space<vmem>>
    %dma_start3A_2233 = arith.constant 0 : i32
    %dma_start3A_2234 = tpu.memref_slice %arg19[%dma_start3A_2233] : memref<41024xi32, #tpu.memory_space<vmem_shared>> -> memref<41024xi32, #tpu.memory_space<vmem_shared>>
    tpu.enqueue_indirect_dma source(%dma_start3A_2229 : memref<128xi32, #tpu.memory_space<vmem>>) target(%dma_start3A_2234 : memref<41024xi32, #tpu.memory_space<vmem_shared>>) offsets(%dma_start3A_2232 : memref<128xi32, #tpu.memory_space<vmem>>) semaphore(%arg21 : memref<!tpu.dma_semaphore, #tpu.memory_space<semaphore_mem>>)
    %dma_start3A_2235 = arith.constant 15 : i32
    %dma_start3A_2236 = arith.constant 15 : i32
    %dma_start3A_2237 = arith.constant 0 : i32
    %dma_start3A_2238 = tpu.memref_slice %arg11[%dma_start3A_2235, %dma_start3A_2237] : memref<16x128xi32, #tpu.memory_space<vmem>> -> memref<1x128xi32, #tpu.memory_space<vmem>>
    %dma_start3A_2239 = tpu.memref_squeeze %dma_start3A_2238 : memref<1x128xi32, #tpu.memory_space<vmem>> -> memref<128xi32, #tpu.memory_space<vmem>>
    %dma_start3A_2240 = arith.constant 0 : i32
    %dma_start3A_2241 = tpu.memref_slice %arg10[%dma_start3A_2236, %dma_start3A_2240] : memref<16x128xi32, #tpu.memory_space<vmem>> -> memref<1x128xi32, #tpu.memory_space<vmem>>
    %dma_start3A_2242 = tpu.memref_squeeze %dma_start3A_2241 : memref<1x128xi32, #tpu.memory_space<vmem>> -> memref<128xi32, #tpu.memory_space<vmem>>
    %dma_start3A_2243 = arith.constant 0 : i32
    %dma_start3A_2244 = tpu.memref_slice %arg19[%dma_start3A_2243] : memref<41024xi32, #tpu.memory_space<vmem_shared>> -> memref<41024xi32, #tpu.memory_space<vmem_shared>>
    tpu.enqueue_indirect_dma source(%dma_start3A_2239 : memref<128xi32, #tpu.memory_space<vmem>>) target(%dma_start3A_2244 : memref<41024xi32, #tpu.memory_space<vmem_shared>>) offsets(%dma_start3A_2242 : memref<128xi32, #tpu.memory_space<vmem>>) semaphore(%arg21 : memref<!tpu.dma_semaphore, #tpu.memory_space<semaphore_mem>>)
    %lt3A = arith.constant 10 : i32
    %lt3A_2245 = arith.cmpi slt, %arg1, %lt3A : i32
    %convert_element_type3A_2246 = arith.extui %lt3A_2245 : i1 to i32
    %cond3A_2247 = arith.constant 0 : i32
    %cond3A_2248 = arith.cmpi ne, %convert_element_type3A_2246, %cond3A_2247 : i32
    scf.if %cond3A_2248 {
      %get3A_2425 = arith.constant 0 : index
      %get3A_2426 = tpu.vector_load %arg15[%get3A_2425] {strides = array<i32>} : memref<64xi32, #tpu.memory_space<vmem>>, vector<16xi32>,
      %get3A_2427 = arith.constant 16 : index
      %get3A_2428 = tpu.vector_load %arg15[%get3A_2427] {strides = array<i32>} : memref<64xi32, #tpu.memory_space<vmem>>, vector<16xi32>,
      %get3A_2429 = arith.constant 32 : index
      %get3A_2430 = tpu.vector_load %arg15[%get3A_2429] {strides = array<i32>} : memref<64xi32, #tpu.memory_space<vmem>>, vector<16xi32>,
      %get3A_2431 = arith.constant 48 : index
      %get3A_2432 = tpu.vector_load %arg15[%get3A_2431] {strides = array<i32>} : memref<64xi32, #tpu.memory_space<vmem>>, vector<16xi32>,
      %mul3A_2433 = arith.constant 32 : i32
      %mul3A_2434 = arith.muli %arg1, %mul3A_2433 : i32
      %add3A_2435 = arith.constant 0 : i32
      %add3A_2436 = arith.addi %mul3A_2434, %add3A_2435 : i32
      %add3A_2437 = vector.broadcast %add3A_2436 : i32 to vector<16xi32>
      %add3A_2438 = arith.addi %add3A_2437, %iota3A : vector<16xi32>
      %mul3A_2439 = arith.constant 128 : i32
      %mul3A_2440 = vector.broadcast %mul3A_2439 : i32 to vector<16xi32>
      %mul3A_2441 = arith.muli %add3A_2438, %mul3A_2440 : vector<16xi32>
      %broadcast_in_dim3A_2442 = arith.constant 0 : i32
      %broadcast_in_dim3A_2443 = vector.broadcast %broadcast_in_dim3A_2442 : i32 to vector<16xi32>
      %slice3A = vector.extract_strided_slice %get3A_2426 {offsets = [0], sizes = [1], strides = [1]} : vector<16xi32> to vector<1xi32>
      %squeeze3A = vector.extract %slice3A[0] : i32 from vector<1xi32>
      %ge3A = vector.broadcast %squeeze3A : i32 to vector<16xi32>
      %ge3A_2444 = arith.cmpi sge, %mul3A_2441, %ge3A : vector<16xi32>
      %convert_element_type3A_2445 = arith.extui %ge3A_2444 : vector<16xi1> to vector<16xi32>
      %add3A_2446 = arith.addi %broadcast_in_dim3A_2443, %convert_element_type3A_2445 : vector<16xi32>
      %slice3A_2447 = vector.extract_strided_slice %get3A_2426 {offsets = [1], sizes = [1], strides = [1]} : vector<16xi32> to vector<1xi32>
      %squeeze3A_2448 = vector.extract %slice3A_2447[0] : i32 from vector<1xi32>
      %ge3A_2449 = vector.broadcast %squeeze3A_2448 : i32 to vector<16xi32>
      %ge3A_2450 = arith.cmpi sge, %mul3A_2441, %ge3A_2449 : vector<16xi32>
      %convert_element_type3A_2451 = arith.extui %ge3A_2450 : vector<16xi1> to vector<16xi32>
      %add3A_2452 = arith.addi %add3A_2446, %convert_element_type3A_2451 : vector<16xi32>
      %slice3A_2453 = vector.extract_strided_slice %get3A_2426 {offsets = [2], sizes = [1], strides = [1]} : vector<16xi32> to vector<1xi32>
      %squeeze3A_2454 = vector.extract %slice3A_2453[0] : i32 from vector<1xi32>
      %ge3A_2455 = vector.broadcast %squeeze3A_2454 : i32 to vector<16xi32>
      %ge3A_2456 = arith.cmpi sge, %mul3A_2441, %ge3A_2455 : vector<16xi32>
      %convert_element_type3A_2457 = arith.extui %ge3A_2456 : vector<16xi1> to vector<16xi32>
      %add3A_2458 = arith.addi %add3A_2452, %convert_element_type3A_2457 : vector<16xi32>
      %slice3A_2459 = vector.extract_strided_slice %get3A_2426 {offsets = [3], sizes = [1], strides = [1]} : vector<16xi32> to vector<1xi32>
      %squeeze3A_2460 = vector.extract %slice3A_2459[0] : i32 from vector<1xi32>
      %ge3A_2461 = vector.broadcast %squeeze3A_2460 : i32 to vector<16xi32>
      %ge3A_2462 = arith.cmpi sge, %mul3A_2441, %ge3A_2461 : vector<16xi32>
      %convert_element_type3A_2463 = arith.extui %ge3A_2462 : vector<16xi1> to vector<16xi32>
      %add3A_2464 = arith.addi %add3A_2458, %convert_element_type3A_2463 : vector<16xi32>
      %slice3A_2465 = vector.extract_strided_slice %get3A_2426 {offsets = [4], sizes = [1], strides = [1]} : vector<16xi32> to vector<1xi32>
      %squeeze3A_2466 = vector.extract %slice3A_2465[0] : i32 from vector<1xi32>
      %ge3A_2467 = vector.broadcast %squeeze3A_2466 : i32 to vector<16xi32>
      %ge3A_2468 = arith.cmpi sge, %mul3A_2441, %ge3A_2467 : vector<16xi32>
      %convert_element_type3A_2469 = arith.extui %ge3A_2468 : vector<16xi1> to vector<16xi32>
      %add3A_2470 = arith.addi %add3A_2464, %convert_element_type3A_2469 : vector<16xi32>
      %slice3A_2471 = vector.extract_strided_slice %get3A_2426 {offsets = [5], sizes = [1], strides = [1]} : vector<16xi32> to vector<1xi32>
      %squeeze3A_2472 = vector.extract %slice3A_2471[0] : i32 from vector<1xi32>
      %ge3A_2473 = vector.broadcast %squeeze3A_2472 : i32 to vector<16xi32>
      %ge3A_2474 = arith.cmpi sge, %mul3A_2441, %ge3A_2473 : vector<16xi32>
      %convert_element_type3A_2475 = arith.extui %ge3A_2474 : vector<16xi1> to vector<16xi32>
      %add3A_2476 = arith.addi %add3A_2470, %convert_element_type3A_2475 : vector<16xi32>
      %slice3A_2477 = vector.extract_strided_slice %get3A_2426 {offsets = [6], sizes = [1], strides = [1]} : vector<16xi32> to vector<1xi32>
      %squeeze3A_2478 = vector.extract %slice3A_2477[0] : i32 from vector<1xi32>
      %ge3A_2479 = vector.broadcast %squeeze3A_2478 : i32 to vector<16xi32>
      %ge3A_2480 = arith.cmpi sge, %mul3A_2441, %ge3A_2479 : vector<16xi32>
      %convert_element_type3A_2481 = arith.extui %ge3A_2480 : vector<16xi1> to vector<16xi32>
      %add3A_2482 = arith.addi %add3A_2476, %convert_element_type3A_2481 : vector<16xi32>
      %slice3A_2483 = vector.extract_strided_slice %get3A_2426 {offsets = [7], sizes = [1], strides = [1]} : vector<16xi32> to vector<1xi32>
      %squeeze3A_2484 = vector.extract %slice3A_2483[0] : i32 from vector<1xi32>
      %ge3A_2485 = vector.broadcast %squeeze3A_2484 : i32 to vector<16xi32>
      %ge3A_2486 = arith.cmpi sge, %mul3A_2441, %ge3A_2485 : vector<16xi32>
      %convert_element_type3A_2487 = arith.extui %ge3A_2486 : vector<16xi1> to vector<16xi32>
      %add3A_2488 = arith.addi %add3A_2482, %convert_element_type3A_2487 : vector<16xi32>
      %slice3A_2489 = vector.extract_strided_slice %get3A_2426 {offsets = [8], sizes = [1], strides = [1]} : vector<16xi32> to vector<1xi32>
      %squeeze3A_2490 = vector.extract %slice3A_2489[0] : i32 from vector<1xi32>
      %ge3A_2491 = vector.broadcast %squeeze3A_2490 : i32 to vector<16xi32>
      %ge3A_2492 = arith.cmpi sge, %mul3A_2441, %ge3A_2491 : vector<16xi32>
      %convert_element_type3A_2493 = arith.extui %ge3A_2492 : vector<16xi1> to vector<16xi32>
      %add3A_2494 = arith.addi %add3A_2488, %convert_element_type3A_2493 : vector<16xi32>
      %slice3A_2495 = vector.extract_strided_slice %get3A_2426 {offsets = [9], sizes = [1], strides = [1]} : vector<16xi32> to vector<1xi32>
      %squeeze3A_2496 = vector.extract %slice3A_2495[0] : i32 from vector<1xi32>
      %ge3A_2497 = vector.broadcast %squeeze3A_2496 : i32 to vector<16xi32>
      %ge3A_2498 = arith.cmpi sge, %mul3A_2441, %ge3A_2497 : vector<16xi32>
      %convert_element_type3A_2499 = arith.extui %ge3A_2498 : vector<16xi1> to vector<16xi32>
      %add3A_2500 = arith.addi %add3A_2494, %convert_element_type3A_2499 : vector<16xi32>
      %slice3A_2501 = vector.extract_strided_slice %get3A_2426 {offsets = [10], sizes = [1], strides = [1]} : vector<16xi32> to vector<1xi32>
      %squeeze3A_2502 = vector.extract %slice3A_2501[0] : i32 from vector<1xi32>
      %ge3A_2503 = vector.broadcast %squeeze3A_2502 : i32 to vector<16xi32>
      %ge3A_2504 = arith.cmpi sge, %mul3A_2441, %ge3A_2503 : vector<16xi32>
      %convert_element_type3A_2505 = arith.extui %ge3A_2504 : vector<16xi1> to vector<16xi32>
      %add3A_2506 = arith.addi %add3A_2500, %convert_element_type3A_2505 : vector<16xi32>
      %slice3A_2507 = vector.extract_strided_slice %get3A_2426 {offsets = [11], sizes = [1], strides = [1]} : vector<16xi32> to vector<1xi32>
      %squeeze3A_2508 = vector.extract %slice3A_2507[0] : i32 from vector<1xi32>
      %ge3A_2509 = vector.broadcast %squeeze3A_2508 : i32 to vector<16xi32>
      %ge3A_2510 = arith.cmpi sge, %mul3A_2441, %ge3A_2509 : vector<16xi32>
      %convert_element_type3A_2511 = arith.extui %ge3A_2510 : vector<16xi1> to vector<16xi32>
      %add3A_2512 = arith.addi %add3A_2506, %convert_element_type3A_2511 : vector<16xi32>
      %slice3A_2513 = vector.extract_strided_slice %get3A_2426 {offsets = [12], sizes = [1], strides = [1]} : vector<16xi32> to vector<1xi32>
      %squeeze3A_2514 = vector.extract %slice3A_2513[0] : i32 from vector<1xi32>
      %ge3A_2515 = vector.broadcast %squeeze3A_2514 : i32 to vector<16xi32>
      %ge3A_2516 = arith.cmpi sge, %mul3A_2441, %ge3A_2515 : vector<16xi32>
      %convert_element_type3A_2517 = arith.extui %ge3A_2516 : vector<16xi1> to vector<16xi32>
      %add3A_2518 = arith.addi %add3A_2512, %convert_element_type3A_2517 : vector<16xi32>
      %slice3A_2519 = vector.extract_strided_slice %get3A_2426 {offsets = [13], sizes = [1], strides = [1]} : vector<16xi32> to vector<1xi32>
      %squeeze3A_2520 = vector.extract %slice3A_2519[0] : i32 from vector<1xi32>
      %ge3A_2521 = vector.broadcast %squeeze3A_2520 : i32 to vector<16xi32>
      %ge3A_2522 = arith.cmpi sge, %mul3A_2441, %ge3A_2521 : vector<16xi32>
      %convert_element_type3A_2523 = arith.extui %ge3A_2522 : vector<16xi1> to vector<16xi32>
      %add3A_2524 = arith.addi %add3A_2518, %convert_element_type3A_2523 : vector<16xi32>
      %slice3A_2525 = vector.extract_strided_slice %get3A_2426 {offsets = [14], sizes = [1], strides = [1]} : vector<16xi32> to vector<1xi32>
      %squeeze3A_2526 = vector.extract %slice3A_2525[0] : i32 from vector<1xi32>
      %ge3A_2527 = vector.broadcast %squeeze3A_2526 : i32 to vector<16xi32>
      %ge3A_2528 = arith.cmpi sge, %mul3A_2441, %ge3A_2527 : vector<16xi32>
      %convert_element_type3A_2529 = arith.extui %ge3A_2528 : vector<16xi1> to vector<16xi32>
      %add3A_2530 = arith.addi %add3A_2524, %convert_element_type3A_2529 : vector<16xi32>
      %slice3A_2531 = vector.extract_strided_slice %get3A_2426 {offsets = [15], sizes = [1], strides = [1]} : vector<16xi32> to vector<1xi32>
      %squeeze3A_2532 = vector.extract %slice3A_2531[0] : i32 from vector<1xi32>
      %ge3A_2533 = vector.broadcast %squeeze3A_2532 : i32 to vector<16xi32>
      %ge3A_2534 = arith.cmpi sge, %mul3A_2441, %ge3A_2533 : vector<16xi32>
      %convert_element_type3A_2535 = arith.extui %ge3A_2534 : vector<16xi1> to vector<16xi32>
      %add3A_2536 = arith.addi %add3A_2530, %convert_element_type3A_2535 : vector<16xi32>
      %slice3A_2537 = vector.extract_strided_slice %get3A_2428 {offsets = [0], sizes = [1], strides = [1]} : vector<16xi32> to vector<1xi32>
      %squeeze3A_2538 = vector.extract %slice3A_2537[0] : i32 from vector<1xi32>
      %ge3A_2539 = vector.broadcast %squeeze3A_2538 : i32 to vector<16xi32>
      %ge3A_2540 = arith.cmpi sge, %mul3A_2441, %ge3A_2539 : vector<16xi32>
      %convert_element_type3A_2541 = arith.extui %ge3A_2540 : vector<16xi1> to vector<16xi32>
      %add3A_2542 = arith.addi %add3A_2536, %convert_element_type3A_2541 : vector<16xi32>
      %slice3A_2543 = vector.extract_strided_slice %get3A_2428 {offsets = [1], sizes = [1], strides = [1]} : vector<16xi32> to vector<1xi32>
      %squeeze3A_2544 = vector.extract %slice3A_2543[0] : i32 from vector<1xi32>
      %ge3A_2545 = vector.broadcast %squeeze3A_2544 : i32 to vector<16xi32>
      %ge3A_2546 = arith.cmpi sge, %mul3A_2441, %ge3A_2545 : vector<16xi32>
      %convert_element_type3A_2547 = arith.extui %ge3A_2546 : vector<16xi1> to vector<16xi32>
      %add3A_2548 = arith.addi %add3A_2542, %convert_element_type3A_2547 : vector<16xi32>
      %slice3A_2549 = vector.extract_strided_slice %get3A_2428 {offsets = [2], sizes = [1], strides = [1]} : vector<16xi32> to vector<1xi32>
      %squeeze3A_2550 = vector.extract %slice3A_2549[0] : i32 from vector<1xi32>
      %ge3A_2551 = vector.broadcast %squeeze3A_2550 : i32 to vector<16xi32>
      %ge3A_2552 = arith.cmpi sge, %mul3A_2441, %ge3A_2551 : vector<16xi32>
      %convert_element_type3A_2553 = arith.extui %ge3A_2552 : vector<16xi1> to vector<16xi32>
      %add3A_2554 = arith.addi %add3A_2548, %convert_element_type3A_2553 : vector<16xi32>
      %slice3A_2555 = vector.extract_strided_slice %get3A_2428 {offsets = [3], sizes = [1], strides = [1]} : vector<16xi32> to vector<1xi32>
      %squeeze3A_2556 = vector.extract %slice3A_2555[0] : i32 from vector<1xi32>
      %ge3A_2557 = vector.broadcast %squeeze3A_2556 : i32 to vector<16xi32>
      %ge3A_2558 = arith.cmpi sge, %mul3A_2441, %ge3A_2557 : vector<16xi32>
      %convert_element_type3A_2559 = arith.extui %ge3A_2558 : vector<16xi1> to vector<16xi32>
      %add3A_2560 = arith.addi %add3A_2554, %convert_element_type3A_2559 : vector<16xi32>
      %slice3A_2561 = vector.extract_strided_slice %get3A_2428 {offsets = [4], sizes = [1], strides = [1]} : vector<16xi32> to vector<1xi32>
      %squeeze3A_2562 = vector.extract %slice3A_2561[0] : i32 from vector<1xi32>
      %ge3A_2563 = vector.broadcast %squeeze3A_2562 : i32 to vector<16xi32>
      %ge3A_2564 = arith.cmpi sge, %mul3A_2441, %ge3A_2563 : vector<16xi32>
      %convert_element_type3A_2565 = arith.extui %ge3A_2564 : vector<16xi1> to vector<16xi32>
      %add3A_2566 = arith.addi %add3A_2560, %convert_element_type3A_2565 : vector<16xi32>
      %slice3A_2567 = vector.extract_strided_slice %get3A_2428 {offsets = [5], sizes = [1], strides = [1]} : vector<16xi32> to vector<1xi32>
      %squeeze3A_2568 = vector.extract %slice3A_2567[0] : i32 from vector<1xi32>
      %ge3A_2569 = vector.broadcast %squeeze3A_2568 : i32 to vector<16xi32>
      %ge3A_2570 = arith.cmpi sge, %mul3A_2441, %ge3A_2569 : vector<16xi32>
      %convert_element_type3A_2571 = arith.extui %ge3A_2570 : vector<16xi1> to vector<16xi32>
      %add3A_2572 = arith.addi %add3A_2566, %convert_element_type3A_2571 : vector<16xi32>
      %slice3A_2573 = vector.extract_strided_slice %get3A_2428 {offsets = [6], sizes = [1], strides = [1]} : vector<16xi32> to vector<1xi32>
      %squeeze3A_2574 = vector.extract %slice3A_2573[0] : i32 from vector<1xi32>
      %ge3A_2575 = vector.broadcast %squeeze3A_2574 : i32 to vector<16xi32>
      %ge3A_2576 = arith.cmpi sge, %mul3A_2441, %ge3A_2575 : vector<16xi32>
      %convert_element_type3A_2577 = arith.extui %ge3A_2576 : vector<16xi1> to vector<16xi32>
      %add3A_2578 = arith.addi %add3A_2572, %convert_element_type3A_2577 : vector<16xi32>
      %slice3A_2579 = vector.extract_strided_slice %get3A_2428 {offsets = [7], sizes = [1], strides = [1]} : vector<16xi32> to vector<1xi32>
      %squeeze3A_2580 = vector.extract %slice3A_2579[0] : i32 from vector<1xi32>
      %ge3A_2581 = vector.broadcast %squeeze3A_2580 : i32 to vector<16xi32>
      %ge3A_2582 = arith.cmpi sge, %mul3A_2441, %ge3A_2581 : vector<16xi32>
      %convert_element_type3A_2583 = arith.extui %ge3A_2582 : vector<16xi1> to vector<16xi32>
      %add3A_2584 = arith.addi %add3A_2578, %convert_element_type3A_2583 : vector<16xi32>
      %slice3A_2585 = vector.extract_strided_slice %get3A_2428 {offsets = [8], sizes = [1], strides = [1]} : vector<16xi32> to vector<1xi32>
      %squeeze3A_2586 = vector.extract %slice3A_2585[0] : i32 from vector<1xi32>
      %ge3A_2587 = vector.broadcast %squeeze3A_2586 : i32 to vector<16xi32>
      %ge3A_2588 = arith.cmpi sge, %mul3A_2441, %ge3A_2587 : vector<16xi32>
      %convert_element_type3A_2589 = arith.extui %ge3A_2588 : vector<16xi1> to vector<16xi32>
      %add3A_2590 = arith.addi %add3A_2584, %convert_element_type3A_2589 : vector<16xi32>
      %slice3A_2591 = vector.extract_strided_slice %get3A_2428 {offsets = [9], sizes = [1], strides = [1]} : vector<16xi32> to vector<1xi32>
      %squeeze3A_2592 = vector.extract %slice3A_2591[0] : i32 from vector<1xi32>
      %ge3A_2593 = vector.broadcast %squeeze3A_2592 : i32 to vector<16xi32>
      %ge3A_2594 = arith.cmpi sge, %mul3A_2441, %ge3A_2593 : vector<16xi32>
      %convert_element_type3A_2595 = arith.extui %ge3A_2594 : vector<16xi1> to vector<16xi32>
      %add3A_2596 = arith.addi %add3A_2590, %convert_element_type3A_2595 : vector<16xi32>
      %slice3A_2597 = vector.extract_strided_slice %get3A_2428 {offsets = [10], sizes = [1], strides = [1]} : vector<16xi32> to vector<1xi32>
      %squeeze3A_2598 = vector.extract %slice3A_2597[0] : i32 from vector<1xi32>
      %ge3A_2599 = vector.broadcast %squeeze3A_2598 : i32 to vector<16xi32>
      %ge3A_2600 = arith.cmpi sge, %mul3A_2441, %ge3A_2599 : vector<16xi32>
      %convert_element_type3A_2601 = arith.extui %ge3A_2600 : vector<16xi1> to vector<16xi32>
      %add3A_2602 = arith.addi %add3A_2596, %convert_element_type3A_2601 : vector<16xi32>
      %slice3A_2603 = vector.extract_strided_slice %get3A_2428 {offsets = [11], sizes = [1], strides = [1]} : vector<16xi32> to vector<1xi32>
      %squeeze3A_2604 = vector.extract %slice3A_2603[0] : i32 from vector<1xi32>
      %ge3A_2605 = vector.broadcast %squeeze3A_2604 : i32 to vector<16xi32>
      %ge3A_2606 = arith.cmpi sge, %mul3A_2441, %ge3A_2605 : vector<16xi32>
      %convert_element_type3A_2607 = arith.extui %ge3A_2606 : vector<16xi1> to vector<16xi32>
      %add3A_2608 = arith.addi %add3A_2602, %convert_element_type3A_2607 : vector<16xi32>
      %slice3A_2609 = vector.extract_strided_slice %get3A_2428 {offsets = [12], sizes = [1], strides = [1]} : vector<16xi32> to vector<1xi32>
      %squeeze3A_2610 = vector.extract %slice3A_2609[0] : i32 from vector<1xi32>
      %ge3A_2611 = vector.broadcast %squeeze3A_2610 : i32 to vector<16xi32>
      %ge3A_2612 = arith.cmpi sge, %mul3A_2441, %ge3A_2611 : vector<16xi32>
      %convert_element_type3A_2613 = arith.extui %ge3A_2612 : vector<16xi1> to vector<16xi32>
      %add3A_2614 = arith.addi %add3A_2608, %convert_element_type3A_2613 : vector<16xi32>
      %slice3A_2615 = vector.extract_strided_slice %get3A_2428 {offsets = [13], sizes = [1], strides = [1]} : vector<16xi32> to vector<1xi32>
      %squeeze3A_2616 = vector.extract %slice3A_2615[0] : i32 from vector<1xi32>
      %ge3A_2617 = vector.broadcast %squeeze3A_2616 : i32 to vector<16xi32>
      %ge3A_2618 = arith.cmpi sge, %mul3A_2441, %ge3A_2617 : vector<16xi32>
      %convert_element_type3A_2619 = arith.extui %ge3A_2618 : vector<16xi1> to vector<16xi32>
      %add3A_2620 = arith.addi %add3A_2614, %convert_element_type3A_2619 : vector<16xi32>
      %slice3A_2621 = vector.extract_strided_slice %get3A_2428 {offsets = [14], sizes = [1], strides = [1]} : vector<16xi32> to vector<1xi32>
      %squeeze3A_2622 = vector.extract %slice3A_2621[0] : i32 from vector<1xi32>
      %ge3A_2623 = vector.broadcast %squeeze3A_2622 : i32 to vector<16xi32>
      %ge3A_2624 = arith.cmpi sge, %mul3A_2441, %ge3A_2623 : vector<16xi32>
      %convert_element_type3A_2625 = arith.extui %ge3A_2624 : vector<16xi1> to vector<16xi32>
      %add3A_2626 = arith.addi %add3A_2620, %convert_element_type3A_2625 : vector<16xi32>
      %slice3A_2627 = vector.extract_strided_slice %get3A_2428 {offsets = [15], sizes = [1], strides = [1]} : vector<16xi32> to vector<1xi32>
      %squeeze3A_2628 = vector.extract %slice3A_2627[0] : i32 from vector<1xi32>
      %ge3A_2629 = vector.broadcast %squeeze3A_2628 : i32 to vector<16xi32>
      %ge3A_2630 = arith.cmpi sge, %mul3A_2441, %ge3A_2629 : vector<16xi32>
      %convert_element_type3A_2631 = arith.extui %ge3A_2630 : vector<16xi1> to vector<16xi32>
      %add3A_2632 = arith.addi %add3A_2626, %convert_element_type3A_2631 : vector<16xi32>
      %slice3A_2633 = vector.extract_strided_slice %get3A_2430 {offsets = [0], sizes = [1], strides = [1]} : vector<16xi32> to vector<1xi32>
      %squeeze3A_2634 = vector.extract %slice3A_2633[0] : i32 from vector<1xi32>
      %ge3A_2635 = vector.broadcast %squeeze3A_2634 : i32 to vector<16xi32>
      %ge3A_2636 = arith.cmpi sge, %mul3A_2441, %ge3A_2635 : vector<16xi32>
      %convert_element_type3A_2637 = arith.extui %ge3A_2636 : vector<16xi1> to vector<16xi32>
      %add3A_2638 = arith.addi %add3A_2632, %convert_element_type3A_2637 : vector<16xi32>
      %slice3A_2639 = vector.extract_strided_slice %get3A_2430 {offsets = [1], sizes = [1], strides = [1]} : vector<16xi32> to vector<1xi32>
      %squeeze3A_2640 = vector.extract %slice3A_2639[0] : i32 from vector<1xi32>
      %ge3A_2641 = vector.broadcast %squeeze3A_2640 : i32 to vector<16xi32>
      %ge3A_2642 = arith.cmpi sge, %mul3A_2441, %ge3A_2641 : vector<16xi32>
      %convert_element_type3A_2643 = arith.extui %ge3A_2642 : vector<16xi1> to vector<16xi32>
      %add3A_2644 = arith.addi %add3A_2638, %convert_element_type3A_2643 : vector<16xi32>
      %slice3A_2645 = vector.extract_strided_slice %get3A_2430 {offsets = [2], sizes = [1], strides = [1]} : vector<16xi32> to vector<1xi32>
      %squeeze3A_2646 = vector.extract %slice3A_2645[0] : i32 from vector<1xi32>
      %ge3A_2647 = vector.broadcast %squeeze3A_2646 : i32 to vector<16xi32>
      %ge3A_2648 = arith.cmpi sge, %mul3A_2441, %ge3A_2647 : vector<16xi32>
      %convert_element_type3A_2649 = arith.extui %ge3A_2648 : vector<16xi1> to vector<16xi32>
      %add3A_2650 = arith.addi %add3A_2644, %convert_element_type3A_2649 : vector<16xi32>
      %slice3A_2651 = vector.extract_strided_slice %get3A_2430 {offsets = [3], sizes = [1], strides = [1]} : vector<16xi32> to vector<1xi32>
      %squeeze3A_2652 = vector.extract %slice3A_2651[0] : i32 from vector<1xi32>
      %ge3A_2653 = vector.broadcast %squeeze3A_2652 : i32 to vector<16xi32>
      %ge3A_2654 = arith.cmpi sge, %mul3A_2441, %ge3A_2653 : vector<16xi32>
      %convert_element_type3A_2655 = arith.extui %ge3A_2654 : vector<16xi1> to vector<16xi32>
      %add3A_2656 = arith.addi %add3A_2650, %convert_element_type3A_2655 : vector<16xi32>
      %slice3A_2657 = vector.extract_strided_slice %get3A_2430 {offsets = [4], sizes = [1], strides = [1]} : vector<16xi32> to vector<1xi32>
      %squeeze3A_2658 = vector.extract %slice3A_2657[0] : i32 from vector<1xi32>
      %ge3A_2659 = vector.broadcast %squeeze3A_2658 : i32 to vector<16xi32>
      %ge3A_2660 = arith.cmpi sge, %mul3A_2441, %ge3A_2659 : vector<16xi32>
      %convert_element_type3A_2661 = arith.extui %ge3A_2660 : vector<16xi1> to vector<16xi32>
      %add3A_2662 = arith.addi %add3A_2656, %convert_element_type3A_2661 : vector<16xi32>
      %slice3A_2663 = vector.extract_strided_slice %get3A_2430 {offsets = [5], sizes = [1], strides = [1]} : vector<16xi32> to vector<1xi32>
      %squeeze3A_2664 = vector.extract %slice3A_2663[0] : i32 from vector<1xi32>
      %ge3A_2665 = vector.broadcast %squeeze3A_2664 : i32 to vector<16xi32>
      %ge3A_2666 = arith.cmpi sge, %mul3A_2441, %ge3A_2665 : vector<16xi32>
      %convert_element_type3A_2667 = arith.extui %ge3A_2666 : vector<16xi1> to vector<16xi32>
      %add3A_2668 = arith.addi %add3A_2662, %convert_element_type3A_2667 : vector<16xi32>
      %slice3A_2669 = vector.extract_strided_slice %get3A_2430 {offsets = [6], sizes = [1], strides = [1]} : vector<16xi32> to vector<1xi32>
      %squeeze3A_2670 = vector.extract %slice3A_2669[0] : i32 from vector<1xi32>
      %ge3A_2671 = vector.broadcast %squeeze3A_2670 : i32 to vector<16xi32>
      %ge3A_2672 = arith.cmpi sge, %mul3A_2441, %ge3A_2671 : vector<16xi32>
      %convert_element_type3A_2673 = arith.extui %ge3A_2672 : vector<16xi1> to vector<16xi32>
      %add3A_2674 = arith.addi %add3A_2668, %convert_element_type3A_2673 : vector<16xi32>
      %slice3A_2675 = vector.extract_strided_slice %get3A_2430 {offsets = [7], sizes = [1], strides = [1]} : vector<16xi32> to vector<1xi32>
      %squeeze3A_2676 = vector.extract %slice3A_2675[0] : i32 from vector<1xi32>
      %ge3A_2677 = vector.broadcast %squeeze3A_2676 : i32 to vector<16xi32>
      %ge3A_2678 = arith.cmpi sge, %mul3A_2441, %ge3A_2677 : vector<16xi32>
      %convert_element_type3A_2679 = arith.extui %ge3A_2678 : vector<16xi1> to vector<16xi32>
      %add3A_2680 = arith.addi %add3A_2674, %convert_element_type3A_2679 : vector<16xi32>
      %slice3A_2681 = vector.extract_strided_slice %get3A_2430 {offsets = [8], sizes = [1], strides = [1]} : vector<16xi32> to vector<1xi32>
      %squeeze3A_2682 = vector.extract %slice3A_2681[0] : i32 from vector<1xi32>
      %ge3A_2683 = vector.broadcast %squeeze3A_2682 : i32 to vector<16xi32>
      %ge3A_2684 = arith.cmpi sge, %mul3A_2441, %ge3A_2683 : vector<16xi32>
      %convert_element_type3A_2685 = arith.extui %ge3A_2684 : vector<16xi1> to vector<16xi32>
      %add3A_2686 = arith.addi %add3A_2680, %convert_element_type3A_2685 : vector<16xi32>
      %slice3A_2687 = vector.extract_strided_slice %get3A_2430 {offsets = [9], sizes = [1], strides = [1]} : vector<16xi32> to vector<1xi32>
      %squeeze3A_2688 = vector.extract %slice3A_2687[0] : i32 from vector<1xi32>
      %ge3A_2689 = vector.broadcast %squeeze3A_2688 : i32 to vector<16xi32>
      %ge3A_2690 = arith.cmpi sge, %mul3A_2441, %ge3A_2689 : vector<16xi32>
      %convert_element_type3A_2691 = arith.extui %ge3A_2690 : vector<16xi1> to vector<16xi32>
      %add3A_2692 = arith.addi %add3A_2686, %convert_element_type3A_2691 : vector<16xi32>
      %slice3A_2693 = vector.extract_strided_slice %get3A_2430 {offsets = [10], sizes = [1], strides = [1]} : vector<16xi32> to vector<1xi32>
      %squeeze3A_2694 = vector.extract %slice3A_2693[0] : i32 from vector<1xi32>
      %ge3A_2695 = vector.broadcast %squeeze3A_2694 : i32 to vector<16xi32>
      %ge3A_2696 = arith.cmpi sge, %mul3A_2441, %ge3A_2695 : vector<16xi32>
      %convert_element_type3A_2697 = arith.extui %ge3A_2696 : vector<16xi1> to vector<16xi32>
      %add3A_2698 = arith.addi %add3A_2692, %convert_element_type3A_2697 : vector<16xi32>
      %slice3A_2699 = vector.extract_strided_slice %get3A_2430 {offsets = [11], sizes = [1], strides = [1]} : vector<16xi32> to vector<1xi32>
      %squeeze3A_2700 = vector.extract %slice3A_2699[0] : i32 from vector<1xi32>
      %ge3A_2701 = vector.broadcast %squeeze3A_2700 : i32 to vector<16xi32>
      %ge3A_2702 = arith.cmpi sge, %mul3A_2441, %ge3A_2701 : vector<16xi32>
      %convert_element_type3A_2703 = arith.extui %ge3A_2702 : vector<16xi1> to vector<16xi32>
      %add3A_2704 = arith.addi %add3A_2698, %convert_element_type3A_2703 : vector<16xi32>
      %slice3A_2705 = vector.extract_strided_slice %get3A_2430 {offsets = [12], sizes = [1], strides = [1]} : vector<16xi32> to vector<1xi32>
      %squeeze3A_2706 = vector.extract %slice3A_2705[0] : i32 from vector<1xi32>
      %ge3A_2707 = vector.broadcast %squeeze3A_2706 : i32 to vector<16xi32>
      %ge3A_2708 = arith.cmpi sge, %mul3A_2441, %ge3A_2707 : vector<16xi32>
      %convert_element_type3A_2709 = arith.extui %ge3A_2708 : vector<16xi1> to vector<16xi32>
      %add3A_2710 = arith.addi %add3A_2704, %convert_element_type3A_2709 : vector<16xi32>
      %slice3A_2711 = vector.extract_strided_slice %get3A_2430 {offsets = [13], sizes = [1], strides = [1]} : vector<16xi32> to vector<1xi32>
      %squeeze3A_2712 = vector.extract %slice3A_2711[0] : i32 from vector<1xi32>
      %ge3A_2713 = vector.broadcast %squeeze3A_2712 : i32 to vector<16xi32>
      %ge3A_2714 = arith.cmpi sge, %mul3A_2441, %ge3A_2713 : vector<16xi32>
      %convert_element_type3A_2715 = arith.extui %ge3A_2714 : vector<16xi1> to vector<16xi32>
      %add3A_2716 = arith.addi %add3A_2710, %convert_element_type3A_2715 : vector<16xi32>
      %slice3A_2717 = vector.extract_strided_slice %get3A_2430 {offsets = [14], sizes = [1], strides = [1]} : vector<16xi32> to vector<1xi32>
      %squeeze3A_2718 = vector.extract %slice3A_2717[0] : i32 from vector<1xi32>
      %ge3A_2719 = vector.broadcast %squeeze3A_2718 : i32 to vector<16xi32>
      %ge3A_2720 = arith.cmpi sge, %mul3A_2441, %ge3A_2719 : vector<16xi32>
      %convert_element_type3A_2721 = arith.extui %ge3A_2720 : vector<16xi1> to vector<16xi32>
      %add3A_2722 = arith.addi %add3A_2716, %convert_element_type3A_2721 : vector<16xi32>
      %slice3A_2723 = vector.extract_strided_slice %get3A_2430 {offsets = [15], sizes = [1], strides = [1]} : vector<16xi32> to vector<1xi32>
      %squeeze3A_2724 = vector.extract %slice3A_2723[0] : i32 from vector<1xi32>
      %ge3A_2725 = vector.broadcast %squeeze3A_2724 : i32 to vector<16xi32>
      %ge3A_2726 = arith.cmpi sge, %mul3A_2441, %ge3A_2725 : vector<16xi32>
      %convert_element_type3A_2727 = arith.extui %ge3A_2726 : vector<16xi1> to vector<16xi32>
      %add3A_2728 = arith.addi %add3A_2722, %convert_element_type3A_2727 : vector<16xi32>
      %slice3A_2729 = vector.extract_strided_slice %get3A_2432 {offsets = [0], sizes = [1], strides = [1]} : vector<16xi32> to vector<1xi32>
      %squeeze3A_2730 = vector.extract %slice3A_2729[0] : i32 from vector<1xi32>
      %ge3A_2731 = vector.broadcast %squeeze3A_2730 : i32 to vector<16xi32>
      %ge3A_2732 = arith.cmpi sge, %mul3A_2441, %ge3A_2731 : vector<16xi32>
      %convert_element_type3A_2733 = arith.extui %ge3A_2732 : vector<16xi1> to vector<16xi32>
      %add3A_2734 = arith.addi %add3A_2728, %convert_element_type3A_2733 : vector<16xi32>
      %slice3A_2735 = vector.extract_strided_slice %get3A_2432 {offsets = [1], sizes = [1], strides = [1]} : vector<16xi32> to vector<1xi32>
      %squeeze3A_2736 = vector.extract %slice3A_2735[0] : i32 from vector<1xi32>
      %ge3A_2737 = vector.broadcast %squeeze3A_2736 : i32 to vector<16xi32>
      %ge3A_2738 = arith.cmpi sge, %mul3A_2441, %ge3A_2737 : vector<16xi32>
      %convert_element_type3A_2739 = arith.extui %ge3A_2738 : vector<16xi1> to vector<16xi32>
      %add3A_2740 = arith.addi %add3A_2734, %convert_element_type3A_2739 : vector<16xi32>
      %slice3A_2741 = vector.extract_strided_slice %get3A_2432 {offsets = [2], sizes = [1], strides = [1]} : vector<16xi32> to vector<1xi32>
      %squeeze3A_2742 = vector.extract %slice3A_2741[0] : i32 from vector<1xi32>
      %ge3A_2743 = vector.broadcast %squeeze3A_2742 : i32 to vector<16xi32>
      %ge3A_2744 = arith.cmpi sge, %mul3A_2441, %ge3A_2743 : vector<16xi32>
      %convert_element_type3A_2745 = arith.extui %ge3A_2744 : vector<16xi1> to vector<16xi32>
      %add3A_2746 = arith.addi %add3A_2740, %convert_element_type3A_2745 : vector<16xi32>
      %slice3A_2747 = vector.extract_strided_slice %get3A_2432 {offsets = [3], sizes = [1], strides = [1]} : vector<16xi32> to vector<1xi32>
      %squeeze3A_2748 = vector.extract %slice3A_2747[0] : i32 from vector<1xi32>
      %ge3A_2749 = vector.broadcast %squeeze3A_2748 : i32 to vector<16xi32>
      %ge3A_2750 = arith.cmpi sge, %mul3A_2441, %ge3A_2749 : vector<16xi32>
      %convert_element_type3A_2751 = arith.extui %ge3A_2750 : vector<16xi1> to vector<16xi32>
      %add3A_2752 = arith.addi %add3A_2746, %convert_element_type3A_2751 : vector<16xi32>
      %slice3A_2753 = vector.extract_strided_slice %get3A_2432 {offsets = [4], sizes = [1], strides = [1]} : vector<16xi32> to vector<1xi32>
      %squeeze3A_2754 = vector.extract %slice3A_2753[0] : i32 from vector<1xi32>
      %ge3A_2755 = vector.broadcast %squeeze3A_2754 : i32 to vector<16xi32>
      %ge3A_2756 = arith.cmpi sge, %mul3A_2441, %ge3A_2755 : vector<16xi32>
      %convert_element_type3A_2757 = arith.extui %ge3A_2756 : vector<16xi1> to vector<16xi32>
      %add3A_2758 = arith.addi %add3A_2752, %convert_element_type3A_2757 : vector<16xi32>
      %slice3A_2759 = vector.extract_strided_slice %get3A_2432 {offsets = [5], sizes = [1], strides = [1]} : vector<16xi32> to vector<1xi32>
      %squeeze3A_2760 = vector.extract %slice3A_2759[0] : i32 from vector<1xi32>
      %ge3A_2761 = vector.broadcast %squeeze3A_2760 : i32 to vector<16xi32>
      %ge3A_2762 = arith.cmpi sge, %mul3A_2441, %ge3A_2761 : vector<16xi32>
      %convert_element_type3A_2763 = arith.extui %ge3A_2762 : vector<16xi1> to vector<16xi32>
      %add3A_2764 = arith.addi %add3A_2758, %convert_element_type3A_2763 : vector<16xi32>
      %slice3A_2765 = vector.extract_strided_slice %get3A_2432 {offsets = [6], sizes = [1], strides = [1]} : vector<16xi32> to vector<1xi32>
      %squeeze3A_2766 = vector.extract %slice3A_2765[0] : i32 from vector<1xi32>
      %ge3A_2767 = vector.broadcast %squeeze3A_2766 : i32 to vector<16xi32>
      %ge3A_2768 = arith.cmpi sge, %mul3A_2441, %ge3A_2767 : vector<16xi32>
      %convert_element_type3A_2769 = arith.extui %ge3A_2768 : vector<16xi1> to vector<16xi32>
      %add3A_2770 = arith.addi %add3A_2764, %convert_element_type3A_2769 : vector<16xi32>
      %slice3A_2771 = vector.extract_strided_slice %get3A_2432 {offsets = [7], sizes = [1], strides = [1]} : vector<16xi32> to vector<1xi32>
      %squeeze3A_2772 = vector.extract %slice3A_2771[0] : i32 from vector<1xi32>
      %ge3A_2773 = vector.broadcast %squeeze3A_2772 : i32 to vector<16xi32>
      %ge3A_2774 = arith.cmpi sge, %mul3A_2441, %ge3A_2773 : vector<16xi32>
      %convert_element_type3A_2775 = arith.extui %ge3A_2774 : vector<16xi1> to vector<16xi32>
      %add3A_2776 = arith.addi %add3A_2770, %convert_element_type3A_2775 : vector<16xi32>
      %slice3A_2777 = vector.extract_strided_slice %get3A_2432 {offsets = [8], sizes = [1], strides = [1]} : vector<16xi32> to vector<1xi32>
      %squeeze3A_2778 = vector.extract %slice3A_2777[0] : i32 from vector<1xi32>
      %ge3A_2779 = vector.broadcast %squeeze3A_2778 : i32 to vector<16xi32>
      %ge3A_2780 = arith.cmpi sge, %mul3A_2441, %ge3A_2779 : vector<16xi32>
      %convert_element_type3A_2781 = arith.extui %ge3A_2780 : vector<16xi1> to vector<16xi32>
      %add3A_2782 = arith.addi %add3A_2776, %convert_element_type3A_2781 : vector<16xi32>
      %slice3A_2783 = vector.extract_strided_slice %get3A_2432 {offsets = [9], sizes = [1], strides = [1]} : vector<16xi32> to vector<1xi32>
      %squeeze3A_2784 = vector.extract %slice3A_2783[0] : i32 from vector<1xi32>
      %ge3A_2785 = vector.broadcast %squeeze3A_2784 : i32 to vector<16xi32>
      %ge3A_2786 = arith.cmpi sge, %mul3A_2441, %ge3A_2785 : vector<16xi32>
      %convert_element_type3A_2787 = arith.extui %ge3A_2786 : vector<16xi1> to vector<16xi32>
      %add3A_2788 = arith.addi %add3A_2782, %convert_element_type3A_2787 : vector<16xi32>
      %slice3A_2789 = vector.extract_strided_slice %get3A_2432 {offsets = [10], sizes = [1], strides = [1]} : vector<16xi32> to vector<1xi32>
      %squeeze3A_2790 = vector.extract %slice3A_2789[0] : i32 from vector<1xi32>
      %ge3A_2791 = vector.broadcast %squeeze3A_2790 : i32 to vector<16xi32>
      %ge3A_2792 = arith.cmpi sge, %mul3A_2441, %ge3A_2791 : vector<16xi32>
      %convert_element_type3A_2793 = arith.extui %ge3A_2792 : vector<16xi1> to vector<16xi32>
      %add3A_2794 = arith.addi %add3A_2788, %convert_element_type3A_2793 : vector<16xi32>
      %slice3A_2795 = vector.extract_strided_slice %get3A_2432 {offsets = [11], sizes = [1], strides = [1]} : vector<16xi32> to vector<1xi32>
      %squeeze3A_2796 = vector.extract %slice3A_2795[0] : i32 from vector<1xi32>
      %ge3A_2797 = vector.broadcast %squeeze3A_2796 : i32 to vector<16xi32>
      %ge3A_2798 = arith.cmpi sge, %mul3A_2441, %ge3A_2797 : vector<16xi32>
      %convert_element_type3A_2799 = arith.extui %ge3A_2798 : vector<16xi1> to vector<16xi32>
      %add3A_2800 = arith.addi %add3A_2794, %convert_element_type3A_2799 : vector<16xi32>
      %slice3A_2801 = vector.extract_strided_slice %get3A_2432 {offsets = [12], sizes = [1], strides = [1]} : vector<16xi32> to vector<1xi32>
      %squeeze3A_2802 = vector.extract %slice3A_2801[0] : i32 from vector<1xi32>
      %ge3A_2803 = vector.broadcast %squeeze3A_2802 : i32 to vector<16xi32>
      %ge3A_2804 = arith.cmpi sge, %mul3A_2441, %ge3A_2803 : vector<16xi32>
      %convert_element_type3A_2805 = arith.extui %ge3A_2804 : vector<16xi1> to vector<16xi32>
      %add3A_2806 = arith.addi %add3A_2800, %convert_element_type3A_2805 : vector<16xi32>
      %slice3A_2807 = vector.extract_strided_slice %get3A_2432 {offsets = [13], sizes = [1], strides = [1]} : vector<16xi32> to vector<1xi32>
      %squeeze3A_2808 = vector.extract %slice3A_2807[0] : i32 from vector<1xi32>
      %ge3A_2809 = vector.broadcast %squeeze3A_2808 : i32 to vector<16xi32>
      %ge3A_2810 = arith.cmpi sge, %mul3A_2441, %ge3A_2809 : vector<16xi32>
      %convert_element_type3A_2811 = arith.extui %ge3A_2810 : vector<16xi1> to vector<16xi32>
      %add3A_2812 = arith.addi %add3A_2806, %convert_element_type3A_2811 : vector<16xi32>
      %slice3A_2813 = vector.extract_strided_slice %get3A_2432 {offsets = [14], sizes = [1], strides = [1]} : vector<16xi32> to vector<1xi32>
      %squeeze3A_2814 = vector.extract %slice3A_2813[0] : i32 from vector<1xi32>
      %ge3A_2815 = vector.broadcast %squeeze3A_2814 : i32 to vector<16xi32>
      %ge3A_2816 = arith.cmpi sge, %mul3A_2441, %ge3A_2815 : vector<16xi32>
      %convert_element_type3A_2817 = arith.extui %ge3A_2816 : vector<16xi1> to vector<16xi32>
      %add3A_2818 = arith.addi %add3A_2812, %convert_element_type3A_2817 : vector<16xi32>
      %slice3A_2819 = vector.extract_strided_slice %get3A_2432 {offsets = [15], sizes = [1], strides = [1]} : vector<16xi32> to vector<1xi32>
      %squeeze3A_2820 = vector.extract %slice3A_2819[0] : i32 from vector<1xi32>
      %ge3A_2821 = vector.broadcast %squeeze3A_2820 : i32 to vector<16xi32>
      %ge3A_2822 = arith.cmpi sge, %mul3A_2441, %ge3A_2821 : vector<16xi32>
      %convert_element_type3A_2823 = arith.extui %ge3A_2822 : vector<16xi1> to vector<16xi32>
      %add3A_2824 = arith.addi %add3A_2818, %convert_element_type3A_2823 : vector<16xi32>
      %lt3A_2825 = vector.broadcast %add3A_2080 : i32 to vector<16xi32>
      %lt3A_2826 = arith.cmpi slt, %mul3A_2441, %lt3A_2825 : vector<16xi32>
      %broadcast_in_dim3A_2827 = arith.constant 0 : i32
      %broadcast_in_dim3A_2828 = vector.broadcast %broadcast_in_dim3A_2827 : i32 to vector<16xi32>
      %select_n3A_2829 = arith.select %lt3A_2826, %add3A_2824, %broadcast_in_dim3A_2828 : vector<16xi1>, vector<16xi32>
      %swap3A_2830 = arith.constant 0 : index
      %swap3A_2831 = tpu.vector_load %arg17[%swap3A_2830] {strides = array<i32>} : memref<32xi32, #tpu.memory_space<vmem>>, vector<16xi32>,
      tpu.vector_store %arg17[%swap3A_2830], %select_n3A_2829 {strides = array<i32>} : memref<32xi32, #tpu.memory_space<vmem>>, vector<16xi32>,
      %mul3A_2832 = arith.constant 32 : i32
      %mul3A_2833 = arith.muli %arg1, %mul3A_2832 : i32
      %add3A_2834 = arith.constant 16 : i32
      %add3A_2835 = arith.addi %mul3A_2833, %add3A_2834 : i32
      %add3A_2836 = vector.broadcast %add3A_2835 : i32 to vector<16xi32>
      %add3A_2837 = arith.addi %add3A_2836, %iota3A : vector<16xi32>
      %mul3A_2838 = arith.constant 128 : i32
      %mul3A_2839 = vector.broadcast %mul3A_2838 : i32 to vector<16xi32>
      %mul3A_2840 = arith.muli %add3A_2837, %mul3A_2839 : vector<16xi32>
      %broadcast_in_dim3A_2841 = arith.constant 0 : i32
      %broadcast_in_dim3A_2842 = vector.broadcast %broadcast_in_dim3A_2841 : i32 to vector<16xi32>
      %slice3A_2843 = vector.extract_strided_slice %get3A_2426 {offsets = [0], sizes = [1], strides = [1]} : vector<16xi32> to vector<1xi32>
      %squeeze3A_2844 = vector.extract %slice3A_2843[0] : i32 from vector<1xi32>
      %ge3A_2845 = vector.broadcast %squeeze3A_2844 : i32 to vector<16xi32>
      %ge3A_2846 = arith.cmpi sge, %mul3A_2840, %ge3A_2845 : vector<16xi32>
      %convert_element_type3A_2847 = arith.extui %ge3A_2846 : vector<16xi1> to vector<16xi32>
      %add3A_2848 = arith.addi %broadcast_in_dim3A_2842, %convert_element_type3A_2847 : vector<16xi32>
      %slice3A_2849 = vector.extract_strided_slice %get3A_2426 {offsets = [1], sizes = [1], strides = [1]} : vector<16xi32> to vector<1xi32>
      %squeeze3A_2850 = vector.extract %slice3A_2849[0] : i32 from vector<1xi32>
      %ge3A_2851 = vector.broadcast %squeeze3A_2850 : i32 to vector<16xi32>
      %ge3A_2852 = arith.cmpi sge, %mul3A_2840, %ge3A_2851 : vector<16xi32>
      %convert_element_type3A_2853 = arith.extui %ge3A_2852 : vector<16xi1> to vector<16xi32>
      %add3A_2854 = arith.addi %add3A_2848, %convert_element_type3A_2853 : vector<16xi32>
      %slice3A_2855 = vector.extract_strided_slice %get3A_2426 {offsets = [2], sizes = [1], strides = [1]} : vector<16xi32> to vector<1xi32>
      %squeeze3A_2856 = vector.extract %slice3A_2855[0] : i32 from vector<1xi32>
      %ge3A_2857 = vector.broadcast %squeeze3A_2856 : i32 to vector<16xi32>
      %ge3A_2858 = arith.cmpi sge, %mul3A_2840, %ge3A_2857 : vector<16xi32>
      %convert_element_type3A_2859 = arith.extui %ge3A_2858 : vector<16xi1> to vector<16xi32>
      %add3A_2860 = arith.addi %add3A_2854, %convert_element_type3A_2859 : vector<16xi32>
      %slice3A_2861 = vector.extract_strided_slice %get3A_2426 {offsets = [3], sizes = [1], strides = [1]} : vector<16xi32> to vector<1xi32>
      %squeeze3A_2862 = vector.extract %slice3A_2861[0] : i32 from vector<1xi32>
      %ge3A_2863 = vector.broadcast %squeeze3A_2862 : i32 to vector<16xi32>
      %ge3A_2864 = arith.cmpi sge, %mul3A_2840, %ge3A_2863 : vector<16xi32>
      %convert_element_type3A_2865 = arith.extui %ge3A_2864 : vector<16xi1> to vector<16xi32>
      %add3A_2866 = arith.addi %add3A_2860, %convert_element_type3A_2865 : vector<16xi32>
      %slice3A_2867 = vector.extract_strided_slice %get3A_2426 {offsets = [4], sizes = [1], strides = [1]} : vector<16xi32> to vector<1xi32>
      %squeeze3A_2868 = vector.extract %slice3A_2867[0] : i32 from vector<1xi32>
      %ge3A_2869 = vector.broadcast %squeeze3A_2868 : i32 to vector<16xi32>
      %ge3A_2870 = arith.cmpi sge, %mul3A_2840, %ge3A_2869 : vector<16xi32>
      %convert_element_type3A_2871 = arith.extui %ge3A_2870 : vector<16xi1> to vector<16xi32>
      %add3A_2872 = arith.addi %add3A_2866, %convert_element_type3A_2871 : vector<16xi32>
      %slice3A_2873 = vector.extract_strided_slice %get3A_2426 {offsets = [5], sizes = [1], strides = [1]} : vector<16xi32> to vector<1xi32>
      %squeeze3A_2874 = vector.extract %slice3A_2873[0] : i32 from vector<1xi32>
      %ge3A_2875 = vector.broadcast %squeeze3A_2874 : i32 to vector<16xi32>
      %ge3A_2876 = arith.cmpi sge, %mul3A_2840, %ge3A_2875 : vector<16xi32>
      %convert_element_type3A_2877 = arith.extui %ge3A_2876 : vector<16xi1> to vector<16xi32>
      %add3A_2878 = arith.addi %add3A_2872, %convert_element_type3A_2877 : vector<16xi32>
      %slice3A_2879 = vector.extract_strided_slice %get3A_2426 {offsets = [6], sizes = [1], strides = [1]} : vector<16xi32> to vector<1xi32>
      %squeeze3A_2880 = vector.extract %slice3A_2879[0] : i32 from vector<1xi32>
      %ge3A_2881 = vector.broadcast %squeeze3A_2880 : i32 to vector<16xi32>
      %ge3A_2882 = arith.cmpi sge, %mul3A_2840, %ge3A_2881 : vector<16xi32>
      %convert_element_type3A_2883 = arith.extui %ge3A_2882 : vector<16xi1> to vector<16xi32>
      %add3A_2884 = arith.addi %add3A_2878, %convert_element_type3A_2883 : vector<16xi32>
      %slice3A_2885 = vector.extract_strided_slice %get3A_2426 {offsets = [7], sizes = [1], strides = [1]} : vector<16xi32> to vector<1xi32>
      %squeeze3A_2886 = vector.extract %slice3A_2885[0] : i32 from vector<1xi32>
      %ge3A_2887 = vector.broadcast %squeeze3A_2886 : i32 to vector<16xi32>
      %ge3A_2888 = arith.cmpi sge, %mul3A_2840, %ge3A_2887 : vector<16xi32>
      %convert_element_type3A_2889 = arith.extui %ge3A_2888 : vector<16xi1> to vector<16xi32>
      %add3A_2890 = arith.addi %add3A_2884, %convert_element_type3A_2889 : vector<16xi32>
      %slice3A_2891 = vector.extract_strided_slice %get3A_2426 {offsets = [8], sizes = [1], strides = [1]} : vector<16xi32> to vector<1xi32>
      %squeeze3A_2892 = vector.extract %slice3A_2891[0] : i32 from vector<1xi32>
      %ge3A_2893 = vector.broadcast %squeeze3A_2892 : i32 to vector<16xi32>
      %ge3A_2894 = arith.cmpi sge, %mul3A_2840, %ge3A_2893 : vector<16xi32>
      %convert_element_type3A_2895 = arith.extui %ge3A_2894 : vector<16xi1> to vector<16xi32>
      %add3A_2896 = arith.addi %add3A_2890, %convert_element_type3A_2895 : vector<16xi32>
      %slice3A_2897 = vector.extract_strided_slice %get3A_2426 {offsets = [9], sizes = [1], strides = [1]} : vector<16xi32> to vector<1xi32>
      %squeeze3A_2898 = vector.extract %slice3A_2897[0] : i32 from vector<1xi32>
      %ge3A_2899 = vector.broadcast %squeeze3A_2898 : i32 to vector<16xi32>
      %ge3A_2900 = arith.cmpi sge, %mul3A_2840, %ge3A_2899 : vector<16xi32>
      %convert_element_type3A_2901 = arith.extui %ge3A_2900 : vector<16xi1> to vector<16xi32>
      %add3A_2902 = arith.addi %add3A_2896, %convert_element_type3A_2901 : vector<16xi32>
      %slice3A_2903 = vector.extract_strided_slice %get3A_2426 {offsets = [10], sizes = [1], strides = [1]} : vector<16xi32> to vector<1xi32>
      %squeeze3A_2904 = vector.extract %slice3A_2903[0] : i32 from vector<1xi32>
      %ge3A_2905 = vector.broadcast %squeeze3A_2904 : i32 to vector<16xi32>
      %ge3A_2906 = arith.cmpi sge, %mul3A_2840, %ge3A_2905 : vector<16xi32>
      %convert_element_type3A_2907 = arith.extui %ge3A_2906 : vector<16xi1> to vector<16xi32>
      %add3A_2908 = arith.addi %add3A_2902, %convert_element_type3A_2907 : vector<16xi32>
      %slice3A_2909 = vector.extract_strided_slice %get3A_2426 {offsets = [11], sizes = [1], strides = [1]} : vector<16xi32> to vector<1xi32>
      %squeeze3A_2910 = vector.extract %slice3A_2909[0] : i32 from vector<1xi32>
      %ge3A_2911 = vector.broadcast %squeeze3A_2910 : i32 to vector<16xi32>
      %ge3A_2912 = arith.cmpi sge, %mul3A_2840, %ge3A_2911 : vector<16xi32>
      %convert_element_type3A_2913 = arith.extui %ge3A_2912 : vector<16xi1> to vector<16xi32>
      %add3A_2914 = arith.addi %add3A_2908, %convert_element_type3A_2913 : vector<16xi32>
      %slice3A_2915 = vector.extract_strided_slice %get3A_2426 {offsets = [12], sizes = [1], strides = [1]} : vector<16xi32> to vector<1xi32>
      %squeeze3A_2916 = vector.extract %slice3A_2915[0] : i32 from vector<1xi32>
      %ge3A_2917 = vector.broadcast %squeeze3A_2916 : i32 to vector<16xi32>
      %ge3A_2918 = arith.cmpi sge, %mul3A_2840, %ge3A_2917 : vector<16xi32>
      %convert_element_type3A_2919 = arith.extui %ge3A_2918 : vector<16xi1> to vector<16xi32>
      %add3A_2920 = arith.addi %add3A_2914, %convert_element_type3A_2919 : vector<16xi32>
      %slice3A_2921 = vector.extract_strided_slice %get3A_2426 {offsets = [13], sizes = [1], strides = [1]} : vector<16xi32> to vector<1xi32>
      %squeeze3A_2922 = vector.extract %slice3A_2921[0] : i32 from vector<1xi32>
      %ge3A_2923 = vector.broadcast %squeeze3A_2922 : i32 to vector<16xi32>
      %ge3A_2924 = arith.cmpi sge, %mul3A_2840, %ge3A_2923 : vector<16xi32>
      %convert_element_type3A_2925 = arith.extui %ge3A_2924 : vector<16xi1> to vector<16xi32>
      %add3A_2926 = arith.addi %add3A_2920, %convert_element_type3A_2925 : vector<16xi32>
      %slice3A_2927 = vector.extract_strided_slice %get3A_2426 {offsets = [14], sizes = [1], strides = [1]} : vector<16xi32> to vector<1xi32>
      %squeeze3A_2928 = vector.extract %slice3A_2927[0] : i32 from vector<1xi32>
      %ge3A_2929 = vector.broadcast %squeeze3A_2928 : i32 to vector<16xi32>
      %ge3A_2930 = arith.cmpi sge, %mul3A_2840, %ge3A_2929 : vector<16xi32>
      %convert_element_type3A_2931 = arith.extui %ge3A_2930 : vector<16xi1> to vector<16xi32>
      %add3A_2932 = arith.addi %add3A_2926, %convert_element_type3A_2931 : vector<16xi32>
      %slice3A_2933 = vector.extract_strided_slice %get3A_2426 {offsets = [15], sizes = [1], strides = [1]} : vector<16xi32> to vector<1xi32>
      %squeeze3A_2934 = vector.extract %slice3A_2933[0] : i32 from vector<1xi32>
      %ge3A_2935 = vector.broadcast %squeeze3A_2934 : i32 to vector<16xi32>
      %ge3A_2936 = arith.cmpi sge, %mul3A_2840, %ge3A_2935 : vector<16xi32>
      %convert_element_type3A_2937 = arith.extui %ge3A_2936 : vector<16xi1> to vector<16xi32>
      %add3A_2938 = arith.addi %add3A_2932, %convert_element_type3A_2937 : vector<16xi32>
      %slice3A_2939 = vector.extract_strided_slice %get3A_2428 {offsets = [0], sizes = [1], strides = [1]} : vector<16xi32> to vector<1xi32>
      %squeeze3A_2940 = vector.extract %slice3A_2939[0] : i32 from vector<1xi32>
      %ge3A_2941 = vector.broadcast %squeeze3A_2940 : i32 to vector<16xi32>
      %ge3A_2942 = arith.cmpi sge, %mul3A_2840, %ge3A_2941 : vector<16xi32>
      %convert_element_type3A_2943 = arith.extui %ge3A_2942 : vector<16xi1> to vector<16xi32>
      %add3A_2944 = arith.addi %add3A_2938, %convert_element_type3A_2943 : vector<16xi32>
      %slice3A_2945 = vector.extract_strided_slice %get3A_2428 {offsets = [1], sizes = [1], strides = [1]} : vector<16xi32> to vector<1xi32>
      %squeeze3A_2946 = vector.extract %slice3A_2945[0] : i32 from vector<1xi32>
      %ge3A_2947 = vector.broadcast %squeeze3A_2946 : i32 to vector<16xi32>
      %ge3A_2948 = arith.cmpi sge, %mul3A_2840, %ge3A_2947 : vector<16xi32>
      %convert_element_type3A_2949 = arith.extui %ge3A_2948 : vector<16xi1> to vector<16xi32>
      %add3A_2950 = arith.addi %add3A_2944, %convert_element_type3A_2949 : vector<16xi32>
      %slice3A_2951 = vector.extract_strided_slice %get3A_2428 {offsets = [2], sizes = [1], strides = [1]} : vector<16xi32> to vector<1xi32>
      %squeeze3A_2952 = vector.extract %slice3A_2951[0] : i32 from vector<1xi32>
      %ge3A_2953 = vector.broadcast %squeeze3A_2952 : i32 to vector<16xi32>
      %ge3A_2954 = arith.cmpi sge, %mul3A_2840, %ge3A_2953 : vector<16xi32>
      %convert_element_type3A_2955 = arith.extui %ge3A_2954 : vector<16xi1> to vector<16xi32>
      %add3A_2956 = arith.addi %add3A_2950, %convert_element_type3A_2955 : vector<16xi32>
      %slice3A_2957 = vector.extract_strided_slice %get3A_2428 {offsets = [3], sizes = [1], strides = [1]} : vector<16xi32> to vector<1xi32>
      %squeeze3A_2958 = vector.extract %slice3A_2957[0] : i32 from vector<1xi32>
      %ge3A_2959 = vector.broadcast %squeeze3A_2958 : i32 to vector<16xi32>
      %ge3A_2960 = arith.cmpi sge, %mul3A_2840, %ge3A_2959 : vector<16xi32>
      %convert_element_type3A_2961 = arith.extui %ge3A_2960 : vector<16xi1> to vector<16xi32>
      %add3A_2962 = arith.addi %add3A_2956, %convert_element_type3A_2961 : vector<16xi32>
      %slice3A_2963 = vector.extract_strided_slice %get3A_2428 {offsets = [4], sizes = [1], strides = [1]} : vector<16xi32> to vector<1xi32>
      %squeeze3A_2964 = vector.extract %slice3A_2963[0] : i32 from vector<1xi32>
      %ge3A_2965 = vector.broadcast %squeeze3A_2964 : i32 to vector<16xi32>
      %ge3A_2966 = arith.cmpi sge, %mul3A_2840, %ge3A_2965 : vector<16xi32>
      %convert_element_type3A_2967 = arith.extui %ge3A_2966 : vector<16xi1> to vector<16xi32>
      %add3A_2968 = arith.addi %add3A_2962, %convert_element_type3A_2967 : vector<16xi32>
      %slice3A_2969 = vector.extract_strided_slice %get3A_2428 {offsets = [5], sizes = [1], strides = [1]} : vector<16xi32> to vector<1xi32>
      %squeeze3A_2970 = vector.extract %slice3A_2969[0] : i32 from vector<1xi32>
      %ge3A_2971 = vector.broadcast %squeeze3A_2970 : i32 to vector<16xi32>
      %ge3A_2972 = arith.cmpi sge, %mul3A_2840, %ge3A_2971 : vector<16xi32>
      %convert_element_type3A_2973 = arith.extui %ge3A_2972 : vector<16xi1> to vector<16xi32>
      %add3A_2974 = arith.addi %add3A_2968, %convert_element_type3A_2973 : vector<16xi32>
      %slice3A_2975 = vector.extract_strided_slice %get3A_2428 {offsets = [6], sizes = [1], strides = [1]} : vector<16xi32> to vector<1xi32>
      %squeeze3A_2976 = vector.extract %slice3A_2975[0] : i32 from vector<1xi32>
      %ge3A_2977 = vector.broadcast %squeeze3A_2976 : i32 to vector<16xi32>
      %ge3A_2978 = arith.cmpi sge, %mul3A_2840, %ge3A_2977 : vector<16xi32>
      %convert_element_type3A_2979 = arith.extui %ge3A_2978 : vector<16xi1> to vector<16xi32>
      %add3A_2980 = arith.addi %add3A_2974, %convert_element_type3A_2979 : vector<16xi32>
      %slice3A_2981 = vector.extract_strided_slice %get3A_2428 {offsets = [7], sizes = [1], strides = [1]} : vector<16xi32> to vector<1xi32>
      %squeeze3A_2982 = vector.extract %slice3A_2981[0] : i32 from vector<1xi32>
      %ge3A_2983 = vector.broadcast %squeeze3A_2982 : i32 to vector<16xi32>
      %ge3A_2984 = arith.cmpi sge, %mul3A_2840, %ge3A_2983 : vector<16xi32>
      %convert_element_type3A_2985 = arith.extui %ge3A_2984 : vector<16xi1> to vector<16xi32>
      %add3A_2986 = arith.addi %add3A_2980, %convert_element_type3A_2985 : vector<16xi32>
      %slice3A_2987 = vector.extract_strided_slice %get3A_2428 {offsets = [8], sizes = [1], strides = [1]} : vector<16xi32> to vector<1xi32>
      %squeeze3A_2988 = vector.extract %slice3A_2987[0] : i32 from vector<1xi32>
      %ge3A_2989 = vector.broadcast %squeeze3A_2988 : i32 to vector<16xi32>
      %ge3A_2990 = arith.cmpi sge, %mul3A_2840, %ge3A_2989 : vector<16xi32>
      %convert_element_type3A_2991 = arith.extui %ge3A_2990 : vector<16xi1> to vector<16xi32>
      %add3A_2992 = arith.addi %add3A_2986, %convert_element_type3A_2991 : vector<16xi32>
      %slice3A_2993 = vector.extract_strided_slice %get3A_2428 {offsets = [9], sizes = [1], strides = [1]} : vector<16xi32> to vector<1xi32>
      %squeeze3A_2994 = vector.extract %slice3A_2993[0] : i32 from vector<1xi32>
      %ge3A_2995 = vector.broadcast %squeeze3A_2994 : i32 to vector<16xi32>
      %ge3A_2996 = arith.cmpi sge, %mul3A_2840, %ge3A_2995 : vector<16xi32>
      %convert_element_type3A_2997 = arith.extui %ge3A_2996 : vector<16xi1> to vector<16xi32>
      %add3A_2998 = arith.addi %add3A_2992, %convert_element_type3A_2997 : vector<16xi32>
      %slice3A_2999 = vector.extract_strided_slice %get3A_2428 {offsets = [10], sizes = [1], strides = [1]} : vector<16xi32> to vector<1xi32>
      %squeeze3A_3000 = vector.extract %slice3A_2999[0] : i32 from vector<1xi32>
      %ge3A_3001 = vector.broadcast %squeeze3A_3000 : i32 to vector<16xi32>
      %ge3A_3002 = arith.cmpi sge, %mul3A_2840, %ge3A_3001 : vector<16xi32>
      %convert_element_type3A_3003 = arith.extui %ge3A_3002 : vector<16xi1> to vector<16xi32>
      %add3A_3004 = arith.addi %add3A_2998, %convert_element_type3A_3003 : vector<16xi32>
      %slice3A_3005 = vector.extract_strided_slice %get3A_2428 {offsets = [11], sizes = [1], strides = [1]} : vector<16xi32> to vector<1xi32>
      %squeeze3A_3006 = vector.extract %slice3A_3005[0] : i32 from vector<1xi32>
      %ge3A_3007 = vector.broadcast %squeeze3A_3006 : i32 to vector<16xi32>
      %ge3A_3008 = arith.cmpi sge, %mul3A_2840, %ge3A_3007 : vector<16xi32>
      %convert_element_type3A_3009 = arith.extui %ge3A_3008 : vector<16xi1> to vector<16xi32>
      %add3A_3010 = arith.addi %add3A_3004, %convert_element_type3A_3009 : vector<16xi32>
      %slice3A_3011 = vector.extract_strided_slice %get3A_2428 {offsets = [12], sizes = [1], strides = [1]} : vector<16xi32> to vector<1xi32>
      %squeeze3A_3012 = vector.extract %slice3A_3011[0] : i32 from vector<1xi32>
      %ge3A_3013 = vector.broadcast %squeeze3A_3012 : i32 to vector<16xi32>
      %ge3A_3014 = arith.cmpi sge, %mul3A_2840, %ge3A_3013 : vector<16xi32>
      %convert_element_type3A_3015 = arith.extui %ge3A_3014 : vector<16xi1> to vector<16xi32>
      %add3A_3016 = arith.addi %add3A_3010, %convert_element_type3A_3015 : vector<16xi32>
      %slice3A_3017 = vector.extract_strided_slice %get3A_2428 {offsets = [13], sizes = [1], strides = [1]} : vector<16xi32> to vector<1xi32>
      %squeeze3A_3018 = vector.extract %slice3A_3017[0] : i32 from vector<1xi32>
      %ge3A_3019 = vector.broadcast %squeeze3A_3018 : i32 to vector<16xi32>
      %ge3A_3020 = arith.cmpi sge, %mul3A_2840, %ge3A_3019 : vector<16xi32>
      %convert_element_type3A_3021 = arith.extui %ge3A_3020 : vector<16xi1> to vector<16xi32>
      %add3A_3022 = arith.addi %add3A_3016, %convert_element_type3A_3021 : vector<16xi32>
      %slice3A_3023 = vector.extract_strided_slice %get3A_2428 {offsets = [14], sizes = [1], strides = [1]} : vector<16xi32> to vector<1xi32>
      %squeeze3A_3024 = vector.extract %slice3A_3023[0] : i32 from vector<1xi32>
      %ge3A_3025 = vector.broadcast %squeeze3A_3024 : i32 to vector<16xi32>
      %ge3A_3026 = arith.cmpi sge, %mul3A_2840, %ge3A_3025 : vector<16xi32>
      %convert_element_type3A_3027 = arith.extui %ge3A_3026 : vector<16xi1> to vector<16xi32>
      %add3A_3028 = arith.addi %add3A_3022, %convert_element_type3A_3027 : vector<16xi32>
      %slice3A_3029 = vector.extract_strided_slice %get3A_2428 {offsets = [15], sizes = [1], strides = [1]} : vector<16xi32> to vector<1xi32>
      %squeeze3A_3030 = vector.extract %slice3A_3029[0] : i32 from vector<1xi32>
      %ge3A_3031 = vector.broadcast %squeeze3A_3030 : i32 to vector<16xi32>
      %ge3A_3032 = arith.cmpi sge, %mul3A_2840, %ge3A_3031 : vector<16xi32>
      %convert_element_type3A_3033 = arith.extui %ge3A_3032 : vector<16xi1> to vector<16xi32>
      %add3A_3034 = arith.addi %add3A_3028, %convert_element_type3A_3033 : vector<16xi32>
      %slice3A_3035 = vector.extract_strided_slice %get3A_2430 {offsets = [0], sizes = [1], strides = [1]} : vector<16xi32> to vector<1xi32>
      %squeeze3A_3036 = vector.extract %slice3A_3035[0] : i32 from vector<1xi32>
      %ge3A_3037 = vector.broadcast %squeeze3A_3036 : i32 to vector<16xi32>
      %ge3A_3038 = arith.cmpi sge, %mul3A_2840, %ge3A_3037 : vector<16xi32>
      %convert_element_type3A_3039 = arith.extui %ge3A_3038 : vector<16xi1> to vector<16xi32>
      %add3A_3040 = arith.addi %add3A_3034, %convert_element_type3A_3039 : vector<16xi32>
      %slice3A_3041 = vector.extract_strided_slice %get3A_2430 {offsets = [1], sizes = [1], strides = [1]} : vector<16xi32> to vector<1xi32>
      %squeeze3A_3042 = vector.extract %slice3A_3041[0] : i32 from vector<1xi32>
      %ge3A_3043 = vector.broadcast %squeeze3A_3042 : i32 to vector<16xi32>
      %ge3A_3044 = arith.cmpi sge, %mul3A_2840, %ge3A_3043 : vector<16xi32>
      %convert_element_type3A_3045 = arith.extui %ge3A_3044 : vector<16xi1> to vector<16xi32>
      %add3A_3046 = arith.addi %add3A_3040, %convert_element_type3A_3045 : vector<16xi32>
      %slice3A_3047 = vector.extract_strided_slice %get3A_2430 {offsets = [2], sizes = [1], strides = [1]} : vector<16xi32> to vector<1xi32>
      %squeeze3A_3048 = vector.extract %slice3A_3047[0] : i32 from vector<1xi32>
      %ge3A_3049 = vector.broadcast %squeeze3A_3048 : i32 to vector<16xi32>
      %ge3A_3050 = arith.cmpi sge, %mul3A_2840, %ge3A_3049 : vector<16xi32>
      %convert_element_type3A_3051 = arith.extui %ge3A_3050 : vector<16xi1> to vector<16xi32>
      %add3A_3052 = arith.addi %add3A_3046, %convert_element_type3A_3051 : vector<16xi32>
      %slice3A_3053 = vector.extract_strided_slice %get3A_2430 {offsets = [3], sizes = [1], strides = [1]} : vector<16xi32> to vector<1xi32>
      %squeeze3A_3054 = vector.extract %slice3A_3053[0] : i32 from vector<1xi32>
      %ge3A_3055 = vector.broadcast %squeeze3A_3054 : i32 to vector<16xi32>
      %ge3A_3056 = arith.cmpi sge, %mul3A_2840, %ge3A_3055 : vector<16xi32>
      %convert_element_type3A_3057 = arith.extui %ge3A_3056 : vector<16xi1> to vector<16xi32>
      %add3A_3058 = arith.addi %add3A_3052, %convert_element_type3A_3057 : vector<16xi32>
      %slice3A_3059 = vector.extract_strided_slice %get3A_2430 {offsets = [4], sizes = [1], strides = [1]} : vector<16xi32> to vector<1xi32>
      %squeeze3A_3060 = vector.extract %slice3A_3059[0] : i32 from vector<1xi32>
      %ge3A_3061 = vector.broadcast %squeeze3A_3060 : i32 to vector<16xi32>
      %ge3A_3062 = arith.cmpi sge, %mul3A_2840, %ge3A_3061 : vector<16xi32>
      %convert_element_type3A_3063 = arith.extui %ge3A_3062 : vector<16xi1> to vector<16xi32>
      %add3A_3064 = arith.addi %add3A_3058, %convert_element_type3A_3063 : vector<16xi32>
      %slice3A_3065 = vector.extract_strided_slice %get3A_2430 {offsets = [5], sizes = [1], strides = [1]} : vector<16xi32> to vector<1xi32>
      %squeeze3A_3066 = vector.extract %slice3A_3065[0] : i32 from vector<1xi32>
      %ge3A_3067 = vector.broadcast %squeeze3A_3066 : i32 to vector<16xi32>
      %ge3A_3068 = arith.cmpi sge, %mul3A_2840, %ge3A_3067 : vector<16xi32>
      %convert_element_type3A_3069 = arith.extui %ge3A_3068 : vector<16xi1> to vector<16xi32>
      %add3A_3070 = arith.addi %add3A_3064, %convert_element_type3A_3069 : vector<16xi32>
      %slice3A_3071 = vector.extract_strided_slice %get3A_2430 {offsets = [6], sizes = [1], strides = [1]} : vector<16xi32> to vector<1xi32>
      %squeeze3A_3072 = vector.extract %slice3A_3071[0] : i32 from vector<1xi32>
      %ge3A_3073 = vector.broadcast %squeeze3A_3072 : i32 to vector<16xi32>
      %ge3A_3074 = arith.cmpi sge, %mul3A_2840, %ge3A_3073 : vector<16xi32>
      %convert_element_type3A_3075 = arith.extui %ge3A_3074 : vector<16xi1> to vector<16xi32>
      %add3A_3076 = arith.addi %add3A_3070, %convert_element_type3A_3075 : vector<16xi32>
      %slice3A_3077 = vector.extract_strided_slice %get3A_2430 {offsets = [7], sizes = [1], strides = [1]} : vector<16xi32> to vector<1xi32>
      %squeeze3A_3078 = vector.extract %slice3A_3077[0] : i32 from vector<1xi32>
      %ge3A_3079 = vector.broadcast %squeeze3A_3078 : i32 to vector<16xi32>
      %ge3A_3080 = arith.cmpi sge, %mul3A_2840, %ge3A_3079 : vector<16xi32>
      %convert_element_type3A_3081 = arith.extui %ge3A_3080 : vector<16xi1> to vector<16xi32>
      %add3A_3082 = arith.addi %add3A_3076, %convert_element_type3A_3081 : vector<16xi32>
      %slice3A_3083 = vector.extract_strided_slice %get3A_2430 {offsets = [8], sizes = [1], strides = [1]} : vector<16xi32> to vector<1xi32>
      %squeeze3A_3084 = vector.extract %slice3A_3083[0] : i32 from vector<1xi32>
      %ge3A_3085 = vector.broadcast %squeeze3A_3084 : i32 to vector<16xi32>
      %ge3A_3086 = arith.cmpi sge, %mul3A_2840, %ge3A_3085 : vector<16xi32>
      %convert_element_type3A_3087 = arith.extui %ge3A_3086 : vector<16xi1> to vector<16xi32>
      %add3A_3088 = arith.addi %add3A_3082, %convert_element_type3A_3087 : vector<16xi32>
      %slice3A_3089 = vector.extract_strided_slice %get3A_2430 {offsets = [9], sizes = [1], strides = [1]} : vector<16xi32> to vector<1xi32>
      %squeeze3A_3090 = vector.extract %slice3A_3089[0] : i32 from vector<1xi32>
      %ge3A_3091 = vector.broadcast %squeeze3A_3090 : i32 to vector<16xi32>
      %ge3A_3092 = arith.cmpi sge, %mul3A_2840, %ge3A_3091 : vector<16xi32>
      %convert_element_type3A_3093 = arith.extui %ge3A_3092 : vector<16xi1> to vector<16xi32>
      %add3A_3094 = arith.addi %add3A_3088, %convert_element_type3A_3093 : vector<16xi32>
      %slice3A_3095 = vector.extract_strided_slice %get3A_2430 {offsets = [10], sizes = [1], strides = [1]} : vector<16xi32> to vector<1xi32>
      %squeeze3A_3096 = vector.extract %slice3A_3095[0] : i32 from vector<1xi32>
      %ge3A_3097 = vector.broadcast %squeeze3A_3096 : i32 to vector<16xi32>
      %ge3A_3098 = arith.cmpi sge, %mul3A_2840, %ge3A_3097 : vector<16xi32>
      %convert_element_type3A_3099 = arith.extui %ge3A_3098 : vector<16xi1> to vector<16xi32>
      %add3A_3100 = arith.addi %add3A_3094, %convert_element_type3A_3099 : vector<16xi32>
      %slice3A_3101 = vector.extract_strided_slice %get3A_2430 {offsets = [11], sizes = [1], strides = [1]} : vector<16xi32> to vector<1xi32>
      %squeeze3A_3102 = vector.extract %slice3A_3101[0] : i32 from vector<1xi32>
      %ge3A_3103 = vector.broadcast %squeeze3A_3102 : i32 to vector<16xi32>
      %ge3A_3104 = arith.cmpi sge, %mul3A_2840, %ge3A_3103 : vector<16xi32>
      %convert_element_type3A_3105 = arith.extui %ge3A_3104 : vector<16xi1> to vector<16xi32>
      %add3A_3106 = arith.addi %add3A_3100, %convert_element_type3A_3105 : vector<16xi32>
      %slice3A_3107 = vector.extract_strided_slice %get3A_2430 {offsets = [12], sizes = [1], strides = [1]} : vector<16xi32> to vector<1xi32>
      %squeeze3A_3108 = vector.extract %slice3A_3107[0] : i32 from vector<1xi32>
      %ge3A_3109 = vector.broadcast %squeeze3A_3108 : i32 to vector<16xi32>
      %ge3A_3110 = arith.cmpi sge, %mul3A_2840, %ge3A_3109 : vector<16xi32>
      %convert_element_type3A_3111 = arith.extui %ge3A_3110 : vector<16xi1> to vector<16xi32>
      %add3A_3112 = arith.addi %add3A_3106, %convert_element_type3A_3111 : vector<16xi32>
      %slice3A_3113 = vector.extract_strided_slice %get3A_2430 {offsets = [13], sizes = [1], strides = [1]} : vector<16xi32> to vector<1xi32>
      %squeeze3A_3114 = vector.extract %slice3A_3113[0] : i32 from vector<1xi32>
      %ge3A_3115 = vector.broadcast %squeeze3A_3114 : i32 to vector<16xi32>
      %ge3A_3116 = arith.cmpi sge, %mul3A_2840, %ge3A_3115 : vector<16xi32>
      %convert_element_type3A_3117 = arith.extui %ge3A_3116 : vector<16xi1> to vector<16xi32>
      %add3A_3118 = arith.addi %add3A_3112, %convert_element_type3A_3117 : vector<16xi32>
      %slice3A_3119 = vector.extract_strided_slice %get3A_2430 {offsets = [14], sizes = [1], strides = [1]} : vector<16xi32> to vector<1xi32>
      %squeeze3A_3120 = vector.extract %slice3A_3119[0] : i32 from vector<1xi32>
      %ge3A_3121 = vector.broadcast %squeeze3A_3120 : i32 to vector<16xi32>
      %ge3A_3122 = arith.cmpi sge, %mul3A_2840, %ge3A_3121 : vector<16xi32>
      %convert_element_type3A_3123 = arith.extui %ge3A_3122 : vector<16xi1> to vector<16xi32>
      %add3A_3124 = arith.addi %add3A_3118, %convert_element_type3A_3123 : vector<16xi32>
      %slice3A_3125 = vector.extract_strided_slice %get3A_2430 {offsets = [15], sizes = [1], strides = [1]} : vector<16xi32> to vector<1xi32>
      %squeeze3A_3126 = vector.extract %slice3A_3125[0] : i32 from vector<1xi32>
      %ge3A_3127 = vector.broadcast %squeeze3A_3126 : i32 to vector<16xi32>
      %ge3A_3128 = arith.cmpi sge, %mul3A_2840, %ge3A_3127 : vector<16xi32>
      %convert_element_type3A_3129 = arith.extui %ge3A_3128 : vector<16xi1> to vector<16xi32>
      %add3A_3130 = arith.addi %add3A_3124, %convert_element_type3A_3129 : vector<16xi32>
      %slice3A_3131 = vector.extract_strided_slice %get3A_2432 {offsets = [0], sizes = [1], strides = [1]} : vector<16xi32> to vector<1xi32>
      %squeeze3A_3132 = vector.extract %slice3A_3131[0] : i32 from vector<1xi32>
      %ge3A_3133 = vector.broadcast %squeeze3A_3132 : i32 to vector<16xi32>
      %ge3A_3134 = arith.cmpi sge, %mul3A_2840, %ge3A_3133 : vector<16xi32>
      %convert_element_type3A_3135 = arith.extui %ge3A_3134 : vector<16xi1> to vector<16xi32>
      %add3A_3136 = arith.addi %add3A_3130, %convert_element_type3A_3135 : vector<16xi32>
      %slice3A_3137 = vector.extract_strided_slice %get3A_2432 {offsets = [1], sizes = [1], strides = [1]} : vector<16xi32> to vector<1xi32>
      %squeeze3A_3138 = vector.extract %slice3A_3137[0] : i32 from vector<1xi32>
      %ge3A_3139 = vector.broadcast %squeeze3A_3138 : i32 to vector<16xi32>
      %ge3A_3140 = arith.cmpi sge, %mul3A_2840, %ge3A_3139 : vector<16xi32>
      %convert_element_type3A_3141 = arith.extui %ge3A_3140 : vector<16xi1> to vector<16xi32>
      %add3A_3142 = arith.addi %add3A_3136, %convert_element_type3A_3141 : vector<16xi32>
      %slice3A_3143 = vector.extract_strided_slice %get3A_2432 {offsets = [2], sizes = [1], strides = [1]} : vector<16xi32> to vector<1xi32>
      %squeeze3A_3144 = vector.extract %slice3A_3143[0] : i32 from vector<1xi32>
      %ge3A_3145 = vector.broadcast %squeeze3A_3144 : i32 to vector<16xi32>
      %ge3A_3146 = arith.cmpi sge, %mul3A_2840, %ge3A_3145 : vector<16xi32>
      %convert_element_type3A_3147 = arith.extui %ge3A_3146 : vector<16xi1> to vector<16xi32>
      %add3A_3148 = arith.addi %add3A_3142, %convert_element_type3A_3147 : vector<16xi32>
      %slice3A_3149 = vector.extract_strided_slice %get3A_2432 {offsets = [3], sizes = [1], strides = [1]} : vector<16xi32> to vector<1xi32>
      %squeeze3A_3150 = vector.extract %slice3A_3149[0] : i32 from vector<1xi32>
      %ge3A_3151 = vector.broadcast %squeeze3A_3150 : i32 to vector<16xi32>
      %ge3A_3152 = arith.cmpi sge, %mul3A_2840, %ge3A_3151 : vector<16xi32>
      %convert_element_type3A_3153 = arith.extui %ge3A_3152 : vector<16xi1> to vector<16xi32>
      %add3A_3154 = arith.addi %add3A_3148, %convert_element_type3A_3153 : vector<16xi32>
      %slice3A_3155 = vector.extract_strided_slice %get3A_2432 {offsets = [4], sizes = [1], strides = [1]} : vector<16xi32> to vector<1xi32>
      %squeeze3A_3156 = vector.extract %slice3A_3155[0] : i32 from vector<1xi32>
      %ge3A_3157 = vector.broadcast %squeeze3A_3156 : i32 to vector<16xi32>
      %ge3A_3158 = arith.cmpi sge, %mul3A_2840, %ge3A_3157 : vector<16xi32>
      %convert_element_type3A_3159 = arith.extui %ge3A_3158 : vector<16xi1> to vector<16xi32>
      %add3A_3160 = arith.addi %add3A_3154, %convert_element_type3A_3159 : vector<16xi32>
      %slice3A_3161 = vector.extract_strided_slice %get3A_2432 {offsets = [5], sizes = [1], strides = [1]} : vector<16xi32> to vector<1xi32>
      %squeeze3A_3162 = vector.extract %slice3A_3161[0] : i32 from vector<1xi32>
      %ge3A_3163 = vector.broadcast %squeeze3A_3162 : i32 to vector<16xi32>
      %ge3A_3164 = arith.cmpi sge, %mul3A_2840, %ge3A_3163 : vector<16xi32>
      %convert_element_type3A_3165 = arith.extui %ge3A_3164 : vector<16xi1> to vector<16xi32>
      %add3A_3166 = arith.addi %add3A_3160, %convert_element_type3A_3165 : vector<16xi32>
      %slice3A_3167 = vector.extract_strided_slice %get3A_2432 {offsets = [6], sizes = [1], strides = [1]} : vector<16xi32> to vector<1xi32>
      %squeeze3A_3168 = vector.extract %slice3A_3167[0] : i32 from vector<1xi32>
      %ge3A_3169 = vector.broadcast %squeeze3A_3168 : i32 to vector<16xi32>
      %ge3A_3170 = arith.cmpi sge, %mul3A_2840, %ge3A_3169 : vector<16xi32>
      %convert_element_type3A_3171 = arith.extui %ge3A_3170 : vector<16xi1> to vector<16xi32>
      %add3A_3172 = arith.addi %add3A_3166, %convert_element_type3A_3171 : vector<16xi32>
      %slice3A_3173 = vector.extract_strided_slice %get3A_2432 {offsets = [7], sizes = [1], strides = [1]} : vector<16xi32> to vector<1xi32>
      %squeeze3A_3174 = vector.extract %slice3A_3173[0] : i32 from vector<1xi32>
      %ge3A_3175 = vector.broadcast %squeeze3A_3174 : i32 to vector<16xi32>
      %ge3A_3176 = arith.cmpi sge, %mul3A_2840, %ge3A_3175 : vector<16xi32>
      %convert_element_type3A_3177 = arith.extui %ge3A_3176 : vector<16xi1> to vector<16xi32>
      %add3A_3178 = arith.addi %add3A_3172, %convert_element_type3A_3177 : vector<16xi32>
      %slice3A_3179 = vector.extract_strided_slice %get3A_2432 {offsets = [8], sizes = [1], strides = [1]} : vector<16xi32> to vector<1xi32>
      %squeeze3A_3180 = vector.extract %slice3A_3179[0] : i32 from vector<1xi32>
      %ge3A_3181 = vector.broadcast %squeeze3A_3180 : i32 to vector<16xi32>
      %ge3A_3182 = arith.cmpi sge, %mul3A_2840, %ge3A_3181 : vector<16xi32>
      %convert_element_type3A_3183 = arith.extui %ge3A_3182 : vector<16xi1> to vector<16xi32>
      %add3A_3184 = arith.addi %add3A_3178, %convert_element_type3A_3183 : vector<16xi32>
      %slice3A_3185 = vector.extract_strided_slice %get3A_2432 {offsets = [9], sizes = [1], strides = [1]} : vector<16xi32> to vector<1xi32>
      %squeeze3A_3186 = vector.extract %slice3A_3185[0] : i32 from vector<1xi32>
      %ge3A_3187 = vector.broadcast %squeeze3A_3186 : i32 to vector<16xi32>
      %ge3A_3188 = arith.cmpi sge, %mul3A_2840, %ge3A_3187 : vector<16xi32>
      %convert_element_type3A_3189 = arith.extui %ge3A_3188 : vector<16xi1> to vector<16xi32>
      %add3A_3190 = arith.addi %add3A_3184, %convert_element_type3A_3189 : vector<16xi32>
      %slice3A_3191 = vector.extract_strided_slice %get3A_2432 {offsets = [10], sizes = [1], strides = [1]} : vector<16xi32> to vector<1xi32>
      %squeeze3A_3192 = vector.extract %slice3A_3191[0] : i32 from vector<1xi32>
      %ge3A_3193 = vector.broadcast %squeeze3A_3192 : i32 to vector<16xi32>
      %ge3A_3194 = arith.cmpi sge, %mul3A_2840, %ge3A_3193 : vector<16xi32>
      %convert_element_type3A_3195 = arith.extui %ge3A_3194 : vector<16xi1> to vector<16xi32>
      %add3A_3196 = arith.addi %add3A_3190, %convert_element_type3A_3195 : vector<16xi32>
      %slice3A_3197 = vector.extract_strided_slice %get3A_2432 {offsets = [11], sizes = [1], strides = [1]} : vector<16xi32> to vector<1xi32>
      %squeeze3A_3198 = vector.extract %slice3A_3197[0] : i32 from vector<1xi32>
      %ge3A_3199 = vector.broadcast %squeeze3A_3198 : i32 to vector<16xi32>
      %ge3A_3200 = arith.cmpi sge, %mul3A_2840, %ge3A_3199 : vector<16xi32>
      %convert_element_type3A_3201 = arith.extui %ge3A_3200 : vector<16xi1> to vector<16xi32>
      %add3A_3202 = arith.addi %add3A_3196, %convert_element_type3A_3201 : vector<16xi32>
      %slice3A_3203 = vector.extract_strided_slice %get3A_2432 {offsets = [12], sizes = [1], strides = [1]} : vector<16xi32> to vector<1xi32>
      %squeeze3A_3204 = vector.extract %slice3A_3203[0] : i32 from vector<1xi32>
      %ge3A_3205 = vector.broadcast %squeeze3A_3204 : i32 to vector<16xi32>
      %ge3A_3206 = arith.cmpi sge, %mul3A_2840, %ge3A_3205 : vector<16xi32>
      %convert_element_type3A_3207 = arith.extui %ge3A_3206 : vector<16xi1> to vector<16xi32>
      %add3A_3208 = arith.addi %add3A_3202, %convert_element_type3A_3207 : vector<16xi32>
      %slice3A_3209 = vector.extract_strided_slice %get3A_2432 {offsets = [13], sizes = [1], strides = [1]} : vector<16xi32> to vector<1xi32>
      %squeeze3A_3210 = vector.extract %slice3A_3209[0] : i32 from vector<1xi32>
      %ge3A_3211 = vector.broadcast %squeeze3A_3210 : i32 to vector<16xi32>
      %ge3A_3212 = arith.cmpi sge, %mul3A_2840, %ge3A_3211 : vector<16xi32>
      %convert_element_type3A_3213 = arith.extui %ge3A_3212 : vector<16xi1> to vector<16xi32>
      %add3A_3214 = arith.addi %add3A_3208, %convert_element_type3A_3213 : vector<16xi32>
      %slice3A_3215 = vector.extract_strided_slice %get3A_2432 {offsets = [14], sizes = [1], strides = [1]} : vector<16xi32> to vector<1xi32>
      %squeeze3A_3216 = vector.extract %slice3A_3215[0] : i32 from vector<1xi32>
      %ge3A_3217 = vector.broadcast %squeeze3A_3216 : i32 to vector<16xi32>
      %ge3A_3218 = arith.cmpi sge, %mul3A_2840, %ge3A_3217 : vector<16xi32>
      %convert_element_type3A_3219 = arith.extui %ge3A_3218 : vector<16xi1> to vector<16xi32>
      %add3A_3220 = arith.addi %add3A_3214, %convert_element_type3A_3219 : vector<16xi32>
      %slice3A_3221 = vector.extract_strided_slice %get3A_2432 {offsets = [15], sizes = [1], strides = [1]} : vector<16xi32> to vector<1xi32>
      %squeeze3A_3222 = vector.extract %slice3A_3221[0] : i32 from vector<1xi32>
      %ge3A_3223 = vector.broadcast %squeeze3A_3222 : i32 to vector<16xi32>
      %ge3A_3224 = arith.cmpi sge, %mul3A_2840, %ge3A_3223 : vector<16xi32>
      %convert_element_type3A_3225 = arith.extui %ge3A_3224 : vector<16xi1> to vector<16xi32>
      %add3A_3226 = arith.addi %add3A_3220, %convert_element_type3A_3225 : vector<16xi32>
      %lt3A_3227 = vector.broadcast %add3A_2080 : i32 to vector<16xi32>
      %lt3A_3228 = arith.cmpi slt, %mul3A_2840, %lt3A_3227 : vector<16xi32>
      %broadcast_in_dim3A_3229 = arith.constant 0 : i32
      %broadcast_in_dim3A_3230 = vector.broadcast %broadcast_in_dim3A_3229 : i32 to vector<16xi32>
      %select_n3A_3231 = arith.select %lt3A_3228, %add3A_3226, %broadcast_in_dim3A_3230 : vector<16xi1>, vector<16xi32>
      %swap3A_3232 = arith.constant 16 : index
      %swap3A_3233 = tpu.vector_load %arg17[%swap3A_3232] {strides = array<i32>} : memref<32xi32, #tpu.memory_space<vmem>>, vector<16xi32>,
      tpu.vector_store %arg17[%swap3A_3232], %select_n3A_3231 {strides = array<i32>} : memref<32xi32, #tpu.memory_space<vmem>>, vector<16xi32>,
      %mul3A_3234 = arith.constant 32 : i32
      %mul3A_3235 = arith.muli %arg1, %mul3A_3234 : i32
      "tpu.region"() ({
        %run_scoped3A = tpu.sem_alloc : memref<!tpu.dma_semaphore, #tpu.memory_space<semaphore_mem>>
        %dma_start3A_3236 = tpu.memref_slice %arg4[%mul3A_3235] : memref<320xi32, #tpu.memory_space<hbm>> -> memref<32xi32, #tpu.memory_space<hbm>>
        %dma_start3A_3237 = tpu.memref_slice %arg4[%mul3A_3235] : memref<320xi32, #tpu.memory_space<hbm>> -> memref<32xi32, #tpu.memory_space<hbm>>
        tpu.enqueue_dma source(%arg17 : memref<32xi32, #tpu.memory_space<vmem>>) target(%dma_start3A_3237 : memref<32xi32, #tpu.memory_space<hbm>>) target_semaphore(%run_scoped3A : memref<!tpu.dma_semaphore, #tpu.memory_space<semaphore_mem>>)
        %dma_wait3A_3238 = tpu.memref_slice %arg4[%mul3A_3235] : memref<320xi32, #tpu.memory_space<hbm>> -> memref<32xi32, #tpu.memory_space<hbm>>
        %dma_wait3A_3239 = tpu.memref_slice %arg4[%mul3A_3235] : memref<320xi32, #tpu.memory_space<hbm>> -> memref<32xi32, #tpu.memory_space<hbm>>
        tpu.wait_dma2 semaphore(%run_scoped3A : memref<!tpu.dma_semaphore, #tpu.memory_space<semaphore_mem>>) src(%arg17 : memref<32xi32, #tpu.memory_space<vmem>>) dst(%dma_wait3A_3239 : memref<32xi32, #tpu.memory_space<hbm>>)
        tpu.yield
      }) : () -> ()
    } else {
    }
    %eq3A_2249 = arith.constant 0 : i32
    %eq3A_2250 = arith.cmpi eq, %arg1, %eq3A_2249 : i32
    %convert_element_type3A_2251 = arith.extui %eq3A_2250 : i1 to i32
    %cond3A_2252 = arith.constant 0 : i32
    %cond3A_2253 = arith.cmpi ne, %convert_element_type3A_2251, %cond3A_2252 : i32
    scf.if %cond3A_2253 {
      %broadcast_in_dim3A_2425 = vector.broadcast %add3A_2080 : i32 to vector<16xi32>
      %swap3A_2426 = arith.constant 0 : index
      %swap3A_2427 = tpu.vector_load %arg18[%swap3A_2426] {strides = array<i32>} : memref<16xi32, #tpu.memory_space<vmem>>, vector<16xi32>,
      tpu.vector_store %arg18[%swap3A_2426], %broadcast_in_dim3A_2425 {strides = array<i32>} : memref<16xi32, #tpu.memory_space<vmem>>, vector<16xi32>,
      "tpu.region"() ({
        %run_scoped3A = tpu.sem_alloc : memref<!tpu.dma_semaphore, #tpu.memory_space<semaphore_mem>>
        %dma_start3A_2428 = arith.constant 0 : i32
        %dma_start3A_2429 = tpu.memref_slice %arg18[%dma_start3A_2428] : memref<16xi32, #tpu.memory_space<vmem>> -> memref<1xi32, #tpu.memory_space<vmem>>
        %dma_start3A_2430 = arith.constant 0 : i32
        %dma_start3A_2431 = tpu.memref_slice %arg18[%dma_start3A_2430] : memref<16xi32, #tpu.memory_space<vmem>> -> memref<1xi32, #tpu.memory_space<vmem>>
        tpu.enqueue_dma source(%dma_start3A_2431 : memref<1xi32, #tpu.memory_space<vmem>>) target(%arg5 : memref<1xi32, #tpu.memory_space<hbm>>) target_semaphore(%run_scoped3A : memref<!tpu.dma_semaphore, #tpu.memory_space<semaphore_mem>>)
        %dma_wait3A_2432 = arith.constant 0 : i32
        %dma_wait3A_2433 = tpu.memref_slice %arg18[%dma_wait3A_2432] : memref<16xi32, #tpu.memory_space<vmem>> -> memref<1xi32, #tpu.memory_space<vmem>>
        %dma_wait3A_2434 = arith.constant 0 : i32
        %dma_wait3A_2435 = tpu.memref_slice %arg18[%dma_wait3A_2434] : memref<16xi32, #tpu.memory_space<vmem>> -> memref<1xi32, #tpu.memory_space<vmem>>
        tpu.wait_dma2 semaphore(%run_scoped3A : memref<!tpu.dma_semaphore, #tpu.memory_space<semaphore_mem>>) src(%dma_wait3A_2435 : memref<1xi32, #tpu.memory_space<vmem>>) dst(%arg5 : memref<1xi32, #tpu.memory_space<hbm>>)
        tpu.yield
      }) : () -> ()
    } else {
    }
    %dma_wait3A_2254 = arith.constant 0 : i32
    %dma_wait3A_2255 = arith.constant 0 : i32
    %dma_wait3A_2256 = arith.constant 0 : i32
    %dma_wait3A_2257 = tpu.memref_slice %arg11[%dma_wait3A_2254, %dma_wait3A_2256] : memref<16x128xi32, #tpu.memory_space<vmem>> -> memref<1x128xi32, #tpu.memory_space<vmem>>
    %dma_wait3A_2258 = tpu.memref_squeeze %dma_wait3A_2257 : memref<1x128xi32, #tpu.memory_space<vmem>> -> memref<128xi32, #tpu.memory_space<vmem>>
    %dma_wait3A_2259 = arith.constant 0 : i32
    %dma_wait3A_2260 = tpu.memref_slice %arg10[%dma_wait3A_2255, %dma_wait3A_2259] : memref<16x128xi32, #tpu.memory_space<vmem>> -> memref<1x128xi32, #tpu.memory_space<vmem>>
    %dma_wait3A_2261 = tpu.memref_squeeze %dma_wait3A_2260 : memref<1x128xi32, #tpu.memory_space<vmem>> -> memref<128xi32, #tpu.memory_space<vmem>>
    %dma_wait3A_2262 = arith.constant 0 : i32
    %dma_wait3A_2263 = tpu.memref_slice %arg19[%dma_wait3A_2262] : memref<41024xi32, #tpu.memory_space<vmem_shared>> -> memref<41024xi32, #tpu.memory_space<vmem_shared>>
    tpu.wait_indirect_dma semaphore(%arg21 : memref<!tpu.dma_semaphore, #tpu.memory_space<semaphore_mem>>) src(%dma_wait3A_2258 : memref<128xi32, #tpu.memory_space<vmem>>) dst(%dma_wait3A_2263 : memref<41024xi32, #tpu.memory_space<vmem_shared>>)
    %dma_wait3A_2264 = arith.constant 1 : i32
    %dma_wait3A_2265 = arith.constant 1 : i32
    %dma_wait3A_2266 = arith.constant 0 : i32
    %dma_wait3A_2267 = tpu.memref_slice %arg11[%dma_wait3A_2264, %dma_wait3A_2266] : memref<16x128xi32, #tpu.memory_space<vmem>> -> memref<1x128xi32, #tpu.memory_space<vmem>>
    %dma_wait3A_2268 = tpu.memref_squeeze %dma_wait3A_2267 : memref<1x128xi32, #tpu.memory_space<vmem>> -> memref<128xi32, #tpu.memory_space<vmem>>
    %dma_wait3A_2269 = arith.constant 0 : i32
    %dma_wait3A_2270 = tpu.memref_slice %arg10[%dma_wait3A_2265, %dma_wait3A_2269] : memref<16x128xi32, #tpu.memory_space<vmem>> -> memref<1x128xi32, #tpu.memory_space<vmem>>
    %dma_wait3A_2271 = tpu.memref_squeeze %dma_wait3A_2270 : memref<1x128xi32, #tpu.memory_space<vmem>> -> memref<128xi32, #tpu.memory_space<vmem>>
    %dma_wait3A_2272 = arith.constant 0 : i32
    %dma_wait3A_2273 = tpu.memref_slice %arg19[%dma_wait3A_2272] : memref<41024xi32, #tpu.memory_space<vmem_shared>> -> memref<41024xi32, #tpu.memory_space<vmem_shared>>
    tpu.wait_indirect_dma semaphore(%arg21 : memref<!tpu.dma_semaphore, #tpu.memory_space<semaphore_mem>>) src(%dma_wait3A_2268 : memref<128xi32, #tpu.memory_space<vmem>>) dst(%dma_wait3A_2273 : memref<41024xi32, #tpu.memory_space<vmem_shared>>)
    %dma_wait3A_2274 = arith.constant 2 : i32
    %dma_wait3A_2275 = arith.constant 2 : i32
    %dma_wait3A_2276 = arith.constant 0 : i32
    %dma_wait3A_2277 = tpu.memref_slice %arg11[%dma_wait3A_2274, %dma_wait3A_2276] : memref<16x128xi32, #tpu.memory_space<vmem>> -> memref<1x128xi32, #tpu.memory_space<vmem>>
    %dma_wait3A_2278 = tpu.memref_squeeze %dma_wait3A_2277 : memref<1x128xi32, #tpu.memory_space<vmem>> -> memref<128xi32, #tpu.memory_space<vmem>>
    %dma_wait3A_2279 = arith.constant 0 : i32
    %dma_wait3A_2280 = tpu.memref_slice %arg10[%dma_wait3A_2275, %dma_wait3A_2279] : memref<16x128xi32, #tpu.memory_space<vmem>> -> memref<1x128xi32, #tpu.memory_space<vmem>>
    %dma_wait3A_2281 = tpu.memref_squeeze %dma_wait3A_2280 : memref<1x128xi32, #tpu.memory_space<vmem>> -> memref<128xi32, #tpu.memory_space<vmem>>
    %dma_wait3A_2282 = arith.constant 0 : i32
    %dma_wait3A_2283 = tpu.memref_slice %arg19[%dma_wait3A_2282] : memref<41024xi32, #tpu.memory_space<vmem_shared>> -> memref<41024xi32, #tpu.memory_space<vmem_shared>>
    tpu.wait_indirect_dma semaphore(%arg21 : memref<!tpu.dma_semaphore, #tpu.memory_space<semaphore_mem>>) src(%dma_wait3A_2278 : memref<128xi32, #tpu.memory_space<vmem>>) dst(%dma_wait3A_2283 : memref<41024xi32, #tpu.memory_space<vmem_shared>>)
    %dma_wait3A_2284 = arith.constant 3 : i32
    %dma_wait3A_2285 = arith.constant 3 : i32
    %dma_wait3A_2286 = arith.constant 0 : i32
    %dma_wait3A_2287 = tpu.memref_slice %arg11[%dma_wait3A_2284, %dma_wait3A_2286] : memref<16x128xi32, #tpu.memory_space<vmem>> -> memref<1x128xi32, #tpu.memory_space<vmem>>
    %dma_wait3A_2288 = tpu.memref_squeeze %dma_wait3A_2287 : memref<1x128xi32, #tpu.memory_space<vmem>> -> memref<128xi32, #tpu.memory_space<vmem>>
    %dma_wait3A_2289 = arith.constant 0 : i32
    %dma_wait3A_2290 = tpu.memref_slice %arg10[%dma_wait3A_2285, %dma_wait3A_2289] : memref<16x128xi32, #tpu.memory_space<vmem>> -> memref<1x128xi32, #tpu.memory_space<vmem>>
    %dma_wait3A_2291 = tpu.memref_squeeze %dma_wait3A_2290 : memref<1x128xi32, #tpu.memory_space<vmem>> -> memref<128xi32, #tpu.memory_space<vmem>>
    %dma_wait3A_2292 = arith.constant 0 : i32
    %dma_wait3A_2293 = tpu.memref_slice %arg19[%dma_wait3A_2292] : memref<41024xi32, #tpu.memory_space<vmem_shared>> -> memref<41024xi32, #tpu.memory_space<vmem_shared>>
    tpu.wait_indirect_dma semaphore(%arg21 : memref<!tpu.dma_semaphore, #tpu.memory_space<semaphore_mem>>) src(%dma_wait3A_2288 : memref<128xi32, #tpu.memory_space<vmem>>) dst(%dma_wait3A_2293 : memref<41024xi32, #tpu.memory_space<vmem_shared>>)
    %dma_wait3A_2294 = arith.constant 4 : i32
    %dma_wait3A_2295 = arith.constant 4 : i32
    %dma_wait3A_2296 = arith.constant 0 : i32
    %dma_wait3A_2297 = tpu.memref_slice %arg11[%dma_wait3A_2294, %dma_wait3A_2296] : memref<16x128xi32, #tpu.memory_space<vmem>> -> memref<1x128xi32, #tpu.memory_space<vmem>>
    %dma_wait3A_2298 = tpu.memref_squeeze %dma_wait3A_2297 : memref<1x128xi32, #tpu.memory_space<vmem>> -> memref<128xi32, #tpu.memory_space<vmem>>
    %dma_wait3A_2299 = arith.constant 0 : i32
    %dma_wait3A_2300 = tpu.memref_slice %arg10[%dma_wait3A_2295, %dma_wait3A_2299] : memref<16x128xi32, #tpu.memory_space<vmem>> -> memref<1x128xi32, #tpu.memory_space<vmem>>
    %dma_wait3A_2301 = tpu.memref_squeeze %dma_wait3A_2300 : memref<1x128xi32, #tpu.memory_space<vmem>> -> memref<128xi32, #tpu.memory_space<vmem>>
    %dma_wait3A_2302 = arith.constant 0 : i32
    %dma_wait3A_2303 = tpu.memref_slice %arg19[%dma_wait3A_2302] : memref<41024xi32, #tpu.memory_space<vmem_shared>> -> memref<41024xi32, #tpu.memory_space<vmem_shared>>
    tpu.wait_indirect_dma semaphore(%arg21 : memref<!tpu.dma_semaphore, #tpu.memory_space<semaphore_mem>>) src(%dma_wait3A_2298 : memref<128xi32, #tpu.memory_space<vmem>>) dst(%dma_wait3A_2303 : memref<41024xi32, #tpu.memory_space<vmem_shared>>)
    %dma_wait3A_2304 = arith.constant 5 : i32
    %dma_wait3A_2305 = arith.constant 5 : i32
    %dma_wait3A_2306 = arith.constant 0 : i32
    %dma_wait3A_2307 = tpu.memref_slice %arg11[%dma_wait3A_2304, %dma_wait3A_2306] : memref<16x128xi32, #tpu.memory_space<vmem>> -> memref<1x128xi32, #tpu.memory_space<vmem>>
    %dma_wait3A_2308 = tpu.memref_squeeze %dma_wait3A_2307 : memref<1x128xi32, #tpu.memory_space<vmem>> -> memref<128xi32, #tpu.memory_space<vmem>>
    %dma_wait3A_2309 = arith.constant 0 : i32
    %dma_wait3A_2310 = tpu.memref_slice %arg10[%dma_wait3A_2305, %dma_wait3A_2309] : memref<16x128xi32, #tpu.memory_space<vmem>> -> memref<1x128xi32, #tpu.memory_space<vmem>>
    %dma_wait3A_2311 = tpu.memref_squeeze %dma_wait3A_2310 : memref<1x128xi32, #tpu.memory_space<vmem>> -> memref<128xi32, #tpu.memory_space<vmem>>
    %dma_wait3A_2312 = arith.constant 0 : i32
    %dma_wait3A_2313 = tpu.memref_slice %arg19[%dma_wait3A_2312] : memref<41024xi32, #tpu.memory_space<vmem_shared>> -> memref<41024xi32, #tpu.memory_space<vmem_shared>>
    tpu.wait_indirect_dma semaphore(%arg21 : memref<!tpu.dma_semaphore, #tpu.memory_space<semaphore_mem>>) src(%dma_wait3A_2308 : memref<128xi32, #tpu.memory_space<vmem>>) dst(%dma_wait3A_2313 : memref<41024xi32, #tpu.memory_space<vmem_shared>>)
    %dma_wait3A_2314 = arith.constant 6 : i32
    %dma_wait3A_2315 = arith.constant 6 : i32
    %dma_wait3A_2316 = arith.constant 0 : i32
    %dma_wait3A_2317 = tpu.memref_slice %arg11[%dma_wait3A_2314, %dma_wait3A_2316] : memref<16x128xi32, #tpu.memory_space<vmem>> -> memref<1x128xi32, #tpu.memory_space<vmem>>
    %dma_wait3A_2318 = tpu.memref_squeeze %dma_wait3A_2317 : memref<1x128xi32, #tpu.memory_space<vmem>> -> memref<128xi32, #tpu.memory_space<vmem>>
    %dma_wait3A_2319 = arith.constant 0 : i32
    %dma_wait3A_2320 = tpu.memref_slice %arg10[%dma_wait3A_2315, %dma_wait3A_2319] : memref<16x128xi32, #tpu.memory_space<vmem>> -> memref<1x128xi32, #tpu.memory_space<vmem>>
    %dma_wait3A_2321 = tpu.memref_squeeze %dma_wait3A_2320 : memref<1x128xi32, #tpu.memory_space<vmem>> -> memref<128xi32, #tpu.memory_space<vmem>>
    %dma_wait3A_2322 = arith.constant 0 : i32
    %dma_wait3A_2323 = tpu.memref_slice %arg19[%dma_wait3A_2322] : memref<41024xi32, #tpu.memory_space<vmem_shared>> -> memref<41024xi32, #tpu.memory_space<vmem_shared>>
    tpu.wait_indirect_dma semaphore(%arg21 : memref<!tpu.dma_semaphore, #tpu.memory_space<semaphore_mem>>) src(%dma_wait3A_2318 : memref<128xi32, #tpu.memory_space<vmem>>) dst(%dma_wait3A_2323 : memref<41024xi32, #tpu.memory_space<vmem_shared>>)
    %dma_wait3A_2324 = arith.constant 7 : i32
    %dma_wait3A_2325 = arith.constant 7 : i32
    %dma_wait3A_2326 = arith.constant 0 : i32
    %dma_wait3A_2327 = tpu.memref_slice %arg11[%dma_wait3A_2324, %dma_wait3A_2326] : memref<16x128xi32, #tpu.memory_space<vmem>> -> memref<1x128xi32, #tpu.memory_space<vmem>>
    %dma_wait3A_2328 = tpu.memref_squeeze %dma_wait3A_2327 : memref<1x128xi32, #tpu.memory_space<vmem>> -> memref<128xi32, #tpu.memory_space<vmem>>
    %dma_wait3A_2329 = arith.constant 0 : i32
    %dma_wait3A_2330 = tpu.memref_slice %arg10[%dma_wait3A_2325, %dma_wait3A_2329] : memref<16x128xi32, #tpu.memory_space<vmem>> -> memref<1x128xi32, #tpu.memory_space<vmem>>
    %dma_wait3A_2331 = tpu.memref_squeeze %dma_wait3A_2330 : memref<1x128xi32, #tpu.memory_space<vmem>> -> memref<128xi32, #tpu.memory_space<vmem>>
    %dma_wait3A_2332 = arith.constant 0 : i32
    %dma_wait3A_2333 = tpu.memref_slice %arg19[%dma_wait3A_2332] : memref<41024xi32, #tpu.memory_space<vmem_shared>> -> memref<41024xi32, #tpu.memory_space<vmem_shared>>
    tpu.wait_indirect_dma semaphore(%arg21 : memref<!tpu.dma_semaphore, #tpu.memory_space<semaphore_mem>>) src(%dma_wait3A_2328 : memref<128xi32, #tpu.memory_space<vmem>>) dst(%dma_wait3A_2333 : memref<41024xi32, #tpu.memory_space<vmem_shared>>)
    %dma_wait3A_2334 = arith.constant 8 : i32
    %dma_wait3A_2335 = arith.constant 8 : i32
    %dma_wait3A_2336 = arith.constant 0 : i32
    %dma_wait3A_2337 = tpu.memref_slice %arg11[%dma_wait3A_2334, %dma_wait3A_2336] : memref<16x128xi32, #tpu.memory_space<vmem>> -> memref<1x128xi32, #tpu.memory_space<vmem>>
    %dma_wait3A_2338 = tpu.memref_squeeze %dma_wait3A_2337 : memref<1x128xi32, #tpu.memory_space<vmem>> -> memref<128xi32, #tpu.memory_space<vmem>>
    %dma_wait3A_2339 = arith.constant 0 : i32
    %dma_wait3A_2340 = tpu.memref_slice %arg10[%dma_wait3A_2335, %dma_wait3A_2339] : memref<16x128xi32, #tpu.memory_space<vmem>> -> memref<1x128xi32, #tpu.memory_space<vmem>>
    %dma_wait3A_2341 = tpu.memref_squeeze %dma_wait3A_2340 : memref<1x128xi32, #tpu.memory_space<vmem>> -> memref<128xi32, #tpu.memory_space<vmem>>
    %dma_wait3A_2342 = arith.constant 0 : i32
    %dma_wait3A_2343 = tpu.memref_slice %arg19[%dma_wait3A_2342] : memref<41024xi32, #tpu.memory_space<vmem_shared>> -> memref<41024xi32, #tpu.memory_space<vmem_shared>>
    tpu.wait_indirect_dma semaphore(%arg21 : memref<!tpu.dma_semaphore, #tpu.memory_space<semaphore_mem>>) src(%dma_wait3A_2338 : memref<128xi32, #tpu.memory_space<vmem>>) dst(%dma_wait3A_2343 : memref<41024xi32, #tpu.memory_space<vmem_shared>>)
    %dma_wait3A_2344 = arith.constant 9 : i32
    %dma_wait3A_2345 = arith.constant 9 : i32
    %dma_wait3A_2346 = arith.constant 0 : i32
    %dma_wait3A_2347 = tpu.memref_slice %arg11[%dma_wait3A_2344, %dma_wait3A_2346] : memref<16x128xi32, #tpu.memory_space<vmem>> -> memref<1x128xi32, #tpu.memory_space<vmem>>
    %dma_wait3A_2348 = tpu.memref_squeeze %dma_wait3A_2347 : memref<1x128xi32, #tpu.memory_space<vmem>> -> memref<128xi32, #tpu.memory_space<vmem>>
    %dma_wait3A_2349 = arith.constant 0 : i32
    %dma_wait3A_2350 = tpu.memref_slice %arg10[%dma_wait3A_2345, %dma_wait3A_2349] : memref<16x128xi32, #tpu.memory_space<vmem>> -> memref<1x128xi32, #tpu.memory_space<vmem>>
    %dma_wait3A_2351 = tpu.memref_squeeze %dma_wait3A_2350 : memref<1x128xi32, #tpu.memory_space<vmem>> -> memref<128xi32, #tpu.memory_space<vmem>>
    %dma_wait3A_2352 = arith.constant 0 : i32
    %dma_wait3A_2353 = tpu.memref_slice %arg19[%dma_wait3A_2352] : memref<41024xi32, #tpu.memory_space<vmem_shared>> -> memref<41024xi32, #tpu.memory_space<vmem_shared>>
    tpu.wait_indirect_dma semaphore(%arg21 : memref<!tpu.dma_semaphore, #tpu.memory_space<semaphore_mem>>) src(%dma_wait3A_2348 : memref<128xi32, #tpu.memory_space<vmem>>) dst(%dma_wait3A_2353 : memref<41024xi32, #tpu.memory_space<vmem_shared>>)
    %dma_wait3A_2354 = arith.constant 10 : i32
    %dma_wait3A_2355 = arith.constant 10 : i32
    %dma_wait3A_2356 = arith.constant 0 : i32
    %dma_wait3A_2357 = tpu.memref_slice %arg11[%dma_wait3A_2354, %dma_wait3A_2356] : memref<16x128xi32, #tpu.memory_space<vmem>> -> memref<1x128xi32, #tpu.memory_space<vmem>>
    %dma_wait3A_2358 = tpu.memref_squeeze %dma_wait3A_2357 : memref<1x128xi32, #tpu.memory_space<vmem>> -> memref<128xi32, #tpu.memory_space<vmem>>
    %dma_wait3A_2359 = arith.constant 0 : i32
    %dma_wait3A_2360 = tpu.memref_slice %arg10[%dma_wait3A_2355, %dma_wait3A_2359] : memref<16x128xi32, #tpu.memory_space<vmem>> -> memref<1x128xi32, #tpu.memory_space<vmem>>
    %dma_wait3A_2361 = tpu.memref_squeeze %dma_wait3A_2360 : memref<1x128xi32, #tpu.memory_space<vmem>> -> memref<128xi32, #tpu.memory_space<vmem>>
    %dma_wait3A_2362 = arith.constant 0 : i32
    %dma_wait3A_2363 = tpu.memref_slice %arg19[%dma_wait3A_2362] : memref<41024xi32, #tpu.memory_space<vmem_shared>> -> memref<41024xi32, #tpu.memory_space<vmem_shared>>
    tpu.wait_indirect_dma semaphore(%arg21 : memref<!tpu.dma_semaphore, #tpu.memory_space<semaphore_mem>>) src(%dma_wait3A_2358 : memref<128xi32, #tpu.memory_space<vmem>>) dst(%dma_wait3A_2363 : memref<41024xi32, #tpu.memory_space<vmem_shared>>)
    %dma_wait3A_2364 = arith.constant 11 : i32
    %dma_wait3A_2365 = arith.constant 11 : i32
    %dma_wait3A_2366 = arith.constant 0 : i32
    %dma_wait3A_2367 = tpu.memref_slice %arg11[%dma_wait3A_2364, %dma_wait3A_2366] : memref<16x128xi32, #tpu.memory_space<vmem>> -> memref<1x128xi32, #tpu.memory_space<vmem>>
    %dma_wait3A_2368 = tpu.memref_squeeze %dma_wait3A_2367 : memref<1x128xi32, #tpu.memory_space<vmem>> -> memref<128xi32, #tpu.memory_space<vmem>>
    %dma_wait3A_2369 = arith.constant 0 : i32
    %dma_wait3A_2370 = tpu.memref_slice %arg10[%dma_wait3A_2365, %dma_wait3A_2369] : memref<16x128xi32, #tpu.memory_space<vmem>> -> memref<1x128xi32, #tpu.memory_space<vmem>>
    %dma_wait3A_2371 = tpu.memref_squeeze %dma_wait3A_2370 : memref<1x128xi32, #tpu.memory_space<vmem>> -> memref<128xi32, #tpu.memory_space<vmem>>
    %dma_wait3A_2372 = arith.constant 0 : i32
    %dma_wait3A_2373 = tpu.memref_slice %arg19[%dma_wait3A_2372] : memref<41024xi32, #tpu.memory_space<vmem_shared>> -> memref<41024xi32, #tpu.memory_space<vmem_shared>>
    tpu.wait_indirect_dma semaphore(%arg21 : memref<!tpu.dma_semaphore, #tpu.memory_space<semaphore_mem>>) src(%dma_wait3A_2368 : memref<128xi32, #tpu.memory_space<vmem>>) dst(%dma_wait3A_2373 : memref<41024xi32, #tpu.memory_space<vmem_shared>>)
    %dma_wait3A_2374 = arith.constant 12 : i32
    %dma_wait3A_2375 = arith.constant 12 : i32
    %dma_wait3A_2376 = arith.constant 0 : i32
    %dma_wait3A_2377 = tpu.memref_slice %arg11[%dma_wait3A_2374, %dma_wait3A_2376] : memref<16x128xi32, #tpu.memory_space<vmem>> -> memref<1x128xi32, #tpu.memory_space<vmem>>
    %dma_wait3A_2378 = tpu.memref_squeeze %dma_wait3A_2377 : memref<1x128xi32, #tpu.memory_space<vmem>> -> memref<128xi32, #tpu.memory_space<vmem>>
    %dma_wait3A_2379 = arith.constant 0 : i32
    %dma_wait3A_2380 = tpu.memref_slice %arg10[%dma_wait3A_2375, %dma_wait3A_2379] : memref<16x128xi32, #tpu.memory_space<vmem>> -> memref<1x128xi32, #tpu.memory_space<vmem>>
    %dma_wait3A_2381 = tpu.memref_squeeze %dma_wait3A_2380 : memref<1x128xi32, #tpu.memory_space<vmem>> -> memref<128xi32, #tpu.memory_space<vmem>>
    %dma_wait3A_2382 = arith.constant 0 : i32
    %dma_wait3A_2383 = tpu.memref_slice %arg19[%dma_wait3A_2382] : memref<41024xi32, #tpu.memory_space<vmem_shared>> -> memref<41024xi32, #tpu.memory_space<vmem_shared>>
    tpu.wait_indirect_dma semaphore(%arg21 : memref<!tpu.dma_semaphore, #tpu.memory_space<semaphore_mem>>) src(%dma_wait3A_2378 : memref<128xi32, #tpu.memory_space<vmem>>) dst(%dma_wait3A_2383 : memref<41024xi32, #tpu.memory_space<vmem_shared>>)
    %dma_wait3A_2384 = arith.constant 13 : i32
    %dma_wait3A_2385 = arith.constant 13 : i32
    %dma_wait3A_2386 = arith.constant 0 : i32
    %dma_wait3A_2387 = tpu.memref_slice %arg11[%dma_wait3A_2384, %dma_wait3A_2386] : memref<16x128xi32, #tpu.memory_space<vmem>> -> memref<1x128xi32, #tpu.memory_space<vmem>>
    %dma_wait3A_2388 = tpu.memref_squeeze %dma_wait3A_2387 : memref<1x128xi32, #tpu.memory_space<vmem>> -> memref<128xi32, #tpu.memory_space<vmem>>
    %dma_wait3A_2389 = arith.constant 0 : i32
    %dma_wait3A_2390 = tpu.memref_slice %arg10[%dma_wait3A_2385, %dma_wait3A_2389] : memref<16x128xi32, #tpu.memory_space<vmem>> -> memref<1x128xi32, #tpu.memory_space<vmem>>
    %dma_wait3A_2391 = tpu.memref_squeeze %dma_wait3A_2390 : memref<1x128xi32, #tpu.memory_space<vmem>> -> memref<128xi32, #tpu.memory_space<vmem>>
    %dma_wait3A_2392 = arith.constant 0 : i32
    %dma_wait3A_2393 = tpu.memref_slice %arg19[%dma_wait3A_2392] : memref<41024xi32, #tpu.memory_space<vmem_shared>> -> memref<41024xi32, #tpu.memory_space<vmem_shared>>
    tpu.wait_indirect_dma semaphore(%arg21 : memref<!tpu.dma_semaphore, #tpu.memory_space<semaphore_mem>>) src(%dma_wait3A_2388 : memref<128xi32, #tpu.memory_space<vmem>>) dst(%dma_wait3A_2393 : memref<41024xi32, #tpu.memory_space<vmem_shared>>)
    %dma_wait3A_2394 = arith.constant 14 : i32
    %dma_wait3A_2395 = arith.constant 14 : i32
    %dma_wait3A_2396 = arith.constant 0 : i32
    %dma_wait3A_2397 = tpu.memref_slice %arg11[%dma_wait3A_2394, %dma_wait3A_2396] : memref<16x128xi32, #tpu.memory_space<vmem>> -> memref<1x128xi32, #tpu.memory_space<vmem>>
    %dma_wait3A_2398 = tpu.memref_squeeze %dma_wait3A_2397 : memref<1x128xi32, #tpu.memory_space<vmem>> -> memref<128xi32, #tpu.memory_space<vmem>>
    %dma_wait3A_2399 = arith.constant 0 : i32
    %dma_wait3A_2400 = tpu.memref_slice %arg10[%dma_wait3A_2395, %dma_wait3A_2399] : memref<16x128xi32, #tpu.memory_space<vmem>> -> memref<1x128xi32, #tpu.memory_space<vmem>>
    %dma_wait3A_2401 = tpu.memref_squeeze %dma_wait3A_2400 : memref<1x128xi32, #tpu.memory_space<vmem>> -> memref<128xi32, #tpu.memory_space<vmem>>
    %dma_wait3A_2402 = arith.constant 0 : i32
    %dma_wait3A_2403 = tpu.memref_slice %arg19[%dma_wait3A_2402] : memref<41024xi32, #tpu.memory_space<vmem_shared>> -> memref<41024xi32, #tpu.memory_space<vmem_shared>>
    tpu.wait_indirect_dma semaphore(%arg21 : memref<!tpu.dma_semaphore, #tpu.memory_space<semaphore_mem>>) src(%dma_wait3A_2398 : memref<128xi32, #tpu.memory_space<vmem>>) dst(%dma_wait3A_2403 : memref<41024xi32, #tpu.memory_space<vmem_shared>>)
    %dma_wait3A_2404 = arith.constant 15 : i32
    %dma_wait3A_2405 = arith.constant 15 : i32
    %dma_wait3A_2406 = arith.constant 0 : i32
    %dma_wait3A_2407 = tpu.memref_slice %arg11[%dma_wait3A_2404, %dma_wait3A_2406] : memref<16x128xi32, #tpu.memory_space<vmem>> -> memref<1x128xi32, #tpu.memory_space<vmem>>
    %dma_wait3A_2408 = tpu.memref_squeeze %dma_wait3A_2407 : memref<1x128xi32, #tpu.memory_space<vmem>> -> memref<128xi32, #tpu.memory_space<vmem>>
    %dma_wait3A_2409 = arith.constant 0 : i32
    %dma_wait3A_2410 = tpu.memref_slice %arg10[%dma_wait3A_2405, %dma_wait3A_2409] : memref<16x128xi32, #tpu.memory_space<vmem>> -> memref<1x128xi32, #tpu.memory_space<vmem>>
    %dma_wait3A_2411 = tpu.memref_squeeze %dma_wait3A_2410 : memref<1x128xi32, #tpu.memory_space<vmem>> -> memref<128xi32, #tpu.memory_space<vmem>>
    %dma_wait3A_2412 = arith.constant 0 : i32
    %dma_wait3A_2413 = tpu.memref_slice %arg19[%dma_wait3A_2412] : memref<41024xi32, #tpu.memory_space<vmem_shared>> -> memref<41024xi32, #tpu.memory_space<vmem_shared>>
    tpu.wait_indirect_dma semaphore(%arg21 : memref<!tpu.dma_semaphore, #tpu.memory_space<semaphore_mem>>) src(%dma_wait3A_2408 : memref<128xi32, #tpu.memory_space<vmem>>) dst(%dma_wait3A_2413 : memref<41024xi32, #tpu.memory_space<vmem_shared>>)
    %barrier3A_2414 = arith.constant 0 : index
    tpu.barrier barrier_id(%barrier3A_2414)
    %lt3A_2415 = arith.constant 15 : i32
    %lt3A_2416 = arith.cmpi slt, %arg1, %lt3A_2415 : i32
    %convert_element_type3A_2417 = arith.extui %lt3A_2416 : i1 to i32
    %cond3A_2418 = arith.constant 0 : i32
    %cond3A_2419 = arith.cmpi ne, %convert_element_type3A_2417, %cond3A_2418 : i32
    scf.if %cond3A_2419 {
      %mul3A_2425 = arith.constant 2560 : i32
      %mul3A_2426 = arith.muli %arg1, %mul3A_2425 : i32
      %mul3A_2427 = arith.constant 2560 : i32
      %mul3A_2428 = arith.muli %arg1, %mul3A_2427 : i32
      "tpu.region"() ({
        %run_scoped3A = tpu.sem_alloc : memref<!tpu.dma_semaphore, #tpu.memory_space<semaphore_mem>>
        %dma_start3A_2429 = tpu.memref_slice %arg3[%mul3A_2428] : memref<41023xi32, #tpu.memory_space<hbm>> -> memref<2560xi32, #tpu.memory_space<hbm>>
        %dma_start3A_2430 = tpu.memref_slice %arg19[%mul3A_2426] : memref<41024xi32, #tpu.memory_space<vmem_shared>> -> memref<2560xi32, #tpu.memory_space<vmem_shared>>
        tpu.enqueue_dma source(%dma_start3A_2430 : memref<2560xi32, #tpu.memory_space<vmem_shared>>) target(%dma_start3A_2429 : memref<2560xi32, #tpu.memory_space<hbm>>) target_semaphore(%run_scoped3A : memref<!tpu.dma_semaphore, #tpu.memory_space<semaphore_mem>>)
        %dma_wait3A_2431 = tpu.memref_slice %arg3[%mul3A_2428] : memref<41023xi32, #tpu.memory_space<hbm>> -> memref<2560xi32, #tpu.memory_space<hbm>>
        %dma_wait3A_2432 = tpu.memref_slice %arg19[%mul3A_2426] : memref<41024xi32, #tpu.memory_space<vmem_shared>> -> memref<2560xi32, #tpu.memory_space<vmem_shared>>
        tpu.wait_dma2 semaphore(%run_scoped3A : memref<!tpu.dma_semaphore, #tpu.memory_space<semaphore_mem>>) src(%dma_wait3A_2432 : memref<2560xi32, #tpu.memory_space<vmem_shared>>) dst(%dma_wait3A_2431 : memref<2560xi32, #tpu.memory_space<hbm>>)
        tpu.yield
      }) : () -> ()
    } else {
    }
    %eq3A_2420 = arith.constant 15 : i32
    %eq3A_2421 = arith.cmpi eq, %arg1, %eq3A_2420 : i32
    %convert_element_type3A_2422 = arith.extui %eq3A_2421 : i1 to i32
    %cond3A_2423 = arith.constant 0 : i32
    %cond3A_2424 = arith.cmpi ne, %convert_element_type3A_2422, %cond3A_2423 : i32
    scf.if %cond3A_2424 {
      "tpu.region"() ({
        %run_scoped3A = tpu.sem_alloc : memref<!tpu.dma_semaphore, #tpu.memory_space<semaphore_mem>>
        %dma_start3A_2425 = arith.constant 38400 : i32
        %dma_start3A_2426 = tpu.memref_slice %arg19[%dma_start3A_2425] : memref<41024xi32, #tpu.memory_space<vmem_shared>> -> memref<2624xi32, #tpu.memory_space<vmem_shared>>
        %dma_start3A_2427 = arith.constant 38400 : i32
        %dma_start3A_2428 = tpu.memref_slice %arg19[%dma_start3A_2427] : memref<41024xi32, #tpu.memory_space<vmem_shared>> -> memref<2624xi32, #tpu.memory_space<vmem_shared>>
        tpu.enqueue_dma source(%dma_start3A_2428 : memref<2624xi32, #tpu.memory_space<vmem_shared>>) target(%arg16 : memref<2624xi32, #tpu.memory_space<vmem>>) target_semaphore(%run_scoped3A : memref<!tpu.dma_semaphore, #tpu.memory_space<semaphore_mem>>)
        %dma_wait3A_2429 = arith.constant 38400 : i32
        %dma_wait3A_2430 = tpu.memref_slice %arg19[%dma_wait3A_2429] : memref<41024xi32, #tpu.memory_space<vmem_shared>> -> memref<2624xi32, #tpu.memory_space<vmem_shared>>
        %dma_wait3A_2431 = arith.constant 38400 : i32
        %dma_wait3A_2432 = tpu.memref_slice %arg19[%dma_wait3A_2431] : memref<41024xi32, #tpu.memory_space<vmem_shared>> -> memref<2624xi32, #tpu.memory_space<vmem_shared>>
        tpu.wait_dma2 semaphore(%run_scoped3A : memref<!tpu.dma_semaphore, #tpu.memory_space<semaphore_mem>>) src(%dma_wait3A_2432 : memref<2624xi32, #tpu.memory_space<vmem_shared>>) dst(%arg16 : memref<2624xi32, #tpu.memory_space<vmem>>)
        tpu.yield
      }) : () -> ()
      "tpu.region"() ({
        %run_scoped3A = tpu.sem_alloc : memref<!tpu.dma_semaphore, #tpu.memory_space<semaphore_mem>>
        %dma_start3A_2425 = arith.constant 0 : i32
        %dma_start3A_2426 = tpu.memref_slice %arg16[%dma_start3A_2425] : memref<2624xi32, #tpu.memory_space<vmem>> -> memref<2623xi32, #tpu.memory_space<vmem>>
        %dma_start3A_2427 = arith.constant 38400 : i32
        %dma_start3A_2428 = tpu.memref_slice %arg3[%dma_start3A_2427] : memref<41023xi32, #tpu.memory_space<hbm>> -> memref<2623xi32, #tpu.memory_space<hbm>>
        %dma_start3A_2429 = arith.constant 38400 : i32
        %dma_start3A_2430 = tpu.memref_slice %arg3[%dma_start3A_2429] : memref<41023xi32, #tpu.memory_space<hbm>> -> memref<2623xi32, #tpu.memory_space<hbm>>
        %dma_start3A_2431 = arith.constant 0 : i32
        %dma_start3A_2432 = tpu.memref_slice %arg16[%dma_start3A_2431] : memref<2624xi32, #tpu.memory_space<vmem>> -> memref<2623xi32, #tpu.memory_space<vmem>>
        tpu.enqueue_dma source(%dma_start3A_2432 : memref<2623xi32, #tpu.memory_space<vmem>>) target(%dma_start3A_2430 : memref<2623xi32, #tpu.memory_space<hbm>>) target_semaphore(%run_scoped3A : memref<!tpu.dma_semaphore, #tpu.memory_space<semaphore_mem>>)
        %dma_wait3A_2433 = arith.constant 0 : i32
        %dma_wait3A_2434 = tpu.memref_slice %arg16[%dma_wait3A_2433] : memref<2624xi32, #tpu.memory_space<vmem>> -> memref<2623xi32, #tpu.memory_space<vmem>>
        %dma_wait3A_2435 = arith.constant 38400 : i32
        %dma_wait3A_2436 = tpu.memref_slice %arg3[%dma_wait3A_2435] : memref<41023xi32, #tpu.memory_space<hbm>> -> memref<2623xi32, #tpu.memory_space<hbm>>
        %dma_wait3A_2437 = arith.constant 38400 : i32
        %dma_wait3A_2438 = tpu.memref_slice %arg3[%dma_wait3A_2437] : memref<41023xi32, #tpu.memory_space<hbm>> -> memref<2623xi32, #tpu.memory_space<hbm>>
        %dma_wait3A_2439 = arith.constant 0 : i32
        %dma_wait3A_2440 = tpu.memref_slice %arg16[%dma_wait3A_2439] : memref<2624xi32, #tpu.memory_space<vmem>> -> memref<2623xi32, #tpu.memory_space<vmem>>
        tpu.wait_dma2 semaphore(%run_scoped3A : memref<!tpu.dma_semaphore, #tpu.memory_space<semaphore_mem>>) src(%dma_wait3A_2440 : memref<2623xi32, #tpu.memory_space<vmem>>) dst(%dma_wait3A_2438 : memref<2623xi32, #tpu.memory_space<hbm>>)
        tpu.yield
      }) : () -> ()
    } else {
    }
    return
  }
}

</mosaic_0001>

<sc_bundles>
// kernel: kernel.3.cloned.1.call-start
scs
__scs_entry_jumppad:
0x0: {  	(pc) =	sbr.rel $0x88, $3  }
0x1: {  	(tag) =	ssettag $0x0;
	lr =	simm.s32 $0x1  }
0x2: {  	[smem:$0x3FA0] =	sst lr;
	_ =	strace $0xD0000000  }
0x3: {  	_ = 	snop  }
0x4: {  	_ = 	snop  }
0x5: {  	_ = 	snop  }
0x6: {  	_ = 	snop  }
0x7: {  	_ = 	snop  }
__scs_overlays_trampoline_lowered:
0x8: {  	[smem:$0x3FAF] =	sst s0  }
0x9: {  	[smem:$0x3FB0] =	sst s1  }
0xa: {  	[smem:$0x3FB1] =	sst s2  }
0xb: {  	[smem:$0x3FB2] =	sst s3  }
0xc: {  	[smem:$0x3FB3] =	sst s4  }
0xd: {  	[smem:$0x3FB4] =	sst s5  }
0xe: {  	[smem:$0x3FB5] =	sst s6  }
0xf: {  	[smem:$0x3FB6] =	sst s7  }
0x10: {  	[smem:$0x3FB7] =	sst s8  }
0x11: {  	[smem:$0x3FB8] =	sst s9;
	s0 =	simm.s32 @!p0 $0x0  }
0x12: {  	s1 =	sld [smem:$0x3F9E];
	s0 =	simm.s32 @p0 $0x1  }
0x13: {  	[smem:$0x3FB9] =	sst s0;
	s0 =	simm.s32 @!p1 $0x0  }
0x14: {  	s2 =	sld [smem:$0x3F9D];
	s0 =	simm.s32 @p1 $0x1  }
0x15: {  	[smem:$0x3FBA] =	sst s0;
	s0 =	simm.s32 @!p2 $0x0  }
0x16: {  	s3 =	sld [smem:$0x3FDB];
	s0 =	simm.s32 @p2 $0x1  }
0x17: {  	s4 =	simm.s32 $0x1BF5;
	[smem:$0x3FBC] =	sst s0  }
0x18: {  	s0 =	sld [smem:$0x3F9F];
	_ =	swait.ge [sflag:s4], $0x0  }
0x19: {  	s7 =	sld [smem:$0x3FA0]  }
0x1a: {  	s8 =	sadd.s32 $0xFFFFE003, lr  }
0x1b: {  	s9 =	sadd.s32 $0xFFFFFEF7, lr;
	s5 =	simm.s32 $0xFFFFFFFF;
	p2 =	slt.u32 s8, $0xFFFFF086  }
0x1c: {  	p1 =	slt.u32 s9, $0xF7A;
	s5 =	simm.s32 @!p2 $0x0  }
0x1d: {  	s5 =	simm.s32 @p1 $0x1;
	p0 =	seq.s32 s7, s2  }
0x1e: {  	s7 =	smul.u32 @!p0 $0xF7A, s2;
	p2 =	seq.s32 @!p0 s5, $0x0  }
0x1f: {  	s9 =	smul.u32 $0xF7A, s1;
	s8 =	simm.s32 @!p0 $0x1BF5;
	p2 =	por !p2, p0  }
0x20: {  	[sflag:s8] =	ssyncset.s32 @!p0 $0xFFFFF086;
	s6 =	sadd.s32 @!p0 s3, s7;
	s7 =	simm.s32 @!p0 $0x108  }
0x21: {  	s3 =	sadd.s32 s3, s9;
	s6 =	sadd.s32 @!p0 $0x88, s6;
	s7 =	simm.s32 @p2 $0x1082  }
0x22: {  	[simem:s7], [sflag:s8] =	dma.local @!p0 [hbm:s6], $0xF7A  }
0x23: {  	s9 =	sor.u32 $0xD0000000, s2;
	s6 =	simm.s32 $0x108;
	_ =	swait.ge @!p0 [sflag:s8], $0x0  }
0x24: {  	s3 =	sadd.s32 $0x88, s3;
	s6 =	simm.s32 @!p1 $0x1082;
	[sflag:s4] =	ssyncset.s32 $0xFFFFF086  }
0x25: {  	[simem:s6], [sflag:s4] =	dma.local [hbm:s3], $0xF7A  }
0x26: {  	[smem:$0x3FA0] =	sst s1;
	(tag) =	ssettag s2;
	_ =	strace s9  }
0x27: {  	s1 =	sld [smem:$0x3FB0]  }
0x28: {  	s2 =	sld [smem:$0x3FB1]  }
0x29: {  	s4 =	sld [smem:$0x3FB3]  }
0x2a: {  	p0 =	seq.s32 s5, $0x0;
	s5 =	sld [smem:$0x3FB4]  }
0x2b: {  	s6 =	sld [smem:$0x3FB5]  }
0x2c: {  	s7 =	sld [smem:$0x3FB6]  }
0x2d: {  	s3 =	simm.s32 $0x108;
	s8 =	sld [smem:$0x3FB7]  }
0x2e: {  	s3 =	simm.s32 @!p0 $0x1082;
	s9 =	sld [smem:$0x3FB8]  }
0x2f: {  	lr =	sadd.s32 s0, s3;
	s0 =	sld [smem:$0x3FAF]  }
0x30: {  	s3 =	sld [smem:$0x3FB2]  }
0x31: {  	[smem:$0x3FBB] =	sst s10  }
0x32: {  	s10 =	sld [smem:$0x3FB9];
	_ =	sdelay $0x3  }
0x33: {  	p0 =	seq.s32 s10, $0x1;
	s10 =	sld [smem:$0x3FBB];
	_ =	sdelay $0x3  }
0x34: {  	[smem:$0x3FBB] =	sst s10  }
0x35: {  	s10 =	sld [smem:$0x3FBA];
	_ =	sdelay $0x3  }
0x36: {  	p1 =	seq.s32 s10, $0x1;
	s10 =	sld [smem:$0x3FBB];
	_ =	sdelay $0x3  }
0x37: {  	[smem:$0x3FBB] =	sst s10  }
0x38: {  	s10 =	sld [smem:$0x3FBC]  }
0x39: {  	_ = 	snop;
	(pc) =	sbr.ind lr, $3  }
0x3a: {  	_ = 	snop  }
0x3b: {  	_ = 	snop  }
0x3c: {  	p2 =	seq.s32 s10, $0x1;
	s10 =	sld [smem:$0x3FBB]  }
0x3d: {  	_ =	shalt  }
0x3e: {  	_ =	shalt  }
0x3f: {  	_ =	shalt  }
0x40: {  	_ =	shalt  }
0x41: {  	_ =	shalt  }
0x42: {  	_ =	shalt  }
0x43: {  	_ =	shalt  }
0x44: {  	_ =	shalt  }
0x45: {  	_ =	shalt  }
0x46: {  	_ =	shalt  }
0x47: {  	_ =	shalt  }
0x48: {  	_ =	shalt  }
0x49: {  	_ =	shalt  }
0x4a: {  	_ =	shalt  }
0x4b: {  	_ =	shalt  }
0x4c: {  	_ =	shalt  }
0x4d: {  	_ =	shalt  }
0x4e: {  	_ =	shalt  }
0x4f: {  	_ =	shalt  }
0x50: {  	_ =	shalt  }
0x51: {  	_ =	shalt  }
0x52: {  	_ =	shalt  }
0x53: {  	_ =	shalt  }
0x54: {  	_ =	shalt  }
0x55: {  	_ =	shalt  }
0x56: {  	_ =	shalt  }
0x57: {  	_ =	shalt  }
0x58: {  	_ =	shalt  }
0x59: {  	_ =	shalt  }
0x5a: {  	_ =	shalt  }
0x5b: {  	_ =	shalt  }
0x5c: {  	_ =	shalt  }
0x5d: {  	_ =	shalt  }
0x5e: {  	_ =	shalt  }
0x5f: {  	_ =	shalt  }
0x60: {  	_ =	shalt  }
0x61: {  	_ =	shalt  }
0x62: {  	_ =	shalt  }
0x63: {  	_ =	shalt  }
0x64: {  	_ =	shalt  }
0x65: {  	_ =	shalt  }
0x66: {  	_ =	shalt  }
0x67: {  	_ =	shalt  }
0x68: {  	_ =	shalt  }
0x69: {  	_ =	shalt  }
0x6a: {  	_ =	shalt  }
0x6b: {  	_ =	shalt  }
0x6c: {  	_ =	shalt  }
0x6d: {  	_ =	shalt  }
0x6e: {  	_ =	shalt  }
0x6f: {  	_ =	shalt  }
0x70: {  	_ =	shalt  }
0x71: {  	_ =	shalt  }
0x72: {  	_ =	shalt  }
0x73: {  	_ =	shalt  }
0x74: {  	_ =	shalt  }
0x75: {  	_ =	shalt  }
0x76: {  	_ =	shalt  }
0x77: {  	_ =	shalt  }
0x78: {  	_ =	shalt  }
0x79: {  	_ =	shalt  }
0x7a: {  	_ =	shalt  }
0x7b: {  	_ =	shalt  }
0x7c: {  	_ =	shalt  }
0x7d: {  	_ =	shalt  }
0x7e: {  	_ =	shalt  }
0x7f: {  	_ =	shalt  }
0x80: {  	_ =	shalt  }
0x81: {  	_ =	shalt  }
0x82: {  	_ =	shalt  }
0x83: {  	_ =	shalt  }
0x84: {  	_ =	shalt  }
0x85: {  	_ =	shalt  }
0x86: {  	_ =	shalt  }
0x87: {  	_ =	shalt  }
.Lfunc_end0:
.L_simem_size_0:
called_computation_lowered:
.L_overlay_start_0:
0x88: {  	s0 =	sld [smem:$0x3FD9]  }
0x89: {  	s1 =	sld [smem:$0x3FFE];
	_ =	sdelay $0x3  }
0x8a: {  	s0 =	sadd.s32 s1, s0  }
0x8b: {  	[smem:$0x3FC7] =	sst s0  }
0x8c: {  	_ = 	snop  }
0x8d: {  	s0 =	sld [smem:$0x3FD0];
	_ =	sdelay $0x2  }
0x8e: {  	s13 =	simm.s32 $0xA;
	s2 =	simm.s32 $0x10  }
0x8f: {  	[smem:s2], [sflag:s13] =	dma.local [hbm:s0], $0x1  }
0x90: {  	_ =	swait.eq [sflag:s13], $0x1  }
0x91: {  	s14 =	sld [smem:$0x10];
	[sflag:s13] =	ssyncset.done $0x0  }
0x92: {  	s15 =	sld [smem:$0x11];
	[sflag:s13] =	ssyncadd.s32 $0xFFFFFFFF  }
0x93: {  	s16 =	sld [smem:$0x12];
	(tm) =	ssettm $0x1  }
0x94: {  	s3 =	sld [smem:$0x3FFB];
	_ =	sdelay $0x3  }
0x95: {  	_ =	strace s3  }
0x96: {  	s3 =	sld [smem:$0x3FFC];
	_ =	sdelay $0x3  }
0x97: {  	_ =	strace s3  }
0x98: {  	s3 =	sld [smem:$0x3FFD];
	_ =	sdelay $0x3  }
0x99: {  	_ =	strace s3  }
0x9a: {  	_ =	strace $0x8FFFFFFF  }
0x9b: {  	s17 =	sld [smem:$0x3FDB];
	_ =	sdelay $0x1  }
0x9c: {  	s4 =	simm.s32 $_scs_section_size  }
0x9d: {  	s5 =	simm.s32 $_size__tile_overlayer_lowered;
	s6 =	simm.s32 $_tile_overlayer_lowered  }
0x9e: {  	s20 =	simm.s32 $0x1BFF;
	s19 =	sshll.u32 s6, $0x1;
	s3 =	sadd.s32 s4, s17  }
0x9f: {  	s7 =	simm.s32 $0x0;
	s18 =	sshll.u32 s5, $0x1;
	s5 =	sadd.s32 s19, s3  }
0xa0: {  	[timem:s7], [sflag:s20] =	dma.local [hbm:s5], s18  }
0xa1: {  	_ =	swait.ge [sflag:s20], s18  }
0xa2: {  	s4 =	ssub.s32 $0x0, s18;
	[sflag:s20] =	ssyncset.done $0x0  }
0xa3: {  	[sflag:s20] =	ssyncadd.s32 s4;
	_ =	sdelay $0x1  }
0xa4: {  	s21 =	simm.s32 $0x1B8B  }
0xa5: {  	_ =	swait.ge [sflag:s21], $0x1  }
0xa6: {  	[sflag:s21] =	ssyncset.done $0x0  }
0xa7: {  	s23 =	simm.s32 $0x1B8E;
	s22 =	sld [smem:$0x3FFE];
	[sflag:s21] =	ssyncadd.s32 $0xFFFFFFFF  }
0xa8: {  	s24 =	simm.s32 $execute0_lowered;
	[smem:$0x3FD2] =	sst s23  }
0xa9: {  	s5 =	sshll.u32 s24, $0x1;
	_ =	strace $0x80000046;
	[dreg:$0x1] =	wrdreg $0xFFFFFFFF  }
0xaa: {  	s25 =	simm.s32 $_size_execute0_lowered;
	s3 =	sadd.s32 s3, s5;
	[dreg:$0x0] =	wrdreg $0x0  }
0xab: {  	s5 =	sshll.u32 s25, $0x1;
	[dreg:$0x2] =	wrdreg s3  }
0xac: {  	[dreg:$0x3] =	wrdreg s5  }
0xad: {  	[dreg:$0x4] =	wrdreg $0xC0  }
0xae: {  	_ =	task [dreg:s7], $0x5FFFF  }
0xaf: {  	[dreg:$0x1] =	wrdreg $0xFFFFFFFF  }
0xb0: {  	[dreg:$0x0] =	wrdreg $0x60  }
0xb1: {  	[dreg:$0x2] =	wrdreg s22  }
0xb2: {  	[dreg:$0x3] =	wrdreg s14  }
0xb3: {  	[dreg:$0x4] =	wrdreg s15  }
0xb4: {  	[dreg:$0x5] =	wrdreg s16  }
0xb5: {  	[dreg:$0x6] =	wrdreg $0x71000  }
0xb6: {  	[dreg:$0x7] =	wrdreg $0x7B080  }
0xb7: {  	[dreg:$0x8] =	wrdreg $0x9  }
0xb8: {  	_ =	task.clear_ibuf [dreg:s7], $0x9FFFF;
	_ =	strace $0x90000046  }
0xb9: {  	s26 =	simm.s32 $0x9;
	_ =	strace $0x80000048  }
0xba: {  	_ =	swait.ge [sflag:s26], $0x1  }
0xbb: {  	[sflag:s26] =	ssyncadd.s32 $0xFFFFFFFF  }
0xbc: {  	_ =	strace $0x90000048  }
0xbd: {  	_ =	sfence  }
0xbe: {  	s28 =	sld [smem:$0x0];
	_ =	sdelay $0x1  }
0xbf: {  	s29 =	srdreg.scid  }
0xc0: {  	s30 =	sshll.u32 s29, $0xD;
	s31 =	sshrl.u32 s29, $0x2  }
0xc1: {  	s1 =	sand.u32 $0x1, s29;
	s2 =	sand.u32 $0x4000, s30;
	s0 =	sadd.s32 s31, s28  }
0xc2: {  	s1 =	sor.u32 s2, s1;
	s0 =	sshll.u32 s0, $0x11  }
0xc3: {  	s0 =	sor.u32 s0, s1  }
0xc4: {  	s0 =	sadd.s32 $0x8F2B, s0  }
0xc5: {  	[sflag:s0] =	ssyncadd.remote.s32 $0x1  }
0xc6: {  	_ =	sfence.sel $0xFFFF  }
0xc7: {  	[dreg:$0x0] =	wrdreg $0xFFFFFFFF;
	(pc) =	sbr.abs _section_cstart, $3  }
0xc8: {  	[dreg:$0x1] =	wrdreg $0xFFFFFFFF  }
0xc9: {  	_ =	task.clear_ibuf [dreg:s7], $0x2FFFF;
	_ =	strace $0x9FFFFFFF  }
0xca: {  	(tm) =	ssettm $0x7FFFFFFF  }
0xcb: {  	_ =	shalt  }
tec
execute0_lowered:
.L_overlay_start_1:
0x0: {  	(tag) =	ssettag $0x1  }
0x1: {  	s3 =	rddreg [dreg:$0x0]  }
0x2: {  	s5 =	rddreg [dreg:$0x1]  }
0x3: {  	s4 =	rddreg [dreg:$0x2]  }
0x4: {  	s2 =	rddreg [dreg:$0x3]  }
0x5: {  	s8 =	rddreg [dreg:$0x4]  }
0x6: {  	s9 =	rddreg [dreg:$0x5];
	s1 =	stileid.u32  }
0x7: {  	s0 =	rddreg [dreg:$0x6];
	s7 =	simm.s32 $0x0;
	s6 =	sshll.u32 s1, $0x8  }
0x8: {  	[smem:$0x7FF] =	sst s7;
	s3 =	sadd.s32 s6, s3  }
0x9: {  	s31 =	simm.s32 $0x3;
	_ =	strace $0x80000047;
	s3 =	sadd.s32 $0x600, s3  }
0xa: {  	[tilespmem:s7], [sflag:$0x3] =	stream.linear.gather [hbm4b:s3+s7], $0x800, $0x38;
	[tilespmem:$0x7B48] =	vst v63  }
0xb: {  	_ =	swait.ge [sflag:s31], $0x800  }
0xc: {  	[sflag:s31] =	ssyncset.done $0x0  }
0xd: {  	v0 =	vimm.s32 $0x0;
	[sflag:s31] =	ssyncadd.s32 $0xFFFFF800  }
0xe: {  	[tilespmem:$0x800] =	vst v0  }
0xf: {  	[tilespmem:$0x880] =	vst v0  }
0x10: {  	[tilespmem:$0x900] =	vst v0  }
0x11: {  	[tilespmem:$0x980] =	vst v0  }
0x12: {  	[tilespmem:$0xA00] =	vst v0  }
0x13: {  	[tilespmem:$0xA80] =	vst v0  }
0x14: {  	[tilespmem:$0xB00] =	vst v0  }
0x15: {  	[tilespmem:$0xB80] =	vst v0  }
0x16: {  	[tilespmem:$0xC00] =	vst v0  }
0x17: {  	[tilespmem:$0xC80] =	vst v0  }
0x18: {  	[tilespmem:$0xD00] =	vst v0  }
0x19: {  	[tilespmem:$0xD80] =	vst v0  }
0x1a: {  	[tilespmem:$0xE00] =	vst v0  }
0x1b: {  	[tilespmem:$0xE80] =	vst v0  }
0x1c: {  	[tilespmem:$0xF00] =	vst v0  }
0x1d: {  	[tilespmem:$0xF80] =	vst v0  }
0x1e: {  	[tilespmem:$0x1000] =	vst v0  }
0x1f: {  	[tilespmem:$0x1080] =	vst v0  }
0x20: {  	[tilespmem:$0x1100] =	vst v0  }
0x21: {  	[tilespmem:$0x1180] =	vst v0  }
0x22: {  	[tilespmem:$0x1200] =	vst v0  }
0x23: {  	[tilespmem:$0x1280] =	vst v0  }
0x24: {  	[tilespmem:$0x1300] =	vst v0  }
0x25: {  	[tilespmem:$0x1380] =	vst v0  }
0x26: {  	[tilespmem:$0x1400] =	vst v0  }
0x27: {  	[tilespmem:$0x1480] =	vst v0  }
0x28: {  	[tilespmem:$0x1500] =	vst v0  }
0x29: {  	[tilespmem:$0x1580] =	vst v0  }
0x2a: {  	[tilespmem:$0x1600] =	vst v0  }
0x2b: {  	[tilespmem:$0x1680] =	vst v0  }
0x2c: {  	[tilespmem:$0x1700] =	vst v0  }
0x2d: {  	[tilespmem:$0x1780] =	vst v0  }
0x2e: {  	[tilespmem:$0x1800] =	vst v0  }
0x2f: {  	[tilespmem:$0x1880] =	vst v0  }
0x30: {  	[tilespmem:$0x1900] =	vst v0  }
0x31: {  	[tilespmem:$0x1980] =	vst v0  }
0x32: {  	[tilespmem:$0x1A00] =	vst v0  }
0x33: {  	[tilespmem:$0x1A80] =	vst v0  }
0x34: {  	[tilespmem:$0x1B00] =	vst v0  }
0x35: {  	[tilespmem:$0x1B80] =	vst v0  }
0x36: {  	[tilespmem:$0x1C00] =	vst v0  }
0x37: {  	[tilespmem:$0x1C80] =	vst v0  }
0x38: {  	[tilespmem:$0x1D00] =	vst v0  }
0x39: {  	[tilespmem:$0x1D80] =	vst v0  }
0x3a: {  	[tilespmem:$0x1E00] =	vst v0  }
0x3b: {  	[tilespmem:$0x1E80] =	vst v0  }
0x3c: {  	[tilespmem:$0x1F00] =	vst v0  }
0x3d: {  	[tilespmem:$0x1F80] =	vst v0  }
0x3e: {  	[tilespmem:$0x2000] =	vst v0  }
0x3f: {  	[tilespmem:$0x2080] =	vst v0  }
0x40: {  	[tilespmem:$0x2100] =	vst v0  }
0x41: {  	[tilespmem:$0x2180] =	vst v0  }
0x42: {  	[tilespmem:$0x2200] =	vst v0  }
0x43: {  	[tilespmem:$0x2280] =	vst v0  }
0x44: {  	[tilespmem:$0x2300] =	vst v0  }
0x45: {  	[tilespmem:$0x2380] =	vst v0  }
0x46: {  	[tilespmem:$0x2400] =	vst v0  }
0x47: {  	[tilespmem:$0x2480] =	vst v0  }
0x48: {  	[tilespmem:$0x2500] =	vst v0  }
0x49: {  	[tilespmem:$0x2580] =	vst v0  }
0x4a: {  	[tilespmem:$0x2600] =	vst v0  }
0x4b: {  	[tilespmem:$0x2680] =	vst v0  }
0x4c: {  	[tilespmem:$0x2700] =	vst v0  }
0x4d: {  	s3 =	simm.s32 $0x40;
	s7 =	simm.s32 $0x0;
	[tilespmem:$0x2780] =	vst v0;
	v0 =	vimm.s32 $0x8000  }
.LBB2_1:
0x4e: {  	p0 =	sne.s32 s3, $0x28C0;
	[tilespmem:s7+$0x6580] =	vst v0;
	s7 =	smov.u32 s3;
	s3 =	sadd.s32 $0x40, s3  }
.Ltmp0:
0x4f: {  	(pc) =	sbr.rel @p0 .LBB2_1-.Ltmp0, $2  }
0x50: {  	_ =	sdelay $0x2  }
0x51: {  	s7 =	sshra.s32 s7, $0x2  }
0x52: {  	s12 =	smul.u32 $0xA00, s1;
	_ =	sdelay $0x1  }
0x53: {  	[tilespmem:s7+$0x6580] =	vst v0;
	p0 =	sne.s32 s1, $0xF;
	v3 =	vlaneseq.u32;
	s30 =	simm.s32 $0x6580;
	s3 =	sadd.s32 s12, s8  }
0x54: {  	v4 =	vmul.u32 $0x80, v3;
	[spmem:s3] =	stream.linear.scatter [tilespmem:s30], [sflag:$0x2], $0xA00, $0x38;
	[tilespmem:$0x7B48] =	vst v63  }
0x55: {  	s10 =	simm.s32 $0x0;
	s7 =	sadd.s32 @!p0 $0xA000, s8;
	s11 =	simm.s32 @!p0 $0x6580  }
0x56: {  	v0 =	vor.u32 s10, v4;
	[spmem:s7] =	stream.linear.scatter @!p0 [tilespmem:s11], [sflag:$0x3], $0x40, $0x38;
	[tilespmem:$0x7B48] =	vst v63  }
0x57: {  	s7 =	simm.s32 @!p0 $0x3  }
0x58: {  	_ =	swait.ge @!p0 [sflag:s7], $0x40  }
0x59: {  	[sflag:s7] =	ssyncset.done @!p0 $0x0  }
0x5a: {  	[sflag:s7] =	ssyncadd.s32 @!p0 $0xFFFFFFC0  }
0x5b: {  	s6 =	sshrl.u32 s6, $0x2;
	v0 =	vld.idx.msk [tilespmem:v0+s10+$0x0], $0xffff  }
0x5c: {  	s14 =	sshll.u32 s1, $0xB;
	p1 =	seq.s32 s1, $0xF;
	p0 =	sne.s32 s1, $0x0  }
0x5d: {  	p2 =	sgt.u32 s1, $0x2;
	s11 =	sadd.s32 s6, s9;
	s6 =	simm.s32 @!p0 $0x0  }
0x5e: {  	p5 =	sgt.u32 s1, $0x3;
	p3 =	sgt.u32 s1, $0x5;
	s6 =	simm.s32 @p0 $0x1  }
0x5f: {  	p4 =	sgt.u32 s1, $0x4;
	[smem:$0x7F5] =	sst s6;
	s6 =	simm.s32 @!p3 $0x0  }
0x60: {  	s18 =	sshll.u32 s1, $0x5;
	s6 =	simm.s32 @p3 $0x1;
	p3 =	sgt.u32 s1, $0x7;
	v0 =	vshll.u32 v0, $0x7  }
0x61: {  	s31 =	sshll.u32 s1, $0x2;
	s19 =	sor.u32 $0x10, s18;
	v6 =	vor.u32 v3, v0;
	v0 =	vmov s18;
	s18 =	simm.s32 @!p3 $0x0  }
0x62: {  	s20 =	simm.s32 $0x1;
	s18 =	simm.s32 @p3 $0x1;
	p3 =	sgt.u32 s1, $0x8  }
0x63: {  	s15 =	simm.s32 $0x2;
	[smem:$0x7F7] =	sst s18;
	s18 =	simm.s32 @!p3 $0x0  }
0x64: {  	p6 =	sgt.u32 s1, $0x6;
	s18 =	simm.s32 @p3 $0x1;
	p3 =	sgt.u32 s1, $0x9  }
0x65: {  	s13 =	sand.u32 $0x1E00, s10;
	[smem:$0x7F8] =	sst s18;
	s18 =	simm.s32 @!p3 $0x0  }
0x66: {  	s16 =	sand.u32 $0x70, s10;
	s18 =	simm.s32 @p3 $0x1;
	p3 =	sgt.u32 s1, $0xA  }
0x67: {  	s12 =	sshrl.u32 s12, $0x3;
	[smem:$0x7F9] =	sst s18;
	s18 =	simm.s32 @!p3 $0x0  }
0x68: {  	s17 =	sshrl.u32 s13, $0x2;
	s18 =	simm.s32 @p3 $0x1;
	p3 =	sgt.u32 s1, $0xB  }
0x69: {  	s7 =	sadd.s32 s4, s31;
	[smem:$0x7FA] =	sst s18;
	s18 =	simm.s32 @!p3 $0x0  }
0x6a: {  	s4 =	sadd.s32 s5, s12;
	s18 =	simm.s32 @p3 $0x1;
	p3 =	sgt.u32 s1, $0xC  }
0x6b: {  	s12 =	simm.s32 $0x800;
	[smem:$0x7FB] =	sst s18;
	s18 =	simm.s32 @!p3 $0x0  }
0x6c: {  	s13 =	simm.s32 $0x0;
	v8 =	vld.idx.msk [tilespmem:v6+s12+$0x0], $0xffff;
	s18 =	simm.s32 @p3 $0x1;
	p3 =	sgt.u32 s1, $0xD  }
0x6d: {  	v1 =	vmov s19;
	v2 =	vor.u32 s14, v4;
	s14 =	simm.s32 $0x0;
	[smem:$0x7FC] =	sst s18;
	s18 =	simm.s32 @!p3 $0x0  }
0x6e: {  	v7 =	vor.u32 s20, v4;
	v5 =	vshll.u32 v1, $0x7;
	s5 =	sadd.s32 $0x12C0, s5;
	[smem:$0x7F6] =	sst s6;
	v0 =	vshll.u32 v0, $0x7;
	s18 =	simm.s32 @p3 $0x1  }
0x6f: {  	v36 =	vor.u32 v4, v5;
	v5 =	vimm.s32 $0x1;
	p0 =	sgt.u32 s1, $0x1;
	s6 =	sadd.s32 $0x9600, s8;
	v1 =	vor.u32 v4, v0;
	[smem:$0x7FD] =	sst s18  }
.LBB2_3:
0x70: {  	p3 =	sne.s32 s15, $0x7F;
	s16 =	sor.u32 s16, s17  }
0x71: {  	[tilespmem:s16+$0x4800] =	vst v8  }
0x72: {  	[tilespmem:v6+s12+$0x0] =	vst.idx.add.s32.msk $0xffff, v5  }
0x73: {  	v6 =	vld.idx.msk [tilespmem:v7+s10+$0x0], $0xffff;
	_ =	sdelay $0x5  }
0x74: {  	v6 =	vshll.u32 v6, $0x7  }
0x75: {  	v6 =	vor.u32 v3, v6;
	_ =	sdelay $0x4  }
.Ltmp1:
0x76: {  	v8 =	vld.idx.msk [tilespmem:v6+s12+$0x0], $0xffff;
	(pc) =	sbr.rel @p3 .LBB2_3-.Ltmp1, $4  }
0x77: {  	_ = 	snop  }
0x78: {  	s13 =	sadd.s32 $0x40, s13  }
0x79: {  	s14 =	sadd.s32 $0x10, s14;
	s17 =	sand.u32 $0x1E00, s13;
	v7 =	vor.u32 s15, v4  }
0x7a: {  	s16 =	sand.u32 $0x70, s14;
	s17 =	sshrl.u32 s17, $0x2;
	s15 =	sadd.s32 $0x1, s15  }
0x7b: {  	_ =	sdelay $0x1  }
0x7c: {  	s15 =	sor.u32 s16, s17  }
0x7d: {  	[tilespmem:s15+$0x4800] =	vst v8  }
0x7e: {  	[tilespmem:v6+s12+$0x0] =	vst.idx.add.s32.msk $0xffff, v5  }
0x7f: {  	v4 =	vld.idx.msk [tilespmem:v7+s10+$0x0], $0xffff;
	_ =	sdelay $0x4  }
0x80: {  	v4 =	vshll.u32 v4, $0x7  }
0x81: {  	v3 =	vor.u32 v3, v4;
	_ =	sdelay $0x4  }
0x82: {  	v4 =	vld.idx.msk [tilespmem:v3+s12+$0x0], $0xffff  }
0x83: {  	s23 =	sadd.s32 $0x40, s13  }
0x84: {  	s24 =	sadd.s32 $0x10, s14;
	s10 =	sand.u32 $0x1E00, s23  }
0x85: {  	s13 =	sand.u32 $0x70, s24;
	s10 =	sshrl.u32 s10, $0x2  }
0x86: {  	s10 =	sor.u32 s13, s10  }
0x87: {  	[tilespmem:s10+$0x4800] =	vst v4  }
0x88: {  	[tilespmem:v3+s12+$0x0] =	vst.idx.add.s32.msk $0xffff, v5  }
0x89: {  	v3 =	vld [tilespmem:$0x800]  }
0x8a: {  	v4 =	vld [tilespmem:$0x880]  }
0x8b: {  	v5 =	vld [tilespmem:$0x900]  }
0x8c: {  	v6 =	vld [tilespmem:$0x980]  }
0x8d: {  	v7 =	vld [tilespmem:$0xA00]  }
0x8e: {  	v8 =	vld [tilespmem:$0xA80];
	(xrf0) =	vadd.scan.msk.s32 $0xffff, v3  }
0x8f: {  	v9 =	vld [tilespmem:$0xB00];
	(xrf0) =	vadd.scan.msk.s32 $0xffff, v4  }
0x90: {  	v10 =	vld [tilespmem:$0xB80];
	(xrf0) =	vadd.scan.msk.s32 $0xffff, v5  }
0x91: {  	v11 =	vld [tilespmem:$0xC00];
	(xrf0) =	vadd.scan.msk.s32 $0xffff, v6  }
0x92: {  	v12 =	vld [tilespmem:$0xC80];
	(xrf0) =	vadd.scan.msk.s32 $0xffff, v7  }
0x93: {  	v13 =	vld [tilespmem:$0xD00];
	(xrf0) =	vadd.scan.msk.s32 $0xffff, v8  }
0x94: {  	v15 =	vld [tilespmem:$0xD80];
	v14, _, _ =	vpop (xrf0);
	(xrf0) =	vadd.scan.msk.s32 $0xffff, v9  }
0x95: {  	v16 =	vld [tilespmem:$0xE00];
	v3 =	vsub.s32 v14, v3;
	v14, _, _ =	vpop (xrf0);
	(xrf0) =	vadd.scan.msk.s32 $0xffff, v10  }
0x96: {  	[tilespmem:$0x2800] =	vst v3;
	v3 =	vsub.s32 v14, v4;
	v4, _, _ =	vpop (xrf0);
	(xrf0) =	vadd.scan.msk.s32 $0xffff, v11;
	v14 =	vld [tilespmem:$0xE80]  }
0x97: {  	[tilespmem:$0x2880] =	vst v3;
	v3 =	vsub.s32 v4, v5;
	v4, _, _ =	vpop (xrf0);
	(xrf0) =	vadd.scan.msk.s32 $0xffff, v12;
	v5 =	vld [tilespmem:$0xF00]  }
0x98: {  	[tilespmem:$0x2900] =	vst v3;
	v3 =	vsub.s32 v4, v6;
	v4, _, _ =	vpop (xrf0);
	(xrf0) =	vadd.scan.msk.s32 $0xffff, v13;
	v6 =	vld [tilespmem:$0xF80]  }
0x99: {  	[tilespmem:$0x2980] =	vst v3;
	v3 =	vsub.s32 v4, v7;
	v4, _, _ =	vpop (xrf0);
	(xrf0) =	vadd.scan.msk.s32 $0xffff, v15;
	v7 =	vld [tilespmem:$0x1000]  }
0x9a: {  	[tilespmem:$0x2A00] =	vst v3;
	v3 =	vsub.s32 v4, v8;
	v4, _, _ =	vpop (xrf0);
	(xrf0) =	vadd.scan.msk.s32 $0xffff, v16;
	v8 =	vld [tilespmem:$0x1080]  }
0x9b: {  	[tilespmem:$0x2A80] =	vst v3;
	v3 =	vsub.s32 v4, v9;
	v4, _, _ =	vpop (xrf0);
	(xrf0) =	vadd.scan.msk.s32 $0xffff, v14;
	v9 =	vld [tilespmem:$0x1100]  }
0x9c: {  	[tilespmem:$0x2B00] =	vst v3;
	v3 =	vsub.s32 v4, v10;
	v4, _, _ =	vpop (xrf0);
	(xrf0) =	vadd.scan.msk.s32 $0xffff, v5;
	v10 =	vld [tilespmem:$0x1180]  }
0x9d: {  	[tilespmem:$0x2B80] =	vst v3;
	v3 =	vsub.s32 v4, v11;
	v4, _, _ =	vpop (xrf0);
	(xrf0) =	vadd.scan.msk.s32 $0xffff, v6;
	v11 =	vld [tilespmem:$0x1200]  }
0x9e: {  	[tilespmem:$0x2C00] =	vst v3;
	v3 =	vsub.s32 v4, v12;
	v4, _, _ =	vpop (xrf0);
	(xrf0) =	vadd.scan.msk.s32 $0xffff, v7;
	v12 =	vld [tilespmem:$0x1280]  }
0x9f: {  	[tilespmem:$0x2C80] =	vst v3;
	v3 =	vsub.s32 v4, v13;
	v4, _, _ =	vpop (xrf0);
	(xrf0) =	vadd.scan.msk.s32 $0xffff, v8;
	v13 =	vld [tilespmem:$0x1300]  }
0xa0: {  	[tilespmem:$0x2D00] =	vst v3;
	v3 =	vsub.s32 v4, v15;
	v4, _, _ =	vpop (xrf0);
	(xrf0) =	vadd.scan.msk.s32 $0xffff, v9;
	v15 =	vld [tilespmem:$0x1380]  }
0xa1: {  	[tilespmem:$0x2D80] =	vst v3;
	v3 =	vsub.s32 v4, v16;
	v4, _, _ =	vpop (xrf0);
	(xrf0) =	vadd.scan.msk.s32 $0xffff, v10;
	v16 =	vld [tilespmem:$0x1400]  }
0xa2: {  	[tilespmem:$0x2E00] =	vst v3;
	v3 =	vsub.s32 v4, v14;
	v4, _, _ =	vpop (xrf0);
	(xrf0) =	vadd.scan.msk.s32 $0xffff, v11;
	v14 =	vld [tilespmem:$0x1480]  }
0xa3: {  	[tilespmem:$0x2E80] =	vst v3;
	v3 =	vsub.s32 v4, v5;
	v4, _, _ =	vpop (xrf0);
	(xrf0) =	vadd.scan.msk.s32 $0xffff, v12;
	v5 =	vld [tilespmem:$0x1500]  }
0xa4: {  	[tilespmem:$0x2F00] =	vst v3;
	v3 =	vsub.s32 v4, v6;
	v4, _, _ =	vpop (xrf0);
	(xrf0) =	vadd.scan.msk.s32 $0xffff, v13;
	v6 =	vld [tilespmem:$0x1580]  }
0xa5: {  	[tilespmem:$0x2F80] =	vst v3;
	v3 =	vsub.s32 v4, v7;
	v4, _, _ =	vpop (xrf0);
	(xrf0) =	vadd.scan.msk.s32 $0xffff, v15;
	v7 =	vld [tilespmem:$0x1600]  }
0xa6: {  	[tilespmem:$0x3000] =	vst v3;
	v3 =	vsub.s32 v4, v8;
	v4, _, _ =	vpop (xrf0);
	(xrf0) =	vadd.scan.msk.s32 $0xffff, v16;
	v8 =	vld [tilespmem:$0x1680]  }
0xa7: {  	[tilespmem:$0x3080] =	vst v3;
	v3 =	vsub.s32 v4, v9;
	v4, _, _ =	vpop (xrf0);
	(xrf0) =	vadd.scan.msk.s32 $0xffff, v14;
	v9 =	vld [tilespmem:$0x1700]  }
0xa8: {  	[tilespmem:$0x3100] =	vst v3;
	v3 =	vsub.s32 v4, v10;
	v4, _, _ =	vpop (xrf0);
	(xrf0) =	vadd.scan.msk.s32 $0xffff, v5;
	v10 =	vld [tilespmem:$0x1780]  }
0xa9: {  	[tilespmem:$0x3180] =	vst v3;
	v3 =	vsub.s32 v4, v11;
	v4, _, _ =	vpop (xrf0);
	(xrf0) =	vadd.scan.msk.s32 $0xffff, v6;
	v11 =	vld [tilespmem:$0x1800]  }
0xaa: {  	[tilespmem:$0x3200] =	vst v3;
	v3 =	vsub.s32 v4, v12;
	v4, _, _ =	vpop (xrf0);
	(xrf0) =	vadd.scan.msk.s32 $0xffff, v7;
	v12 =	vld [tilespmem:$0x1880]  }
0xab: {  	[tilespmem:$0x3280] =	vst v3;
	v3 =	vsub.s32 v4, v13;
	v4, _, _ =	vpop (xrf0);
	(xrf0) =	vadd.scan.msk.s32 $0xffff, v8;
	v13 =	vld [tilespmem:$0x1900]  }
0xac: {  	[tilespmem:$0x3300] =	vst v3;
	v3 =	vsub.s32 v4, v15;
	v4, _, _ =	vpop (xrf0);
	(xrf0) =	vadd.scan.msk.s32 $0xffff, v9;
	v15 =	vld [tilespmem:$0x1980]  }
0xad: {  	[tilespmem:$0x3380] =	vst v3;
	v3 =	vsub.s32 v4, v16;
	v4, _, _ =	vpop (xrf0);
	(xrf0) =	vadd.scan.msk.s32 $0xffff, v10;
	v16 =	vld [tilespmem:$0x1A00]  }
0xae: {  	[tilespmem:$0x3400] =	vst v3;
	v3 =	vsub.s32 v4, v14;
	v4, _, _ =	vpop (xrf0);
	(xrf0) =	vadd.scan.msk.s32 $0xffff, v11;
	v14 =	vld [tilespmem:$0x1A80]  }
0xaf: {  	[tilespmem:$0x3480] =	vst v3;
	v3 =	vsub.s32 v4, v5;
	v4, _, _ =	vpop (xrf0);
	(xrf0) =	vadd.scan.msk.s32 $0xffff, v12;
	v5 =	vld [tilespmem:$0x1B00]  }
0xb0: {  	[tilespmem:$0x3500] =	vst v3;
	v3 =	vsub.s32 v4, v6;
	v4, _, _ =	vpop (xrf0);
	(xrf0) =	vadd.scan.msk.s32 $0xffff, v13;
	v6 =	vld [tilespmem:$0x1B80]  }
0xb1: {  	[tilespmem:$0x3580] =	vst v3;
	v3 =	vsub.s32 v4, v7;
	v4, _, _ =	vpop (xrf0);
	(xrf0) =	vadd.scan.msk.s32 $0xffff, v15;
	v7 =	vld [tilespmem:$0x1C00]  }
0xb2: {  	[tilespmem:$0x3600] =	vst v3;
	v3 =	vsub.s32 v4, v8;
	v4, _, _ =	vpop (xrf0);
	(xrf0) =	vadd.scan.msk.s32 $0xffff, v16;
	v8 =	vld [tilespmem:$0x1C80]  }
0xb3: {  	[tilespmem:$0x3680] =	vst v3;
	v3 =	vsub.s32 v4, v9;
	v4, _, _ =	vpop (xrf0);
	(xrf0) =	vadd.scan.msk.s32 $0xffff, v14;
	v9 =	vld [tilespmem:$0x1D00]  }
0xb4: {  	[tilespmem:$0x3700] =	vst v3;
	v3 =	vsub.s32 v4, v10;
	v4, _, _ =	vpop (xrf0);
	(xrf0) =	vadd.scan.msk.s32 $0xffff, v5;
	v10 =	vld [tilespmem:$0x1D80]  }
0xb5: {  	[tilespmem:$0x3780] =	vst v3;
	v3 =	vsub.s32 v4, v11;
	v4, _, _ =	vpop (xrf0);
	(xrf0) =	vadd.scan.msk.s32 $0xffff, v6;
	v11 =	vld [tilespmem:$0x1E00]  }
0xb6: {  	[tilespmem:$0x3800] =	vst v3;
	v3 =	vsub.s32 v4, v12;
	v4, _, _ =	vpop (xrf0);
	(xrf0) =	vadd.scan.msk.s32 $0xffff, v7;
	v12 =	vld [tilespmem:$0x1E80]  }
0xb7: {  	[tilespmem:$0x3880] =	vst v3;
	v3 =	vsub.s32 v4, v13;
	v4, _, _ =	vpop (xrf0);
	(xrf0) =	vadd.scan.msk.s32 $0xffff, v8;
	v13 =	vld [tilespmem:$0x1F00]  }
0xb8: {  	[tilespmem:$0x3900] =	vst v3;
	v3 =	vsub.s32 v4, v15;
	v4, _, _ =	vpop (xrf0);
	(xrf0) =	vadd.scan.msk.s32 $0xffff, v9;
	v15 =	vld [tilespmem:$0x1F80]  }
0xb9: {  	[tilespmem:$0x3980] =	vst v3;
	v3 =	vsub.s32 v4, v16;
	v4, _, _ =	vpop (xrf0);
	(xrf0) =	vadd.scan.msk.s32 $0xffff, v10;
	v16 =	vld [tilespmem:$0x2000]  }
0xba: {  	[tilespmem:$0x3A00] =	vst v3;
	v3 =	vsub.s32 v4, v14;
	v4, _, _ =	vpop (xrf0);
	(xrf0) =	vadd.scan.msk.s32 $0xffff, v11;
	v14 =	vld [tilespmem:$0x2080]  }
0xbb: {  	[tilespmem:$0x3A80] =	vst v3;
	v3 =	vsub.s32 v4, v5;
	v4, _, _ =	vpop (xrf0);
	(xrf0) =	vadd.scan.msk.s32 $0xffff, v12;
	v5 =	vld [tilespmem:$0x2100]  }
0xbc: {  	[tilespmem:$0x3B00] =	vst v3;
	v3 =	vsub.s32 v4, v6;
	v4, _, _ =	vpop (xrf0);
	(xrf0) =	vadd.scan.msk.s32 $0xffff, v13;
	v6 =	vld [tilespmem:$0x2180]  }
0xbd: {  	[tilespmem:$0x3B80] =	vst v3;
	v3 =	vsub.s32 v4, v7;
	v4, _, _ =	vpop (xrf0);
	(xrf0) =	vadd.scan.msk.s32 $0xffff, v15;
	v7 =	vld [tilespmem:$0x2200]  }
0xbe: {  	[tilespmem:$0x3C00] =	vst v3;
	v3 =	vsub.s32 v4, v8;
	v4, _, _ =	vpop (xrf0);
	(xrf0) =	vadd.scan.msk.s32 $0xffff, v16;
	v8 =	vld [tilespmem:$0x2280]  }
0xbf: {  	[tilespmem:$0x3C80] =	vst v3;
	v3 =	vsub.s32 v4, v9;
	v4, _, _ =	vpop (xrf0);
	(xrf0) =	vadd.scan.msk.s32 $0xffff, v14;
	v9 =	vld [tilespmem:$0x2300]  }
0xc0: {  	[tilespmem:$0x3D00] =	vst v3;
	v3 =	vsub.s32 v4, v10;
	v4, _, _ =	vpop (xrf0);
	(xrf0) =	vadd.scan.msk.s32 $0xffff, v5;
	v10 =	vld [tilespmem:$0x2380]  }
0xc1: {  	[tilespmem:$0x3D80] =	vst v3;
	v3 =	vsub.s32 v4, v11;
	v4, _, _ =	vpop (xrf0);
	(xrf0) =	vadd.scan.msk.s32 $0xffff, v6;
	v11 =	vld [tilespmem:$0x2400]  }
0xc2: {  	[tilespmem:$0x3E00] =	vst v3;
	v3 =	vsub.s32 v4, v12;
	v4, _, _ =	vpop (xrf0);
	(xrf0) =	vadd.scan.msk.s32 $0xffff, v7;
	v12 =	vld [tilespmem:$0x2480]  }
0xc3: {  	[tilespmem:$0x3E80] =	vst v3;
	v3 =	vsub.s32 v4, v13;
	v4, _, _ =	vpop (xrf0);
	(xrf0) =	vadd.scan.msk.s32 $0xffff, v8;
	v13 =	vld [tilespmem:$0x2500]  }
0xc4: {  	[tilespmem:$0x3F00] =	vst v3;
	v3 =	vsub.s32 v4, v15;
	v4, _, _ =	vpop (xrf0);
	(xrf0) =	vadd.scan.msk.s32 $0xffff, v9;
	v15 =	vld [tilespmem:$0x2580]  }
0xc5: {  	[tilespmem:$0x3F80] =	vst v3;
	v3 =	vsub.s32 v4, v16;
	v4, _, _ =	vpop (xrf0);
	(xrf0) =	vadd.scan.msk.s32 $0xffff, v10;
	v16 =	vld [tilespmem:$0x2600]  }
0xc6: {  	[tilespmem:$0x4000] =	vst v3;
	v3 =	vsub.s32 v4, v14;
	v4, _, _ =	vpop (xrf0);
	(xrf0) =	vadd.scan.msk.s32 $0xffff, v11;
	v14 =	vld [tilespmem:$0x2680]  }
0xc7: {  	v17 =	vld [tilespmem:$0x2700];
	[tilespmem:$0x4080] =	vst v3;
	v3 =	vsub.s32 v4, v5;
	v4, _, _ =	vpop (xrf0);
	(xrf0) =	vadd.scan.msk.s32 $0xffff, v12  }
0xc8: {  	[tilespmem:$0x4100] =	vst v3;
	v3 =	vsub.s32 v4, v6;
	v4, _, _ =	vpop (xrf0);
	(xrf0) =	vadd.scan.msk.s32 $0xffff, v13;
	v6 =	vld [tilespmem:$0x2780]  }
0xc9: {  	[tilespmem:$0x4180] =	vst v3;
	v3 =	vsub.s32 v4, v7;
	v4, _, _ =	vpop (xrf0);
	(xrf0) =	vadd.scan.msk.s32 $0xffff, v15  }
0xca: {  	[tilespmem:$0x4200] =	vst v3;
	v3 =	vsub.s32 v4, v8;
	v4, _, _ =	vpop (xrf0);
	(xrf0) =	vadd.scan.msk.s32 $0xffff, v16  }
0xcb: {  	[tilespmem:$0x4280] =	vst v3;
	v3 =	vsub.s32 v4, v9;
	v4, _, _ =	vpop (xrf0);
	(xrf0) =	vadd.scan.msk.s32 $0xffff, v14  }
0xcc: {  	[tilespmem:$0x4300] =	vst v3;
	v3 =	vsub.s32 v4, v10;
	v4, _, _ =	vpop (xrf0);
	(xrf0) =	vadd.scan.msk.s32 $0xffff, v17  }
0xcd: {  	[tilespmem:$0x4380] =	vst v3;
	v3 =	vsub.s32 v4, v11;
	v4, _, _ =	vpop (xrf0);
	(xrf0) =	vadd.scan.msk.s32 $0xffff, v6  }
0xce: {  	v5, _, _ =	vpop (xrf0);
	[tilespmem:$0x4400] =	vst v3;
	v3 =	vsub.s32 v4, v12;
	v4 =	vlaneseq.u32  }
0xcf: {  	v7, _, _ =	vpop (xrf0);
	[tilespmem:$0x4480] =	vst v3;
	v3 =	vsub.s32 v5, v13;
	v5 =	vmul.u32 $0x80, v4  }
0xd0: {  	v8, _, _ =	vpop (xrf0);
	[tilespmem:$0x4500] =	vst v3;
	v3 =	vsub.s32 v7, v15  }
0xd1: {  	v7, _, _ =	vpop (xrf0);
	[tilespmem:$0x4580] =	vst v3;
	v3 =	vsub.s32 v8, v16;
	v8 =	vor.u32 $0xF, v5  }
0xd2: {  	[tilespmem:$0x4600] =	vst v3;
	v3 =	vsub.s32 v7, v14;
	v7, _, _ =	vpop (xrf0)  }
0xd3: {  	[tilespmem:$0x4680] =	vst v3;
	v3 =	vsub.s32 v7, v17;
	v7, _, _ =	vpop (xrf0)  }
0xd4: {  	[tilespmem:$0x4700] =	vst v3;
	v3 =	vsub.s32 v7, v6  }
0xd5: {  	s10 =	simm.s32 $0x2800;
	[tilespmem:$0x4780] =	vst v3  }
0xd6: {  	s25 =	simm.s32 $0x800;
	v3 =	vld.idx.msk [tilespmem:v8+s10+$0x0], $0xffff  }
0xd7: {  	v6 =	vld.idx.msk [tilespmem:v8+s25+$0x0], $0xffff;
	_ =	sdelay $0x1  }
0xd8: {  	v7 =	vor.u32 $0x80F, v5;
	_ =	sdelay $0x2  }
0xd9: {  	v3 =	vadd.s32 v3, v6  }
0xda: {  	[tilespmem:$0x6000] =	vst v3  }
0xdb: {  	v3 =	vld.idx.msk [tilespmem:v7+s10+$0x0], $0xffff  }
0xdc: {  	v6 =	vld.idx.msk [tilespmem:v7+s25+$0x0], $0xffff;
	_ =	sdelay $0x1  }
0xdd: {  	v7 =	vor.u32 $0x100F, v5;
	_ =	sdelay $0x2  }
0xde: {  	v3 =	vadd.s32 v3, v6  }
0xdf: {  	[tilespmem:$0x6010] =	vst v3  }
0xe0: {  	v3 =	vld.idx.msk [tilespmem:v7+s10+$0x0], $0xffff  }
0xe1: {  	v6 =	vld.idx.msk [tilespmem:v7+s25+$0x0], $0xffff;
	_ =	sdelay $0x1  }
0xe2: {  	v7 =	vor.u32 $0x180F, v5;
	_ =	sdelay $0x2  }
0xe3: {  	v3 =	vadd.s32 v3, v6  }
0xe4: {  	[tilespmem:$0x6020] =	vst v3  }
0xe5: {  	v3 =	vld.idx.msk [tilespmem:v7+s10+$0x0], $0xffff  }
0xe6: {  	v6 =	vld.idx.msk [tilespmem:v7+s25+$0x0], $0xffff;
	_ =	sdelay $0x4  }
0xe7: {  	v3 =	vadd.s32 v3, v6  }
0xe8: {  	s26 =	simm.s32 $0x6000;
	s31 =	simm.s32 $0x3;
	[tilespmem:$0x6030] =	vst v3  }
0xe9: {  	[spmem:s11] =	stream.linear.scatter [tilespmem:s26], [sflag:$0x3], $0x40, $0x38;
	[tilespmem:$0x7B48] =	vst v63  }
0xea: {  	_ =	swait.ge [sflag:s31], $0x40  }
0xeb: {  	[sflag:s31] =	ssyncset.done $0x0  }
0xec: {  	s13 =	simm.s32 $0x2;
	[sflag:s31] =	ssyncadd.s32 $0xFFFFFFC0  }
0xed: {  	_ =	swait.ge [sflag:s13], $0xA00  }
0xee: {  	[sflag:s13] =	ssyncset.done $0x0  }
0xef: {  	[sflag:s13] =	ssyncadd.s32 $0xFFFFF600  }
0xf0: {  	s14 =	simm.s32 $0x6080;
	[bflag:$0x0] =	sbarrier.arrive $0xFFFF  }
0xf1: {  	[tilespmem:s14], [sflag:$0x3] =	stream.linear.gather [spmem:s9], $0x400, $0x38;
	[tilespmem:$0x7B48] =	vst v63  }
0xf2: {  	_ =	swait.ge [sflag:s31], $0x400  }
0xf3: {  	[sflag:s31] =	ssyncset.done $0x0  }
0xf4: {  	[sflag:s31] =	ssyncadd.s32 $0xFFFFFC00  }
0xf5: {  	v12 =	vld [tilespmem:$0x6080]  }
0xf6: {  	v3 =	vld [tilespmem:$0x60C0]  }
0xf7: {  	v6 =	vld [tilespmem:$0x6100]  }
0xf8: {  	v7 =	vld [tilespmem:$0x6140]  }
0xf9: {  	v8 =	vld [tilespmem:$0x6180]  }
0xfa: {  	v9 =	vld [tilespmem:$0x61C0]  }
0xfb: {  	v10 =	vld [tilespmem:$0x6200]  }
0xfc: {  	v23 =	vld [tilespmem:$0x6240]  }
0xfd: {  	v29 =	vld [tilespmem:$0x6280]  }
0xfe: {  	v30 =	vld [tilespmem:$0x62C0]  }
0xff: {  	v37 =	vld [tilespmem:$0x6300]  }
0x100: {  	v31 =	vld [tilespmem:$0x6340]  }
0x101: {  	v43 =	vld [tilespmem:$0x6380]  }
0x102: {  	v28 =	vld [tilespmem:$0x63C0]  }
0x103: {  	v33 =	vld [tilespmem:$0x60D0]  }
0x104: {  	v40 =	vld [tilespmem:$0x6110]  }
0x105: {  	v45 =	vld [tilespmem:$0x6150]  }
0x106: {  	v46 =	vld [tilespmem:$0x6190]  }
0x107: {  	v47 =	vld [tilespmem:$0x61D0]  }
0x108: {  	v49 =	vld [tilespmem:$0x60E0]  }
0x109: {  	v48 =	vld [tilespmem:$0x6210]  }
0x10a: {  	v15 =	vld [tilespmem:$0x60F0]  }
0x10b: {  	s15 =	sld [smem:$0x7F6];
	v50 =	vld [tilespmem:$0x6120]  }
0x10c: {  	v16 =	vld [tilespmem:$0x6130];
	v13 =	vadd.s32 v3, v12  }
0x10d: {  	v18 =	vld [tilespmem:$0x6170];
	v34 =	vpsel !p0, $0x0, v3;
	v0 =	vpsel !p0, $0x0, v49;
	v53 =	vpsel !p2, $0x0, v6  }
0x10e: {  	v19 =	vld [tilespmem:$0x61B0];
	p3 =	seq.s32 s15, $0x1;
	v55 =	vpsel !p5, $0x0, v7;
	v57 =	vpsel !p4, $0x0, v8;
	v38 =	vpsel !p4, $0x0, v46  }
0x10f: {  	v62 =	vld [tilespmem:$0x6090];
	v59 =	vpsel !p3, $0x0, v9;
	v39 =	vpsel !p3, $0x0, v47;
	v13 =	vadd.s32 v6, v13  }
0x110: {  	v22 =	vld [tilespmem:$0x61F0];
	v61 =	vpsel !p6, $0x0, v10;
	v42 =	vpsel !p6, $0x0, v48;
	v13 =	vadd.s32 v7, v13  }
0x111: {  	v25 =	vld [tilespmem:$0x6230];
	[tilespmem:$0x1FFC0] =	vst v0;
	v0 =	vpsel !p0, $0x0, v15;
	v6 =	vpsel !p5, $0x0, v45;
	v14 =	vadd.s32 v8, v13  }
0x112: {  	v11 =	vld [tilespmem:$0x6400];
	[tilespmem:$0x1FFE0] =	vst v0;
	v0 =	vpsel !p2, $0x0, v50;
	v7 =	vpsel !p5, $0x0, v18;
	v14 =	vadd.s32 v9, v14  }
0x113: {  	s16 =	sld [smem:$0x7F5];
	v51 =	vld [tilespmem:$0x6160];
	v13 =	vpsel !p0, $0x0, v33;
	[tilespmem:$0x1FFD0] =	vst v0;
	v0 =	vpsel !p2, $0x0, v16;
	v17 =	vadd.s32 v10, v14  }
0x114: {  	v26 =	vld [tilespmem:$0x6440];
	v8 =	vpsel !p4, $0x0, v19;
	v33 =	vadd.s32 v33, v62;
	v17 =	vadd.s32 v23, v17  }
0x115: {  	v52 =	vld [tilespmem:$0x61A0];
	v9 =	vpsel !p3, $0x0, v22;
	v33 =	vadd.s32 v40, v33;
	v20 =	vadd.s32 v29, v17  }
0x116: {  	s18 =	sld [smem:$0x7F8];
	v32 =	vld [tilespmem:$0x6290];
	v14 =	vpsel !p2, $0x0, v40;
	v10 =	vpsel !p6, $0x0, v25;
	p2 =	seq.s32 s16, $0x1;
	v20 =	vadd.s32 v30, v20  }
0x117: {  	v58 =	vld [tilespmem:$0x6250];
	v33 =	vadd.s32 v45, v33;
	v63 =	vpsel !p2, $0x0, v12;
	v21 =	vadd.s32 v37, v20  }
0x118: {  	s17 =	sld [smem:$0x7F7];
	v27 =	vld [tilespmem:$0x6270];
	v46 =	vadd.s32 v46, v33;
	v17 =	vpsel !p5, $0x0, v51;
	v21 =	vadd.s32 v31, v21  }
0x119: {  	v56 =	vld [tilespmem:$0x6220];
	v34 =	vadd.s32 v63, v34;
	p5 =	seq.s32 s18, $0x1;
	v46 =	vadd.s32 v47, v46;
	v24 =	vadd.s32 v43, v21  }
0x11a: {  	v54 =	vld [tilespmem:$0x61E0];
	v29 =	vpsel !p5, $0x0, v29;
	v53 =	vadd.s32 v53, v34;
	v24 =	vadd.s32 v28, v24  }
0x11b: {  	s20 =	sld [smem:$0x7FA];
	v60 =	vld [tilespmem:$0x6260];
	v3 =	vpsel !p5, $0x0, v32;
	v20 =	vpsel !p4, $0x0, v52;
	p4 =	seq.s32 s17, $0x1;
	v41 =	vadd.s32 v11, v24  }
0x11c: {  	v45 =	vld [tilespmem:$0x63D0];
	v53 =	vadd.s32 v55, v53;
	v23 =	vpsel !p4, $0x0, v23;
	v26 =	vadd.s32 v26, v41  }
0x11d: {  	[tilespmem:$0x1FFF0] =	vst v0;
	v63 =	vld [tilespmem:$0x62A0];
	v44 =	vpsel !p4, $0x0, v58;
	v12 =	vpsel !p4, $0x0, v27;
	v0 =	vadd.s32 $0x7F, v26  }
0x11e: {  	v55 =	vld [tilespmem:$0x6310];
	v53 =	vadd.s32 v57, v53;
	v24 =	vpsel !p6, $0x0, v56;
	p6 =	seq.s32 s20, $0x1;
	v35 =	vshra.s32 v0, $0x1F  }
0x11f: {  	s19 =	sld [smem:$0x7F9];
	v21 =	vpsel !p3, $0x0, v54;
	v41 =	vld [tilespmem:$0x62D0];
	v47 =	vpsel !p6, $0x0, v37;
	v35 =	vshrl.u32 v35, $0x19  }
0x120: {  	v57 =	vld [tilespmem:$0x6350];
	vm0 =	vlt.s32 v0, $0x1;
	v35 =	vadd.s32 v35, v0;
	v0 =	vand.u32 $0x7F, v0  }
0x121: {  	v37 =	vadd.s32 v48, v46;
	v48 =	vld [tilespmem:$0x60A0];
	vm1 =	vne.s32 v0, $0x0;
	v0 =	vadd.s32 v59, v53  }
0x122: {  	p3 =	seq.s32 s19, $0x1;
	v33 =	vpsel !p5, $0x0, v63;
	v37 =	vadd.s32 v58, v37;
	v59 =	vld [tilespmem:$0x6390];
	v61 =	vadd.s32 v61, v0  }
0x123: {  	v40 =	vld [tilespmem:$0x6410];
	v30 =	vpsel !p3, $0x0, v30;
	v32 =	vadd.s32 v32, v37;
	v23 =	vadd.s32 v23, v61  }
0x124: {  	v34 =	vld [tilespmem:$0x62B0];
	v32 =	vadd.s32 v41, v32;
	vm0 =	vmand vm0, vm1;
	v23 =	vadd.s32 v29, v23  }
0x125: {  	v0 =	vimm.s32 $0x0;
	v29 =	vld [tilespmem:$0x6450];
	v23 =	vadd.s32 v30, v23;
	v30 =	vadd.s32 v55, v32  }
0x126: {  	s21 =	sld [smem:$0x7FB];
	v35 =	vshrl.u32 v35, $0x7;
	v46 =	vsel vm0, $0xFFFFFFFF, v0;
	v30 =	vadd.s32 v57, v30  }
0x127: {  	s22 =	sld [smem:$0x7FC];
	v35 =	vadd.s32 v46, v35;
	v46 =	vadd.s32 v49, v48;
	v30 =	vadd.s32 v59, v30  }
0x128: {  	v26 =	vpsel !p4, $0x0, v60;
	v37 =	vadd.s32 v50, v46;
	v30 =	vadd.s32 v45, v30  }
0x129: {  	v58 =	vld [tilespmem:$0x6320];
	p4 =	seq.s32 s21, $0x1;
	v53 =	vpsel !p5, $0x0, v34;
	v37 =	vadd.s32 v51, v37;
	v30 =	vadd.s32 v40, v30  }
0x12a: {  	p5 =	seq.s32 s22, $0x1;
	v51 =	vpsel !p4, $0x0, v31;
	v31 =	vadd.s32 v52, v37;
	v29 =	vadd.s32 v29, v30;
	v30 =	vld [tilespmem:$0x62E0]  }
0x12b: {  	v43 =	vpsel !p5, $0x0, v43;
	v61 =	vld [tilespmem:$0x6330];
	v52 =	vadd.s32 v54, v31  }
0x12c: {  	v32 =	vld [tilespmem:$0x6360];
	v23 =	vadd.s32 v47, v23;
	v52 =	vadd.s32 v56, v52;
	v29 =	vadd.s32 $0x7F, v29  }
0x12d: {  	v47 =	vld [tilespmem:$0x63A0];
	v23 =	vadd.s32 v51, v23;
	v52 =	vadd.s32 v60, v52;
	v51 =	vshra.s32 v29, $0x1F  }
0x12e: {  	v56 =	vadd.s32 v43, v23;
	v60 =	vadd.s32 v63, v52;
	v23 =	vshrl.u32 v51, $0x19;
	v51 =	vld [tilespmem:$0x63E0]  }
0x12f: {  	s23 =	sld [smem:$0x7FD];
	v43 =	vld [tilespmem:$0x6420];
	v52 =	vpsel !p5, $0x0, v59;
	v59 =	vadd.s32 v23, v29;
	v23 =	vadd.s32 v30, v60  }
0x130: {  	v46 =	vpsel !p6, $0x0, v58;
	v23 =	vadd.s32 v58, v23;
	v58 =	vld [tilespmem:$0x6460]  }
0x131: {  	v37 =	vpsel !p4, $0x0, v32;
	v32 =	vadd.s32 v32, v23  }
0x132: {  	v55 =	vpsel !p6, $0x0, v55;
	v50 =	vpsel !p6, $0x0, v61;
	p6 =	seq.s32 s23, $0x1;
	v32 =	vadd.s32 v47, v32  }
0x133: {  	v35 =	vshll.u32 v35, $0x7;
	v63 =	vpsel !p6, $0x0, v28;
	v32 =	vadd.s32 v51, v32  }
0x134: {  	v28 =	vpsel !p2, $0x0, v62;
	vm6 =	vlt.s32 v29, $0x1;
	v32 =	vadd.s32 v43, v32  }
0x135: {  	(xrf0) =	vadd.scan.msk.s32 $0xffff, v35;
	v13 =	vadd.s32 v28, v13;
	v29 =	vand.u32 $0x7F, v29;
	v32 =	vadd.s32 v58, v32  }
0x136: {  	v13 =	vadd.s32 v14, v13;
	vm7 =	vne.s32 v29, $0x0;
	v14 =	vadd.s32 $0x7F, v32  }
0x137: {  	vm0 =	vmand vm6, vm7;
	v32 =	vand.u32 $0x7F, v14  }
0x138: {  	v62 =	vsel vm0, $0xFFFFFFFF, v0;
	vm9 =	vne.s32 v32, $0x0;
	v32 =	vld [tilespmem:$0x60B0]  }
0x139: {  	v6 =	vadd.s32 v6, v13;
	v29 =	vpsel !p5, $0x0, v47  }
0x13a: {  	v6 =	vadd.s32 v38, v6;
	v47 =	vpsel !p6, $0x0, v51;
	v51 =	vshrl.u32 v59, $0x7  }
0x13b: {  	v6 =	vadd.s32 v39, v6;
	v51 =	vadd.s32 v62, v51;
	v62, _, _ =	vpop (xrf0)  }
0x13c: {  	v6 =	vadd.s32 v42, v6;
	v59 =	vadd.s32 v63, v56;
	v63 =	vbroadcast v62, $0xF  }
0x13d: {  	v6 =	vadd.s32 v44, v6;
	v13 =	vshra.s32 v14, $0x1F;
	v15 =	vadd.s32 v15, v32  }
0x13e: {  	vm8 =	vlt.s32 v14, $0x1;
	v6 =	vadd.s32 v63, v6;
	v15 =	vadd.s32 v16, v15  }
0x13f: {  	v13 =	vshrl.u32 v13, $0x19;
	v3 =	vadd.s32 v3, v6;
	v6 =	vadd.s32 v18, v15  }
0x140: {  	v13 =	vadd.s32 v13, v14;
	vm0 =	vmand vm8, vm9;
	v6 =	vadd.s32 v19, v6;
	v19 =	vld [tilespmem:$0x1FFC0]  }
0x141: {  	v14 =	vshll.u32 v51, $0x7;
	v13 =	vshrl.u32 v13, $0x7;
	v58 =	vsel vm0, $0xFFFFFFFF, v0  }
0x142: {  	v49 =	vld [tilespmem:$0x6370];
	(xrf0) =	vadd.scan.msk.s32 $0xffff, v14;
	v13 =	vadd.s32 v58, v13  }
0x143: {  	v54 =	vld [tilespmem:$0x63B0];
	v13 =	vshll.u32 v13, $0x7;
	v15 =	vpsel !p3, $0x0, v41  }
0x144: {  	(xrf0) =	vadd.scan.msk.s32 $0xffff, v13;
	v18 =	vpsel !p2, $0x0, v48;
	v3 =	vadd.s32 v15, v3;
	v15 =	vld [tilespmem:$0x62F0]  }
0x145: {  	v6 =	vadd.s32 v22, v6;
	v18 =	vadd.s32 v18, v19;
	v19 =	vld [tilespmem:$0x1FFD0]  }
0x146: {  	v11 =	vpsel !p1, $0x0, v11;
	v6 =	vadd.s32 v25, v6  }
0x147: {  	v57 =	vpsel !p4, $0x0, v57;
	v31 =	vpsel !p4, $0x0, v49;
	v60 =	vld [tilespmem:$0x63F0];
	v6 =	vadd.s32 v27, v6  }
0x148: {  	v45 =	vpsel !p6, $0x0, v45;
	(v2sf) =	vpush v62, $0xF;
	v16, _, _ =	vpop (xrf0);
	v6 =	vadd.s32 v34, v6  }
0x149: {  	v23 =	vpsel !p5, $0x0, v54;
	(v2sf) =	vpush v16, $0xF;
	v6 =	vadd.s32 v15, v6  }
0x14a: {  	v44 =	vpsel !p1, $0x0, v40;
	v6 =	vadd.s32 v61, v6;
	v18 =	vadd.s32 v19, v18;
	v19, _, _ =	vpop (xrf0)  }
0x14b: {  	v3 =	vadd.s32 v55, v3;
	v6 =	vadd.s32 v49, v6;
	v49 =	vld [tilespmem:$0x1FFE0];
	(v2sf) =	vpush v19, $0xF  }
0x14c: {  	v28 =	vpsel !p6, $0x0, v60;
	v11 =	vadd.s32 v11, v59;
	v51 =	vld [tilespmem:$0x1FFF0];
	v3 =	vadd.s32 v57, v3  }
0x14d: {  	v11 =	vsub.s32 v11, v35;
	v3 =	vadd.s32 v52, v3;
	v17 =	vadd.s32 v17, v18;
	v18 =	vld [tilespmem:$0x6430]  }
0x14e: {  	v42 =	vld [tilespmem:$0x6470];
	v11 =	vadd.s32 v62, v11;
	v48 =	vpsel !p3, $0x0, v30;
	v3 =	vadd.s32 v45, v3  }
0x14f: {  	v45 =	vpsel !p2, $0x0, v32;
	v3 =	vadd.s32 v44, v3;
	v17 =	vadd.s32 v20, v17  }
0x150: {  	v6 =	vadd.s32 v54, v6;
	v20 =	vadd.s32 v45, v49;
	v17 =	vadd.s32 v21, v17  }
0x151: {  	v6 =	vadd.s32 v60, v6;
	v20 =	vadd.s32 v51, v20;
	v17 =	vadd.s32 v24, v17  }
0x152: {  	v7 =	vadd.s32 v7, v20;
	v17 =	vadd.s32 v26, v17;
	v6 =	vadd.s32 v18, v6  }
0x153: {  	v7 =	vadd.s32 v8, v7;
	v8 =	vpsel !p3, $0x0, v15;
	v6 =	vadd.s32 v42, v6  }
0x154: {  	v17 =	vadd.s32 v33, v17;
	v7 =	vadd.s32 v9, v7;
	v6 =	vadd.s32 $0x7F, v6  }
0x155: {  	v17 =	vadd.s32 v48, v17;
	v52 =	vshra.s32 v6, $0x1F;
	v55 =	vand.u32 $0x7F, v6  }
0x156: {  	vm10 =	vlt.s32 v6, $0x1;
	v54 =	vshrl.u32 v52, $0x19;
	vm11 =	vne.s32 v55, $0x0  }
0x157: {  	s24 =	spop (v2sf);
	v7 =	vadd.s32 v10, v7;
	v6 =	vadd.s32 v54, v6;
	vm0 =	vmand vm10, vm11  }
0x158: {  	s25 =	spop (v2sf);
	v7 =	vadd.s32 v12, v7;
	v6 =	vshrl.u32 v6, $0x7;
	v0 =	vsel vm0, $0xFFFFFFFF, v0  }
0x159: {  	s11 =	sadd.s32 s24, s25;
	v17 =	vadd.s32 v46, v17;
	v0 =	vadd.s32 v0, v6;
	v6 =	vadd.s32 v53, v7  }
0x15a: {  	v7 =	vadd.s32 s11, v17;
	v0 =	vshll.u32 v0, $0x7;
	v6 =	vadd.s32 v8, v6;
	s26 =	spop (v2sf)  }
0x15b: {  	v3 =	vsub.s32 v3, v14;
	v7 =	vadd.s32 v37, v7;
	(xrf0) =	vadd.scan.msk.s32 $0xffff, v0;
	v6 =	vadd.s32 v50, v6;
	s9 =	sadd.s32 s11, s26  }
0x15c: {  	v3 =	vadd.s32 v16, v3;
	v7 =	vadd.s32 v29, v7;
	v6 =	vadd.s32 s9, v6  }
0x15d: {  	[tilespmem:$0x6500] =	vst v62;
	v8 =	vpsel !p1, $0x0, v43;
	v7 =	vadd.s32 v47, v7;
	v6 =	vadd.s32 v31, v6  }
0x15e: {  	[tilespmem:$0x6480] =	vst v11;
	v9 =	vadd.s32 v63, v16;
	v7 =	vadd.s32 v8, v7;
	v6 =	vadd.s32 v23, v6  }
0x15f: {  	s14 =	simm.s32 $0x0;
	[tilespmem:$0x6490] =	vst v3;
	v3 =	vsub.s32 v7, v13;
	v7 =	vpsel !p1, $0x0, v18;
	v6 =	vadd.s32 v28, v6  }
0x160: {  	[tilespmem:$0x6510] =	vst v9;
	v3 =	vadd.s32 v19, v3;
	v6 =	vadd.s32 v7, v6;
	v7 =	vor.u32 s14, v5  }
0x161: {  	[tilespmem:$0x64A0] =	vst v3;
	v3 =	vadd.s32 s11, v19;
	v28, _, _ =	vpop (xrf0);
	v0 =	vsub.s32 v6, v0  }
0x162: {  	s19 =	simm.s32 $0x2;
	[tilespmem:$0x6520] =	vst v3;
	v0 =	vadd.s32 v28, v0  }
0x163: {  	s13 =	simm.s32 $0x4;
	v6 =	vor.u32 s19, v5;
	[tilespmem:$0x64B0] =	vst v0;
	v0 =	vadd.s32 s9, v28  }
0x164: {  	s31 =	simm.s32 $0x3;
	v8 =	vor.u32 s13, v5;
	[tilespmem:$0x6530] =	vst v0  }
0x165: {  	s16 =	simm.s32 $0x5;
	v3 =	vld.idx.msk [tilespmem:v7+s14+$0x0], $0xffff;
	v7 =	vor.u32 s31, v5  }
0x166: {  	s18 =	simm.s32 $0x1;
	s24 =	simm.s32 $0x4800;
	v10 =	vor.u32 s16, v5  }
0x167: {  	s15 =	simm.s32 $0x6;
	v0 =	vor.u32 s18, v5;
	v12 =	vld [tilespmem:s24+$0x0]  }
0x168: {  	v11 =	vor.u32 s15, v5;
	v6 =	vld.idx.msk [tilespmem:v6+s14+$0x0], $0xffff  }
0x169: {  	v8 =	vld.idx.msk [tilespmem:v8+s14+$0x0], $0xffff  }
0x16a: {  	v7 =	vld.idx.msk [tilespmem:v7+s14+$0x0], $0xffff  }
0x16b: {  	s20 =	simm.s32 $0x0;
	s21 =	simm.s32 $0x20;
	v15 =	vld.idx.msk [tilespmem:v10+s14+$0x0], $0xffff  }
0x16c: {  	s20 =	sand.u32 $0x780, s20;
	s21 =	sand.u32 $0x60, s21;
	s26 =	simm.s32 $0x10;
	v0 =	vld.idx.msk [tilespmem:v0+s14+$0x0], $0xffff;
	v9 =	vshll.u32 v3, $0x7  }
0x16d: {  	s23 =	sand.u32 $0x50, s26;
	s26 =	sor.u32 s20, s21;
	v16 =	vld.idx.msk [tilespmem:v11+s14+$0x0], $0xffff;
	v9 =	vor.u32 v4, v9;
	v14 =	vshll.u32 v6, $0x7  }
0x16e: {  	s24 =	sor.u32 s20, s23;
	v59 =	vld [tilespmem:s26+$0x4800];
	v14 =	vor.u32 v4, v14  }
0x16f: {  	s11 =	simm.s32 $0x6480;
	v56 =	vld [tilespmem:s24+$0x4800];
	v10 =	vshll.u32 v7, $0x7  }
0x170: {  	v3 =	vld.idx.msk [tilespmem:v3+s11+$0x0], $0xffff;
	v10 =	vor.u32 v4, v10  }
0x171: {  	s25 =	simm.s32 $0x30;
	v13 =	vshll.u32 v0, $0x7;
	v6 =	vld.idx.msk [tilespmem:v6+s11+$0x0], $0xffff  }
0x172: {  	s12 =	sand.u32 $0x70, s25;
	v13 =	vor.u32 v4, v13;
	v9 =	vld.idx.msk [tilespmem:v9+s10+$0x0], $0xffff  }
0x173: {  	s22 =	simm.s32 $0x7;
	s25 =	sor.u32 s20, s12;
	v17 =	vld.idx.msk [tilespmem:v14+s10+$0x0], $0xffff  }
0x174: {  	v11 =	vor.u32 s22, v5;
	v14 =	vld [tilespmem:s25+$0x4800]  }
0x175: {  	s12 =	simm.s32 $0x8;
	v10 =	vld.idx.msk [tilespmem:v10+s10+$0x0], $0xffff  }
0x176: {  	s17 =	simm.s32 $0x9;
	v57 =	vor.u32 s31, v2;
	v18 =	vor.u32 s12, v5;
	v19 =	vld.idx.msk [tilespmem:v7+s11+$0x0], $0xffff  }
0x177: {  	v61 =	vor.u32 s19, v2;
	v60 =	vor.u32 s17, v5;
	v63 =	vshll.u32 v16, $0x7;
	v13 =	vld.idx.msk [tilespmem:v13+s10+$0x0], $0xffff  }
0x178: {  	v0 =	vld.idx.msk [tilespmem:v0+s11+$0x0], $0xffff;
	v7 =	vadd.s32 v12, v9;
	v9 =	vshll.u32 v8, $0x7;
	v12 =	vor.u32 s18, v2;
	s18 =	simm.s32 $0xA  }
0x179: {  	s21 =	simm.s32 $0x4840;
	v3 =	vadd.s32 v3, v7;
	v58 =	vor.u32 v4, v9;
	v7 =	vld.idx.msk [tilespmem:v11+s14+$0x0], $0xffff;
	v62 =	vor.u32 s18, v5  }
0x17a: {  	v9 =	vld [tilespmem:s21+$0x0];
	[tilespmem:s24+$0x5800] =	vst v12;
	v12 =	vshll.u32 v15, $0x7;
	vm12 =	vgt.s32 v3, $0x0;
	v10 =	vadd.s32 v14, v10  }
0x17b: {  	v11 =	vld.idx.msk [tilespmem:v18+s14+$0x0], $0xffff;
	v18 =	vor.u32 v4, v12;
	v3 =	vnsel vm12, $0x0, v3;
	v10 =	vadd.s32 v19, v10  }
0x17c: {  	s20 =	simm.s32 $0x5000;
	v12 =	vld.idx.msk [tilespmem:v8+s11+$0x0], $0xffff;
	v3 =	vmin.u32 v3, $0xA03E;
	v8 =	vadd.s32 v56, v13;
	vm13 =	vgt.s32 v10, $0x0  }
0x17d: {  	v13 =	vld.idx.msk [tilespmem:v60+s14+$0x0], $0xffff;
	v0 =	vadd.s32 v0, v8;
	v8 =	vadd.s32 v59, v17;
	[tilespmem:s20+$0x0] =	vst v3;
	v3 =	vnsel vm13, $0x0, v10  }
0x17e: {  	v25 =	vor.u32 v4, v63;
	[tilespmem:s26+$0x5800] =	vst v61;
	v6 =	vadd.s32 v6, v8;
	v10 =	vld.idx.msk [tilespmem:v62+s14+$0x0], $0xffff;
	v8 =	vmin.u32 v3, $0xA03E  }
0x17f: {  	v27 =	vor.u32 s14, v2;
	vm14 =	vgt.s32 v0, $0x0;
	[tilespmem:s25+$0x5000] =	vst v8;
	v8 =	vld.idx.msk [tilespmem:v16+s11+$0x0], $0xffff;
	v16 =	vshll.u32 v7, $0x7  }
0x180: {  	s30 =	simm.s32 $0x50;
	s19 =	simm.s32 $0x5800;
	[tilespmem:s25+$0x5800] =	vst v57;
	v14 =	vld.idx.msk [tilespmem:v58+s10+$0x0], $0xffff;
	vm15 =	vgt.s32 v6, $0x0;
	v0 =	vnsel vm14, $0x0, v0;
	v17 =	vor.u32 v4, v16  }
0x181: {  	s28 =	simm.s32 $0x60;
	s23 =	simm.s32 $0x70;
	s31 =	simm.s32 $0x40;
	[tilespmem:s19+$0x0] =	vst v27;
	v6 =	vnsel vm15, $0x0, v6;
	v0 =	vmin.u32 v0, $0xA03E;
	v3 =	vld.idx.msk [tilespmem:v15+s11+$0x0], $0xffff  }
0x182: {  	s30 =	sand.u32 $0x50, s30;
	s29 =	sand.u32 $0x780, s31;
	s31 =	sand.u32 $0x70, s23;
	v19 =	vmin.u32 v6, $0xA03E;
	v15 =	vld.idx.msk [tilespmem:v18+s10+$0x0], $0xffff;
	[tilespmem:s24+$0x5000] =	vst v0  }
0x183: {  	v6 =	vor.u32 s22, v2;
	s24 =	simm.s32 $0xC;
	s22 =	sor.u32 s29, s31;
	s25 =	simm.s32 $0xB;
	[tilespmem:s26+$0x5000] =	vst v19;
	v16 =	vld.idx.msk [tilespmem:v25+s10+$0x0], $0xffff  }
.LBB2_5:
0x184: {  	p0 =	slt.u32 s24, $0x7C;
	v0 =	vor.u32 s25, v5;
	v18 =	vor.u32 s25, v2;
	s25 =	sor.u32 s29, s30;
	v19 =	vor.u32 s16, v2;
	s16 =	sand.u32 $0x60, s28;
	v20 =	vld [tilespmem:s22+$0x4800];
	v21 =	vmovc v10  }
0x185: {  	v10 =	vor.u32 s15, v2;
	s15 =	smov.u32 s18;
	[tilespmem:s25+$0x5800] =	vst v19;
	s26 =	sor.u32 s29, s16;
	v17 =	vld.idx.msk [tilespmem:v17+s10+$0x0], $0xffff;
	s16 =	smov.u32 s17  }
0x186: {  	v9 =	vadd.s32 v9, v14;
	v19 =	vor.u32 s24, v5;
	[tilespmem:s26+$0x5800] =	vst v10;
	v10 =	vld.idx.msk [tilespmem:v7+s11+$0x0], $0xffff  }
0x187: {  	v9 =	vadd.s32 v12, v9;
	v7 =	vshll.u32 v11, $0x7;
	v14 =	vld [tilespmem:s25+$0x4800];
	[tilespmem:s22+$0x5800] =	vst v6;
	v6 =	vmov v18  }
0x188: {  	s17 =	sadd.s32 $0x1, s24;
	vm0 =	vgt.s32 v9, $0x0;
	v18 =	vor.u32 v4, v7;
	v22 =	vld [tilespmem:s26+$0x4800]  }
0x189: {  	s18 =	sadd.s32 $0x2, s24;
	v24 =	vor.u32 s13, v2;
	s21 =	sadd.s32 $0x40, s21;
	s13 =	smov.u32 s12;
	v23 =	vor.u32 s17, v5;
	v7 =	vld.idx.msk [tilespmem:v0+s14+$0x0], $0xffff;
	v0 =	vnsel vm0, $0x0, v9  }
0x18a: {  	s12 =	smov.u32 s24;
	v25 =	vor.u32 s18, v5;
	v12 =	vshll.u32 v13, $0x7;
	v9 =	vld [tilespmem:s21+$0x0];
	v0 =	vmin.u32 v0, $0xA03E  }
0x18b: {  	v27 =	vshll.u32 v21, $0x7;
	v26 =	vor.u32 v4, v12;
	v17 =	vadd.s32 v20, v17;
	v19 =	vld.idx.msk [tilespmem:v19+s14+$0x0], $0xffff  }
0x18c: {  	v20 =	vor.u32 v4, v27;
	v10 =	vadd.s32 v10, v17;
	v12 =	vld.idx.msk [tilespmem:v11+s11+$0x0], $0xffff;
	v11 =	vadd.s32 v14, v15  }
0x18d: {  	s20 =	sadd.s32 $0x40, s20;
	vm0 =	vgt.s32 v10, $0x0;
	v14 =	vld.idx.msk [tilespmem:v18+s10+$0x0], $0xffff;
	v11 =	vadd.s32 v3, v11;
	v3 =	vadd.s32 v22, v16  }
0x18e: {  	s19 =	sadd.s32 $0x40, s19;
	v18 =	vld.idx.msk [tilespmem:v23+s14+$0x0], $0xffff;
	[tilespmem:s20+$0x0] =	vst v0;
	vm1 =	vgt.s32 v11, $0x0;
	v0 =	vadd.s32 v8, v3;
	v3 =	vnsel vm0, $0x0, v10  }
.Ltmp2:
0x18f: {  	v8 =	vshll.u32 v7, $0x7;
	v10 =	vld.idx.msk [tilespmem:v25+s14+$0x0], $0xffff;
	[tilespmem:s19+$0x0] =	vst v24;
	vm0 =	vgt.s32 v0, $0x0;
	v15 =	vmin.u32 v3, $0xA03E;
	(pc) =	sbr.rel @p0 .LBB2_5-.Ltmp2, $4  }
0x190: {  	s23 =	sadd.s32 $0x40, s23;
	v17 =	vor.u32 v4, v8;
	v3 =	vld.idx.msk [tilespmem:v13+s11+$0x0], $0xffff;
	v13 =	vnsel vm1, $0x0, v11;
	v0 =	vnsel vm0, $0x0, v0;
	[tilespmem:s22+$0x5000] =	vst v15;
	v11 =	vmovc v19  }
0x191: {  	s30 =	sadd.s32 $0xFFFFFFE0, s23;
	s28 =	sadd.s32 $0xFFFFFFF0, s23;
	s22 =	sadd.s32 $0xFFFFFFD0, s23;
	v8 =	vld.idx.msk [tilespmem:v21+s11+$0x0], $0xffff;
	v19 =	vmin.u32 v13, $0xA03E;
	v0 =	vmin.u32 v0, $0xA03E  }
0x192: {  	s30 =	sand.u32 $0x50, s30;
	s29 =	sand.u32 $0x780, s22;
	s22 =	sand.u32 $0x70, s23;
	v15 =	vld.idx.msk [tilespmem:v26+s10+$0x0], $0xffff;
	[tilespmem:s25+$0x5000] =	vst v19  }
0x193: {  	s24 =	sadd.s32 $0x4, s24;
	s25 =	sadd.s32 $0x3, s12;
	s22 =	sor.u32 s29, s22;
	v16 =	vld.idx.msk [tilespmem:v20+s10+$0x0], $0xffff;
	[tilespmem:s26+$0x5000] =	vst v0;
	v13 =	vmov v18  }
0x194: {  	_ = 	snop  }
0x195: {  	v0 =	vor.u32 s25, v5;
	_ =	sdelay $0x1  }
0x196: {  	v40 =	vld [tilespmem:s22+$0x4800]  }
0x197: {  	v17 =	vld.idx.msk [tilespmem:v17+s10+$0x0], $0xffff  }
0x198: {  	v7 =	vld.idx.msk [tilespmem:v7+s11+$0x0], $0xffff  }
0x199: {  	v18 =	vshll.u32 v11, $0x7;
	s31 =	sadd.s32 $0x40, s23;
	v0 =	vld.idx.msk [tilespmem:v0+s14+$0x0], $0xffff  }
0x19a: {  	s24 =	sand.u32 $0x60, s28;
	v20 =	vshll.u32 v13, $0x7;
	s21 =	sadd.s32 $0x40, s21;
	v41 =	vld.idx.msk [tilespmem:v11+s11+$0x0], $0xffff;
	v18 =	vor.u32 v4, v18;
	s23 =	sadd.s32 $0xFFFFFFD0, s31  }
0x19b: {  	v22 =	vshll.u32 v10, $0x7;
	v46 =	vor.u32 s16, v2;
	s24 =	sor.u32 s29, s24;
	v20 =	vor.u32 v4, v20;
	v23 =	vld [tilespmem:s21+$0x0];
	s26 =	sand.u32 $0x70, s31;
	s16 =	sand.u32 $0x780, s23  }
0x19c: {  	v22 =	vor.u32 v4, v22;
	v21 =	vld [tilespmem:s24+$0x4800];
	s28 =	sor.u32 s16, s26  }
0x19d: {  	v9 =	vadd.s32 v9, v14;
	v52 =	vld [tilespmem:s28+$0x4800];
	s14 =	sor.u32 s29, s30  }
0x19e: {  	v9 =	vadd.s32 v12, v9;
	v19 =	vld [tilespmem:s14+$0x4800];
	v42 =	vshll.u32 v0, $0x7  }
0x19f: {  	vm0 =	vgt.s32 v9, $0x0;
	s29 =	sadd.s32 $0xFFFFFFE0, s31;
	v43 =	vld.idx.msk [tilespmem:v18+s10+$0x0], $0xffff;
	v44 =	vor.u32 v4, v42  }
0x1a0: {  	v48 =	vor.u32 s15, v2;
	[tilespmem:s22+$0x5800] =	vst v6;
	s21 =	sadd.s32 $0xFFFFFFF0, s31;
	v9 =	vnsel vm0, $0x0, v9;
	v47 =	vld.idx.msk [tilespmem:v20+s10+$0x0], $0xffff;
	s15 =	sand.u32 $0x50, s29  }
0x1a1: {  	v49 =	vor.u32 s13, v2;
	s20 =	sadd.s32 $0x40, s20;
	v57 =	vor.u32 s25, v2;
	[tilespmem:s24+$0x5800] =	vst v48;
	v9 =	vmin.u32 v9, $0xA03E;
	s31 =	sand.u32 $0x60, s21;
	v50 =	vld.idx.msk [tilespmem:v22+s10+$0x0], $0xffff;
	s15 =	sor.u32 s16, s15  }
0x1a2: {  	v59 =	vor.u32 s17, v2;
	v60 =	vor.u32 s18, v2;
	[tilespmem:s20+$0x0] =	vst v9;
	s16 =	sor.u32 s16, s31;
	v54 =	vld [tilespmem:s15+$0x4800]  }
0x1a3: {  	v2 =	vor.u32 s12, v2;
	v5 =	vadd.s32 v40, v17;
	[tilespmem:s14+$0x5800] =	vst v46;
	v56 =	vld [tilespmem:s16+$0x4800];
	v51 =	vadd.s32 v19, v15  }
0x1a4: {  	s30 =	sadd.s32 $0x40, s19;
	v5 =	vadd.s32 v7, v5;
	v53 =	vadd.s32 v21, v16;
	v3 =	vadd.s32 v3, v51;
	v4 =	vld.idx.msk [tilespmem:v44+s10+$0x0], $0xffff  }
0x1a5: {  	[tilespmem:s30+$0x0] =	vst v49;
	vm10 =	vgt.s32 v5, $0x0;
	v6 =	vadd.s32 v8, v53;
	vm1 =	vgt.s32 v3, $0x0;
	v0 =	vld.idx.msk [tilespmem:v0+s11+$0x0], $0xffff  }
0x1a6: {  	v45 =	vld.idx.msk [tilespmem:v13+s11+$0x0], $0xffff;
	v5 =	vnsel vm10, $0x0, v5;
	[tilespmem:s15+$0x5800] =	vst v59;
	vm11 =	vgt.s32 v6, $0x0;
	v3 =	vnsel vm1, $0x0, v3  }
0x1a7: {  	v58 =	vld.idx.msk [tilespmem:v10+s11+$0x0], $0xffff;
	[tilespmem:s16+$0x5800] =	vst v60;
	v6 =	vnsel vm11, $0x0, v6;
	v55 =	vadd.s32 v23, v43;
	v3 =	vmin.u32 v3, $0xA03E  }
0x1a8: {  	v5 =	vmin.u32 v5, $0xA03E;
	v6 =	vmin.u32 v6, $0xA03E;
	[tilespmem:s14+$0x5000] =	vst v3;
	v3 =	vadd.s32 v41, v55  }
0x1a9: {  	[tilespmem:s22+$0x5000] =	vst v5;
	v61 =	vadd.s32 v54, v47;
	vm12 =	vgt.s32 v3, $0x0;
	v4 =	vadd.s32 v52, v4  }
0x1aa: {  	[tilespmem:s24+$0x5000] =	vst v6;
	v63 =	vadd.s32 v56, v50;
	v3 =	vnsel vm12, $0x0, v3;
	v0 =	vadd.s32 v0, v4  }
0x1ab: {  	v62 =	vadd.s32 v45, v61;
	[tilespmem:s28+$0x5800] =	vst v57;
	s14 =	sadd.s32 $0x40, s20;
	v3 =	vmin.u32 v3, $0xA03E;
	vm13 =	vgt.s32 v0, $0x0  }
0x1ac: {  	vm14 =	vgt.s32 v62, $0x0;
	s10 =	sadd.s32 $0x40, s30;
	[tilespmem:s14+$0x0] =	vst v3;
	v3 =	vadd.s32 v58, v63;
	v0 =	vnsel vm13, $0x0, v0  }
0x1ad: {  	[tilespmem:s10+$0x0] =	vst v2;
	vm15 =	vgt.s32 v3, $0x0;
	v2 =	vnsel vm14, $0x0, v62;
	v0 =	vmin.u32 v0, $0xA03E  }
0x1ae: {  	v3 =	vnsel vm15, $0x0, v3;
	[tilespmem:s28+$0x5000] =	vst v0;
	v0 =	vmin.u32 v2, $0xA03E  }
0x1af: {  	v2 =	vmin.u32 v3, $0xA03E;
	[tilespmem:s15+$0x5000] =	vst v0  }
0x1b0: {  	s17 =	simm.s32 $0x5000;
	s18 =	simm.s32 $0x5800;
	s10 =	simm.s32 $0x80;
	[tilespmem:s16+$0x5000] =	vst v2  }
0x1b1: {  	[spmem:s8] =	stream.indirect.scatter [tilespmem:s18], [sflag:$0x1], $0x1, s17, s10, $0xb8;
	[tilespmem:$0x7B48] =	vst v63  }
0x1b2: {  	s19 =	simm.s32 $0x5080;
	s20 =	simm.s32 $0x5880  }
0x1b3: {  	[spmem:s8] =	stream.indirect.scatter [tilespmem:s20], [sflag:$0x1], $0x1, s19, s10, $0xb8;
	[tilespmem:$0x7B48] =	vst v63  }
0x1b4: {  	s21 =	simm.s32 $0x5100;
	s22 =	simm.s32 $0x5900  }
0x1b5: {  	[spmem:s8] =	stream.indirect.scatter [tilespmem:s22], [sflag:$0x1], $0x1, s21, s10, $0xb8;
	[tilespmem:$0x7B48] =	vst v63  }
0x1b6: {  	s23 =	simm.s32 $0x5180;
	s24 =	simm.s32 $0x5980  }
0x1b7: {  	[spmem:s8] =	stream.indirect.scatter [tilespmem:s24], [sflag:$0x1], $0x1, s23, s10, $0xb8;
	[tilespmem:$0x7B48] =	vst v63  }
0x1b8: {  	s25 =	simm.s32 $0x5200;
	s26 =	simm.s32 $0x5A00  }
0x1b9: {  	[spmem:s8] =	stream.indirect.scatter [tilespmem:s26], [sflag:$0x1], $0x1, s25, s10, $0xb8;
	[tilespmem:$0x7B48] =	vst v63  }
0x1ba: {  	s29 =	simm.s32 $0x5A80;
	s28 =	simm.s32 $0x5280  }
0x1bb: {  	[spmem:s8] =	stream.indirect.scatter [tilespmem:s29], [sflag:$0x1], $0x1, s28, s10, $0xb8;
	[tilespmem:$0x7B48] =	vst v63  }
0x1bc: {  	s31 =	simm.s32 $0x5B00;
	s30 =	simm.s32 $0x5300  }
0x1bd: {  	[spmem:s8] =	stream.indirect.scatter [tilespmem:s31], [sflag:$0x1], $0x1, s30, s10, $0xb8;
	[tilespmem:$0x7B48] =	vst v63  }
0x1be: {  	s13 =	simm.s32 $0x5380;
	s14 =	simm.s32 $0x5B80  }
0x1bf: {  	[spmem:s8] =	stream.indirect.scatter [tilespmem:s14], [sflag:$0x1], $0x1, s13, s10, $0xb8;
	[tilespmem:$0x7B48] =	vst v63  }
0x1c0: {  	s15 =	simm.s32 $0x5400;
	s16 =	simm.s32 $0x5C00  }
0x1c1: {  	[spmem:s8] =	stream.indirect.scatter [tilespmem:s16], [sflag:$0x1], $0x1, s15, s10, $0xb8;
	[tilespmem:$0x7B48] =	vst v63  }
0x1c2: {  	s17 =	simm.s32 $0x5480;
	s18 =	simm.s32 $0x5C80  }
0x1c3: {  	[spmem:s8] =	stream.indirect.scatter [tilespmem:s18], [sflag:$0x1], $0x1, s17, s10, $0xb8;
	[tilespmem:$0x7B48] =	vst v63  }
0x1c4: {  	s19 =	simm.s32 $0x5500;
	s20 =	simm.s32 $0x5D00  }
0x1c5: {  	[spmem:s8] =	stream.indirect.scatter [tilespmem:s20], [sflag:$0x1], $0x1, s19, s10, $0xb8;
	[tilespmem:$0x7B48] =	vst v63  }
0x1c6: {  	s21 =	simm.s32 $0x5580;
	s22 =	simm.s32 $0x5D80  }
0x1c7: {  	[spmem:s8] =	stream.indirect.scatter [tilespmem:s22], [sflag:$0x1], $0x1, s21, s10, $0xb8;
	[tilespmem:$0x7B48] =	vst v63  }
0x1c8: {  	s23 =	simm.s32 $0x5600;
	s24 =	simm.s32 $0x5E00  }
0x1c9: {  	[spmem:s8] =	stream.indirect.scatter [tilespmem:s24], [sflag:$0x1], $0x1, s23, s10, $0xb8;
	[tilespmem:$0x7B48] =	vst v63  }
0x1ca: {  	s25 =	simm.s32 $0x5680;
	s26 =	simm.s32 $0x5E80  }
0x1cb: {  	[spmem:s8] =	stream.indirect.scatter [tilespmem:s26], [sflag:$0x1], $0x1, s25, s10, $0xb8;
	[tilespmem:$0x7B48] =	vst v63  }
.Ltmp3:
0x1cc: {  	_ = 	snop;
	(pc) =	sbr.rel @p3 .LBB2_8-.Ltmp3, $4  }
0x1cd: {  	s28 =	simm.s32 $0x5700;
	s29 =	simm.s32 $0x5F00  }
0x1ce: {  	[spmem:s8] =	stream.indirect.scatter [tilespmem:s29], [sflag:$0x1], $0x1, s28, s10, $0xb8;
	[tilespmem:$0x7B48] =	vst v63  }
0x1cf: {  	s30 =	simm.s32 $0x5780;
	s31 =	simm.s32 $0x5F80  }
0x1d0: {  	[spmem:s8] =	stream.indirect.scatter [tilespmem:s31], [sflag:$0x1], $0x1, s30, s10, $0xb8;
	[tilespmem:$0x7B48] =	vst v63  }
0x1d1: {  	v0 =	vld [tilespmem:$0x6500];
	_ =	sdelay $0x4  }
0x1d2: {  	v2 =	vbroadcast v0, $0x0  }
0x1d3: {  	v3 =	vbroadcast v0, $0x1;
	v6 =	vbroadcast v0, $0x2  }
0x1d4: {  	v5 =	vbroadcast v0, $0x3;
	v30 =	vbroadcast v0, $0x4  }
0x1d5: {  	v41 =	vld [tilespmem:$0x6510];
	v32 =	vbroadcast v0, $0x5;
	v10 =	vbroadcast v0, $0x6  }
0x1d6: {  	v11 =	vbroadcast v0, $0x7;
	v12 =	vbroadcast v0, $0x8  }
0x1d7: {  	v13 =	vbroadcast v0, $0x9;
	v14 =	vbroadcast v0, $0xA  }
0x1d8: {  	v15 =	vbroadcast v0, $0xB;
	v16 =	vbroadcast v0, $0xC  }
0x1d9: {  	v17 =	vbroadcast v0, $0xD;
	v18 =	vbroadcast v0, $0xE  }
0x1da: {  	v19 =	vbroadcast v0, $0xF;
	v20 =	vbroadcast v41, $0x0  }
0x1db: {  	v21 =	vbroadcast v41, $0x1;
	v22 =	vbroadcast v41, $0x2  }
0x1dc: {  	v23 =	vbroadcast v41, $0x3;
	v24 =	vbroadcast v41, $0x4  }
0x1dd: {  	v25 =	vbroadcast v41, $0x5;
	v26 =	vbroadcast v41, $0x6  }
0x1de: {  	v9 =	vmov v28;
	v28 =	vbroadcast v41, $0x8;
	v7 =	vbroadcast v41, $0xC  }
0x1df: {  	v62 =	vld [tilespmem:$0x6530];
	[tilespmem:$0x1FF60] =	vst v2;
	vm0 =	vge.s32 v1, v2;
	v2 =	vimm.s32 $0x0;
	vm1 =	vge.s32 v1, v3  }
0x1e0: {  	vm9 =	vge.s32 v1, v6;
	vm10 =	vge.s32 v1, v5;
	vm11 =	vge.s32 v1, v30  }
0x1e1: {  	vm12 =	vge.s32 v1, v32;
	vm13 =	vge.s32 v1, v10;
	vm14 =	vge.s32 v1, v11  }
0x1e2: {  	[tilespmem:$0x1FF80] =	vst v6;
	vm15 =	vge.s32 v1, v12;
	vm4 =	vge.s32 v1, v13;
	vm5 =	vge.s32 v1, v14  }
0x1e3: {  	[tilespmem:$0x1FFA0] =	vst v30;
	vm6 =	vge.s32 v1, v15;
	vm7 =	vge.s32 v1, v16;
	v30 =	vbroadcast v41, $0xA  }
0x1e4: {  	[tilespmem:$0x1FFB0] =	vst v32;
	vm8 =	vge.s32 v1, v17;
	v32 =	vbroadcast v41, $0xF;
	v6 =	vbroadcast v62, $0xB  }
0x1e5: {  	v27 =	vsel vm0, $0x1, v2;
	v4 =	vsel vm1, $0x1, v2;
	v29 =	vsel vm9, $0x1, v2  }
0x1e6: {  	[tilespmem:$0x1FF70] =	vst v3;
	v31 =	vsel vm10, $0x1, v2;
	v33 =	vsel vm11, $0x1, v2;
	v3 =	vadd.s32 v4, v27  }
0x1e7: {  	v34 =	vsel vm12, $0x1, v2;
	v35 =	vsel vm13, $0x1, v2;
	v3 =	vadd.s32 v29, v3  }
0x1e8: {  	v37 =	vsel vm14, $0x1, v2;
	v38 =	vsel vm15, $0x1, v2;
	v3 =	vadd.s32 v31, v3  }
0x1e9: {  	v39 =	vsel vm4, $0x1, v2;
	v40 =	vsel vm5, $0x1, v2;
	v3 =	vadd.s32 v33, v3  }
0x1ea: {  	v42 =	vsel vm6, $0x1, v2;
	v43 =	vsel vm7, $0x1, v2;
	v3 =	vadd.s32 v34, v3  }
0x1eb: {  	v44 =	vsel vm8, $0x1, v2;
	vm9 =	vge.s32 v1, v18;
	v3 =	vadd.s32 v35, v3  }
0x1ec: {  	vm10 =	vge.s32 v1, v19;
	vm11 =	vge.s32 v1, v20;
	v3 =	vadd.s32 v37, v3  }
0x1ed: {  	vm12 =	vge.s32 v1, v21;
	vm13 =	vge.s32 v1, v22;
	v3 =	vadd.s32 v38, v3  }
0x1ee: {  	vm14 =	vge.s32 v1, v23;
	vm15 =	vge.s32 v1, v24;
	v3 =	vadd.s32 v39, v3  }
0x1ef: {  	vm4 =	vge.s32 v1, v25;
	vm5 =	vge.s32 v1, v26;
	v3 =	vadd.s32 v40, v3  }
0x1f0: {  	vm7 =	vge.s32 v1, v28;
	v46 =	vsel vm9, $0x1, v2;
	v3 =	vadd.s32 v42, v3  }
0x1f1: {  	v47 =	vsel vm10, $0x1, v2;
	v48 =	vsel vm11, $0x1, v2;
	v3 =	vadd.s32 v43, v3  }
0x1f2: {  	v49 =	vsel vm12, $0x1, v2;
	v50 =	vsel vm13, $0x1, v2;
	v45 =	vadd.s32 v44, v3  }
0x1f3: {  	v51 =	vsel vm14, $0x1, v2;
	v52 =	vsel vm15, $0x1, v2;
	v0 =	vadd.s32 v46, v45  }
0x1f4: {  	v53 =	vsel vm4, $0x1, v2;
	v27 =	vbroadcast v41, $0x7;
	v0 =	vadd.s32 v47, v0  }
0x1f5: {  	v54 =	vsel vm5, $0x1, v2;
	v56 =	vsel vm7, $0x1, v2;
	v0 =	vadd.s32 v48, v0  }
0x1f6: {  	vm9 =	vge.s32 v1, v30;
	vm11 =	vge.s32 v1, v7;
	v0 =	vadd.s32 v49, v0  }
0x1f7: {  	vm14 =	vge.s32 v1, v32;
	v29 =	vbroadcast v41, $0x9;
	v0 =	vadd.s32 v50, v0  }
0x1f8: {  	v59 =	vld [tilespmem:$0x6520];
	v58 =	vsel vm9, $0x1, v2;
	vm6 =	vge.s32 v1, v27;
	v0 =	vadd.s32 v51, v0  }
0x1f9: {  	v31 =	vbroadcast v41, $0xB;
	v55 =	vsel vm6, $0x1, v2;
	v0 =	vadd.s32 v52, v0  }
0x1fa: {  	vm8 =	vge.s32 v1, v29;
	v33 =	vbroadcast v41, $0xD;
	v0 =	vadd.s32 v53, v0  }
0x1fb: {  	v57 =	vsel vm8, $0x1, v2;
	vm10 =	vge.s32 v1, v31;
	v0 =	vadd.s32 v54, v0  }
0x1fc: {  	v34 =	vbroadcast v41, $0xE;
	v41 =	vsel vm14, $0x1, v2;
	v0 =	vadd.s32 v55, v0  }
0x1fd: {  	vm12 =	vge.s32 v1, v33;
	v35 =	vbroadcast v59, $0x0;
	v0 =	vadd.s32 v56, v0  }
0x1fe: {  	v37 =	vsel vm10, $0x1, v2;
	vm13 =	vge.s32 v1, v34;
	v3 =	vadd.s32 v57, v0  }
0x1ff: {  	v38 =	vsel vm11, $0x1, v2;
	vm15 =	vge.s32 v1, v35;
	v3 =	vadd.s32 v58, v3  }
0x200: {  	v39 =	vsel vm12, $0x1, v2;
	v3 =	vadd.s32 v37, v3;
	v37 =	vbroadcast v59, $0x1  }
0x201: {  	v40 =	vsel vm13, $0x1, v2;
	v42 =	vsel vm15, $0x1, v2;
	v3 =	vadd.s32 v38, v3  }
0x202: {  	v38 =	vbroadcast v59, $0x2;
	v3 =	vadd.s32 v39, v3;
	vm4 =	vge.s32 v1, v37  }
0x203: {  	v39 =	vbroadcast v59, $0x3;
	v3 =	vadd.s32 v40, v3;
	v43 =	vsel vm4, $0x1, v2  }
0x204: {  	vm5 =	vge.s32 v1, v38;
	v40 =	vbroadcast v59, $0x4;
	v3 =	vadd.s32 v41, v3  }
0x205: {  	v44 =	vsel vm5, $0x1, v2;
	vm6 =	vge.s32 v1, v39;
	v41 =	vbroadcast v59, $0x5  }
0x206: {  	v3 =	vadd.s32 v42, v3;
	v45 =	vsel vm6, $0x1, v2;
	vm7 =	vge.s32 v1, v40  }
0x207: {  	v42 =	vbroadcast v59, $0x6;
	v3 =	vadd.s32 v43, v3;
	v46 =	vsel vm7, $0x1, v2  }
0x208: {  	vm8 =	vge.s32 v1, v41;
	v43 =	vbroadcast v59, $0x7;
	v3 =	vadd.s32 v44, v3  }
0x209: {  	v47 =	vsel vm8, $0x1, v2;
	vm9 =	vge.s32 v1, v42;
	v44 =	vbroadcast v59, $0x8  }
0x20a: {  	v3 =	vadd.s32 v45, v3;
	v48 =	vsel vm9, $0x1, v2;
	vm10 =	vge.s32 v1, v43  }
0x20b: {  	v45 =	vbroadcast v59, $0x9;
	v3 =	vadd.s32 v46, v3;
	v49 =	vsel vm10, $0x1, v2  }
0x20c: {  	vm11 =	vge.s32 v1, v44;
	v46 =	vbroadcast v59, $0xA;
	v3 =	vadd.s32 v47, v3  }
0x20d: {  	v50 =	vsel vm11, $0x1, v2;
	vm12 =	vge.s32 v1, v45;
	v47 =	vbroadcast v59, $0xB  }
0x20e: {  	v3 =	vadd.s32 v48, v3;
	v51 =	vsel vm12, $0x1, v2;
	vm13 =	vge.s32 v1, v46  }
0x20f: {  	v48 =	vbroadcast v59, $0xC;
	v3 =	vadd.s32 v49, v3;
	v52 =	vsel vm13, $0x1, v2  }
0x210: {  	vm14 =	vge.s32 v1, v47;
	v49 =	vbroadcast v59, $0xD;
	v3 =	vadd.s32 v50, v3  }
0x211: {  	v53 =	vsel vm14, $0x1, v2;
	vm15 =	vge.s32 v1, v48;
	v50 =	vbroadcast v59, $0xE  }
0x212: {  	v3 =	vadd.s32 v51, v3;
	v54 =	vsel vm15, $0x1, v2;
	vm4 =	vge.s32 v1, v49  }
0x213: {  	v51 =	vbroadcast v59, $0xF;
	v3 =	vadd.s32 v52, v3;
	v55 =	vsel vm4, $0x1, v2  }
0x214: {  	vm5 =	vge.s32 v1, v50;
	v52 =	vbroadcast v62, $0x0;
	v3 =	vadd.s32 v53, v3  }
0x215: {  	v56 =	vsel vm5, $0x1, v2;
	vm6 =	vge.s32 v1, v51;
	v53 =	vbroadcast v62, $0x1  }
0x216: {  	v3 =	vadd.s32 v54, v3;
	v57 =	vsel vm6, $0x1, v2;
	vm7 =	vge.s32 v1, v52  }
0x217: {  	v54 =	vbroadcast v62, $0x2;
	vm6 =	vge.s32 v1, v6;
	v3 =	vadd.s32 v55, v3  }
0x218: {  	v58 =	vsel vm7, $0x1, v2;
	vm8 =	vge.s32 v1, v53;
	v55 =	vbroadcast v62, $0x3  }
0x219: {  	v3 =	vadd.s32 v56, v3;
	v59 =	vsel vm8, $0x1, v2;
	vm9 =	vge.s32 v1, v54  }
0x21a: {  	v56 =	vbroadcast v62, $0x4;
	v3 =	vadd.s32 v57, v3;
	v60 =	vsel vm9, $0x1, v2  }
0x21b: {  	vm10 =	vge.s32 v1, v55;
	v57 =	vbroadcast v62, $0x5;
	v3 =	vadd.s32 v58, v3  }
0x21c: {  	v61 =	vsel vm10, $0x1, v2;
	vm11 =	vge.s32 v1, v56;
	v58 =	vbroadcast v62, $0x6  }
0x21d: {  	v3 =	vadd.s32 v59, v3;
	v63 =	vsel vm11, $0x1, v2;
	vm12 =	vge.s32 v1, v57  }
0x21e: {  	v59 =	vbroadcast v62, $0x7;
	v3 =	vadd.s32 v60, v3;
	v0 =	vsel vm12, $0x1, v2  }
0x21f: {  	vm13 =	vge.s32 v1, v58;
	v60 =	vbroadcast v62, $0x8;
	v3 =	vadd.s32 v61, v3  }
0x220: {  	v8 =	vsel vm13, $0x1, v2;
	vm14 =	vge.s32 v1, v59;
	v3 =	vadd.s32 v63, v3  }
0x221: {  	v61 =	vbroadcast v62, $0x9;
	vm15 =	vge.s32 v1, v60;
	v3 =	vadd.s32 v0, v3  }
0x222: {  	v63 =	vbroadcast v62, $0xA;
	v0 =	vsel vm14, $0x1, v2;
	v3 =	vadd.s32 v8, v3  }
0x223: {  	vm4 =	vge.s32 v1, v61;
	v8 =	vsel vm15, $0x1, v2;
	v3 =	vadd.s32 v0, v3  }
0x224: {  	vm5 =	vge.s32 v1, v63;
	v0 =	vsel vm4, $0x1, v2;
	v3 =	vadd.s32 v8, v3  }
0x225: {  	v8 =	vsel vm5, $0x1, v2;
	v4 =	vadd.s32 v0, v3;
	v3 =	vbroadcast v62, $0xC  }
0x226: {  	[tilespmem:$0x1FF90] =	vst v5;
	v5 =	vadd.s32 v8, v4;
	v8 =	vsel vm6, $0x1, v2;
	v4 =	vbroadcast v62, $0xD  }
0x227: {  	v0 =	vadd.s32 v8, v5;
	vm7 =	vge.s32 v1, v3;
	v5 =	vbroadcast v62, $0xE  }
0x228: {  	v62 =	vbroadcast v62, $0xF;
	vm8 =	vge.s32 v1, v4;
	v8 =	vsel vm7, $0x1, v2  }
0x229: {  	v0 =	vadd.s32 v8, v0;
	vm9 =	vge.s32 v1, v5;
	v8 =	vsel vm8, $0x1, v2  }
0x22a: {  	vm10 =	vge.s32 v1, v62;
	v0 =	vadd.s32 v8, v0;
	v8 =	vsel vm9, $0x1, v2  }
0x22b: {  	v0 =	vadd.s32 v8, v0;
	v8 =	vsel vm10, $0x1, v2  }
0x22c: {  	(v2sf) =	vpush v9, $0xF;
	v9 =	vadd.s32 v8, v0;
	v8 =	vld [tilespmem:$0x1FF60];
	_ =	sdelay $0x4  }
0x22d: {  	vm11 =	vge.s32 v36, v8;
	v8 =	vld [tilespmem:$0x1FF70];
	_ =	sdelay $0x4  }
0x22e: {  	vm12 =	vge.s32 v36, v8;
	v8 =	vld [tilespmem:$0x1FF80];
	_ =	sdelay $0x4  }
0x22f: {  	v0 =	vsel vm11, $0x1, v2;
	vm2 =	vge.s32 v36, v8;
	v8 =	vsel vm12, $0x1, v2  }
0x230: {  	v0 =	vadd.s32 v8, v0;
	v8 =	vld [tilespmem:$0x1FF90];
	_ =	sdelay $0x4  }
0x231: {  	vm13 =	vge.s32 v36, v8;
	v8 =	vsel vm2, $0x1, v2  }
0x232: {  	v0 =	vadd.s32 v8, v0;
	v8 =	vld [tilespmem:$0x1FFA0];
	_ =	sdelay $0x4  }
0x233: {  	vm14 =	vge.s32 v36, v8;
	v8 =	vsel vm13, $0x1, v2  }
0x234: {  	v0 =	vadd.s32 v8, v0;
	v8 =	vld [tilespmem:$0x1FFB0];
	_ =	sdelay $0x4  }
0x235: {  	vm15 =	vge.s32 v36, v8;
	v8 =	vsel vm14, $0x1, v2  }
0x236: {  	vm4 =	vge.s32 v36, v10;
	v0 =	vadd.s32 v8, v0;
	v8 =	vsel vm15, $0x1, v2  }
0x237: {  	vm5 =	vge.s32 v36, v11;
	v0 =	vadd.s32 v8, v0;
	v8 =	vsel vm4, $0x1, v2  }
0x238: {  	vm6 =	vge.s32 v36, v12;
	v12 =	vsel vm5, $0x1, v2;
	v0 =	vadd.s32 v8, v0  }
0x239: {  	vm7 =	vge.s32 v36, v13;
	v13 =	vsel vm6, $0x1, v2;
	v0 =	vadd.s32 v12, v0  }
0x23a: {  	vm8 =	vge.s32 v36, v14;
	v14 =	vsel vm7, $0x1, v2;
	v0 =	vadd.s32 v13, v0  }
0x23b: {  	vm9 =	vge.s32 v36, v15;
	v15 =	vsel vm8, $0x1, v2;
	v0 =	vadd.s32 v14, v0  }
0x23c: {  	vm10 =	vge.s32 v36, v16;
	v16 =	vsel vm9, $0x1, v2;
	v0 =	vadd.s32 v15, v0  }
0x23d: {  	vm11 =	vge.s32 v36, v17;
	v17 =	vsel vm10, $0x1, v2;
	v0 =	vadd.s32 v16, v0  }
0x23e: {  	vm12 =	vge.s32 v36, v18;
	v18 =	vsel vm11, $0x1, v2;
	v0 =	vadd.s32 v17, v0  }
0x23f: {  	vm13 =	vge.s32 v36, v19;
	v12 =	vsel vm12, $0x1, v2;
	v0 =	vadd.s32 v18, v0  }
0x240: {  	vm14 =	vge.s32 v36, v20;
	v13 =	vsel vm13, $0x1, v2;
	v0 =	vadd.s32 v12, v0  }
0x241: {  	vm15 =	vge.s32 v36, v21;
	v14 =	vsel vm14, $0x1, v2;
	v0 =	vadd.s32 v13, v0  }
0x242: {  	vm4 =	vge.s32 v36, v22;
	v15 =	vsel vm15, $0x1, v2;
	v0 =	vadd.s32 v14, v0  }
0x243: {  	vm5 =	vge.s32 v36, v23;
	v16 =	vsel vm4, $0x1, v2;
	v0 =	vadd.s32 v15, v0  }
0x244: {  	vm6 =	vge.s32 v36, v24;
	v17 =	vsel vm5, $0x1, v2;
	v0 =	vadd.s32 v16, v0  }
0x245: {  	vm7 =	vge.s32 v36, v25;
	v18 =	vsel vm6, $0x1, v2;
	v0 =	vadd.s32 v17, v0  }
0x246: {  	vm8 =	vge.s32 v36, v26;
	v19 =	vsel vm7, $0x1, v2;
	v0 =	vadd.s32 v18, v0  }
0x247: {  	vm9 =	vge.s32 v36, v27;
	v20 =	vsel vm8, $0x1, v2;
	v0 =	vadd.s32 v19, v0  }
0x248: {  	vm10 =	vge.s32 v36, v28;
	v21 =	vsel vm9, $0x1, v2;
	v0 =	vadd.s32 v20, v0  }
0x249: {  	vm11 =	vge.s32 v36, v29;
	v22 =	vsel vm10, $0x1, v2;
	v0 =	vadd.s32 v21, v0  }
0x24a: {  	v23 =	vsel vm11, $0x1, v2;
	vm12 =	vge.s32 v36, v30;
	v0 =	vadd.s32 v22, v0  }
0x24b: {  	vm13 =	vge.s32 v36, v31;
	v24 =	vsel vm12, $0x1, v2;
	v0 =	vadd.s32 v23, v0  }
0x24c: {  	vm14 =	vge.s32 v36, v7;
	v25 =	vsel vm13, $0x1, v2;
	v0 =	vadd.s32 v24, v0  }
0x24d: {  	vm15 =	vge.s32 v36, v33;
	v26 =	vsel vm14, $0x1, v2;
	v0 =	vadd.s32 v25, v0  }
0x24e: {  	vm4 =	vge.s32 v36, v34;
	v27 =	vsel vm15, $0x1, v2;
	v0 =	vadd.s32 v26, v0  }
0x24f: {  	vm5 =	vge.s32 v36, v32;
	v28 =	vsel vm4, $0x1, v2;
	v0 =	vadd.s32 v27, v0  }
0x250: {  	vm6 =	vge.s32 v36, v35;
	v29 =	vsel vm5, $0x1, v2;
	v0 =	vadd.s32 v28, v0  }
0x251: {  	vm7 =	vge.s32 v36, v37;
	v30 =	vsel vm6, $0x1, v2;
	v0 =	vadd.s32 v29, v0  }
0x252: {  	vm8 =	vge.s32 v36, v38;
	v31 =	vsel vm7, $0x1, v2;
	v0 =	vadd.s32 v30, v0  }
0x253: {  	vm9 =	vge.s32 v36, v39;
	v32 =	vsel vm8, $0x1, v2;
	v0 =	vadd.s32 v31, v0  }
0x254: {  	vm10 =	vge.s32 v36, v40;
	v33 =	vsel vm9, $0x1, v2;
	v0 =	vadd.s32 v32, v0  }
0x255: {  	vm11 =	vge.s32 v36, v41;
	v34 =	vsel vm10, $0x1, v2;
	v0 =	vadd.s32 v33, v0  }
0x256: {  	vm12 =	vge.s32 v36, v42;
	v35 =	vsel vm11, $0x1, v2;
	v0 =	vadd.s32 v34, v0  }
0x257: {  	vm13 =	vge.s32 v36, v43;
	v37 =	vsel vm12, $0x1, v2;
	v0 =	vadd.s32 v35, v0  }
0x258: {  	vm14 =	vge.s32 v36, v44;
	v38 =	vsel vm13, $0x1, v2;
	v0 =	vadd.s32 v37, v0  }
0x259: {  	vm15 =	vge.s32 v36, v45;
	v39 =	vsel vm14, $0x1, v2;
	v0 =	vadd.s32 v38, v0  }
0x25a: {  	vm4 =	vge.s32 v36, v46;
	v40 =	vsel vm15, $0x1, v2;
	v0 =	vadd.s32 v39, v0  }
0x25b: {  	vm5 =	vge.s32 v36, v47;
	v41 =	vsel vm4, $0x1, v2;
	v0 =	vadd.s32 v40, v0  }
0x25c: {  	vm6 =	vge.s32 v36, v48;
	v42 =	vsel vm5, $0x1, v2;
	v0 =	vadd.s32 v41, v0  }
0x25d: {  	vm7 =	vge.s32 v36, v49;
	v43 =	vsel vm6, $0x1, v2;
	v0 =	vadd.s32 v42, v0  }
0x25e: {  	v44 =	vsel vm7, $0x1, v2;
	vm8 =	vge.s32 v36, v50;
	v0 =	vadd.s32 v43, v0  }
0x25f: {  	vm9 =	vge.s32 v36, v51;
	v45 =	vsel vm8, $0x1, v2;
	v0 =	vadd.s32 v44, v0  }
0x260: {  	vm10 =	vge.s32 v36, v52;
	v46 =	vsel vm9, $0x1, v2;
	v0 =	vadd.s32 v45, v0  }
0x261: {  	vm11 =	vge.s32 v36, v53;
	v47 =	vsel vm10, $0x1, v2;
	v0 =	vadd.s32 v46, v0  }
0x262: {  	vm12 =	vge.s32 v36, v54;
	v48 =	vsel vm11, $0x1, v2;
	v0 =	vadd.s32 v47, v0  }
0x263: {  	vm13 =	vge.s32 v36, v55;
	v49 =	vsel vm12, $0x1, v2;
	v0 =	vadd.s32 v48, v0  }
0x264: {  	vm14 =	vge.s32 v36, v56;
	v50 =	vsel vm13, $0x1, v2;
	v0 =	vadd.s32 v49, v0  }
0x265: {  	vm15 =	vge.s32 v36, v57;
	v51 =	vsel vm14, $0x1, v2;
	v0 =	vadd.s32 v50, v0  }
0x266: {  	vm4 =	vge.s32 v36, v58;
	v52 =	vsel vm15, $0x1, v2;
	v0 =	vadd.s32 v51, v0  }
0x267: {  	vm5 =	vge.s32 v36, v59;
	v53 =	vsel vm4, $0x1, v2;
	v0 =	vadd.s32 v52, v0  }
0x268: {  	vm6 =	vge.s32 v36, v60;
	v54 =	vsel vm5, $0x1, v2;
	v0 =	vadd.s32 v53, v0  }
0x269: {  	vm7 =	vge.s32 v36, v61;
	v55 =	vsel vm6, $0x1, v2;
	v0 =	vadd.s32 v54, v0  }
0x26a: {  	v56 =	vsel vm7, $0x1, v2;
	vm8 =	vge.s32 v36, v63;
	v0 =	vadd.s32 v55, v0  }
0x26b: {  	vm9 =	vge.s32 v36, v6;
	v57 =	vsel vm8, $0x1, v2;
	v0 =	vadd.s32 v56, v0  }
0x26c: {  	vm10 =	vge.s32 v36, v3;
	v58 =	vsel vm9, $0x1, v2;
	v0 =	vadd.s32 v57, v0  }
0x26d: {  	vm11 =	vge.s32 v36, v4;
	v59 =	vsel vm10, $0x1, v2;
	v0 =	vadd.s32 v58, v0  }
0x26e: {  	s8 =	spop (v2sf);
	vm12 =	vge.s32 v36, v5;
	v60 =	vsel vm11, $0x1, v2;
	v0 =	vadd.s32 v59, v0  }
0x26f: {  	s8 =	sadd.s32 s9, s8;
	v61 =	vsel vm12, $0x1, v2;
	vm13 =	vge.s32 v36, v62;
	v0 =	vadd.s32 v60, v0  }
0x270: {  	vm14 =	vlt.s32 v1, s8;
	v62 =	vsel vm13, $0x1, v2;
	v0 =	vadd.s32 v61, v0  }
0x271: {  	vm15 =	vlt.s32 v36, s8;
	v63 =	vnsel vm14, $0x0, v9;
	v0 =	vadd.s32 v62, v0  }
0x272: {  	[tilespmem:$0x7000] =	vst v63;
	v0 =	vnsel vm15, $0x0, v0  }
0x273: {  	s30 =	simm.s32 $0x0;
	s10 =	simm.s32 $0x7000;
	s31 =	simm.s32 $0x3;
	[tilespmem:$0x7010] =	vst v0  }
0x274: {  	[hbm4b:s7+s30] =	stream.linear.scatter [tilespmem:s10], [sflag:$0x3], $0x20, $0x38;
	[tilespmem:$0x7B48] =	vst v63  }
0x275: {  	_ =	swait.ge [sflag:s31], $0x20  }
0x276: {  	[sflag:s31] =	ssyncset.done $0x0  }
0x277: {  	v0 =	vmov s8;
	[sflag:s31] =	ssyncadd.s32 $0xFFFFFFE0  }
0x278: {  	s8 =	simm.s32 @!p2 $0x7080;
	s7 =	simm.s32 @!p2 $0x0;
	[tilespmem:$0x7080] =	vst @!p2 v0  }
0x279: {  	[hbm4b:s2+s7] =	stream.linear.scatter @!p2 [tilespmem:s8], [sflag:$0x3], $0x1, $0x38;
	[tilespmem:$0x7B48] =	vst v63  }
0x27a: {  	s2 =	simm.s32 @!p2 $0x3  }
0x27b: {  	_ =	swait.ge @!p2 [sflag:s2], $0x1  }
0x27c: {  	[sflag:s2] =	ssyncset.done @!p2 $0x0  }
0x27d: {  	[sflag:s2] =	ssyncadd.s32 @!p2 $0xFFFFFFFF  }
.LBB2_8:
0x27e: {  	s2 =	simm.s32 $0x1  }
0x27f: {  	_ =	swait.ge [sflag:s2], $0x80  }
0x280: {  	[sflag:s2] =	ssyncset.done $0x0  }
0x281: {  	[sflag:s2] =	ssyncadd.s32 $0xFFFFFF80  }
0x282: {  	_ =	swait.ge [sflag:s2], $0x80  }
0x283: {  	[sflag:s2] =	ssyncset.done $0x0  }
0x284: {  	[sflag:s2] =	ssyncadd.s32 $0xFFFFFF80  }
0x285: {  	_ =	swait.ge [sflag:s2], $0x80  }
0x286: {  	[sflag:s2] =	ssyncset.done $0x0  }
0x287: {  	[sflag:s2] =	ssyncadd.s32 $0xFFFFFF80  }
0x288: {  	_ =	swait.ge [sflag:s2], $0x80  }
0x289: {  	[sflag:s2] =	ssyncset.done $0x0  }
0x28a: {  	[sflag:s2] =	ssyncadd.s32 $0xFFFFFF80  }
0x28b: {  	_ =	swait.ge [sflag:s2], $0x80  }
0x28c: {  	[sflag:s2] =	ssyncset.done $0x0  }
0x28d: {  	[sflag:s2] =	ssyncadd.s32 $0xFFFFFF80  }
0x28e: {  	_ =	swait.ge [sflag:s2], $0x80  }
0x28f: {  	[sflag:s2] =	ssyncset.done $0x0  }
0x290: {  	[sflag:s2] =	ssyncadd.s32 $0xFFFFFF80  }
0x291: {  	_ =	swait.ge [sflag:s2], $0x80  }
0x292: {  	[sflag:s2] =	ssyncset.done $0x0  }
0x293: {  	[sflag:s2] =	ssyncadd.s32 $0xFFFFFF80  }
0x294: {  	_ =	swait.ge [sflag:s2], $0x80  }
0x295: {  	[sflag:s2] =	ssyncset.done $0x0  }
0x296: {  	[sflag:s2] =	ssyncadd.s32 $0xFFFFFF80  }
0x297: {  	_ =	swait.ge [sflag:s2], $0x80  }
0x298: {  	[sflag:s2] =	ssyncset.done $0x0  }
0x299: {  	[sflag:s2] =	ssyncadd.s32 $0xFFFFFF80  }
0x29a: {  	_ =	swait.ge [sflag:s2], $0x80  }
0x29b: {  	[sflag:s2] =	ssyncset.done $0x0  }
0x29c: {  	[sflag:s2] =	ssyncadd.s32 $0xFFFFFF80  }
0x29d: {  	_ =	swait.ge [sflag:s2], $0x80  }
0x29e: {  	[sflag:s2] =	ssyncset.done $0x0  }
0x29f: {  	[sflag:s2] =	ssyncadd.s32 $0xFFFFFF80  }
0x2a0: {  	_ =	swait.ge [sflag:s2], $0x80  }
0x2a1: {  	[sflag:s2] =	ssyncset.done $0x0  }
0x2a2: {  	[sflag:s2] =	ssyncadd.s32 $0xFFFFFF80  }
0x2a3: {  	_ =	swait.ge [sflag:s2], $0x80  }
0x2a4: {  	[sflag:s2] =	ssyncset.done $0x0  }
0x2a5: {  	[sflag:s2] =	ssyncadd.s32 $0xFFFFFF80  }
0x2a6: {  	_ =	swait.ge [sflag:s2], $0x80  }
0x2a7: {  	[sflag:s2] =	ssyncset.done $0x0  }
0x2a8: {  	[sflag:s2] =	ssyncadd.s32 $0xFFFFFF80  }
0x2a9: {  	_ =	swait.ge [sflag:s2], $0x80  }
0x2aa: {  	[sflag:s2] =	ssyncset.done $0x0  }
0x2ab: {  	[sflag:s2] =	ssyncadd.s32 $0xFFFFFF80  }
0x2ac: {  	_ =	swait.ge [sflag:s2], $0x80  }
0x2ad: {  	[sflag:s2] =	ssyncset.done $0x0  }
0x2ae: {  	[sflag:s2] =	ssyncadd.s32 $0xFFFFFF80  }
0x2af: {  	s2 =	simm.s32 @p1 $0x6580;
	[bflag:$0x0] =	sbarrier.arrive $0xFFFF  }
0x2b0: {  	[tilespmem:s2], [sflag:$0x3] =	stream.linear.gather @p1 [spmem:s6], $0xA40, $0x38;
	[tilespmem:$0x7B48] =	vst v63  }
0x2b1: {  	s6 =	simm.s32 @p1 $0x3  }
0x2b2: {  	_ =	swait.ge @p1 [sflag:s6], $0xA40  }
0x2b3: {  	[sflag:s6] =	ssyncset.done @p1 $0x0  }
0x2b4: {  	s7 =	simm.s32 @p1 $0x0;
	[sflag:s6] =	ssyncadd.s32 @p1 $0xFFFFF5C0  }
0x2b5: {  	[hbm4b:s5+s7] =	stream.linear.scatter @p1 [tilespmem:s2], [sflag:$0x3], $0xA3F, $0x38;
	[tilespmem:$0x7B48] =	vst v63  }
0x2b6: {  	_ =	swait.ge @p1 [sflag:s6], $0xA3F  }
0x2b7: {  	s1 =	sshll.u32 @!p1 s1, $0x6;
	[sflag:s6] =	ssyncset.done @p1 $0x0  }
0x2b8: {  	s1 =	sor.u32 @!p1 $0x1C03, s1;
	s2 =	sshrl.u32 @!p1 s3, $0x3;
	[sflag:s6] =	ssyncadd.s32 @p1 $0xFFFFF5C1  }
0x2b9: {  	[hbm:s4], [sflag:s1] =	dma.local @!p1 [spmem:s2], $0x140  }
0x2ba: {  	s1 =	simm.s32 @!p1 $0x3  }
0x2bb: {  	_ =	swait.ge @!p1 [sflag:s1], $0x140  }
0x2bc: {  	[sflag:s1] =	ssyncset.done @!p1 $0x0  }
0x2bd: {  	[sflag:s1] =	ssyncadd.s32 @!p1 $0xFFFFFEC0  }
0x2be: {  	_ =	sfence.sel $0x180000  }
0x2bf: {  	[bflag:$0x0] =	sbarrier.arrive $0xFFFF  }
0x2c0: {  	_ =	strace $0x90000047  }
0x2c1: {  	s0 =	sadd.s32 @!p2 $0x100000, s0;
	[bflag:$0x2] =	sbarrier.arrive $0xFFFF  }
0x2c2: {  	[sflag:s0] =	ssyncadd.tile.s32 @!p2 $0x1;
	_ =	shalt  }
.Lfunc_end2:
_tile_overlayer_lowered:
.L_overlay_start_2:
0x2c3: {  	(tag) =	ssettag $0x2  }
0x2c4: {  	s0 =	rddreg [dreg:$0x0];
	s2 =	stileid.u32  }
0x2c5: {  	s1 =	rddreg [dreg:$0x1];
	p0 =	sne.s32 s2, $0x0  }
0x2c6: {  	s3 =	rddreg [dreg:$0x2];
	[bflag:$0x3] =	sbarrier.arrive $0xFFFF;
	s2 =	simm.s32 @!p0 $0x1C03  }
0x2c7: {  	[timem:s3], [sflag:s2] =	dma.local @!p0 [hbm:s0], s1  }
0x2c8: {  	s0 =	simm.s32 @!p0 $0x3  }
0x2c9: {  	_ =	swait.ge @!p0 [sflag:s0], s1  }
0x2ca: {  	s1 =	ssub.s32 @!p0 $0x0, s1;
	[sflag:s0] =	ssyncset.done @!p0 $0x0  }
0x2cb: {  	[sflag:s0] =	ssyncadd.s32 @!p0 s1  }
0x2cc: {  	[bflag:$0x3] =	sbarrier.arrive $0xFFFF  }
0x2cd: {  	_ =	shalt  }

</sc_bundles>
